<compile_context>
chip_gen: v7x
topology: tpu7x:2x2x1
jax: 0.10.2.dev20260603
libtpu: 0.0.44.dev20260713+nightly
codegen_flags: <defaults>
</compile_context>

<pallas_src>
import functools

import jax
import jax.numpy as jnp
from jax import lax
from jax.experimental import pallas as pl
from jax.experimental.pallas import tpu as pltpu
from jax.experimental.pallas import tpu_sc as plsc

N = 10000
D = 128
E = 320000

NC = 2
NS = 16
NW = NC * NS
K = 112
BB = 92
EPAD = NW * BB * K
NPAD = 10240
CW = 8
KC = 128
BC = 80
EPADC = NW * BC * KC
NB = 2
RPS = NPAD // NS
CHUNKS = (0, 112, 224, 336, 448, 528)

_mesh = plsc.VectorSubcoreMesh(core_axis_name="c", subcore_axis_name="s",
                               num_cores=NC, num_subcores=NS)


def _agg_body(xl_hbm, src_hbm, dst_hbm, part_hbm,
              srci, dsti, r0, r1, acc, g0, g1, s0, s1, i0, i1, i2, i3):
    rbufs = (r0, r1)
    gsems = (g0, g1)
    ssems = (s0, s1)
    isems = (i0, i1, i2, i3)
    NI = 4
    c = lax.axis_index("c")
    s = lax.axis_index("s")
    wid = c * NS + s

    def _zrow(r, carry):
        for l in range(D // 16):
            r0[r, pl.ds(l * 16, 16)] = jnp.zeros((16,), jnp.float32)
        return carry
    lax.fori_loop(0, K, _zrow, 0)
    for co in CHUNKS:
        off = s * RPS + co
        pltpu.sync_copy(r0, acc.at[pl.ds(off, K)])
    plsc.subcore_barrier()

    ebase = ((1 - c) * NS + s) * BB

    def _istart(jj, sl):
        pltpu.async_copy(src_hbm.at[ebase + jj], srci.at[sl], isems[sl])
        pltpu.async_copy(dst_hbm.at[ebase + jj], dsti.at[sl], isems[sl])

    def _iwait(jj, sl):
        pltpu.make_async_copy(src_hbm.at[ebase + jj], srci.at[sl],
                              isems[sl]).wait()
        pltpu.make_async_copy(dst_hbm.at[ebase + jj], dsti.at[sl],
                              isems[sl]).wait()

    def _gstart(sl, b):
        pltpu.async_copy(xl_hbm.at[srci.at[sl]], rbufs[b], gsems[b])

    def _gwait(sl, b):
        pltpu.make_async_copy(xl_hbm.at[srci.at[sl]], rbufs[b],
                              gsems[b]).wait()

    def _sstart(sl, b):
        pltpu.async_copy(rbufs[b], acc.at[dsti.at[sl]], ssems[b], add=True)

    def _swait(sl, b):
        pltpu.make_async_copy(rbufs[b], acc.at[dsti.at[sl]], ssems[b]).wait()

    for sl in range(NI):
        _istart(sl, sl)
    for b in range(2):
        _iwait(b, b)
        _gstart(b, b)

    NQ4 = BB // 4

    def _step(q, carry):
        j = 4 * q
        G = q < NQ4 - 1
        _gwait(0, 0)
        _sstart(0, 0)
        _gwait(1, 1)
        _sstart(1, 1)

        _swait(0, 0)
        _iwait(j + 2, 2)
        _gstart(2, 0)
        _swait(1, 1)
        _iwait(j + 3, 3)
        _gstart(3, 1)

        @pl.when(G)
        def _():
            _istart(j + 4, 0)
            _istart(j + 5, 1)

        _gwait(2, 0)
        _sstart(2, 0)
        _gwait(3, 1)
        _sstart(3, 1)

        @pl.when(G)
        def _():
            _swait(2, 0)
            _iwait(j + 4, 0)
            _gstart(0, 0)
            _swait(3, 1)
            _iwait(j + 5, 1)
            _gstart(1, 1)
            _istart(j + 6, 2)
            _istart(j + 7, 3)
        return carry
    lax.fori_loop(0, NQ4, _step, 0)

    _swait(2, 0)
    _swait(3, 1)

    plsc.subcore_barrier()

    for co in CHUNKS:
        off = s * RPS + co
        pltpu.sync_copy(acc.at[pl.ds(off, K)], r0)
        pltpu.sync_copy(r0, part_hbm.at[pl.ds(c * NPAD + off, K)])


def _cnt_body(dst_hbm, zo_hbm, cnt_hbm, dsti, cwz, onesb, cntacc,
              i0, i1, i2, i3, s0, s1, s2, s3):
    isems = (i0, i1, i2, i3)
    ssems = (s0, s1, s2, s3)
    c = lax.axis_index("c")
    s = lax.axis_index("s")
    wid = c * NS + s

    pltpu.sync_copy(zo_hbm.at[0], cwz)
    pltpu.sync_copy(zo_hbm.at[1], onesb)
    for co in CHUNKS:
        off = s * RPS + co
        pltpu.sync_copy(cwz.at[pl.ds(0, K)], cntacc.at[pl.ds(off, K)])
    plsc.subcore_barrier()

    ebase = wid * BC

    def _istart(jj, sl):
        pltpu.async_copy(dst_hbm.at[ebase + jj], dsti.at[sl], isems[sl])

    def _iwait(jj, sl):
        pltpu.make_async_copy(dst_hbm.at[ebase + jj], dsti.at[sl],
                              isems[sl]).wait()

    for sl in range(4):
        _istart(sl, sl)

    NQ4 = BC // 4

    def _step(q, carry):
        j = 4 * q
        G = q < NQ4 - 1
        for sl in range(4):
            _iwait(j + sl, sl)
            pltpu.async_copy(onesb, cntacc.at[dsti.at[sl]], ssems[sl],
                             add=True)
        for sl in range(4):
            pltpu.make_async_copy(onesb, cntacc.at[dsti.at[sl]],
                                  ssems[sl]).wait()

            @pl.when(G)
            def _():
                _istart(j + 4 + sl, sl)
        return carry
    lax.fori_loop(0, NQ4, _step, 0)

    plsc.subcore_barrier()

    for co in CHUNKS:
        off = s * RPS + co
        pltpu.sync_copy(cntacc.at[pl.ds(off, K)], cwz.at[pl.ds(0, K)])
        pltpu.sync_copy(cwz.at[pl.ds(0, K)],
                        cnt_hbm.at[pl.ds(c * NPAD + off, K)])


def _make_agg():
    return pl.kernel(
        _agg_body,
        out_type=[jax.ShapeDtypeStruct((NC * NPAD, D), jnp.float32)],
        mesh=_mesh,
        scratch_types=[
            pltpu.VMEM((4, K), jnp.int32),
            pltpu.VMEM((4, K), jnp.int32),
            pltpu.VMEM((K, D), jnp.float32),
            pltpu.VMEM((K, D), jnp.float32),
            pltpu.VMEM_SHARED((NPAD, D), jnp.float32),
        ] + [pltpu.SemaphoreType.DMA] * 8,
    )


_cnt_kernel = pl.kernel(
    _cnt_body,
    out_type=[jax.ShapeDtypeStruct((NC * NPAD, CW), jnp.float32)],
    mesh=_mesh,
    scratch_types=[
        pltpu.VMEM((4, KC), jnp.int32),
        pltpu.VMEM((KC, CW), jnp.float32),
        pltpu.VMEM((KC, CW), jnp.float32),
        pltpu.VMEM_SHARED((NPAD, CW), jnp.float32),
    ] + [pltpu.SemaphoreType.DMA] * 8,
    compiler_params=pltpu.CompilerParams(use_tc_tiling_on_sc=False),
)


def _pre_body(x_ref, wl_ref, wr_ref, xl_ref, xr_ref):
    xl_ref[...] = jnp.dot(x_ref[...], wl_ref[...],
                          preferred_element_type=jnp.float32)
    xr_ref[...] = jnp.dot(x_ref[...], wr_ref[...],
                          preferred_element_type=jnp.float32)


def _mid_body(p_ref, cnt_ref, xr_ref, b1_ref, g_ref, bt_ref, w2l_ref,
              w2r_ref, hl_ref, hr_ref, recip_ref):
    p_sum = p_ref[:NPAD, :] + p_ref[NPAD:, :]
    cnt = cnt_ref[:NPAD, 0:1] + cnt_ref[NPAD:, 0:1]
    recip = 1.0 / jnp.maximum(cnt, 1.0)
    rows = lax.broadcasted_iota(jnp.int32, (NPAD, 1), 0)
    mask = (rows < N).astype(jnp.float32)
    h_pre = p_sum * recip + b1_ref[...] + xr_ref[...]
    mu = jnp.sum(h_pre * mask, axis=0, keepdims=True) / N
    ex2 = jnp.sum(h_pre * h_pre * mask, axis=0, keepdims=True) / N
    var = ex2 - mu * mu
    h = g_ref[...] * (h_pre - mu) * lax.rsqrt(var + 1e-5) + bt_ref[...]
    h = jnp.maximum(h, 0.0) * mask
    hl_ref[...] = jnp.dot(h, w2l_ref[...], preferred_element_type=jnp.float32)
    hr_ref[...] = jnp.dot(h, w2r_ref[...], preferred_element_type=jnp.float32)
    recip_ref[...] = jnp.broadcast_to(recip, (NPAD, D))


def _final_body(q_ref, recip_ref, hr_ref, b2_ref, out_ref):
    q_sum = q_ref[:NPAD, :] + q_ref[NPAD:, :]
    out_ref[...] = q_sum * recip_ref[...] + b2_ref[...] + hr_ref[...]


_pre = pl.pallas_call(
    _pre_body,
    out_shape=[jax.ShapeDtypeStruct((NPAD, D), jnp.float32)] * 2,
)

_mid = pl.pallas_call(
    _mid_body,
    out_shape=[jax.ShapeDtypeStruct((NPAD, D), jnp.float32)] * 3,
)

_final = pl.pallas_call(
    _final_body,
    out_shape=jax.ShapeDtypeStruct((NPAD, D), jnp.float32),
)

_agg = _make_agg()


def kernel(x, edge_index, W1_l, W1_r, b1, gamma, beta, W2_l, W2_r, b2):
    ei = edge_index.astype(jnp.int32)
    pad = jnp.full((EPAD - E,), N, jnp.int32)
    src = jnp.concatenate([ei[0], pad]).reshape(NW * BB, K)
    dst = jnp.concatenate([ei[1], pad]).reshape(NW * BB, K)
    xpad = jnp.pad(x, ((0, NPAD - N), (0, 0)))

    xl, xr = _pre(xpad, W1_l, W1_r)
    (p,) = _agg(xl, src, dst)
    dstc = jnp.concatenate([ei[1], jnp.full((EPADC - E,), N, jnp.int32)]
                           ).reshape(NW * BC, KC)
    zo = jnp.stack([jnp.zeros((KC, CW), jnp.float32),
                    jnp.ones((KC, CW), jnp.float32)])
    (cnt,) = _cnt_kernel(dstc, zo)
    hl, hr, recip2d = _mid(p, cnt, xr, b1.reshape(1, D), gamma.reshape(1, D),
                           beta.reshape(1, D), W2_l, W2_r)
    (q,) = _agg(hl, src, dst)
    out = _final(q, recip2d, hr, b2.reshape(1, D))
    return out[:N]

# --- scband reference (transcript-rebuilt; emitter-appended) ---
"""Pipeline reference for scband-graph-sage2-80676665688583 (READ-ONLY COPY).

The authoritative reference and input builder live on the scoring server;
editing this copy changes nothing except your own understanding.
"""

import jax, jax.numpy as jnp
import numpy as np

N = 10000
E = 320000
D_IN = 128
D_HID = 128
D_OUT = 128


def setup_inputs(seed: int = 0) -> dict:
    key = jax.random.key(seed)
    ks = jax.random.split(key, 12)
    x = jax.random.normal(ks[0], (N, D_IN), dtype=jnp.float32)
    edge_index = jax.random.randint(ks[1], (2, E), 0, N, dtype=jnp.int64)
    s1 = 1.0 / np.sqrt(D_IN)
    s2 = 1.0 / np.sqrt(D_HID)
    W1_l = jax.random.uniform(ks[2], (D_IN, D_HID), jnp.float32, -s1, s1)
    W1_r = jax.random.uniform(ks[3], (D_IN, D_HID), jnp.float32, -s1, s1)
    b1 = jax.random.uniform(ks[4], (D_HID,), jnp.float32, -s1, s1)
    gamma = jnp.ones((D_HID,), jnp.float32)
    beta = jnp.zeros((D_HID,), jnp.float32)
    W2_l = jax.random.uniform(ks[5], (D_HID, D_OUT), jnp.float32, -s2, s2)
    W2_r = jax.random.uniform(ks[6], (D_HID, D_OUT), jnp.float32, -s2, s2)
    b2 = jax.random.uniform(ks[7], (D_OUT,), jnp.float32, -s2, s2)
    return {"x": x, "edge_index": edge_index, "W1_l": W1_l, "W1_r": W1_r,
            "b1": b1, "gamma": gamma, "beta": beta,
            "W2_l": W2_l, "W2_r": W2_r, "b2": b2}


def _sage_conv(x, edge_index, W_l, W_r, b):
    # PyG SAGEConv (aggr='mean'): out = lin_l(mean_{j in N(i)} x_j) + lin_r(x_i)
    src = edge_index[0]
    dst = edge_index[1]
    n = x.shape[0]
    msgs = jnp.take(x, src, axis=0)                      # gather [E, d]
    summed = jax.ops.segment_sum(msgs, dst, num_segments=n)  # scatter-add
    cnt = jax.ops.segment_sum(jnp.ones((edge_index.shape[1], 1), x.dtype), dst, num_segments=n)
    mean_agg = summed / jnp.maximum(cnt, 1.0)
    return mean_agg @ W_l + b + x @ W_r


def _batch_norm(h, gamma, beta, eps=1e-5):
    mu = jnp.mean(h, axis=0)
    var = jnp.var(h, axis=0)
    h_hat = (h - mu) / jnp.sqrt(var + eps)
    return gamma * h_hat + beta


def reference(x, edge_index, W1_l, W1_r, b1, gamma, beta, W2_l, W2_r, b2):
    h = _sage_conv(x, edge_index, W1_l, W1_r, b1)
    h = _batch_norm(h, gamma, beta)
    h = jax.nn.relu(h)
    # dropout is identity in eval mode (deterministic reference)
    out = _sage_conv(h, edge_index, W2_l, W2_r, b2)
    return out

if __name__ == "__main__":
    import jax
    _d = setup_inputs()
    print(jax.jit(kernel)(*tuple(_d.values())))

</pallas_src>

<mosaic_0001>
#map = affine_map<(d0, d1) -> (0, 0)>
#map1 = affine_map<(d0, d1) -> (0, 0, 0)>
module attributes {stable_mosaic.version = 14 : i64} {
  func.func @_cnt_body(%arg0: i32, %arg1: i32, %arg2: memref<2560x128xi32, #tpu.memory_space<hbm>>, %arg3: memref<2x128x8xf32, #tpu.memory_space<hbm>>, %arg4: memref<20480x8xf32, #tpu.memory_space<hbm>>, %arg5: memref<4x128xi32, #tpu.memory_space<vmem>>, %arg6: memref<128x8xf32, #tpu.memory_space<vmem>>, %arg7: memref<128x8xf32, #tpu.memory_space<vmem>>, %arg8: memref<10240x8xf32, #tpu.memory_space<vmem_shared>>, %arg9: memref<!tpu.dma_semaphore, #tpu.memory_space<semaphore_mem>>, %arg10: memref<!tpu.dma_semaphore, #tpu.memory_space<semaphore_mem>>, %arg11: memref<!tpu.dma_semaphore, #tpu.memory_space<semaphore_mem>>, %arg12: memref<!tpu.dma_semaphore, #tpu.memory_space<semaphore_mem>>, %arg13: memref<!tpu.dma_semaphore, #tpu.memory_space<semaphore_mem>>, %arg14: memref<!tpu.dma_semaphore, #tpu.memory_space<semaphore_mem>>, %arg15: memref<!tpu.dma_semaphore, #tpu.memory_space<semaphore_mem>>, %arg16: memref<!tpu.dma_semaphore, #tpu.memory_space<semaphore_mem>>) attributes {dimension_semantics = [#tpu.dimension_semantics<core_parallel>, #tpu.dimension_semantics<subcore_parallel>], iteration_bounds = array<i64: 2, 16>, scalar_prefetch = 0 : i64, scratch_operands = 12 : i64, tpu.core_type = #tpu.core_type<sc_vector_subcore>, window_params = [{transform_indices = #map}, {transform_indices = #map1}, {transform_indices = #map}]} {
    %mul3A = arith.constant 16 : i32
    %mul3A_0 = arith.muli %arg0, %mul3A : i32
    %add3A = arith.addi %mul3A_0, %arg1 : i32
    %run_scoped3A = arith.constant 0 : i32
    "tpu.region"() ({
      %run_scoped3A_135 = tpu.sem_alloc : memref<!tpu.dma_semaphore, #tpu.memory_space<semaphore_mem>>
      %dma_start3A_136 = arith.constant 0 : i32
      %dma_start3A_137 = arith.constant 0 : i32
      %dma_start3A_138 = tpu.memref_slice %arg3[%run_scoped3A, %dma_start3A_136, %dma_start3A_137] : memref<2x128x8xf32, #tpu.memory_space<hbm>> -> memref<1x128x8xf32, #tpu.memory_space<hbm>>
      %dma_start3A_139 = tpu.memref_squeeze %dma_start3A_138 : memref<1x128x8xf32, #tpu.memory_space<hbm>> -> memref<128x8xf32, #tpu.memory_space<hbm>>
      %dma_start3A_140 = arith.constant 0 : i32
      %dma_start3A_141 = arith.constant 0 : i32
      %dma_start3A_142 = tpu.memref_slice %arg3[%run_scoped3A, %dma_start3A_140, %dma_start3A_141] : memref<2x128x8xf32, #tpu.memory_space<hbm>> -> memref<1x128x8xf32, #tpu.memory_space<hbm>>
      %dma_start3A_143 = tpu.memref_squeeze %dma_start3A_142 : memref<1x128x8xf32, #tpu.memory_space<hbm>> -> memref<128x8xf32, #tpu.memory_space<hbm>>
      tpu.enqueue_dma source(%dma_start3A_143 : memref<128x8xf32, #tpu.memory_space<hbm>>) target(%arg6 : memref<128x8xf32, #tpu.memory_space<vmem>>) target_semaphore(%run_scoped3A_135 : memref<!tpu.dma_semaphore, #tpu.memory_space<semaphore_mem>>)
      %dma_wait3A = arith.constant 0 : i32
      %dma_wait3A_144 = arith.constant 0 : i32
      %dma_wait3A_145 = tpu.memref_slice %arg3[%run_scoped3A, %dma_wait3A, %dma_wait3A_144] : memref<2x128x8xf32, #tpu.memory_space<hbm>> -> memref<1x128x8xf32, #tpu.memory_space<hbm>>
      %dma_wait3A_146 = tpu.memref_squeeze %dma_wait3A_145 : memref<1x128x8xf32, #tpu.memory_space<hbm>> -> memref<128x8xf32, #tpu.memory_space<hbm>>
      %dma_wait3A_147 = arith.constant 0 : i32
      %dma_wait3A_148 = arith.constant 0 : i32
      %dma_wait3A_149 = tpu.memref_slice %arg3[%run_scoped3A, %dma_wait3A_147, %dma_wait3A_148] : memref<2x128x8xf32, #tpu.memory_space<hbm>> -> memref<1x128x8xf32, #tpu.memory_space<hbm>>
      %dma_wait3A_150 = tpu.memref_squeeze %dma_wait3A_149 : memref<1x128x8xf32, #tpu.memory_space<hbm>> -> memref<128x8xf32, #tpu.memory_space<hbm>>
      tpu.wait_dma2 semaphore(%run_scoped3A_135 : memref<!tpu.dma_semaphore, #tpu.memory_space<semaphore_mem>>) src(%dma_wait3A_150 : memref<128x8xf32, #tpu.memory_space<hbm>>) dst(%arg6 : memref<128x8xf32, #tpu.memory_space<vmem>>)
      tpu.yield
    }) : () -> ()
    %run_scoped3A_1 = arith.constant 1 : i32
    "tpu.region"() ({
      %run_scoped3A_135 = tpu.sem_alloc : memref<!tpu.dma_semaphore, #tpu.memory_space<semaphore_mem>>
      %dma_start3A_136 = arith.constant 0 : i32
      %dma_start3A_137 = arith.constant 0 : i32
      %dma_start3A_138 = tpu.memref_slice %arg3[%run_scoped3A_1, %dma_start3A_136, %dma_start3A_137] : memref<2x128x8xf32, #tpu.memory_space<hbm>> -> memref<1x128x8xf32, #tpu.memory_space<hbm>>
      %dma_start3A_139 = tpu.memref_squeeze %dma_start3A_138 : memref<1x128x8xf32, #tpu.memory_space<hbm>> -> memref<128x8xf32, #tpu.memory_space<hbm>>
      %dma_start3A_140 = arith.constant 0 : i32
      %dma_start3A_141 = arith.constant 0 : i32
      %dma_start3A_142 = tpu.memref_slice %arg3[%run_scoped3A_1, %dma_start3A_140, %dma_start3A_141] : memref<2x128x8xf32, #tpu.memory_space<hbm>> -> memref<1x128x8xf32, #tpu.memory_space<hbm>>
      %dma_start3A_143 = tpu.memref_squeeze %dma_start3A_142 : memref<1x128x8xf32, #tpu.memory_space<hbm>> -> memref<128x8xf32, #tpu.memory_space<hbm>>
      tpu.enqueue_dma source(%dma_start3A_143 : memref<128x8xf32, #tpu.memory_space<hbm>>) target(%arg7 : memref<128x8xf32, #tpu.memory_space<vmem>>) target_semaphore(%run_scoped3A_135 : memref<!tpu.dma_semaphore, #tpu.memory_space<semaphore_mem>>)
      %dma_wait3A = arith.constant 0 : i32
      %dma_wait3A_144 = arith.constant 0 : i32
      %dma_wait3A_145 = tpu.memref_slice %arg3[%run_scoped3A_1, %dma_wait3A, %dma_wait3A_144] : memref<2x128x8xf32, #tpu.memory_space<hbm>> -> memref<1x128x8xf32, #tpu.memory_space<hbm>>
      %dma_wait3A_146 = tpu.memref_squeeze %dma_wait3A_145 : memref<1x128x8xf32, #tpu.memory_space<hbm>> -> memref<128x8xf32, #tpu.memory_space<hbm>>
      %dma_wait3A_147 = arith.constant 0 : i32
      %dma_wait3A_148 = arith.constant 0 : i32
      %dma_wait3A_149 = tpu.memref_slice %arg3[%run_scoped3A_1, %dma_wait3A_147, %dma_wait3A_148] : memref<2x128x8xf32, #tpu.memory_space<hbm>> -> memref<1x128x8xf32, #tpu.memory_space<hbm>>
      %dma_wait3A_150 = tpu.memref_squeeze %dma_wait3A_149 : memref<1x128x8xf32, #tpu.memory_space<hbm>> -> memref<128x8xf32, #tpu.memory_space<hbm>>
      tpu.wait_dma2 semaphore(%run_scoped3A_135 : memref<!tpu.dma_semaphore, #tpu.memory_space<semaphore_mem>>) src(%dma_wait3A_150 : memref<128x8xf32, #tpu.memory_space<hbm>>) dst(%arg7 : memref<128x8xf32, #tpu.memory_space<vmem>>)
      tpu.yield
    }) : () -> ()
    %mul3A_2 = arith.constant 640 : i32
    %mul3A_3 = arith.muli %arg1, %mul3A_2 : i32
    %add3A_4 = arith.constant 0 : i32
    %add3A_5 = arith.addi %mul3A_3, %add3A_4 : i32
    "tpu.region"() ({
      %run_scoped3A_135 = tpu.sem_alloc : memref<!tpu.dma_semaphore, #tpu.memory_space<semaphore_mem>>
      %dma_start3A_136 = arith.constant 0 : i32
      %dma_start3A_137 = arith.constant 0 : i32
      %dma_start3A_138 = tpu.memref_slice %arg6[%dma_start3A_136, %dma_start3A_137] : memref<128x8xf32, #tpu.memory_space<vmem>> -> memref<112x8xf32, #tpu.memory_space<vmem>>
      %dma_start3A_139 = arith.constant 0 : i32
      %dma_start3A_140 = tpu.memref_slice %arg8[%add3A_5, %dma_start3A_139] : memref<10240x8xf32, #tpu.memory_space<vmem_shared>> -> memref<112x8xf32, #tpu.memory_space<vmem_shared>>
      %dma_start3A_141 = arith.constant 0 : i32
      %dma_start3A_142 = tpu.memref_slice %arg8[%add3A_5, %dma_start3A_141] : memref<10240x8xf32, #tpu.memory_space<vmem_shared>> -> memref<112x8xf32, #tpu.memory_space<vmem_shared>>
      %dma_start3A_143 = arith.constant 0 : i32
      %dma_start3A_144 = arith.constant 0 : i32
      %dma_start3A_145 = tpu.memref_slice %arg6[%dma_start3A_143, %dma_start3A_144] : memref<128x8xf32, #tpu.memory_space<vmem>> -> memref<112x8xf32, #tpu.memory_space<vmem>>
      tpu.enqueue_dma source(%dma_start3A_145 : memref<112x8xf32, #tpu.memory_space<vmem>>) target(%dma_start3A_142 : memref<112x8xf32, #tpu.memory_space<vmem_shared>>) target_semaphore(%run_scoped3A_135 : memref<!tpu.dma_semaphore, #tpu.memory_space<semaphore_mem>>)
      %dma_wait3A = arith.constant 0 : i32
      %dma_wait3A_146 = arith.constant 0 : i32
      %dma_wait3A_147 = tpu.memref_slice %arg6[%dma_wait3A, %dma_wait3A_146] : memref<128x8xf32, #tpu.memory_space<vmem>> -> memref<112x8xf32, #tpu.memory_space<vmem>>
      %dma_wait3A_148 = arith.constant 0 : i32
      %dma_wait3A_149 = tpu.memref_slice %arg8[%add3A_5, %dma_wait3A_148] : memref<10240x8xf32, #tpu.memory_space<vmem_shared>> -> memref<112x8xf32, #tpu.memory_space<vmem_shared>>
      %dma_wait3A_150 = arith.constant 0 : i32
      %dma_wait3A_151 = tpu.memref_slice %arg8[%add3A_5, %dma_wait3A_150] : memref<10240x8xf32, #tpu.memory_space<vmem_shared>> -> memref<112x8xf32, #tpu.memory_space<vmem_shared>>
      %dma_wait3A_152 = arith.constant 0 : i32
      %dma_wait3A_153 = arith.constant 0 : i32
      %dma_wait3A_154 = tpu.memref_slice %arg6[%dma_wait3A_152, %dma_wait3A_153] : memref<128x8xf32, #tpu.memory_space<vmem>> -> memref<112x8xf32, #tpu.memory_space<vmem>>
      tpu.wait_dma2 semaphore(%run_scoped3A_135 : memref<!tpu.dma_semaphore, #tpu.memory_space<semaphore_mem>>) src(%dma_wait3A_154 : memref<112x8xf32, #tpu.memory_space<vmem>>) dst(%dma_wait3A_151 : memref<112x8xf32, #tpu.memory_space<vmem_shared>>)
      tpu.yield
    }) : () -> ()
    %mul3A_6 = arith.constant 640 : i32
    %mul3A_7 = arith.muli %arg1, %mul3A_6 : i32
    %add3A_8 = arith.constant 112 : i32
    %add3A_9 = arith.addi %mul3A_7, %add3A_8 : i32
    "tpu.region"() ({
      %run_scoped3A_135 = tpu.sem_alloc : memref<!tpu.dma_semaphore, #tpu.memory_space<semaphore_mem>>
      %dma_start3A_136 = arith.constant 0 : i32
      %dma_start3A_137 = arith.constant 0 : i32
      %dma_start3A_138 = tpu.memref_slice %arg6[%dma_start3A_136, %dma_start3A_137] : memref<128x8xf32, #tpu.memory_space<vmem>> -> memref<112x8xf32, #tpu.memory_space<vmem>>
      %dma_start3A_139 = arith.constant 0 : i32
      %dma_start3A_140 = tpu.memref_slice %arg8[%add3A_9, %dma_start3A_139] : memref<10240x8xf32, #tpu.memory_space<vmem_shared>> -> memref<112x8xf32, #tpu.memory_space<vmem_shared>>
      %dma_start3A_141 = arith.constant 0 : i32
      %dma_start3A_142 = tpu.memref_slice %arg8[%add3A_9, %dma_start3A_141] : memref<10240x8xf32, #tpu.memory_space<vmem_shared>> -> memref<112x8xf32, #tpu.memory_space<vmem_shared>>
      %dma_start3A_143 = arith.constant 0 : i32
      %dma_start3A_144 = arith.constant 0 : i32
      %dma_start3A_145 = tpu.memref_slice %arg6[%dma_start3A_143, %dma_start3A_144] : memref<128x8xf32, #tpu.memory_space<vmem>> -> memref<112x8xf32, #tpu.memory_space<vmem>>
      tpu.enqueue_dma source(%dma_start3A_145 : memref<112x8xf32, #tpu.memory_space<vmem>>) target(%dma_start3A_142 : memref<112x8xf32, #tpu.memory_space<vmem_shared>>) target_semaphore(%run_scoped3A_135 : memref<!tpu.dma_semaphore, #tpu.memory_space<semaphore_mem>>)
      %dma_wait3A = arith.constant 0 : i32
      %dma_wait3A_146 = arith.constant 0 : i32
      %dma_wait3A_147 = tpu.memref_slice %arg6[%dma_wait3A, %dma_wait3A_146] : memref<128x8xf32, #tpu.memory_space<vmem>> -> memref<112x8xf32, #tpu.memory_space<vmem>>
      %dma_wait3A_148 = arith.constant 0 : i32
      %dma_wait3A_149 = tpu.memref_slice %arg8[%add3A_9, %dma_wait3A_148] : memref<10240x8xf32, #tpu.memory_space<vmem_shared>> -> memref<112x8xf32, #tpu.memory_space<vmem_shared>>
      %dma_wait3A_150 = arith.constant 0 : i32
      %dma_wait3A_151 = tpu.memref_slice %arg8[%add3A_9, %dma_wait3A_150] : memref<10240x8xf32, #tpu.memory_space<vmem_shared>> -> memref<112x8xf32, #tpu.memory_space<vmem_shared>>
      %dma_wait3A_152 = arith.constant 0 : i32
      %dma_wait3A_153 = arith.constant 0 : i32
      %dma_wait3A_154 = tpu.memref_slice %arg6[%dma_wait3A_152, %dma_wait3A_153] : memref<128x8xf32, #tpu.memory_space<vmem>> -> memref<112x8xf32, #tpu.memory_space<vmem>>
      tpu.wait_dma2 semaphore(%run_scoped3A_135 : memref<!tpu.dma_semaphore, #tpu.memory_space<semaphore_mem>>) src(%dma_wait3A_154 : memref<112x8xf32, #tpu.memory_space<vmem>>) dst(%dma_wait3A_151 : memref<112x8xf32, #tpu.memory_space<vmem_shared>>)
      tpu.yield
    }) : () -> ()
    %mul3A_10 = arith.constant 640 : i32
    %mul3A_11 = arith.muli %arg1, %mul3A_10 : i32
    %add3A_12 = arith.constant 224 : i32
    %add3A_13 = arith.addi %mul3A_11, %add3A_12 : i32
    "tpu.region"() ({
      %run_scoped3A_135 = tpu.sem_alloc : memref<!tpu.dma_semaphore, #tpu.memory_space<semaphore_mem>>
      %dma_start3A_136 = arith.constant 0 : i32
      %dma_start3A_137 = arith.constant 0 : i32
      %dma_start3A_138 = tpu.memref_slice %arg6[%dma_start3A_136, %dma_start3A_137] : memref<128x8xf32, #tpu.memory_space<vmem>> -> memref<112x8xf32, #tpu.memory_space<vmem>>
      %dma_start3A_139 = arith.constant 0 : i32
      %dma_start3A_140 = tpu.memref_slice %arg8[%add3A_13, %dma_start3A_139] : memref<10240x8xf32, #tpu.memory_space<vmem_shared>> -> memref<112x8xf32, #tpu.memory_space<vmem_shared>>
      %dma_start3A_141 = arith.constant 0 : i32
      %dma_start3A_142 = tpu.memref_slice %arg8[%add3A_13, %dma_start3A_141] : memref<10240x8xf32, #tpu.memory_space<vmem_shared>> -> memref<112x8xf32, #tpu.memory_space<vmem_shared>>
      %dma_start3A_143 = arith.constant 0 : i32
      %dma_start3A_144 = arith.constant 0 : i32
      %dma_start3A_145 = tpu.memref_slice %arg6[%dma_start3A_143, %dma_start3A_144] : memref<128x8xf32, #tpu.memory_space<vmem>> -> memref<112x8xf32, #tpu.memory_space<vmem>>
      tpu.enqueue_dma source(%dma_start3A_145 : memref<112x8xf32, #tpu.memory_space<vmem>>) target(%dma_start3A_142 : memref<112x8xf32, #tpu.memory_space<vmem_shared>>) target_semaphore(%run_scoped3A_135 : memref<!tpu.dma_semaphore, #tpu.memory_space<semaphore_mem>>)
      %dma_wait3A = arith.constant 0 : i32
      %dma_wait3A_146 = arith.constant 0 : i32
      %dma_wait3A_147 = tpu.memref_slice %arg6[%dma_wait3A, %dma_wait3A_146] : memref<128x8xf32, #tpu.memory_space<vmem>> -> memref<112x8xf32, #tpu.memory_space<vmem>>
      %dma_wait3A_148 = arith.constant 0 : i32
      %dma_wait3A_149 = tpu.memref_slice %arg8[%add3A_13, %dma_wait3A_148] : memref<10240x8xf32, #tpu.memory_space<vmem_shared>> -> memref<112x8xf32, #tpu.memory_space<vmem_shared>>
      %dma_wait3A_150 = arith.constant 0 : i32
      %dma_wait3A_151 = tpu.memref_slice %arg8[%add3A_13, %dma_wait3A_150] : memref<10240x8xf32, #tpu.memory_space<vmem_shared>> -> memref<112x8xf32, #tpu.memory_space<vmem_shared>>
      %dma_wait3A_152 = arith.constant 0 : i32
      %dma_wait3A_153 = arith.constant 0 : i32
      %dma_wait3A_154 = tpu.memref_slice %arg6[%dma_wait3A_152, %dma_wait3A_153] : memref<128x8xf32, #tpu.memory_space<vmem>> -> memref<112x8xf32, #tpu.memory_space<vmem>>
      tpu.wait_dma2 semaphore(%run_scoped3A_135 : memref<!tpu.dma_semaphore, #tpu.memory_space<semaphore_mem>>) src(%dma_wait3A_154 : memref<112x8xf32, #tpu.memory_space<vmem>>) dst(%dma_wait3A_151 : memref<112x8xf32, #tpu.memory_space<vmem_shared>>)
      tpu.yield
    }) : () -> ()
    %mul3A_14 = arith.constant 640 : i32
    %mul3A_15 = arith.muli %arg1, %mul3A_14 : i32
    %add3A_16 = arith.constant 336 : i32
    %add3A_17 = arith.addi %mul3A_15, %add3A_16 : i32
    "tpu.region"() ({
      %run_scoped3A_135 = tpu.sem_alloc : memref<!tpu.dma_semaphore, #tpu.memory_space<semaphore_mem>>
      %dma_start3A_136 = arith.constant 0 : i32
      %dma_start3A_137 = arith.constant 0 : i32
      %dma_start3A_138 = tpu.memref_slice %arg6[%dma_start3A_136, %dma_start3A_137] : memref<128x8xf32, #tpu.memory_space<vmem>> -> memref<112x8xf32, #tpu.memory_space<vmem>>
      %dma_start3A_139 = arith.constant 0 : i32
      %dma_start3A_140 = tpu.memref_slice %arg8[%add3A_17, %dma_start3A_139] : memref<10240x8xf32, #tpu.memory_space<vmem_shared>> -> memref<112x8xf32, #tpu.memory_space<vmem_shared>>
      %dma_start3A_141 = arith.constant 0 : i32
      %dma_start3A_142 = tpu.memref_slice %arg8[%add3A_17, %dma_start3A_141] : memref<10240x8xf32, #tpu.memory_space<vmem_shared>> -> memref<112x8xf32, #tpu.memory_space<vmem_shared>>
      %dma_start3A_143 = arith.constant 0 : i32
      %dma_start3A_144 = arith.constant 0 : i32
      %dma_start3A_145 = tpu.memref_slice %arg6[%dma_start3A_143, %dma_start3A_144] : memref<128x8xf32, #tpu.memory_space<vmem>> -> memref<112x8xf32, #tpu.memory_space<vmem>>
      tpu.enqueue_dma source(%dma_start3A_145 : memref<112x8xf32, #tpu.memory_space<vmem>>) target(%dma_start3A_142 : memref<112x8xf32, #tpu.memory_space<vmem_shared>>) target_semaphore(%run_scoped3A_135 : memref<!tpu.dma_semaphore, #tpu.memory_space<semaphore_mem>>)
      %dma_wait3A = arith.constant 0 : i32
      %dma_wait3A_146 = arith.constant 0 : i32
      %dma_wait3A_147 = tpu.memref_slice %arg6[%dma_wait3A, %dma_wait3A_146] : memref<128x8xf32, #tpu.memory_space<vmem>> -> memref<112x8xf32, #tpu.memory_space<vmem>>
      %dma_wait3A_148 = arith.constant 0 : i32
      %dma_wait3A_149 = tpu.memref_slice %arg8[%add3A_17, %dma_wait3A_148] : memref<10240x8xf32, #tpu.memory_space<vmem_shared>> -> memref<112x8xf32, #tpu.memory_space<vmem_shared>>
      %dma_wait3A_150 = arith.constant 0 : i32
      %dma_wait3A_151 = tpu.memref_slice %arg8[%add3A_17, %dma_wait3A_150] : memref<10240x8xf32, #tpu.memory_space<vmem_shared>> -> memref<112x8xf32, #tpu.memory_space<vmem_shared>>
      %dma_wait3A_152 = arith.constant 0 : i32
      %dma_wait3A_153 = arith.constant 0 : i32
      %dma_wait3A_154 = tpu.memref_slice %arg6[%dma_wait3A_152, %dma_wait3A_153] : memref<128x8xf32, #tpu.memory_space<vmem>> -> memref<112x8xf32, #tpu.memory_space<vmem>>
      tpu.wait_dma2 semaphore(%run_scoped3A_135 : memref<!tpu.dma_semaphore, #tpu.memory_space<semaphore_mem>>) src(%dma_wait3A_154 : memref<112x8xf32, #tpu.memory_space<vmem>>) dst(%dma_wait3A_151 : memref<112x8xf32, #tpu.memory_space<vmem_shared>>)
      tpu.yield
    }) : () -> ()
    %mul3A_18 = arith.constant 640 : i32
    %mul3A_19 = arith.muli %arg1, %mul3A_18 : i32
    %add3A_20 = arith.constant 448 : i32
    %add3A_21 = arith.addi %mul3A_19, %add3A_20 : i32
    "tpu.region"() ({
      %run_scoped3A_135 = tpu.sem_alloc : memref<!tpu.dma_semaphore, #tpu.memory_space<semaphore_mem>>
      %dma_start3A_136 = arith.constant 0 : i32
      %dma_start3A_137 = arith.constant 0 : i32
      %dma_start3A_138 = tpu.memref_slice %arg6[%dma_start3A_136, %dma_start3A_137] : memref<128x8xf32, #tpu.memory_space<vmem>> -> memref<112x8xf32, #tpu.memory_space<vmem>>
      %dma_start3A_139 = arith.constant 0 : i32
      %dma_start3A_140 = tpu.memref_slice %arg8[%add3A_21, %dma_start3A_139] : memref<10240x8xf32, #tpu.memory_space<vmem_shared>> -> memref<112x8xf32, #tpu.memory_space<vmem_shared>>
      %dma_start3A_141 = arith.constant 0 : i32
      %dma_start3A_142 = tpu.memref_slice %arg8[%add3A_21, %dma_start3A_141] : memref<10240x8xf32, #tpu.memory_space<vmem_shared>> -> memref<112x8xf32, #tpu.memory_space<vmem_shared>>
      %dma_start3A_143 = arith.constant 0 : i32
      %dma_start3A_144 = arith.constant 0 : i32
      %dma_start3A_145 = tpu.memref_slice %arg6[%dma_start3A_143, %dma_start3A_144] : memref<128x8xf32, #tpu.memory_space<vmem>> -> memref<112x8xf32, #tpu.memory_space<vmem>>
      tpu.enqueue_dma source(%dma_start3A_145 : memref<112x8xf32, #tpu.memory_space<vmem>>) target(%dma_start3A_142 : memref<112x8xf32, #tpu.memory_space<vmem_shared>>) target_semaphore(%run_scoped3A_135 : memref<!tpu.dma_semaphore, #tpu.memory_space<semaphore_mem>>)
      %dma_wait3A = arith.constant 0 : i32
      %dma_wait3A_146 = arith.constant 0 : i32
      %dma_wait3A_147 = tpu.memref_slice %arg6[%dma_wait3A, %dma_wait3A_146] : memref<128x8xf32, #tpu.memory_space<vmem>> -> memref<112x8xf32, #tpu.memory_space<vmem>>
      %dma_wait3A_148 = arith.constant 0 : i32
      %dma_wait3A_149 = tpu.memref_slice %arg8[%add3A_21, %dma_wait3A_148] : memref<10240x8xf32, #tpu.memory_space<vmem_shared>> -> memref<112x8xf32, #tpu.memory_space<vmem_shared>>
      %dma_wait3A_150 = arith.constant 0 : i32
      %dma_wait3A_151 = tpu.memref_slice %arg8[%add3A_21, %dma_wait3A_150] : memref<10240x8xf32, #tpu.memory_space<vmem_shared>> -> memref<112x8xf32, #tpu.memory_space<vmem_shared>>
      %dma_wait3A_152 = arith.constant 0 : i32
      %dma_wait3A_153 = arith.constant 0 : i32
      %dma_wait3A_154 = tpu.memref_slice %arg6[%dma_wait3A_152, %dma_wait3A_153] : memref<128x8xf32, #tpu.memory_space<vmem>> -> memref<112x8xf32, #tpu.memory_space<vmem>>
      tpu.wait_dma2 semaphore(%run_scoped3A_135 : memref<!tpu.dma_semaphore, #tpu.memory_space<semaphore_mem>>) src(%dma_wait3A_154 : memref<112x8xf32, #tpu.memory_space<vmem>>) dst(%dma_wait3A_151 : memref<112x8xf32, #tpu.memory_space<vmem_shared>>)
      tpu.yield
    }) : () -> ()
    %mul3A_22 = arith.constant 640 : i32
    %mul3A_23 = arith.muli %arg1, %mul3A_22 : i32
    %add3A_24 = arith.constant 528 : i32
    %add3A_25 = arith.addi %mul3A_23, %add3A_24 : i32
    "tpu.region"() ({
      %run_scoped3A_135 = tpu.sem_alloc : memref<!tpu.dma_semaphore, #tpu.memory_space<semaphore_mem>>
      %dma_start3A_136 = arith.constant 0 : i32
      %dma_start3A_137 = arith.constant 0 : i32
      %dma_start3A_138 = tpu.memref_slice %arg6[%dma_start3A_136, %dma_start3A_137] : memref<128x8xf32, #tpu.memory_space<vmem>> -> memref<112x8xf32, #tpu.memory_space<vmem>>
      %dma_start3A_139 = arith.constant 0 : i32
      %dma_start3A_140 = tpu.memref_slice %arg8[%add3A_25, %dma_start3A_139] : memref<10240x8xf32, #tpu.memory_space<vmem_shared>> -> memref<112x8xf32, #tpu.memory_space<vmem_shared>>
      %dma_start3A_141 = arith.constant 0 : i32
      %dma_start3A_142 = tpu.memref_slice %arg8[%add3A_25, %dma_start3A_141] : memref<10240x8xf32, #tpu.memory_space<vmem_shared>> -> memref<112x8xf32, #tpu.memory_space<vmem_shared>>
      %dma_start3A_143 = arith.constant 0 : i32
      %dma_start3A_144 = arith.constant 0 : i32
      %dma_start3A_145 = tpu.memref_slice %arg6[%dma_start3A_143, %dma_start3A_144] : memref<128x8xf32, #tpu.memory_space<vmem>> -> memref<112x8xf32, #tpu.memory_space<vmem>>
      tpu.enqueue_dma source(%dma_start3A_145 : memref<112x8xf32, #tpu.memory_space<vmem>>) target(%dma_start3A_142 : memref<112x8xf32, #tpu.memory_space<vmem_shared>>) target_semaphore(%run_scoped3A_135 : memref<!tpu.dma_semaphore, #tpu.memory_space<semaphore_mem>>)
      %dma_wait3A = arith.constant 0 : i32
      %dma_wait3A_146 = arith.constant 0 : i32
      %dma_wait3A_147 = tpu.memref_slice %arg6[%dma_wait3A, %dma_wait3A_146] : memref<128x8xf32, #tpu.memory_space<vmem>> -> memref<112x8xf32, #tpu.memory_space<vmem>>
      %dma_wait3A_148 = arith.constant 0 : i32
      %dma_wait3A_149 = tpu.memref_slice %arg8[%add3A_25, %dma_wait3A_148] : memref<10240x8xf32, #tpu.memory_space<vmem_shared>> -> memref<112x8xf32, #tpu.memory_space<vmem_shared>>
      %dma_wait3A_150 = arith.constant 0 : i32
      %dma_wait3A_151 = tpu.memref_slice %arg8[%add3A_25, %dma_wait3A_150] : memref<10240x8xf32, #tpu.memory_space<vmem_shared>> -> memref<112x8xf32, #tpu.memory_space<vmem_shared>>
      %dma_wait3A_152 = arith.constant 0 : i32
      %dma_wait3A_153 = arith.constant 0 : i32
      %dma_wait3A_154 = tpu.memref_slice %arg6[%dma_wait3A_152, %dma_wait3A_153] : memref<128x8xf32, #tpu.memory_space<vmem>> -> memref<112x8xf32, #tpu.memory_space<vmem>>
      tpu.wait_dma2 semaphore(%run_scoped3A_135 : memref<!tpu.dma_semaphore, #tpu.memory_space<semaphore_mem>>) src(%dma_wait3A_154 : memref<112x8xf32, #tpu.memory_space<vmem>>) dst(%dma_wait3A_151 : memref<112x8xf32, #tpu.memory_space<vmem_shared>>)
      tpu.yield
    }) : () -> ()
    %barrier3A = arith.constant 0 : index
    tpu.barrier barrier_id(%barrier3A)
    %mul3A_26 = arith.constant 80 : i32
    %mul3A_27 = arith.muli %add3A, %mul3A_26 : i32
    %add3A_28 = arith.constant 0 : i32
    %add3A_29 = arith.addi %mul3A_27, %add3A_28 : i32
    %dma_start3A = arith.constant 0 : i32
    %dma_start3A_30 = arith.constant 0 : i32
    %dma_start3A_31 = tpu.memref_slice %arg5[%dma_start3A, %dma_start3A_30] : memref<4x128xi32, #tpu.memory_space<vmem>> -> memref<1x128xi32, #tpu.memory_space<vmem>>
    %dma_start3A_32 = tpu.memref_squeeze %dma_start3A_31 : memref<1x128xi32, #tpu.memory_space<vmem>> -> memref<128xi32, #tpu.memory_space<vmem>>
    %dma_start3A_33 = arith.constant 0 : i32
    %dma_start3A_34 = tpu.memref_slice %arg2[%add3A_29, %dma_start3A_33] : memref<2560x128xi32, #tpu.memory_space<hbm>> -> memref<1x128xi32, #tpu.memory_space<hbm>>
    %dma_start3A_35 = tpu.memref_squeeze %dma_start3A_34 : memref<1x128xi32, #tpu.memory_space<hbm>> -> memref<128xi32, #tpu.memory_space<hbm>>
    %dma_start3A_36 = arith.constant 0 : i32
    %dma_start3A_37 = tpu.memref_slice %arg5[%dma_start3A, %dma_start3A_36] : memref<4x128xi32, #tpu.memory_space<vmem>> -> memref<1x128xi32, #tpu.memory_space<vmem>>
    %dma_start3A_38 = tpu.memref_squeeze %dma_start3A_37 : memref<1x128xi32, #tpu.memory_space<vmem>> -> memref<128xi32, #tpu.memory_space<vmem>>
    %dma_start3A_39 = arith.constant 0 : i32
    %dma_start3A_40 = tpu.memref_slice %arg2[%add3A_29, %dma_start3A_39] : memref<2560x128xi32, #tpu.memory_space<hbm>> -> memref<1x128xi32, #tpu.memory_space<hbm>>
    %dma_start3A_41 = tpu.memref_squeeze %dma_start3A_40 : memref<1x128xi32, #tpu.memory_space<hbm>> -> memref<128xi32, #tpu.memory_space<hbm>>
    tpu.enqueue_dma source(%dma_start3A_41 : memref<128xi32, #tpu.memory_space<hbm>>) target(%dma_start3A_38 : memref<128xi32, #tpu.memory_space<vmem>>) target_semaphore(%arg9 : memref<!tpu.dma_semaphore, #tpu.memory_space<semaphore_mem>>)
    %add3A_42 = arith.constant 1 : i32
    %add3A_43 = arith.addi %mul3A_27, %add3A_42 : i32
    %dma_start3A_44 = arith.constant 1 : i32
    %dma_start3A_45 = arith.constant 0 : i32
    %dma_start3A_46 = tpu.memref_slice %arg5[%dma_start3A_44, %dma_start3A_45] : memref<4x128xi32, #tpu.memory_space<vmem>> -> memref<1x128xi32, #tpu.memory_space<vmem>>
    %dma_start3A_47 = tpu.memref_squeeze %dma_start3A_46 : memref<1x128xi32, #tpu.memory_space<vmem>> -> memref<128xi32, #tpu.memory_space<vmem>>
    %dma_start3A_48 = arith.constant 0 : i32
    %dma_start3A_49 = tpu.memref_slice %arg2[%add3A_43, %dma_start3A_48] : memref<2560x128xi32, #tpu.memory_space<hbm>> -> memref<1x128xi32, #tpu.memory_space<hbm>>
    %dma_start3A_50 = tpu.memref_squeeze %dma_start3A_49 : memref<1x128xi32, #tpu.memory_space<hbm>> -> memref<128xi32, #tpu.memory_space<hbm>>
    %dma_start3A_51 = arith.constant 0 : i32
    %dma_start3A_52 = tpu.memref_slice %arg5[%dma_start3A_44, %dma_start3A_51] : memref<4x128xi32, #tpu.memory_space<vmem>> -> memref<1x128xi32, #tpu.memory_space<vmem>>
    %dma_start3A_53 = tpu.memref_squeeze %dma_start3A_52 : memref<1x128xi32, #tpu.memory_space<vmem>> -> memref<128xi32, #tpu.memory_space<vmem>>
    %dma_start3A_54 = arith.constant 0 : i32
    %dma_start3A_55 = tpu.memref_slice %arg2[%add3A_43, %dma_start3A_54] : memref<2560x128xi32, #tpu.memory_space<hbm>> -> memref<1x128xi32, #tpu.memory_space<hbm>>
    %dma_start3A_56 = tpu.memref_squeeze %dma_start3A_55 : memref<1x128xi32, #tpu.memory_space<hbm>> -> memref<128xi32, #tpu.memory_space<hbm>>
    tpu.enqueue_dma source(%dma_start3A_56 : memref<128xi32, #tpu.memory_space<hbm>>) target(%dma_start3A_53 : memref<128xi32, #tpu.memory_space<vmem>>) target_semaphore(%arg10 : memref<!tpu.dma_semaphore, #tpu.memory_space<semaphore_mem>>)
    %add3A_57 = arith.constant 2 : i32
    %add3A_58 = arith.addi %mul3A_27, %add3A_57 : i32
    %dma_start3A_59 = arith.constant 2 : i32
    %dma_start3A_60 = arith.constant 0 : i32
    %dma_start3A_61 = tpu.memref_slice %arg5[%dma_start3A_59, %dma_start3A_60] : memref<4x128xi32, #tpu.memory_space<vmem>> -> memref<1x128xi32, #tpu.memory_space<vmem>>
    %dma_start3A_62 = tpu.memref_squeeze %dma_start3A_61 : memref<1x128xi32, #tpu.memory_space<vmem>> -> memref<128xi32, #tpu.memory_space<vmem>>
    %dma_start3A_63 = arith.constant 0 : i32
    %dma_start3A_64 = tpu.memref_slice %arg2[%add3A_58, %dma_start3A_63] : memref<2560x128xi32, #tpu.memory_space<hbm>> -> memref<1x128xi32, #tpu.memory_space<hbm>>
    %dma_start3A_65 = tpu.memref_squeeze %dma_start3A_64 : memref<1x128xi32, #tpu.memory_space<hbm>> -> memref<128xi32, #tpu.memory_space<hbm>>
    %dma_start3A_66 = arith.constant 0 : i32
    %dma_start3A_67 = tpu.memref_slice %arg5[%dma_start3A_59, %dma_start3A_66] : memref<4x128xi32, #tpu.memory_space<vmem>> -> memref<1x128xi32, #tpu.memory_space<vmem>>
    %dma_start3A_68 = tpu.memref_squeeze %dma_start3A_67 : memref<1x128xi32, #tpu.memory_space<vmem>> -> memref<128xi32, #tpu.memory_space<vmem>>
    %dma_start3A_69 = arith.constant 0 : i32
    %dma_start3A_70 = tpu.memref_slice %arg2[%add3A_58, %dma_start3A_69] : memref<2560x128xi32, #tpu.memory_space<hbm>> -> memref<1x128xi32, #tpu.memory_space<hbm>>
    %dma_start3A_71 = tpu.memref_squeeze %dma_start3A_70 : memref<1x128xi32, #tpu.memory_space<hbm>> -> memref<128xi32, #tpu.memory_space<hbm>>
    tpu.enqueue_dma source(%dma_start3A_71 : memref<128xi32, #tpu.memory_space<hbm>>) target(%dma_start3A_68 : memref<128xi32, #tpu.memory_space<vmem>>) target_semaphore(%arg11 : memref<!tpu.dma_semaphore, #tpu.memory_space<semaphore_mem>>)
    %add3A_72 = arith.constant 3 : i32
    %add3A_73 = arith.addi %mul3A_27, %add3A_72 : i32
    %dma_start3A_74 = arith.constant 3 : i32
    %dma_start3A_75 = arith.constant 0 : i32
    %dma_start3A_76 = tpu.memref_slice %arg5[%dma_start3A_74, %dma_start3A_75] : memref<4x128xi32, #tpu.memory_space<vmem>> -> memref<1x128xi32, #tpu.memory_space<vmem>>
    %dma_start3A_77 = tpu.memref_squeeze %dma_start3A_76 : memref<1x128xi32, #tpu.memory_space<vmem>> -> memref<128xi32, #tpu.memory_space<vmem>>
    %dma_start3A_78 = arith.constant 0 : i32
    %dma_start3A_79 = tpu.memref_slice %arg2[%add3A_73, %dma_start3A_78] : memref<2560x128xi32, #tpu.memory_space<hbm>> -> memref<1x128xi32, #tpu.memory_space<hbm>>
    %dma_start3A_80 = tpu.memref_squeeze %dma_start3A_79 : memref<1x128xi32, #tpu.memory_space<hbm>> -> memref<128xi32, #tpu.memory_space<hbm>>
    %dma_start3A_81 = arith.constant 0 : i32
    %dma_start3A_82 = tpu.memref_slice %arg5[%dma_start3A_74, %dma_start3A_81] : memref<4x128xi32, #tpu.memory_space<vmem>> -> memref<1x128xi32, #tpu.memory_space<vmem>>
    %dma_start3A_83 = tpu.memref_squeeze %dma_start3A_82 : memref<1x128xi32, #tpu.memory_space<vmem>> -> memref<128xi32, #tpu.memory_space<vmem>>
    %dma_start3A_84 = arith.constant 0 : i32
    %dma_start3A_85 = tpu.memref_slice %arg2[%add3A_73, %dma_start3A_84] : memref<2560x128xi32, #tpu.memory_space<hbm>> -> memref<1x128xi32, #tpu.memory_space<hbm>>
    %dma_start3A_86 = tpu.memref_squeeze %dma_start3A_85 : memref<1x128xi32, #tpu.memory_space<hbm>> -> memref<128xi32, #tpu.memory_space<hbm>>
    tpu.enqueue_dma source(%dma_start3A_86 : memref<128xi32, #tpu.memory_space<hbm>>) target(%dma_start3A_83 : memref<128xi32, #tpu.memory_space<vmem>>) target_semaphore(%arg12 : memref<!tpu.dma_semaphore, #tpu.memory_space<semaphore_mem>>)
    %scan3A = arith.constant 0 : i32
    %scan3A_87 = arith.constant 0 : i32
    %scan3A_88 = arith.constant 20 : i32
    %scan3A_89 = arith.addi %scan3A_87, %scan3A_88 : i32
    %scan3A_90 = arith.constant 1 : i32
    scf.for %scan3A_135 = %scan3A_87 to %scan3A_89 step %scan3A_90  : i32 {
      %mul3A_136 = arith.constant 4 : i32
      %mul3A_137 = arith.muli %mul3A_136, %scan3A_135 : i32
      %lt3A = arith.constant 19 : i32
      %lt3A_138 = arith.cmpi slt, %scan3A_135, %lt3A : i32
      %add3A_139 = arith.constant 0 : i32
      %add3A_140 = arith.addi %mul3A_137, %add3A_139 : i32
      %add3A_141 = arith.addi %mul3A_27, %add3A_140 : i32
      %dma_wait3A = arith.constant 0 : i32
      %dma_wait3A_142 = arith.constant 0 : i32
      %dma_wait3A_143 = tpu.memref_slice %arg5[%dma_wait3A, %dma_wait3A_142] : memref<4x128xi32, #tpu.memory_space<vmem>> -> memref<1x128xi32, #tpu.memory_space<vmem>>
      %dma_wait3A_144 = tpu.memref_squeeze %dma_wait3A_143 : memref<1x128xi32, #tpu.memory_space<vmem>> -> memref<128xi32, #tpu.memory_space<vmem>>
      %dma_wait3A_145 = arith.constant 0 : i32
      %dma_wait3A_146 = tpu.memref_slice %arg2[%add3A_141, %dma_wait3A_145] : memref<2560x128xi32, #tpu.memory_space<hbm>> -> memref<1x128xi32, #tpu.memory_space<hbm>>
      %dma_wait3A_147 = tpu.memref_squeeze %dma_wait3A_146 : memref<1x128xi32, #tpu.memory_space<hbm>> -> memref<128xi32, #tpu.memory_space<hbm>>
      %dma_wait3A_148 = arith.constant 0 : i32
      %dma_wait3A_149 = tpu.memref_slice %arg5[%dma_wait3A, %dma_wait3A_148] : memref<4x128xi32, #tpu.memory_space<vmem>> -> memref<1x128xi32, #tpu.memory_space<vmem>>
      %dma_wait3A_150 = tpu.memref_squeeze %dma_wait3A_149 : memref<1x128xi32, #tpu.memory_space<vmem>> -> memref<128xi32, #tpu.memory_space<vmem>>
      %dma_wait3A_151 = arith.constant 0 : i32
      %dma_wait3A_152 = tpu.memref_slice %arg2[%add3A_141, %dma_wait3A_151] : memref<2560x128xi32, #tpu.memory_space<hbm>> -> memref<1x128xi32, #tpu.memory_space<hbm>>
      %dma_wait3A_153 = tpu.memref_squeeze %dma_wait3A_152 : memref<1x128xi32, #tpu.memory_space<hbm>> -> memref<128xi32, #tpu.memory_space<hbm>>
      tpu.wait_dma2 semaphore(%arg9 : memref<!tpu.dma_semaphore, #tpu.memory_space<semaphore_mem>>) src(%dma_wait3A_153 : memref<128xi32, #tpu.memory_space<hbm>>) dst(%dma_wait3A_150 : memref<128xi32, #tpu.memory_space<vmem>>)
      %dma_start3A_154 = arith.constant 0 : i32
      %dma_start3A_155 = arith.constant 0 : i32
      %dma_start3A_156 = tpu.memref_slice %arg5[%dma_start3A_154, %dma_start3A_155] : memref<4x128xi32, #tpu.memory_space<vmem>> -> memref<1x128xi32, #tpu.memory_space<vmem>>
      %dma_start3A_157 = tpu.memref_squeeze %dma_start3A_156 : memref<1x128xi32, #tpu.memory_space<vmem>> -> memref<128xi32, #tpu.memory_space<vmem>>
      %dma_start3A_158 = arith.constant 0 : i32
      %dma_start3A_159 = arith.constant 0 : i32
      %dma_start3A_160 = tpu.memref_slice %arg8[%dma_start3A_158, %dma_start3A_159] : memref<10240x8xf32, #tpu.memory_space<vmem_shared>> -> memref<10240x8xf32, #tpu.memory_space<vmem_shared>>
      tpu.enqueue_indirect_dma source(%arg7 : memref<128x8xf32, #tpu.memory_space<vmem>>) target(%dma_start3A_160 : memref<10240x8xf32, #tpu.memory_space<vmem_shared>>) offsets(%dma_start3A_157 : memref<128xi32, #tpu.memory_space<vmem>>) semaphore(%arg13 : memref<!tpu.dma_semaphore, #tpu.memory_space<semaphore_mem>>) {add = true}
      %add3A_161 = arith.constant 1 : i32
      %add3A_162 = arith.addi %mul3A_137, %add3A_161 : i32
      %add3A_163 = arith.addi %mul3A_27, %add3A_162 : i32
      %dma_wait3A_164 = arith.constant 1 : i32
      %dma_wait3A_165 = arith.constant 0 : i32
      %dma_wait3A_166 = tpu.memref_slice %arg5[%dma_wait3A_164, %dma_wait3A_165] : memref<4x128xi32, #tpu.memory_space<vmem>> -> memref<1x128xi32, #tpu.memory_space<vmem>>
      %dma_wait3A_167 = tpu.memref_squeeze %dma_wait3A_166 : memref<1x128xi32, #tpu.memory_space<vmem>> -> memref<128xi32, #tpu.memory_space<vmem>>
      %dma_wait3A_168 = arith.constant 0 : i32
      %dma_wait3A_169 = tpu.memref_slice %arg2[%add3A_163, %dma_wait3A_168] : memref<2560x128xi32, #tpu.memory_space<hbm>> -> memref<1x128xi32, #tpu.memory_space<hbm>>
      %dma_wait3A_170 = tpu.memref_squeeze %dma_wait3A_169 : memref<1x128xi32, #tpu.memory_space<hbm>> -> memref<128xi32, #tpu.memory_space<hbm>>
      %dma_wait3A_171 = arith.constant 0 : i32
      %dma_wait3A_172 = tpu.memref_slice %arg5[%dma_wait3A_164, %dma_wait3A_171] : memref<4x128xi32, #tpu.memory_space<vmem>> -> memref<1x128xi32, #tpu.memory_space<vmem>>
      %dma_wait3A_173 = tpu.memref_squeeze %dma_wait3A_172 : memref<1x128xi32, #tpu.memory_space<vmem>> -> memref<128xi32, #tpu.memory_space<vmem>>
      %dma_wait3A_174 = arith.constant 0 : i32
      %dma_wait3A_175 = tpu.memref_slice %arg2[%add3A_163, %dma_wait3A_174] : memref<2560x128xi32, #tpu.memory_space<hbm>> -> memref<1x128xi32, #tpu.memory_space<hbm>>
      %dma_wait3A_176 = tpu.memref_squeeze %dma_wait3A_175 : memref<1x128xi32, #tpu.memory_space<hbm>> -> memref<128xi32, #tpu.memory_space<hbm>>
      tpu.wait_dma2 semaphore(%arg10 : memref<!tpu.dma_semaphore, #tpu.memory_space<semaphore_mem>>) src(%dma_wait3A_176 : memref<128xi32, #tpu.memory_space<hbm>>) dst(%dma_wait3A_173 : memref<128xi32, #tpu.memory_space<vmem>>)
      %dma_start3A_177 = arith.constant 1 : i32
      %dma_start3A_178 = arith.constant 0 : i32
      %dma_start3A_179 = tpu.memref_slice %arg5[%dma_start3A_177, %dma_start3A_178] : memref<4x128xi32, #tpu.memory_space<vmem>> -> memref<1x128xi32, #tpu.memory_space<vmem>>
      %dma_start3A_180 = tpu.memref_squeeze %dma_start3A_179 : memref<1x128xi32, #tpu.memory_space<vmem>> -> memref<128xi32, #tpu.memory_space<vmem>>
      %dma_start3A_181 = arith.constant 0 : i32
      %dma_start3A_182 = arith.constant 0 : i32
      %dma_start3A_183 = tpu.memref_slice %arg8[%dma_start3A_181, %dma_start3A_182] : memref<10240x8xf32, #tpu.memory_space<vmem_shared>> -> memref<10240x8xf32, #tpu.memory_space<vmem_shared>>
      tpu.enqueue_indirect_dma source(%arg7 : memref<128x8xf32, #tpu.memory_space<vmem>>) target(%dma_start3A_183 : memref<10240x8xf32, #tpu.memory_space<vmem_shared>>) offsets(%dma_start3A_180 : memref<128xi32, #tpu.memory_space<vmem>>) semaphore(%arg14 : memref<!tpu.dma_semaphore, #tpu.memory_space<semaphore_mem>>) {add = true}
      %add3A_184 = arith.constant 2 : i32
      %add3A_185 = arith.addi %mul3A_137, %add3A_184 : i32
      %add3A_186 = arith.addi %mul3A_27, %add3A_185 : i32
      %dma_wait3A_187 = arith.constant 2 : i32
      %dma_wait3A_188 = arith.constant 0 : i32
      %dma_wait3A_189 = tpu.memref_slice %arg5[%dma_wait3A_187, %dma_wait3A_188] : memref<4x128xi32, #tpu.memory_space<vmem>> -> memref<1x128xi32, #tpu.memory_space<vmem>>
      %dma_wait3A_190 = tpu.memref_squeeze %dma_wait3A_189 : memref<1x128xi32, #tpu.memory_space<vmem>> -> memref<128xi32, #tpu.memory_space<vmem>>
      %dma_wait3A_191 = arith.constant 0 : i32
      %dma_wait3A_192 = tpu.memref_slice %arg2[%add3A_186, %dma_wait3A_191] : memref<2560x128xi32, #tpu.memory_space<hbm>> -> memref<1x128xi32, #tpu.memory_space<hbm>>
      %dma_wait3A_193 = tpu.memref_squeeze %dma_wait3A_192 : memref<1x128xi32, #tpu.memory_space<hbm>> -> memref<128xi32, #tpu.memory_space<hbm>>
      %dma_wait3A_194 = arith.constant 0 : i32
      %dma_wait3A_195 = tpu.memref_slice %arg5[%dma_wait3A_187, %dma_wait3A_194] : memref<4x128xi32, #tpu.memory_space<vmem>> -> memref<1x128xi32, #tpu.memory_space<vmem>>
      %dma_wait3A_196 = tpu.memref_squeeze %dma_wait3A_195 : memref<1x128xi32, #tpu.memory_space<vmem>> -> memref<128xi32, #tpu.memory_space<vmem>>
      %dma_wait3A_197 = arith.constant 0 : i32
      %dma_wait3A_198 = tpu.memref_slice %arg2[%add3A_186, %dma_wait3A_197] : memref<2560x128xi32, #tpu.memory_space<hbm>> -> memref<1x128xi32, #tpu.memory_space<hbm>>
      %dma_wait3A_199 = tpu.memref_squeeze %dma_wait3A_198 : memref<1x128xi32, #tpu.memory_space<hbm>> -> memref<128xi32, #tpu.memory_space<hbm>>
      tpu.wait_dma2 semaphore(%arg11 : memref<!tpu.dma_semaphore, #tpu.memory_space<semaphore_mem>>) src(%dma_wait3A_199 : memref<128xi32, #tpu.memory_space<hbm>>) dst(%dma_wait3A_196 : memref<128xi32, #tpu.memory_space<vmem>>)
      %dma_start3A_200 = arith.constant 2 : i32
      %dma_start3A_201 = arith.constant 0 : i32
      %dma_start3A_202 = tpu.memref_slice %arg5[%dma_start3A_200, %dma_start3A_201] : memref<4x128xi32, #tpu.memory_space<vmem>> -> memref<1x128xi32, #tpu.memory_space<vmem>>
      %dma_start3A_203 = tpu.memref_squeeze %dma_start3A_202 : memref<1x128xi32, #tpu.memory_space<vmem>> -> memref<128xi32, #tpu.memory_space<vmem>>
      %dma_start3A_204 = arith.constant 0 : i32
      %dma_start3A_205 = arith.constant 0 : i32
      %dma_start3A_206 = tpu.memref_slice %arg8[%dma_start3A_204, %dma_start3A_205] : memref<10240x8xf32, #tpu.memory_space<vmem_shared>> -> memref<10240x8xf32, #tpu.memory_space<vmem_shared>>
      tpu.enqueue_indirect_dma source(%arg7 : memref<128x8xf32, #tpu.memory_space<vmem>>) target(%dma_start3A_206 : memref<10240x8xf32, #tpu.memory_space<vmem_shared>>) offsets(%dma_start3A_203 : memref<128xi32, #tpu.memory_space<vmem>>) semaphore(%arg15 : memref<!tpu.dma_semaphore, #tpu.memory_space<semaphore_mem>>) {add = true}
      %add3A_207 = arith.constant 3 : i32
      %add3A_208 = arith.addi %mul3A_137, %add3A_207 : i32
      %add3A_209 = arith.addi %mul3A_27, %add3A_208 : i32
      %dma_wait3A_210 = arith.constant 3 : i32
      %dma_wait3A_211 = arith.constant 0 : i32
      %dma_wait3A_212 = tpu.memref_slice %arg5[%dma_wait3A_210, %dma_wait3A_211] : memref<4x128xi32, #tpu.memory_space<vmem>> -> memref<1x128xi32, #tpu.memory_space<vmem>>
      %dma_wait3A_213 = tpu.memref_squeeze %dma_wait3A_212 : memref<1x128xi32, #tpu.memory_space<vmem>> -> memref<128xi32, #tpu.memory_space<vmem>>
      %dma_wait3A_214 = arith.constant 0 : i32
      %dma_wait3A_215 = tpu.memref_slice %arg2[%add3A_209, %dma_wait3A_214] : memref<2560x128xi32, #tpu.memory_space<hbm>> -> memref<1x128xi32, #tpu.memory_space<hbm>>
      %dma_wait3A_216 = tpu.memref_squeeze %dma_wait3A_215 : memref<1x128xi32, #tpu.memory_space<hbm>> -> memref<128xi32, #tpu.memory_space<hbm>>
      %dma_wait3A_217 = arith.constant 0 : i32
      %dma_wait3A_218 = tpu.memref_slice %arg5[%dma_wait3A_210, %dma_wait3A_217] : memref<4x128xi32, #tpu.memory_space<vmem>> -> memref<1x128xi32, #tpu.memory_space<vmem>>
      %dma_wait3A_219 = tpu.memref_squeeze %dma_wait3A_218 : memref<1x128xi32, #tpu.memory_space<vmem>> -> memref<128xi32, #tpu.memory_space<vmem>>
      %dma_wait3A_220 = arith.constant 0 : i32
      %dma_wait3A_221 = tpu.memref_slice %arg2[%add3A_209, %dma_wait3A_220] : memref<2560x128xi32, #tpu.memory_space<hbm>> -> memref<1x128xi32, #tpu.memory_space<hbm>>
      %dma_wait3A_222 = tpu.memref_squeeze %dma_wait3A_221 : memref<1x128xi32, #tpu.memory_space<hbm>> -> memref<128xi32, #tpu.memory_space<hbm>>
      tpu.wait_dma2 semaphore(%arg12 : memref<!tpu.dma_semaphore, #tpu.memory_space<semaphore_mem>>) src(%dma_wait3A_222 : memref<128xi32, #tpu.memory_space<hbm>>) dst(%dma_wait3A_219 : memref<128xi32, #tpu.memory_space<vmem>>)
      %dma_start3A_223 = arith.constant 3 : i32
      %dma_start3A_224 = arith.constant 0 : i32
      %dma_start3A_225 = tpu.memref_slice %arg5[%dma_start3A_223, %dma_start3A_224] : memref<4x128xi32, #tpu.memory_space<vmem>> -> memref<1x128xi32, #tpu.memory_space<vmem>>
      %dma_start3A_226 = tpu.memref_squeeze %dma_start3A_225 : memref<1x128xi32, #tpu.memory_space<vmem>> -> memref<128xi32, #tpu.memory_space<vmem>>
      %dma_start3A_227 = arith.constant 0 : i32
      %dma_start3A_228 = arith.constant 0 : i32
      %dma_start3A_229 = tpu.memref_slice %arg8[%dma_start3A_227, %dma_start3A_228] : memref<10240x8xf32, #tpu.memory_space<vmem_shared>> -> memref<10240x8xf32, #tpu.memory_space<vmem_shared>>
      tpu.enqueue_indirect_dma source(%arg7 : memref<128x8xf32, #tpu.memory_space<vmem>>) target(%dma_start3A_229 : memref<10240x8xf32, #tpu.memory_space<vmem_shared>>) offsets(%dma_start3A_226 : memref<128xi32, #tpu.memory_space<vmem>>) semaphore(%arg16 : memref<!tpu.dma_semaphore, #tpu.memory_space<semaphore_mem>>) {add = true}
      %dma_wait3A_230 = arith.constant 0 : i32
      %dma_wait3A_231 = arith.constant 0 : i32
      %dma_wait3A_232 = tpu.memref_slice %arg5[%dma_wait3A_230, %dma_wait3A_231] : memref<4x128xi32, #tpu.memory_space<vmem>> -> memref<1x128xi32, #tpu.memory_space<vmem>>
      %dma_wait3A_233 = tpu.memref_squeeze %dma_wait3A_232 : memref<1x128xi32, #tpu.memory_space<vmem>> -> memref<128xi32, #tpu.memory_space<vmem>>
      %dma_wait3A_234 = arith.constant 0 : i32
      %dma_wait3A_235 = arith.constant 0 : i32
      %dma_wait3A_236 = tpu.memref_slice %arg8[%dma_wait3A_234, %dma_wait3A_235] : memref<10240x8xf32, #tpu.memory_space<vmem_shared>> -> memref<10240x8xf32, #tpu.memory_space<vmem_shared>>
      tpu.wait_indirect_dma semaphore(%arg13 : memref<!tpu.dma_semaphore, #tpu.memory_space<semaphore_mem>>) src(%arg7 : memref<128x8xf32, #tpu.memory_space<vmem>>) dst(%dma_wait3A_236 : memref<10240x8xf32, #tpu.memory_space<vmem_shared>>)
      %convert_element_type3A = arith.extui %lt3A_138 : i1 to i32
      %cond3A = arith.constant 0 : i32
      %cond3A_237 = arith.cmpi ne, %convert_element_type3A, %cond3A : i32
      scf.if %cond3A_237 {
        %add3A_268 = arith.constant 4 : i32
        %add3A_269 = arith.addi %mul3A_137, %add3A_268 : i32
        %add3A_270 = arith.constant 0 : i32
        %add3A_271 = arith.addi %add3A_269, %add3A_270 : i32
        %add3A_272 = arith.addi %mul3A_27, %add3A_271 : i32
        %dma_start3A_273 = arith.constant 0 : i32
        %dma_start3A_274 = arith.constant 0 : i32
        %dma_start3A_275 = tpu.memref_slice %arg5[%dma_start3A_273, %dma_start3A_274] : memref<4x128xi32, #tpu.memory_space<vmem>> -> memref<1x128xi32, #tpu.memory_space<vmem>>
        %dma_start3A_276 = tpu.memref_squeeze %dma_start3A_275 : memref<1x128xi32, #tpu.memory_space<vmem>> -> memref<128xi32, #tpu.memory_space<vmem>>
        %dma_start3A_277 = arith.constant 0 : i32
        %dma_start3A_278 = tpu.memref_slice %arg2[%add3A_272, %dma_start3A_277] : memref<2560x128xi32, #tpu.memory_space<hbm>> -> memref<1x128xi32, #tpu.memory_space<hbm>>
        %dma_start3A_279 = tpu.memref_squeeze %dma_start3A_278 : memref<1x128xi32, #tpu.memory_space<hbm>> -> memref<128xi32, #tpu.memory_space<hbm>>
        %dma_start3A_280 = arith.constant 0 : i32
        %dma_start3A_281 = tpu.memref_slice %arg5[%dma_start3A_273, %dma_start3A_280] : memref<4x128xi32, #tpu.memory_space<vmem>> -> memref<1x128xi32, #tpu.memory_space<vmem>>
        %dma_start3A_282 = tpu.memref_squeeze %dma_start3A_281 : memref<1x128xi32, #tpu.memory_space<vmem>> -> memref<128xi32, #tpu.memory_space<vmem>>
        %dma_start3A_283 = arith.constant 0 : i32
        %dma_start3A_284 = tpu.memref_slice %arg2[%add3A_272, %dma_start3A_283] : memref<2560x128xi32, #tpu.memory_space<hbm>> -> memref<1x128xi32, #tpu.memory_space<hbm>>
        %dma_start3A_285 = tpu.memref_squeeze %dma_start3A_284 : memref<1x128xi32, #tpu.memory_space<hbm>> -> memref<128xi32, #tpu.memory_space<hbm>>
        tpu.enqueue_dma source(%dma_start3A_285 : memref<128xi32, #tpu.memory_space<hbm>>) target(%dma_start3A_282 : memref<128xi32, #tpu.memory_space<vmem>>) target_semaphore(%arg9 : memref<!tpu.dma_semaphore, #tpu.memory_space<semaphore_mem>>)
      } else {
      }
      %dma_wait3A_238 = arith.constant 1 : i32
      %dma_wait3A_239 = arith.constant 0 : i32
      %dma_wait3A_240 = tpu.memref_slice %arg5[%dma_wait3A_238, %dma_wait3A_239] : memref<4x128xi32, #tpu.memory_space<vmem>> -> memref<1x128xi32, #tpu.memory_space<vmem>>
      %dma_wait3A_241 = tpu.memref_squeeze %dma_wait3A_240 : memref<1x128xi32, #tpu.memory_space<vmem>> -> memref<128xi32, #tpu.memory_space<vmem>>
      %dma_wait3A_242 = arith.constant 0 : i32
      %dma_wait3A_243 = arith.constant 0 : i32
      %dma_wait3A_244 = tpu.memref_slice %arg8[%dma_wait3A_242, %dma_wait3A_243] : memref<10240x8xf32, #tpu.memory_space<vmem_shared>> -> memref<10240x8xf32, #tpu.memory_space<vmem_shared>>
      tpu.wait_indirect_dma semaphore(%arg14 : memref<!tpu.dma_semaphore, #tpu.memory_space<semaphore_mem>>) src(%arg7 : memref<128x8xf32, #tpu.memory_space<vmem>>) dst(%dma_wait3A_244 : memref<10240x8xf32, #tpu.memory_space<vmem_shared>>)
      %convert_element_type3A_245 = arith.extui %lt3A_138 : i1 to i32
      %cond3A_246 = arith.constant 0 : i32
      %cond3A_247 = arith.cmpi ne, %convert_element_type3A_245, %cond3A_246 : i32
      scf.if %cond3A_247 {
        %add3A_268 = arith.constant 4 : i32
        %add3A_269 = arith.addi %mul3A_137, %add3A_268 : i32
        %add3A_270 = arith.constant 1 : i32
        %add3A_271 = arith.addi %add3A_269, %add3A_270 : i32
        %add3A_272 = arith.addi %mul3A_27, %add3A_271 : i32
        %dma_start3A_273 = arith.constant 1 : i32
        %dma_start3A_274 = arith.constant 0 : i32
        %dma_start3A_275 = tpu.memref_slice %arg5[%dma_start3A_273, %dma_start3A_274] : memref<4x128xi32, #tpu.memory_space<vmem>> -> memref<1x128xi32, #tpu.memory_space<vmem>>
        %dma_start3A_276 = tpu.memref_squeeze %dma_start3A_275 : memref<1x128xi32, #tpu.memory_space<vmem>> -> memref<128xi32, #tpu.memory_space<vmem>>
        %dma_start3A_277 = arith.constant 0 : i32
        %dma_start3A_278 = tpu.memref_slice %arg2[%add3A_272, %dma_start3A_277] : memref<2560x128xi32, #tpu.memory_space<hbm>> -> memref<1x128xi32, #tpu.memory_space<hbm>>
        %dma_start3A_279 = tpu.memref_squeeze %dma_start3A_278 : memref<1x128xi32, #tpu.memory_space<hbm>> -> memref<128xi32, #tpu.memory_space<hbm>>
        %dma_start3A_280 = arith.constant 0 : i32
        %dma_start3A_281 = tpu.memref_slice %arg5[%dma_start3A_273, %dma_start3A_280] : memref<4x128xi32, #tpu.memory_space<vmem>> -> memref<1x128xi32, #tpu.memory_space<vmem>>
        %dma_start3A_282 = tpu.memref_squeeze %dma_start3A_281 : memref<1x128xi32, #tpu.memory_space<vmem>> -> memref<128xi32, #tpu.memory_space<vmem>>
        %dma_start3A_283 = arith.constant 0 : i32
        %dma_start3A_284 = tpu.memref_slice %arg2[%add3A_272, %dma_start3A_283] : memref<2560x128xi32, #tpu.memory_space<hbm>> -> memref<1x128xi32, #tpu.memory_space<hbm>>
        %dma_start3A_285 = tpu.memref_squeeze %dma_start3A_284 : memref<1x128xi32, #tpu.memory_space<hbm>> -> memref<128xi32, #tpu.memory_space<hbm>>
        tpu.enqueue_dma source(%dma_start3A_285 : memref<128xi32, #tpu.memory_space<hbm>>) target(%dma_start3A_282 : memref<128xi32, #tpu.memory_space<vmem>>) target_semaphore(%arg10 : memref<!tpu.dma_semaphore, #tpu.memory_space<semaphore_mem>>)
      } else {
      }
      %dma_wait3A_248 = arith.constant 2 : i32
      %dma_wait3A_249 = arith.constant 0 : i32
      %dma_wait3A_250 = tpu.memref_slice %arg5[%dma_wait3A_248, %dma_wait3A_249] : memref<4x128xi32, #tpu.memory_space<vmem>> -> memref<1x128xi32, #tpu.memory_space<vmem>>
      %dma_wait3A_251 = tpu.memref_squeeze %dma_wait3A_250 : memref<1x128xi32, #tpu.memory_space<vmem>> -> memref<128xi32, #tpu.memory_space<vmem>>
      %dma_wait3A_252 = arith.constant 0 : i32
      %dma_wait3A_253 = arith.constant 0 : i32
      %dma_wait3A_254 = tpu.memref_slice %arg8[%dma_wait3A_252, %dma_wait3A_253] : memref<10240x8xf32, #tpu.memory_space<vmem_shared>> -> memref<10240x8xf32, #tpu.memory_space<vmem_shared>>
      tpu.wait_indirect_dma semaphore(%arg15 : memref<!tpu.dma_semaphore, #tpu.memory_space<semaphore_mem>>) src(%arg7 : memref<128x8xf32, #tpu.memory_space<vmem>>) dst(%dma_wait3A_254 : memref<10240x8xf32, #tpu.memory_space<vmem_shared>>)
      %convert_element_type3A_255 = arith.extui %lt3A_138 : i1 to i32
      %cond3A_256 = arith.constant 0 : i32
      %cond3A_257 = arith.cmpi ne, %convert_element_type3A_255, %cond3A_256 : i32
      scf.if %cond3A_257 {
        %add3A_268 = arith.constant 4 : i32
        %add3A_269 = arith.addi %mul3A_137, %add3A_268 : i32
        %add3A_270 = arith.constant 2 : i32
        %add3A_271 = arith.addi %add3A_269, %add3A_270 : i32
        %add3A_272 = arith.addi %mul3A_27, %add3A_271 : i32
        %dma_start3A_273 = arith.constant 2 : i32
        %dma_start3A_274 = arith.constant 0 : i32
        %dma_start3A_275 = tpu.memref_slice %arg5[%dma_start3A_273, %dma_start3A_274] : memref<4x128xi32, #tpu.memory_space<vmem>> -> memref<1x128xi32, #tpu.memory_space<vmem>>
        %dma_start3A_276 = tpu.memref_squeeze %dma_start3A_275 : memref<1x128xi32, #tpu.memory_space<vmem>> -> memref<128xi32, #tpu.memory_space<vmem>>
        %dma_start3A_277 = arith.constant 0 : i32
        %dma_start3A_278 = tpu.memref_slice %arg2[%add3A_272, %dma_start3A_277] : memref<2560x128xi32, #tpu.memory_space<hbm>> -> memref<1x128xi32, #tpu.memory_space<hbm>>
        %dma_start3A_279 = tpu.memref_squeeze %dma_start3A_278 : memref<1x128xi32, #tpu.memory_space<hbm>> -> memref<128xi32, #tpu.memory_space<hbm>>
        %dma_start3A_280 = arith.constant 0 : i32
        %dma_start3A_281 = tpu.memref_slice %arg5[%dma_start3A_273, %dma_start3A_280] : memref<4x128xi32, #tpu.memory_space<vmem>> -> memref<1x128xi32, #tpu.memory_space<vmem>>
        %dma_start3A_282 = tpu.memref_squeeze %dma_start3A_281 : memref<1x128xi32, #tpu.memory_space<vmem>> -> memref<128xi32, #tpu.memory_space<vmem>>
        %dma_start3A_283 = arith.constant 0 : i32
        %dma_start3A_284 = tpu.memref_slice %arg2[%add3A_272, %dma_start3A_283] : memref<2560x128xi32, #tpu.memory_space<hbm>> -> memref<1x128xi32, #tpu.memory_space<hbm>>
        %dma_start3A_285 = tpu.memref_squeeze %dma_start3A_284 : memref<1x128xi32, #tpu.memory_space<hbm>> -> memref<128xi32, #tpu.memory_space<hbm>>
        tpu.enqueue_dma source(%dma_start3A_285 : memref<128xi32, #tpu.memory_space<hbm>>) target(%dma_start3A_282 : memref<128xi32, #tpu.memory_space<vmem>>) target_semaphore(%arg11 : memref<!tpu.dma_semaphore, #tpu.memory_space<semaphore_mem>>)
      } else {
      }
      %dma_wait3A_258 = arith.constant 3 : i32
      %dma_wait3A_259 = arith.constant 0 : i32
      %dma_wait3A_260 = tpu.memref_slice %arg5[%dma_wait3A_258, %dma_wait3A_259] : memref<4x128xi32, #tpu.memory_space<vmem>> -> memref<1x128xi32, #tpu.memory_space<vmem>>
      %dma_wait3A_261 = tpu.memref_squeeze %dma_wait3A_260 : memref<1x128xi32, #tpu.memory_space<vmem>> -> memref<128xi32, #tpu.memory_space<vmem>>
      %dma_wait3A_262 = arith.constant 0 : i32
      %dma_wait3A_263 = arith.constant 0 : i32
      %dma_wait3A_264 = tpu.memref_slice %arg8[%dma_wait3A_262, %dma_wait3A_263] : memref<10240x8xf32, #tpu.memory_space<vmem_shared>> -> memref<10240x8xf32, #tpu.memory_space<vmem_shared>>
      tpu.wait_indirect_dma semaphore(%arg16 : memref<!tpu.dma_semaphore, #tpu.memory_space<semaphore_mem>>) src(%arg7 : memref<128x8xf32, #tpu.memory_space<vmem>>) dst(%dma_wait3A_264 : memref<10240x8xf32, #tpu.memory_space<vmem_shared>>)
      %convert_element_type3A_265 = arith.extui %lt3A_138 : i1 to i32
      %cond3A_266 = arith.constant 0 : i32
      %cond3A_267 = arith.cmpi ne, %convert_element_type3A_265, %cond3A_266 : i32
      scf.if %cond3A_267 {
        %add3A_268 = arith.constant 4 : i32
        %add3A_269 = arith.addi %mul3A_137, %add3A_268 : i32
        %add3A_270 = arith.constant 3 : i32
        %add3A_271 = arith.addi %add3A_269, %add3A_270 : i32
        %add3A_272 = arith.addi %mul3A_27, %add3A_271 : i32
        %dma_start3A_273 = arith.constant 3 : i32
        %dma_start3A_274 = arith.constant 0 : i32
        %dma_start3A_275 = tpu.memref_slice %arg5[%dma_start3A_273, %dma_start3A_274] : memref<4x128xi32, #tpu.memory_space<vmem>> -> memref<1x128xi32, #tpu.memory_space<vmem>>
        %dma_start3A_276 = tpu.memref_squeeze %dma_start3A_275 : memref<1x128xi32, #tpu.memory_space<vmem>> -> memref<128xi32, #tpu.memory_space<vmem>>
        %dma_start3A_277 = arith.constant 0 : i32
        %dma_start3A_278 = tpu.memref_slice %arg2[%add3A_272, %dma_start3A_277] : memref<2560x128xi32, #tpu.memory_space<hbm>> -> memref<1x128xi32, #tpu.memory_space<hbm>>
        %dma_start3A_279 = tpu.memref_squeeze %dma_start3A_278 : memref<1x128xi32, #tpu.memory_space<hbm>> -> memref<128xi32, #tpu.memory_space<hbm>>
        %dma_start3A_280 = arith.constant 0 : i32
        %dma_start3A_281 = tpu.memref_slice %arg5[%dma_start3A_273, %dma_start3A_280] : memref<4x128xi32, #tpu.memory_space<vmem>> -> memref<1x128xi32, #tpu.memory_space<vmem>>
        %dma_start3A_282 = tpu.memref_squeeze %dma_start3A_281 : memref<1x128xi32, #tpu.memory_space<vmem>> -> memref<128xi32, #tpu.memory_space<vmem>>
        %dma_start3A_283 = arith.constant 0 : i32
        %dma_start3A_284 = tpu.memref_slice %arg2[%add3A_272, %dma_start3A_283] : memref<2560x128xi32, #tpu.memory_space<hbm>> -> memref<1x128xi32, #tpu.memory_space<hbm>>
        %dma_start3A_285 = tpu.memref_squeeze %dma_start3A_284 : memref<1x128xi32, #tpu.memory_space<hbm>> -> memref<128xi32, #tpu.memory_space<hbm>>
        tpu.enqueue_dma source(%dma_start3A_285 : memref<128xi32, #tpu.memory_space<hbm>>) target(%dma_start3A_282 : memref<128xi32, #tpu.memory_space<vmem>>) target_semaphore(%arg12 : memref<!tpu.dma_semaphore, #tpu.memory_space<semaphore_mem>>)
      } else {
      }
    }
    %scan3A_91 = arith.constant 20 : i32
    %barrier3A_92 = arith.constant 0 : index
    tpu.barrier barrier_id(%barrier3A_92)
    %mul3A_93 = arith.constant 640 : i32
    %mul3A_94 = arith.muli %arg1, %mul3A_93 : i32
    %add3A_95 = arith.constant 0 : i32
    %add3A_96 = arith.addi %mul3A_94, %add3A_95 : i32
    "tpu.region"() ({
      %run_scoped3A_135 = tpu.sem_alloc : memref<!tpu.dma_semaphore, #tpu.memory_space<semaphore_mem>>
      %dma_start3A_136 = arith.constant 0 : i32
      %dma_start3A_137 = arith.constant 0 : i32
      %dma_start3A_138 = tpu.memref_slice %arg6[%dma_start3A_136, %dma_start3A_137] : memref<128x8xf32, #tpu.memory_space<vmem>> -> memref<112x8xf32, #tpu.memory_space<vmem>>
      %dma_start3A_139 = arith.constant 0 : i32
      %dma_start3A_140 = tpu.memref_slice %arg8[%add3A_96, %dma_start3A_139] : memref<10240x8xf32, #tpu.memory_space<vmem_shared>> -> memref<112x8xf32, #tpu.memory_space<vmem_shared>>
      %dma_start3A_141 = arith.constant 0 : i32
      %dma_start3A_142 = arith.constant 0 : i32
      %dma_start3A_143 = tpu.memref_slice %arg6[%dma_start3A_141, %dma_start3A_142] : memref<128x8xf32, #tpu.memory_space<vmem>> -> memref<112x8xf32, #tpu.memory_space<vmem>>
      %dma_start3A_144 = arith.constant 0 : i32
      %dma_start3A_145 = tpu.memref_slice %arg8[%add3A_96, %dma_start3A_144] : memref<10240x8xf32, #tpu.memory_space<vmem_shared>> -> memref<112x8xf32, #tpu.memory_space<vmem_shared>>
      tpu.enqueue_dma source(%dma_start3A_145 : memref<112x8xf32, #tpu.memory_space<vmem_shared>>) target(%dma_start3A_143 : memref<112x8xf32, #tpu.memory_space<vmem>>) target_semaphore(%run_scoped3A_135 : memref<!tpu.dma_semaphore, #tpu.memory_space<semaphore_mem>>)
      %dma_wait3A = arith.constant 0 : i32
      %dma_wait3A_146 = arith.constant 0 : i32
      %dma_wait3A_147 = tpu.memref_slice %arg6[%dma_wait3A, %dma_wait3A_146] : memref<128x8xf32, #tpu.memory_space<vmem>> -> memref<112x8xf32, #tpu.memory_space<vmem>>
      %dma_wait3A_148 = arith.constant 0 : i32
      %dma_wait3A_149 = tpu.memref_slice %arg8[%add3A_96, %dma_wait3A_148] : memref<10240x8xf32, #tpu.memory_space<vmem_shared>> -> memref<112x8xf32, #tpu.memory_space<vmem_shared>>
      %dma_wait3A_150 = arith.constant 0 : i32
      %dma_wait3A_151 = arith.constant 0 : i32
      %dma_wait3A_152 = tpu.memref_slice %arg6[%dma_wait3A_150, %dma_wait3A_151] : memref<128x8xf32, #tpu.memory_space<vmem>> -> memref<112x8xf32, #tpu.memory_space<vmem>>
      %dma_wait3A_153 = arith.constant 0 : i32
      %dma_wait3A_154 = tpu.memref_slice %arg8[%add3A_96, %dma_wait3A_153] : memref<10240x8xf32, #tpu.memory_space<vmem_shared>> -> memref<112x8xf32, #tpu.memory_space<vmem_shared>>
      tpu.wait_dma2 semaphore(%run_scoped3A_135 : memref<!tpu.dma_semaphore, #tpu.memory_space<semaphore_mem>>) src(%dma_wait3A_154 : memref<112x8xf32, #tpu.memory_space<vmem_shared>>) dst(%dma_wait3A_152 : memref<112x8xf32, #tpu.memory_space<vmem>>)
      tpu.yield
    }) : () -> ()
    %mul3A_97 = arith.constant 10240 : i32
    %mul3A_98 = arith.muli %arg0, %mul3A_97 : i32
    %add3A_99 = arith.addi %mul3A_98, %add3A_96 : i32
    "tpu.region"() ({
      %run_scoped3A_135 = tpu.sem_alloc : memref<!tpu.dma_semaphore, #tpu.memory_space<semaphore_mem>>
      %dma_start3A_136 = arith.constant 0 : i32
      %dma_start3A_137 = arith.constant 0 : i32
      %dma_start3A_138 = tpu.memref_slice %arg6[%dma_start3A_136, %dma_start3A_137] : memref<128x8xf32, #tpu.memory_space<vmem>> -> memref<112x8xf32, #tpu.memory_space<vmem>>
      %dma_start3A_139 = arith.constant 0 : i32
      %dma_start3A_140 = tpu.memref_slice %arg4[%add3A_99, %dma_start3A_139] : memref<20480x8xf32, #tpu.memory_space<hbm>> -> memref<112x8xf32, #tpu.memory_space<hbm>>
      %dma_start3A_141 = arith.constant 0 : i32
      %dma_start3A_142 = tpu.memref_slice %arg4[%add3A_99, %dma_start3A_141] : memref<20480x8xf32, #tpu.memory_space<hbm>> -> memref<112x8xf32, #tpu.memory_space<hbm>>
      %dma_start3A_143 = arith.constant 0 : i32
      %dma_start3A_144 = arith.constant 0 : i32
      %dma_start3A_145 = tpu.memref_slice %arg6[%dma_start3A_143, %dma_start3A_144] : memref<128x8xf32, #tpu.memory_space<vmem>> -> memref<112x8xf32, #tpu.memory_space<vmem>>
      tpu.enqueue_dma source(%dma_start3A_145 : memref<112x8xf32, #tpu.memory_space<vmem>>) target(%dma_start3A_142 : memref<112x8xf32, #tpu.memory_space<hbm>>) target_semaphore(%run_scoped3A_135 : memref<!tpu.dma_semaphore, #tpu.memory_space<semaphore_mem>>)
      %dma_wait3A = arith.constant 0 : i32
      %dma_wait3A_146 = arith.constant 0 : i32
      %dma_wait3A_147 = tpu.memref_slice %arg6[%dma_wait3A, %dma_wait3A_146] : memref<128x8xf32, #tpu.memory_space<vmem>> -> memref<112x8xf32, #tpu.memory_space<vmem>>
      %dma_wait3A_148 = arith.constant 0 : i32
      %dma_wait3A_149 = tpu.memref_slice %arg4[%add3A_99, %dma_wait3A_148] : memref<20480x8xf32, #tpu.memory_space<hbm>> -> memref<112x8xf32, #tpu.memory_space<hbm>>
      %dma_wait3A_150 = arith.constant 0 : i32
      %dma_wait3A_151 = tpu.memref_slice %arg4[%add3A_99, %dma_wait3A_150] : memref<20480x8xf32, #tpu.memory_space<hbm>> -> memref<112x8xf32, #tpu.memory_space<hbm>>
      %dma_wait3A_152 = arith.constant 0 : i32
      %dma_wait3A_153 = arith.constant 0 : i32
      %dma_wait3A_154 = tpu.memref_slice %arg6[%dma_wait3A_152, %dma_wait3A_153] : memref<128x8xf32, #tpu.memory_space<vmem>> -> memref<112x8xf32, #tpu.memory_space<vmem>>
      tpu.wait_dma2 semaphore(%run_scoped3A_135 : memref<!tpu.dma_semaphore, #tpu.memory_space<semaphore_mem>>) src(%dma_wait3A_154 : memref<112x8xf32, #tpu.memory_space<vmem>>) dst(%dma_wait3A_151 : memref<112x8xf32, #tpu.memory_space<hbm>>)
      tpu.yield
    }) : () -> ()
    %mul3A_100 = arith.constant 640 : i32
    %mul3A_101 = arith.muli %arg1, %mul3A_100 : i32
    %add3A_102 = arith.constant 112 : i32
    %add3A_103 = arith.addi %mul3A_101, %add3A_102 : i32
    "tpu.region"() ({
      %run_scoped3A_135 = tpu.sem_alloc : memref<!tpu.dma_semaphore, #tpu.memory_space<semaphore_mem>>
      %dma_start3A_136 = arith.constant 0 : i32
      %dma_start3A_137 = arith.constant 0 : i32
      %dma_start3A_138 = tpu.memref_slice %arg6[%dma_start3A_136, %dma_start3A_137] : memref<128x8xf32, #tpu.memory_space<vmem>> -> memref<112x8xf32, #tpu.memory_space<vmem>>
      %dma_start3A_139 = arith.constant 0 : i32
      %dma_start3A_140 = tpu.memref_slice %arg8[%add3A_103, %dma_start3A_139] : memref<10240x8xf32, #tpu.memory_space<vmem_shared>> -> memref<112x8xf32, #tpu.memory_space<vmem_shared>>
      %dma_start3A_141 = arith.constant 0 : i32
      %dma_start3A_142 = arith.constant 0 : i32
      %dma_start3A_143 = tpu.memref_slice %arg6[%dma_start3A_141, %dma_start3A_142] : memref<128x8xf32, #tpu.memory_space<vmem>> -> memref<112x8xf32, #tpu.memory_space<vmem>>
      %dma_start3A_144 = arith.constant 0 : i32
      %dma_start3A_145 = tpu.memref_slice %arg8[%add3A_103, %dma_start3A_144] : memref<10240x8xf32, #tpu.memory_space<vmem_shared>> -> memref<112x8xf32, #tpu.memory_space<vmem_shared>>
      tpu.enqueue_dma source(%dma_start3A_145 : memref<112x8xf32, #tpu.memory_space<vmem_shared>>) target(%dma_start3A_143 : memref<112x8xf32, #tpu.memory_space<vmem>>) target_semaphore(%run_scoped3A_135 : memref<!tpu.dma_semaphore, #tpu.memory_space<semaphore_mem>>)
      %dma_wait3A = arith.constant 0 : i32
      %dma_wait3A_146 = arith.constant 0 : i32
      %dma_wait3A_147 = tpu.memref_slice %arg6[%dma_wait3A, %dma_wait3A_146] : memref<128x8xf32, #tpu.memory_space<vmem>> -> memref<112x8xf32, #tpu.memory_space<vmem>>
      %dma_wait3A_148 = arith.constant 0 : i32
      %dma_wait3A_149 = tpu.memref_slice %arg8[%add3A_103, %dma_wait3A_148] : memref<10240x8xf32, #tpu.memory_space<vmem_shared>> -> memref<112x8xf32, #tpu.memory_space<vmem_shared>>
      %dma_wait3A_150 = arith.constant 0 : i32
      %dma_wait3A_151 = arith.constant 0 : i32
      %dma_wait3A_152 = tpu.memref_slice %arg6[%dma_wait3A_150, %dma_wait3A_151] : memref<128x8xf32, #tpu.memory_space<vmem>> -> memref<112x8xf32, #tpu.memory_space<vmem>>
      %dma_wait3A_153 = arith.constant 0 : i32
      %dma_wait3A_154 = tpu.memref_slice %arg8[%add3A_103, %dma_wait3A_153] : memref<10240x8xf32, #tpu.memory_space<vmem_shared>> -> memref<112x8xf32, #tpu.memory_space<vmem_shared>>
      tpu.wait_dma2 semaphore(%run_scoped3A_135 : memref<!tpu.dma_semaphore, #tpu.memory_space<semaphore_mem>>) src(%dma_wait3A_154 : memref<112x8xf32, #tpu.memory_space<vmem_shared>>) dst(%dma_wait3A_152 : memref<112x8xf32, #tpu.memory_space<vmem>>)
      tpu.yield
    }) : () -> ()
    %mul3A_104 = arith.constant 10240 : i32
    %mul3A_105 = arith.muli %arg0, %mul3A_104 : i32
    %add3A_106 = arith.addi %mul3A_105, %add3A_103 : i32
    "tpu.region"() ({
      %run_scoped3A_135 = tpu.sem_alloc : memref<!tpu.dma_semaphore, #tpu.memory_space<semaphore_mem>>
      %dma_start3A_136 = arith.constant 0 : i32
      %dma_start3A_137 = arith.constant 0 : i32
      %dma_start3A_138 = tpu.memref_slice %arg6[%dma_start3A_136, %dma_start3A_137] : memref<128x8xf32, #tpu.memory_space<vmem>> -> memref<112x8xf32, #tpu.memory_space<vmem>>
      %dma_start3A_139 = arith.constant 0 : i32
      %dma_start3A_140 = tpu.memref_slice %arg4[%add3A_106, %dma_start3A_139] : memref<20480x8xf32, #tpu.memory_space<hbm>> -> memref<112x8xf32, #tpu.memory_space<hbm>>
      %dma_start3A_141 = arith.constant 0 : i32
      %dma_start3A_142 = tpu.memref_slice %arg4[%add3A_106, %dma_start3A_141] : memref<20480x8xf32, #tpu.memory_space<hbm>> -> memref<112x8xf32, #tpu.memory_space<hbm>>
      %dma_start3A_143 = arith.constant 0 : i32
      %dma_start3A_144 = arith.constant 0 : i32
      %dma_start3A_145 = tpu.memref_slice %arg6[%dma_start3A_143, %dma_start3A_144] : memref<128x8xf32, #tpu.memory_space<vmem>> -> memref<112x8xf32, #tpu.memory_space<vmem>>
      tpu.enqueue_dma source(%dma_start3A_145 : memref<112x8xf32, #tpu.memory_space<vmem>>) target(%dma_start3A_142 : memref<112x8xf32, #tpu.memory_space<hbm>>) target_semaphore(%run_scoped3A_135 : memref<!tpu.dma_semaphore, #tpu.memory_space<semaphore_mem>>)
      %dma_wait3A = arith.constant 0 : i32
      %dma_wait3A_146 = arith.constant 0 : i32
      %dma_wait3A_147 = tpu.memref_slice %arg6[%dma_wait3A, %dma_wait3A_146] : memref<128x8xf32, #tpu.memory_space<vmem>> -> memref<112x8xf32, #tpu.memory_space<vmem>>
      %dma_wait3A_148 = arith.constant 0 : i32
      %dma_wait3A_149 = tpu.memref_slice %arg4[%add3A_106, %dma_wait3A_148] : memref<20480x8xf32, #tpu.memory_space<hbm>> -> memref<112x8xf32, #tpu.memory_space<hbm>>
      %dma_wait3A_150 = arith.constant 0 : i32
      %dma_wait3A_151 = tpu.memref_slice %arg4[%add3A_106, %dma_wait3A_150] : memref<20480x8xf32, #tpu.memory_space<hbm>> -> memref<112x8xf32, #tpu.memory_space<hbm>>
      %dma_wait3A_152 = arith.constant 0 : i32
      %dma_wait3A_153 = arith.constant 0 : i32
      %dma_wait3A_154 = tpu.memref_slice %arg6[%dma_wait3A_152, %dma_wait3A_153] : memref<128x8xf32, #tpu.memory_space<vmem>> -> memref<112x8xf32, #tpu.memory_space<vmem>>
      tpu.wait_dma2 semaphore(%run_scoped3A_135 : memref<!tpu.dma_semaphore, #tpu.memory_space<semaphore_mem>>) src(%dma_wait3A_154 : memref<112x8xf32, #tpu.memory_space<vmem>>) dst(%dma_wait3A_151 : memref<112x8xf32, #tpu.memory_space<hbm>>)
      tpu.yield
    }) : () -> ()
    %mul3A_107 = arith.constant 640 : i32
    %mul3A_108 = arith.muli %arg1, %mul3A_107 : i32
    %add3A_109 = arith.constant 224 : i32
    %add3A_110 = arith.addi %mul3A_108, %add3A_109 : i32
    "tpu.region"() ({
      %run_scoped3A_135 = tpu.sem_alloc : memref<!tpu.dma_semaphore, #tpu.memory_space<semaphore_mem>>
      %dma_start3A_136 = arith.constant 0 : i32
      %dma_start3A_137 = arith.constant 0 : i32
      %dma_start3A_138 = tpu.memref_slice %arg6[%dma_start3A_136, %dma_start3A_137] : memref<128x8xf32, #tpu.memory_space<vmem>> -> memref<112x8xf32, #tpu.memory_space<vmem>>
      %dma_start3A_139 = arith.constant 0 : i32
      %dma_start3A_140 = tpu.memref_slice %arg8[%add3A_110, %dma_start3A_139] : memref<10240x8xf32, #tpu.memory_space<vmem_shared>> -> memref<112x8xf32, #tpu.memory_space<vmem_shared>>
      %dma_start3A_141 = arith.constant 0 : i32
      %dma_start3A_142 = arith.constant 0 : i32
      %dma_start3A_143 = tpu.memref_slice %arg6[%dma_start3A_141, %dma_start3A_142] : memref<128x8xf32, #tpu.memory_space<vmem>> -> memref<112x8xf32, #tpu.memory_space<vmem>>
      %dma_start3A_144 = arith.constant 0 : i32
      %dma_start3A_145 = tpu.memref_slice %arg8[%add3A_110, %dma_start3A_144] : memref<10240x8xf32, #tpu.memory_space<vmem_shared>> -> memref<112x8xf32, #tpu.memory_space<vmem_shared>>
      tpu.enqueue_dma source(%dma_start3A_145 : memref<112x8xf32, #tpu.memory_space<vmem_shared>>) target(%dma_start3A_143 : memref<112x8xf32, #tpu.memory_space<vmem>>) target_semaphore(%run_scoped3A_135 : memref<!tpu.dma_semaphore, #tpu.memory_space<semaphore_mem>>)
      %dma_wait3A = arith.constant 0 : i32
      %dma_wait3A_146 = arith.constant 0 : i32
      %dma_wait3A_147 = tpu.memref_slice %arg6[%dma_wait3A, %dma_wait3A_146] : memref<128x8xf32, #tpu.memory_space<vmem>> -> memref<112x8xf32, #tpu.memory_space<vmem>>
      %dma_wait3A_148 = arith.constant 0 : i32
      %dma_wait3A_149 = tpu.memref_slice %arg8[%add3A_110, %dma_wait3A_148] : memref<10240x8xf32, #tpu.memory_space<vmem_shared>> -> memref<112x8xf32, #tpu.memory_space<vmem_shared>>
      %dma_wait3A_150 = arith.constant 0 : i32
      %dma_wait3A_151 = arith.constant 0 : i32
      %dma_wait3A_152 = tpu.memref_slice %arg6[%dma_wait3A_150, %dma_wait3A_151] : memref<128x8xf32, #tpu.memory_space<vmem>> -> memref<112x8xf32, #tpu.memory_space<vmem>>
      %dma_wait3A_153 = arith.constant 0 : i32
      %dma_wait3A_154 = tpu.memref_slice %arg8[%add3A_110, %dma_wait3A_153] : memref<10240x8xf32, #tpu.memory_space<vmem_shared>> -> memref<112x8xf32, #tpu.memory_space<vmem_shared>>
      tpu.wait_dma2 semaphore(%run_scoped3A_135 : memref<!tpu.dma_semaphore, #tpu.memory_space<semaphore_mem>>) src(%dma_wait3A_154 : memref<112x8xf32, #tpu.memory_space<vmem_shared>>) dst(%dma_wait3A_152 : memref<112x8xf32, #tpu.memory_space<vmem>>)
      tpu.yield
    }) : () -> ()
    %mul3A_111 = arith.constant 10240 : i32
    %mul3A_112 = arith.muli %arg0, %mul3A_111 : i32
    %add3A_113 = arith.addi %mul3A_112, %add3A_110 : i32
    "tpu.region"() ({
      %run_scoped3A_135 = tpu.sem_alloc : memref<!tpu.dma_semaphore, #tpu.memory_space<semaphore_mem>>
      %dma_start3A_136 = arith.constant 0 : i32
      %dma_start3A_137 = arith.constant 0 : i32
      %dma_start3A_138 = tpu.memref_slice %arg6[%dma_start3A_136, %dma_start3A_137] : memref<128x8xf32, #tpu.memory_space<vmem>> -> memref<112x8xf32, #tpu.memory_space<vmem>>
      %dma_start3A_139 = arith.constant 0 : i32
      %dma_start3A_140 = tpu.memref_slice %arg4[%add3A_113, %dma_start3A_139] : memref<20480x8xf32, #tpu.memory_space<hbm>> -> memref<112x8xf32, #tpu.memory_space<hbm>>
      %dma_start3A_141 = arith.constant 0 : i32
      %dma_start3A_142 = tpu.memref_slice %arg4[%add3A_113, %dma_start3A_141] : memref<20480x8xf32, #tpu.memory_space<hbm>> -> memref<112x8xf32, #tpu.memory_space<hbm>>
      %dma_start3A_143 = arith.constant 0 : i32
      %dma_start3A_144 = arith.constant 0 : i32
      %dma_start3A_145 = tpu.memref_slice %arg6[%dma_start3A_143, %dma_start3A_144] : memref<128x8xf32, #tpu.memory_space<vmem>> -> memref<112x8xf32, #tpu.memory_space<vmem>>
      tpu.enqueue_dma source(%dma_start3A_145 : memref<112x8xf32, #tpu.memory_space<vmem>>) target(%dma_start3A_142 : memref<112x8xf32, #tpu.memory_space<hbm>>) target_semaphore(%run_scoped3A_135 : memref<!tpu.dma_semaphore, #tpu.memory_space<semaphore_mem>>)
      %dma_wait3A = arith.constant 0 : i32
      %dma_wait3A_146 = arith.constant 0 : i32
      %dma_wait3A_147 = tpu.memref_slice %arg6[%dma_wait3A, %dma_wait3A_146] : memref<128x8xf32, #tpu.memory_space<vmem>> -> memref<112x8xf32, #tpu.memory_space<vmem>>
      %dma_wait3A_148 = arith.constant 0 : i32
      %dma_wait3A_149 = tpu.memref_slice %arg4[%add3A_113, %dma_wait3A_148] : memref<20480x8xf32, #tpu.memory_space<hbm>> -> memref<112x8xf32, #tpu.memory_space<hbm>>
      %dma_wait3A_150 = arith.constant 0 : i32
      %dma_wait3A_151 = tpu.memref_slice %arg4[%add3A_113, %dma_wait3A_150] : memref<20480x8xf32, #tpu.memory_space<hbm>> -> memref<112x8xf32, #tpu.memory_space<hbm>>
      %dma_wait3A_152 = arith.constant 0 : i32
      %dma_wait3A_153 = arith.constant 0 : i32
      %dma_wait3A_154 = tpu.memref_slice %arg6[%dma_wait3A_152, %dma_wait3A_153] : memref<128x8xf32, #tpu.memory_space<vmem>> -> memref<112x8xf32, #tpu.memory_space<vmem>>
      tpu.wait_dma2 semaphore(%run_scoped3A_135 : memref<!tpu.dma_semaphore, #tpu.memory_space<semaphore_mem>>) src(%dma_wait3A_154 : memref<112x8xf32, #tpu.memory_space<vmem>>) dst(%dma_wait3A_151 : memref<112x8xf32, #tpu.memory_space<hbm>>)
      tpu.yield
    }) : () -> ()
    %mul3A_114 = arith.constant 640 : i32
    %mul3A_115 = arith.muli %arg1, %mul3A_114 : i32
    %add3A_116 = arith.constant 336 : i32
    %add3A_117 = arith.addi %mul3A_115, %add3A_116 : i32
    "tpu.region"() ({
      %run_scoped3A_135 = tpu.sem_alloc : memref<!tpu.dma_semaphore, #tpu.memory_space<semaphore_mem>>
      %dma_start3A_136 = arith.constant 0 : i32
      %dma_start3A_137 = arith.constant 0 : i32
      %dma_start3A_138 = tpu.memref_slice %arg6[%dma_start3A_136, %dma_start3A_137] : memref<128x8xf32, #tpu.memory_space<vmem>> -> memref<112x8xf32, #tpu.memory_space<vmem>>
      %dma_start3A_139 = arith.constant 0 : i32
      %dma_start3A_140 = tpu.memref_slice %arg8[%add3A_117, %dma_start3A_139] : memref<10240x8xf32, #tpu.memory_space<vmem_shared>> -> memref<112x8xf32, #tpu.memory_space<vmem_shared>>
      %dma_start3A_141 = arith.constant 0 : i32
      %dma_start3A_142 = arith.constant 0 : i32
      %dma_start3A_143 = tpu.memref_slice %arg6[%dma_start3A_141, %dma_start3A_142] : memref<128x8xf32, #tpu.memory_space<vmem>> -> memref<112x8xf32, #tpu.memory_space<vmem>>
      %dma_start3A_144 = arith.constant 0 : i32
      %dma_start3A_145 = tpu.memref_slice %arg8[%add3A_117, %dma_start3A_144] : memref<10240x8xf32, #tpu.memory_space<vmem_shared>> -> memref<112x8xf32, #tpu.memory_space<vmem_shared>>
      tpu.enqueue_dma source(%dma_start3A_145 : memref<112x8xf32, #tpu.memory_space<vmem_shared>>) target(%dma_start3A_143 : memref<112x8xf32, #tpu.memory_space<vmem>>) target_semaphore(%run_scoped3A_135 : memref<!tpu.dma_semaphore, #tpu.memory_space<semaphore_mem>>)
      %dma_wait3A = arith.constant 0 : i32
      %dma_wait3A_146 = arith.constant 0 : i32
      %dma_wait3A_147 = tpu.memref_slice %arg6[%dma_wait3A, %dma_wait3A_146] : memref<128x8xf32, #tpu.memory_space<vmem>> -> memref<112x8xf32, #tpu.memory_space<vmem>>
      %dma_wait3A_148 = arith.constant 0 : i32
      %dma_wait3A_149 = tpu.memref_slice %arg8[%add3A_117, %dma_wait3A_148] : memref<10240x8xf32, #tpu.memory_space<vmem_shared>> -> memref<112x8xf32, #tpu.memory_space<vmem_shared>>
      %dma_wait3A_150 = arith.constant 0 : i32
      %dma_wait3A_151 = arith.constant 0 : i32
      %dma_wait3A_152 = tpu.memref_slice %arg6[%dma_wait3A_150, %dma_wait3A_151] : memref<128x8xf32, #tpu.memory_space<vmem>> -> memref<112x8xf32, #tpu.memory_space<vmem>>
      %dma_wait3A_153 = arith.constant 0 : i32
      %dma_wait3A_154 = tpu.memref_slice %arg8[%add3A_117, %dma_wait3A_153] : memref<10240x8xf32, #tpu.memory_space<vmem_shared>> -> memref<112x8xf32, #tpu.memory_space<vmem_shared>>
      tpu.wait_dma2 semaphore(%run_scoped3A_135 : memref<!tpu.dma_semaphore, #tpu.memory_space<semaphore_mem>>) src(%dma_wait3A_154 : memref<112x8xf32, #tpu.memory_space<vmem_shared>>) dst(%dma_wait3A_152 : memref<112x8xf32, #tpu.memory_space<vmem>>)
      tpu.yield
    }) : () -> ()
    %mul3A_118 = arith.constant 10240 : i32
    %mul3A_119 = arith.muli %arg0, %mul3A_118 : i32
    %add3A_120 = arith.addi %mul3A_119, %add3A_117 : i32
    "tpu.region"() ({
      %run_scoped3A_135 = tpu.sem_alloc : memref<!tpu.dma_semaphore, #tpu.memory_space<semaphore_mem>>
      %dma_start3A_136 = arith.constant 0 : i32
      %dma_start3A_137 = arith.constant 0 : i32
      %dma_start3A_138 = tpu.memref_slice %arg6[%dma_start3A_136, %dma_start3A_137] : memref<128x8xf32, #tpu.memory_space<vmem>> -> memref<112x8xf32, #tpu.memory_space<vmem>>
      %dma_start3A_139 = arith.constant 0 : i32
      %dma_start3A_140 = tpu.memref_slice %arg4[%add3A_120, %dma_start3A_139] : memref<20480x8xf32, #tpu.memory_space<hbm>> -> memref<112x8xf32, #tpu.memory_space<hbm>>
      %dma_start3A_141 = arith.constant 0 : i32
      %dma_start3A_142 = tpu.memref_slice %arg4[%add3A_120, %dma_start3A_141] : memref<20480x8xf32, #tpu.memory_space<hbm>> -> memref<112x8xf32, #tpu.memory_space<hbm>>
      %dma_start3A_143 = arith.constant 0 : i32
      %dma_start3A_144 = arith.constant 0 : i32
      %dma_start3A_145 = tpu.memref_slice %arg6[%dma_start3A_143, %dma_start3A_144] : memref<128x8xf32, #tpu.memory_space<vmem>> -> memref<112x8xf32, #tpu.memory_space<vmem>>
      tpu.enqueue_dma source(%dma_start3A_145 : memref<112x8xf32, #tpu.memory_space<vmem>>) target(%dma_start3A_142 : memref<112x8xf32, #tpu.memory_space<hbm>>) target_semaphore(%run_scoped3A_135 : memref<!tpu.dma_semaphore, #tpu.memory_space<semaphore_mem>>)
      %dma_wait3A = arith.constant 0 : i32
      %dma_wait3A_146 = arith.constant 0 : i32
      %dma_wait3A_147 = tpu.memref_slice %arg6[%dma_wait3A, %dma_wait3A_146] : memref<128x8xf32, #tpu.memory_space<vmem>> -> memref<112x8xf32, #tpu.memory_space<vmem>>
      %dma_wait3A_148 = arith.constant 0 : i32
      %dma_wait3A_149 = tpu.memref_slice %arg4[%add3A_120, %dma_wait3A_148] : memref<20480x8xf32, #tpu.memory_space<hbm>> -> memref<112x8xf32, #tpu.memory_space<hbm>>
      %dma_wait3A_150 = arith.constant 0 : i32
      %dma_wait3A_151 = tpu.memref_slice %arg4[%add3A_120, %dma_wait3A_150] : memref<20480x8xf32, #tpu.memory_space<hbm>> -> memref<112x8xf32, #tpu.memory_space<hbm>>
      %dma_wait3A_152 = arith.constant 0 : i32
      %dma_wait3A_153 = arith.constant 0 : i32
      %dma_wait3A_154 = tpu.memref_slice %arg6[%dma_wait3A_152, %dma_wait3A_153] : memref<128x8xf32, #tpu.memory_space<vmem>> -> memref<112x8xf32, #tpu.memory_space<vmem>>
      tpu.wait_dma2 semaphore(%run_scoped3A_135 : memref<!tpu.dma_semaphore, #tpu.memory_space<semaphore_mem>>) src(%dma_wait3A_154 : memref<112x8xf32, #tpu.memory_space<vmem>>) dst(%dma_wait3A_151 : memref<112x8xf32, #tpu.memory_space<hbm>>)
      tpu.yield
    }) : () -> ()
    %mul3A_121 = arith.constant 640 : i32
    %mul3A_122 = arith.muli %arg1, %mul3A_121 : i32
    %add3A_123 = arith.constant 448 : i32
    %add3A_124 = arith.addi %mul3A_122, %add3A_123 : i32
    "tpu.region"() ({
      %run_scoped3A_135 = tpu.sem_alloc : memref<!tpu.dma_semaphore, #tpu.memory_space<semaphore_mem>>
      %dma_start3A_136 = arith.constant 0 : i32
      %dma_start3A_137 = arith.constant 0 : i32
      %dma_start3A_138 = tpu.memref_slice %arg6[%dma_start3A_136, %dma_start3A_137] : memref<128x8xf32, #tpu.memory_space<vmem>> -> memref<112x8xf32, #tpu.memory_space<vmem>>
      %dma_start3A_139 = arith.constant 0 : i32
      %dma_start3A_140 = tpu.memref_slice %arg8[%add3A_124, %dma_start3A_139] : memref<10240x8xf32, #tpu.memory_space<vmem_shared>> -> memref<112x8xf32, #tpu.memory_space<vmem_shared>>
      %dma_start3A_141 = arith.constant 0 : i32
      %dma_start3A_142 = arith.constant 0 : i32
      %dma_start3A_143 = tpu.memref_slice %arg6[%dma_start3A_141, %dma_start3A_142] : memref<128x8xf32, #tpu.memory_space<vmem>> -> memref<112x8xf32, #tpu.memory_space<vmem>>
      %dma_start3A_144 = arith.constant 0 : i32
      %dma_start3A_145 = tpu.memref_slice %arg8[%add3A_124, %dma_start3A_144] : memref<10240x8xf32, #tpu.memory_space<vmem_shared>> -> memref<112x8xf32, #tpu.memory_space<vmem_shared>>
      tpu.enqueue_dma source(%dma_start3A_145 : memref<112x8xf32, #tpu.memory_space<vmem_shared>>) target(%dma_start3A_143 : memref<112x8xf32, #tpu.memory_space<vmem>>) target_semaphore(%run_scoped3A_135 : memref<!tpu.dma_semaphore, #tpu.memory_space<semaphore_mem>>)
      %dma_wait3A = arith.constant 0 : i32
      %dma_wait3A_146 = arith.constant 0 : i32
      %dma_wait3A_147 = tpu.memref_slice %arg6[%dma_wait3A, %dma_wait3A_146] : memref<128x8xf32, #tpu.memory_space<vmem>> -> memref<112x8xf32, #tpu.memory_space<vmem>>
      %dma_wait3A_148 = arith.constant 0 : i32
      %dma_wait3A_149 = tpu.memref_slice %arg8[%add3A_124, %dma_wait3A_148] : memref<10240x8xf32, #tpu.memory_space<vmem_shared>> -> memref<112x8xf32, #tpu.memory_space<vmem_shared>>
      %dma_wait3A_150 = arith.constant 0 : i32
      %dma_wait3A_151 = arith.constant 0 : i32
      %dma_wait3A_152 = tpu.memref_slice %arg6[%dma_wait3A_150, %dma_wait3A_151] : memref<128x8xf32, #tpu.memory_space<vmem>> -> memref<112x8xf32, #tpu.memory_space<vmem>>
      %dma_wait3A_153 = arith.constant 0 : i32
      %dma_wait3A_154 = tpu.memref_slice %arg8[%add3A_124, %dma_wait3A_153] : memref<10240x8xf32, #tpu.memory_space<vmem_shared>> -> memref<112x8xf32, #tpu.memory_space<vmem_shared>>
      tpu.wait_dma2 semaphore(%run_scoped3A_135 : memref<!tpu.dma_semaphore, #tpu.memory_space<semaphore_mem>>) src(%dma_wait3A_154 : memref<112x8xf32, #tpu.memory_space<vmem_shared>>) dst(%dma_wait3A_152 : memref<112x8xf32, #tpu.memory_space<vmem>>)
      tpu.yield
    }) : () -> ()
    %mul3A_125 = arith.constant 10240 : i32
    %mul3A_126 = arith.muli %arg0, %mul3A_125 : i32
    %add3A_127 = arith.addi %mul3A_126, %add3A_124 : i32
    "tpu.region"() ({
      %run_scoped3A_135 = tpu.sem_alloc : memref<!tpu.dma_semaphore, #tpu.memory_space<semaphore_mem>>
      %dma_start3A_136 = arith.constant 0 : i32
      %dma_start3A_137 = arith.constant 0 : i32
      %dma_start3A_138 = tpu.memref_slice %arg6[%dma_start3A_136, %dma_start3A_137] : memref<128x8xf32, #tpu.memory_space<vmem>> -> memref<112x8xf32, #tpu.memory_space<vmem>>
      %dma_start3A_139 = arith.constant 0 : i32
      %dma_start3A_140 = tpu.memref_slice %arg4[%add3A_127, %dma_start3A_139] : memref<20480x8xf32, #tpu.memory_space<hbm>> -> memref<112x8xf32, #tpu.memory_space<hbm>>
      %dma_start3A_141 = arith.constant 0 : i32
      %dma_start3A_142 = tpu.memref_slice %arg4[%add3A_127, %dma_start3A_141] : memref<20480x8xf32, #tpu.memory_space<hbm>> -> memref<112x8xf32, #tpu.memory_space<hbm>>
      %dma_start3A_143 = arith.constant 0 : i32
      %dma_start3A_144 = arith.constant 0 : i32
      %dma_start3A_145 = tpu.memref_slice %arg6[%dma_start3A_143, %dma_start3A_144] : memref<128x8xf32, #tpu.memory_space<vmem>> -> memref<112x8xf32, #tpu.memory_space<vmem>>
      tpu.enqueue_dma source(%dma_start3A_145 : memref<112x8xf32, #tpu.memory_space<vmem>>) target(%dma_start3A_142 : memref<112x8xf32, #tpu.memory_space<hbm>>) target_semaphore(%run_scoped3A_135 : memref<!tpu.dma_semaphore, #tpu.memory_space<semaphore_mem>>)
      %dma_wait3A = arith.constant 0 : i32
      %dma_wait3A_146 = arith.constant 0 : i32
      %dma_wait3A_147 = tpu.memref_slice %arg6[%dma_wait3A, %dma_wait3A_146] : memref<128x8xf32, #tpu.memory_space<vmem>> -> memref<112x8xf32, #tpu.memory_space<vmem>>
      %dma_wait3A_148 = arith.constant 0 : i32
      %dma_wait3A_149 = tpu.memref_slice %arg4[%add3A_127, %dma_wait3A_148] : memref<20480x8xf32, #tpu.memory_space<hbm>> -> memref<112x8xf32, #tpu.memory_space<hbm>>
      %dma_wait3A_150 = arith.constant 0 : i32
      %dma_wait3A_151 = tpu.memref_slice %arg4[%add3A_127, %dma_wait3A_150] : memref<20480x8xf32, #tpu.memory_space<hbm>> -> memref<112x8xf32, #tpu.memory_space<hbm>>
      %dma_wait3A_152 = arith.constant 0 : i32
      %dma_wait3A_153 = arith.constant 0 : i32
      %dma_wait3A_154 = tpu.memref_slice %arg6[%dma_wait3A_152, %dma_wait3A_153] : memref<128x8xf32, #tpu.memory_space<vmem>> -> memref<112x8xf32, #tpu.memory_space<vmem>>
      tpu.wait_dma2 semaphore(%run_scoped3A_135 : memref<!tpu.dma_semaphore, #tpu.memory_space<semaphore_mem>>) src(%dma_wait3A_154 : memref<112x8xf32, #tpu.memory_space<vmem>>) dst(%dma_wait3A_151 : memref<112x8xf32, #tpu.memory_space<hbm>>)
      tpu.yield
    }) : () -> ()
    %mul3A_128 = arith.constant 640 : i32
    %mul3A_129 = arith.muli %arg1, %mul3A_128 : i32
    %add3A_130 = arith.constant 528 : i32
    %add3A_131 = arith.addi %mul3A_129, %add3A_130 : i32
    "tpu.region"() ({
      %run_scoped3A_135 = tpu.sem_alloc : memref<!tpu.dma_semaphore, #tpu.memory_space<semaphore_mem>>
      %dma_start3A_136 = arith.constant 0 : i32
      %dma_start3A_137 = arith.constant 0 : i32
      %dma_start3A_138 = tpu.memref_slice %arg6[%dma_start3A_136, %dma_start3A_137] : memref<128x8xf32, #tpu.memory_space<vmem>> -> memref<112x8xf32, #tpu.memory_space<vmem>>
      %dma_start3A_139 = arith.constant 0 : i32
      %dma_start3A_140 = tpu.memref_slice %arg8[%add3A_131, %dma_start3A_139] : memref<10240x8xf32, #tpu.memory_space<vmem_shared>> -> memref<112x8xf32, #tpu.memory_space<vmem_shared>>
      %dma_start3A_141 = arith.constant 0 : i32
      %dma_start3A_142 = arith.constant 0 : i32
      %dma_start3A_143 = tpu.memref_slice %arg6[%dma_start3A_141, %dma_start3A_142] : memref<128x8xf32, #tpu.memory_space<vmem>> -> memref<112x8xf32, #tpu.memory_space<vmem>>
      %dma_start3A_144 = arith.constant 0 : i32
      %dma_start3A_145 = tpu.memref_slice %arg8[%add3A_131, %dma_start3A_144] : memref<10240x8xf32, #tpu.memory_space<vmem_shared>> -> memref<112x8xf32, #tpu.memory_space<vmem_shared>>
      tpu.enqueue_dma source(%dma_start3A_145 : memref<112x8xf32, #tpu.memory_space<vmem_shared>>) target(%dma_start3A_143 : memref<112x8xf32, #tpu.memory_space<vmem>>) target_semaphore(%run_scoped3A_135 : memref<!tpu.dma_semaphore, #tpu.memory_space<semaphore_mem>>)
      %dma_wait3A = arith.constant 0 : i32
      %dma_wait3A_146 = arith.constant 0 : i32
      %dma_wait3A_147 = tpu.memref_slice %arg6[%dma_wait3A, %dma_wait3A_146] : memref<128x8xf32, #tpu.memory_space<vmem>> -> memref<112x8xf32, #tpu.memory_space<vmem>>
      %dma_wait3A_148 = arith.constant 0 : i32
      %dma_wait3A_149 = tpu.memref_slice %arg8[%add3A_131, %dma_wait3A_148] : memref<10240x8xf32, #tpu.memory_space<vmem_shared>> -> memref<112x8xf32, #tpu.memory_space<vmem_shared>>
      %dma_wait3A_150 = arith.constant 0 : i32
      %dma_wait3A_151 = arith.constant 0 : i32
      %dma_wait3A_152 = tpu.memref_slice %arg6[%dma_wait3A_150, %dma_wait3A_151] : memref<128x8xf32, #tpu.memory_space<vmem>> -> memref<112x8xf32, #tpu.memory_space<vmem>>
      %dma_wait3A_153 = arith.constant 0 : i32
      %dma_wait3A_154 = tpu.memref_slice %arg8[%add3A_131, %dma_wait3A_153] : memref<10240x8xf32, #tpu.memory_space<vmem_shared>> -> memref<112x8xf32, #tpu.memory_space<vmem_shared>>
      tpu.wait_dma2 semaphore(%run_scoped3A_135 : memref<!tpu.dma_semaphore, #tpu.memory_space<semaphore_mem>>) src(%dma_wait3A_154 : memref<112x8xf32, #tpu.memory_space<vmem_shared>>) dst(%dma_wait3A_152 : memref<112x8xf32, #tpu.memory_space<vmem>>)
      tpu.yield
    }) : () -> ()
    %mul3A_132 = arith.constant 10240 : i32
    %mul3A_133 = arith.muli %arg0, %mul3A_132 : i32
    %add3A_134 = arith.addi %mul3A_133, %add3A_131 : i32
    "tpu.region"() ({
      %run_scoped3A_135 = tpu.sem_alloc : memref<!tpu.dma_semaphore, #tpu.memory_space<semaphore_mem>>
      %dma_start3A_136 = arith.constant 0 : i32
      %dma_start3A_137 = arith.constant 0 : i32
      %dma_start3A_138 = tpu.memref_slice %arg6[%dma_start3A_136, %dma_start3A_137] : memref<128x8xf32, #tpu.memory_space<vmem>> -> memref<112x8xf32, #tpu.memory_space<vmem>>
      %dma_start3A_139 = arith.constant 0 : i32
      %dma_start3A_140 = tpu.memref_slice %arg4[%add3A_134, %dma_start3A_139] : memref<20480x8xf32, #tpu.memory_space<hbm>> -> memref<112x8xf32, #tpu.memory_space<hbm>>
      %dma_start3A_141 = arith.constant 0 : i32
      %dma_start3A_142 = tpu.memref_slice %arg4[%add3A_134, %dma_start3A_141] : memref<20480x8xf32, #tpu.memory_space<hbm>> -> memref<112x8xf32, #tpu.memory_space<hbm>>
      %dma_start3A_143 = arith.constant 0 : i32
      %dma_start3A_144 = arith.constant 0 : i32
      %dma_start3A_145 = tpu.memref_slice %arg6[%dma_start3A_143, %dma_start3A_144] : memref<128x8xf32, #tpu.memory_space<vmem>> -> memref<112x8xf32, #tpu.memory_space<vmem>>
      tpu.enqueue_dma source(%dma_start3A_145 : memref<112x8xf32, #tpu.memory_space<vmem>>) target(%dma_start3A_142 : memref<112x8xf32, #tpu.memory_space<hbm>>) target_semaphore(%run_scoped3A_135 : memref<!tpu.dma_semaphore, #tpu.memory_space<semaphore_mem>>)
      %dma_wait3A = arith.constant 0 : i32
      %dma_wait3A_146 = arith.constant 0 : i32
      %dma_wait3A_147 = tpu.memref_slice %arg6[%dma_wait3A, %dma_wait3A_146] : memref<128x8xf32, #tpu.memory_space<vmem>> -> memref<112x8xf32, #tpu.memory_space<vmem>>
      %dma_wait3A_148 = arith.constant 0 : i32
      %dma_wait3A_149 = tpu.memref_slice %arg4[%add3A_134, %dma_wait3A_148] : memref<20480x8xf32, #tpu.memory_space<hbm>> -> memref<112x8xf32, #tpu.memory_space<hbm>>
      %dma_wait3A_150 = arith.constant 0 : i32
      %dma_wait3A_151 = tpu.memref_slice %arg4[%add3A_134, %dma_wait3A_150] : memref<20480x8xf32, #tpu.memory_space<hbm>> -> memref<112x8xf32, #tpu.memory_space<hbm>>
      %dma_wait3A_152 = arith.constant 0 : i32
      %dma_wait3A_153 = arith.constant 0 : i32
      %dma_wait3A_154 = tpu.memref_slice %arg6[%dma_wait3A_152, %dma_wait3A_153] : memref<128x8xf32, #tpu.memory_space<vmem>> -> memref<112x8xf32, #tpu.memory_space<vmem>>
      tpu.wait_dma2 semaphore(%run_scoped3A_135 : memref<!tpu.dma_semaphore, #tpu.memory_space<semaphore_mem>>) src(%dma_wait3A_154 : memref<112x8xf32, #tpu.memory_space<vmem>>) dst(%dma_wait3A_151 : memref<112x8xf32, #tpu.memory_space<hbm>>)
      tpu.yield
    }) : () -> ()
    return
  }
}

#map = affine_map<(d0, d1) -> (0, 0)>
module attributes {stable_mosaic.version = 14 : i64} {
  func.func @_agg_body(%arg0: i32, %arg1: i32, %arg2: memref<10240x128xf32, #tpu.memory_space<hbm>>, %arg3: memref<2944x112xi32, #tpu.memory_space<hbm>>, %arg4: memref<2944x112xi32, #tpu.memory_space<hbm>>, %arg5: memref<20480x128xf32, #tpu.memory_space<hbm>>, %arg6: memref<4x112xi32, #tpu.memory_space<vmem>>, %arg7: memref<4x112xi32, #tpu.memory_space<vmem>>, %arg8: memref<112x128xf32, #tpu.memory_space<vmem>>, %arg9: memref<112x128xf32, #tpu.memory_space<vmem>>, %arg10: memref<10240x128xf32, #tpu.memory_space<vmem_shared>>, %arg11: memref<!tpu.dma_semaphore, #tpu.memory_space<semaphore_mem>>, %arg12: memref<!tpu.dma_semaphore, #tpu.memory_space<semaphore_mem>>, %arg13: memref<!tpu.dma_semaphore, #tpu.memory_space<semaphore_mem>>, %arg14: memref<!tpu.dma_semaphore, #tpu.memory_space<semaphore_mem>>, %arg15: memref<!tpu.dma_semaphore, #tpu.memory_space<semaphore_mem>>, %arg16: memref<!tpu.dma_semaphore, #tpu.memory_space<semaphore_mem>>, %arg17: memref<!tpu.dma_semaphore, #tpu.memory_space<semaphore_mem>>, %arg18: memref<!tpu.dma_semaphore, #tpu.memory_space<semaphore_mem>>) attributes {dimension_semantics = [#tpu.dimension_semantics<core_parallel>, #tpu.dimension_semantics<subcore_parallel>], iteration_bounds = array<i64: 2, 16>, scalar_prefetch = 0 : i64, scratch_operands = 13 : i64, tpu.core_type = #tpu.core_type<sc_vector_subcore>, window_params = [{transform_indices = #map}, {transform_indices = #map}, {transform_indices = #map}, {transform_indices = #map}]} {
    %mul3A = arith.constant 16 : i32
    %mul3A_0 = arith.muli %arg0, %mul3A : i32
    %add3A = arith.addi %mul3A_0, %arg1 : i32
    %scan3A = arith.constant 0 : i32
    %scan3A_1 = arith.constant 0 : i32
    %scan3A_2 = arith.constant 112 : i32
    %scan3A_3 = arith.addi %scan3A_1, %scan3A_2 : i32
    %scan3A_4 = arith.constant 1 : i32
    scf.for %scan3A_291 = %scan3A_1 to %scan3A_3 step %scan3A_4  : i32 {
      %broadcast_in_dim3A = arith.constant 0.000000e+00 : f32
      %broadcast_in_dim3A_292 = vector.broadcast %broadcast_in_dim3A : f32 to vector<16xf32>
      %swap3A = arith.index_cast %scan3A_291 : i32 to index
      %swap3A_293 = arith.constant 0 : index
      %swap3A_294 = tpu.vector_load %arg8[%swap3A, %swap3A_293] {strides = array<i32>} : memref<112x128xf32, #tpu.memory_space<vmem>>, vector<1x16xf32>,
      %swap3A_295 = vector.shape_cast %swap3A_294 : vector<1x16xf32> to vector<16xf32>
      %swap3A_296 = vector.shape_cast %broadcast_in_dim3A_292 : vector<16xf32> to vector<1x16xf32>
      tpu.vector_store %arg8[%swap3A, %swap3A_293], %swap3A_296 {strides = array<i32>} : memref<112x128xf32, #tpu.memory_space<vmem>>, vector<1x16xf32>,
      %broadcast_in_dim3A_297 = arith.constant 0.000000e+00 : f32
      %broadcast_in_dim3A_298 = vector.broadcast %broadcast_in_dim3A_297 : f32 to vector<16xf32>
      %swap3A_299 = arith.index_cast %scan3A_291 : i32 to index
      %swap3A_300 = arith.constant 16 : index
      %swap3A_301 = tpu.vector_load %arg8[%swap3A_299, %swap3A_300] {strides = array<i32>} : memref<112x128xf32, #tpu.memory_space<vmem>>, vector<1x16xf32>,
      %swap3A_302 = vector.shape_cast %swap3A_301 : vector<1x16xf32> to vector<16xf32>
      %swap3A_303 = vector.shape_cast %broadcast_in_dim3A_298 : vector<16xf32> to vector<1x16xf32>
      tpu.vector_store %arg8[%swap3A_299, %swap3A_300], %swap3A_303 {strides = array<i32>} : memref<112x128xf32, #tpu.memory_space<vmem>>, vector<1x16xf32>,
      %broadcast_in_dim3A_304 = arith.constant 0.000000e+00 : f32
      %broadcast_in_dim3A_305 = vector.broadcast %broadcast_in_dim3A_304 : f32 to vector<16xf32>
      %swap3A_306 = arith.index_cast %scan3A_291 : i32 to index
      %swap3A_307 = arith.constant 32 : index
      %swap3A_308 = tpu.vector_load %arg8[%swap3A_306, %swap3A_307] {strides = array<i32>} : memref<112x128xf32, #tpu.memory_space<vmem>>, vector<1x16xf32>,
      %swap3A_309 = vector.shape_cast %swap3A_308 : vector<1x16xf32> to vector<16xf32>
      %swap3A_310 = vector.shape_cast %broadcast_in_dim3A_305 : vector<16xf32> to vector<1x16xf32>
      tpu.vector_store %arg8[%swap3A_306, %swap3A_307], %swap3A_310 {strides = array<i32>} : memref<112x128xf32, #tpu.memory_space<vmem>>, vector<1x16xf32>,
      %broadcast_in_dim3A_311 = arith.constant 0.000000e+00 : f32
      %broadcast_in_dim3A_312 = vector.broadcast %broadcast_in_dim3A_311 : f32 to vector<16xf32>
      %swap3A_313 = arith.index_cast %scan3A_291 : i32 to index
      %swap3A_314 = arith.constant 48 : index
      %swap3A_315 = tpu.vector_load %arg8[%swap3A_313, %swap3A_314] {strides = array<i32>} : memref<112x128xf32, #tpu.memory_space<vmem>>, vector<1x16xf32>,
      %swap3A_316 = vector.shape_cast %swap3A_315 : vector<1x16xf32> to vector<16xf32>
      %swap3A_317 = vector.shape_cast %broadcast_in_dim3A_312 : vector<16xf32> to vector<1x16xf32>
      tpu.vector_store %arg8[%swap3A_313, %swap3A_314], %swap3A_317 {strides = array<i32>} : memref<112x128xf32, #tpu.memory_space<vmem>>, vector<1x16xf32>,
      %broadcast_in_dim3A_318 = arith.constant 0.000000e+00 : f32
      %broadcast_in_dim3A_319 = vector.broadcast %broadcast_in_dim3A_318 : f32 to vector<16xf32>
      %swap3A_320 = arith.index_cast %scan3A_291 : i32 to index
      %swap3A_321 = arith.constant 64 : index
      %swap3A_322 = tpu.vector_load %arg8[%swap3A_320, %swap3A_321] {strides = array<i32>} : memref<112x128xf32, #tpu.memory_space<vmem>>, vector<1x16xf32>,
      %swap3A_323 = vector.shape_cast %swap3A_322 : vector<1x16xf32> to vector<16xf32>
      %swap3A_324 = vector.shape_cast %broadcast_in_dim3A_319 : vector<16xf32> to vector<1x16xf32>
      tpu.vector_store %arg8[%swap3A_320, %swap3A_321], %swap3A_324 {strides = array<i32>} : memref<112x128xf32, #tpu.memory_space<vmem>>, vector<1x16xf32>,
      %broadcast_in_dim3A_325 = arith.constant 0.000000e+00 : f32
      %broadcast_in_dim3A_326 = vector.broadcast %broadcast_in_dim3A_325 : f32 to vector<16xf32>
      %swap3A_327 = arith.index_cast %scan3A_291 : i32 to index
      %swap3A_328 = arith.constant 80 : index
      %swap3A_329 = tpu.vector_load %arg8[%swap3A_327, %swap3A_328] {strides = array<i32>} : memref<112x128xf32, #tpu.memory_space<vmem>>, vector<1x16xf32>,
      %swap3A_330 = vector.shape_cast %swap3A_329 : vector<1x16xf32> to vector<16xf32>
      %swap3A_331 = vector.shape_cast %broadcast_in_dim3A_326 : vector<16xf32> to vector<1x16xf32>
      tpu.vector_store %arg8[%swap3A_327, %swap3A_328], %swap3A_331 {strides = array<i32>} : memref<112x128xf32, #tpu.memory_space<vmem>>, vector<1x16xf32>,
      %broadcast_in_dim3A_332 = arith.constant 0.000000e+00 : f32
      %broadcast_in_dim3A_333 = vector.broadcast %broadcast_in_dim3A_332 : f32 to vector<16xf32>
      %swap3A_334 = arith.index_cast %scan3A_291 : i32 to index
      %swap3A_335 = arith.constant 96 : index
      %swap3A_336 = tpu.vector_load %arg8[%swap3A_334, %swap3A_335] {strides = array<i32>} : memref<112x128xf32, #tpu.memory_space<vmem>>, vector<1x16xf32>,
      %swap3A_337 = vector.shape_cast %swap3A_336 : vector<1x16xf32> to vector<16xf32>
      %swap3A_338 = vector.shape_cast %broadcast_in_dim3A_333 : vector<16xf32> to vector<1x16xf32>
      tpu.vector_store %arg8[%swap3A_334, %swap3A_335], %swap3A_338 {strides = array<i32>} : memref<112x128xf32, #tpu.memory_space<vmem>>, vector<1x16xf32>,
      %broadcast_in_dim3A_339 = arith.constant 0.000000e+00 : f32
      %broadcast_in_dim3A_340 = vector.broadcast %broadcast_in_dim3A_339 : f32 to vector<16xf32>
      %swap3A_341 = arith.index_cast %scan3A_291 : i32 to index
      %swap3A_342 = arith.constant 112 : index
      %swap3A_343 = tpu.vector_load %arg8[%swap3A_341, %swap3A_342] {strides = array<i32>} : memref<112x128xf32, #tpu.memory_space<vmem>>, vector<1x16xf32>,
      %swap3A_344 = vector.shape_cast %swap3A_343 : vector<1x16xf32> to vector<16xf32>
      %swap3A_345 = vector.shape_cast %broadcast_in_dim3A_340 : vector<16xf32> to vector<1x16xf32>
      tpu.vector_store %arg8[%swap3A_341, %swap3A_342], %swap3A_345 {strides = array<i32>} : memref<112x128xf32, #tpu.memory_space<vmem>>, vector<1x16xf32>,
    }
    %scan3A_5 = arith.constant 112 : i32
    %mul3A_6 = arith.constant 640 : i32
    %mul3A_7 = arith.muli %arg1, %mul3A_6 : i32
    %add3A_8 = arith.constant 0 : i32
    %add3A_9 = arith.addi %mul3A_7, %add3A_8 : i32
    "tpu.region"() ({
      %run_scoped3A = tpu.sem_alloc : memref<!tpu.dma_semaphore, #tpu.memory_space<semaphore_mem>>
      %dma_start3A_291 = arith.constant 0 : i32
      %dma_start3A_292 = tpu.memref_slice %arg10[%add3A_9, %dma_start3A_291] : memref<10240x128xf32, #tpu.memory_space<vmem_shared>> -> memref<112x128xf32, #tpu.memory_space<vmem_shared>>
      %dma_start3A_293 = arith.constant 0 : i32
      %dma_start3A_294 = tpu.memref_slice %arg10[%add3A_9, %dma_start3A_293] : memref<10240x128xf32, #tpu.memory_space<vmem_shared>> -> memref<112x128xf32, #tpu.memory_space<vmem_shared>>
      tpu.enqueue_dma source(%arg8 : memref<112x128xf32, #tpu.memory_space<vmem>>) target(%dma_start3A_294 : memref<112x128xf32, #tpu.memory_space<vmem_shared>>) target_semaphore(%run_scoped3A : memref<!tpu.dma_semaphore, #tpu.memory_space<semaphore_mem>>)
      %dma_wait3A_295 = arith.constant 0 : i32
      %dma_wait3A_296 = tpu.memref_slice %arg10[%add3A_9, %dma_wait3A_295] : memref<10240x128xf32, #tpu.memory_space<vmem_shared>> -> memref<112x128xf32, #tpu.memory_space<vmem_shared>>
      %dma_wait3A_297 = arith.constant 0 : i32
      %dma_wait3A_298 = tpu.memref_slice %arg10[%add3A_9, %dma_wait3A_297] : memref<10240x128xf32, #tpu.memory_space<vmem_shared>> -> memref<112x128xf32, #tpu.memory_space<vmem_shared>>
      tpu.wait_dma2 semaphore(%run_scoped3A : memref<!tpu.dma_semaphore, #tpu.memory_space<semaphore_mem>>) src(%arg8 : memref<112x128xf32, #tpu.memory_space<vmem>>) dst(%dma_wait3A_298 : memref<112x128xf32, #tpu.memory_space<vmem_shared>>)
      tpu.yield
    }) : () -> ()
    %mul3A_10 = arith.constant 640 : i32
    %mul3A_11 = arith.muli %arg1, %mul3A_10 : i32
    %add3A_12 = arith.constant 112 : i32
    %add3A_13 = arith.addi %mul3A_11, %add3A_12 : i32
    "tpu.region"() ({
      %run_scoped3A = tpu.sem_alloc : memref<!tpu.dma_semaphore, #tpu.memory_space<semaphore_mem>>
      %dma_start3A_291 = arith.constant 0 : i32
      %dma_start3A_292 = tpu.memref_slice %arg10[%add3A_13, %dma_start3A_291] : memref<10240x128xf32, #tpu.memory_space<vmem_shared>> -> memref<112x128xf32, #tpu.memory_space<vmem_shared>>
      %dma_start3A_293 = arith.constant 0 : i32
      %dma_start3A_294 = tpu.memref_slice %arg10[%add3A_13, %dma_start3A_293] : memref<10240x128xf32, #tpu.memory_space<vmem_shared>> -> memref<112x128xf32, #tpu.memory_space<vmem_shared>>
      tpu.enqueue_dma source(%arg8 : memref<112x128xf32, #tpu.memory_space<vmem>>) target(%dma_start3A_294 : memref<112x128xf32, #tpu.memory_space<vmem_shared>>) target_semaphore(%run_scoped3A : memref<!tpu.dma_semaphore, #tpu.memory_space<semaphore_mem>>)
      %dma_wait3A_295 = arith.constant 0 : i32
      %dma_wait3A_296 = tpu.memref_slice %arg10[%add3A_13, %dma_wait3A_295] : memref<10240x128xf32, #tpu.memory_space<vmem_shared>> -> memref<112x128xf32, #tpu.memory_space<vmem_shared>>
      %dma_wait3A_297 = arith.constant 0 : i32
      %dma_wait3A_298 = tpu.memref_slice %arg10[%add3A_13, %dma_wait3A_297] : memref<10240x128xf32, #tpu.memory_space<vmem_shared>> -> memref<112x128xf32, #tpu.memory_space<vmem_shared>>
      tpu.wait_dma2 semaphore(%run_scoped3A : memref<!tpu.dma_semaphore, #tpu.memory_space<semaphore_mem>>) src(%arg8 : memref<112x128xf32, #tpu.memory_space<vmem>>) dst(%dma_wait3A_298 : memref<112x128xf32, #tpu.memory_space<vmem_shared>>)
      tpu.yield
    }) : () -> ()
    %mul3A_14 = arith.constant 640 : i32
    %mul3A_15 = arith.muli %arg1, %mul3A_14 : i32
    %add3A_16 = arith.constant 224 : i32
    %add3A_17 = arith.addi %mul3A_15, %add3A_16 : i32
    "tpu.region"() ({
      %run_scoped3A = tpu.sem_alloc : memref<!tpu.dma_semaphore, #tpu.memory_space<semaphore_mem>>
      %dma_start3A_291 = arith.constant 0 : i32
      %dma_start3A_292 = tpu.memref_slice %arg10[%add3A_17, %dma_start3A_291] : memref<10240x128xf32, #tpu.memory_space<vmem_shared>> -> memref<112x128xf32, #tpu.memory_space<vmem_shared>>
      %dma_start3A_293 = arith.constant 0 : i32
      %dma_start3A_294 = tpu.memref_slice %arg10[%add3A_17, %dma_start3A_293] : memref<10240x128xf32, #tpu.memory_space<vmem_shared>> -> memref<112x128xf32, #tpu.memory_space<vmem_shared>>
      tpu.enqueue_dma source(%arg8 : memref<112x128xf32, #tpu.memory_space<vmem>>) target(%dma_start3A_294 : memref<112x128xf32, #tpu.memory_space<vmem_shared>>) target_semaphore(%run_scoped3A : memref<!tpu.dma_semaphore, #tpu.memory_space<semaphore_mem>>)
      %dma_wait3A_295 = arith.constant 0 : i32
      %dma_wait3A_296 = tpu.memref_slice %arg10[%add3A_17, %dma_wait3A_295] : memref<10240x128xf32, #tpu.memory_space<vmem_shared>> -> memref<112x128xf32, #tpu.memory_space<vmem_shared>>
      %dma_wait3A_297 = arith.constant 0 : i32
      %dma_wait3A_298 = tpu.memref_slice %arg10[%add3A_17, %dma_wait3A_297] : memref<10240x128xf32, #tpu.memory_space<vmem_shared>> -> memref<112x128xf32, #tpu.memory_space<vmem_shared>>
      tpu.wait_dma2 semaphore(%run_scoped3A : memref<!tpu.dma_semaphore, #tpu.memory_space<semaphore_mem>>) src(%arg8 : memref<112x128xf32, #tpu.memory_space<vmem>>) dst(%dma_wait3A_298 : memref<112x128xf32, #tpu.memory_space<vmem_shared>>)
      tpu.yield
    }) : () -> ()
    %mul3A_18 = arith.constant 640 : i32
    %mul3A_19 = arith.muli %arg1, %mul3A_18 : i32
    %add3A_20 = arith.constant 336 : i32
    %add3A_21 = arith.addi %mul3A_19, %add3A_20 : i32
    "tpu.region"() ({
      %run_scoped3A = tpu.sem_alloc : memref<!tpu.dma_semaphore, #tpu.memory_space<semaphore_mem>>
      %dma_start3A_291 = arith.constant 0 : i32
      %dma_start3A_292 = tpu.memref_slice %arg10[%add3A_21, %dma_start3A_291] : memref<10240x128xf32, #tpu.memory_space<vmem_shared>> -> memref<112x128xf32, #tpu.memory_space<vmem_shared>>
      %dma_start3A_293 = arith.constant 0 : i32
      %dma_start3A_294 = tpu.memref_slice %arg10[%add3A_21, %dma_start3A_293] : memref<10240x128xf32, #tpu.memory_space<vmem_shared>> -> memref<112x128xf32, #tpu.memory_space<vmem_shared>>
      tpu.enqueue_dma source(%arg8 : memref<112x128xf32, #tpu.memory_space<vmem>>) target(%dma_start3A_294 : memref<112x128xf32, #tpu.memory_space<vmem_shared>>) target_semaphore(%run_scoped3A : memref<!tpu.dma_semaphore, #tpu.memory_space<semaphore_mem>>)
      %dma_wait3A_295 = arith.constant 0 : i32
      %dma_wait3A_296 = tpu.memref_slice %arg10[%add3A_21, %dma_wait3A_295] : memref<10240x128xf32, #tpu.memory_space<vmem_shared>> -> memref<112x128xf32, #tpu.memory_space<vmem_shared>>
      %dma_wait3A_297 = arith.constant 0 : i32
      %dma_wait3A_298 = tpu.memref_slice %arg10[%add3A_21, %dma_wait3A_297] : memref<10240x128xf32, #tpu.memory_space<vmem_shared>> -> memref<112x128xf32, #tpu.memory_space<vmem_shared>>
      tpu.wait_dma2 semaphore(%run_scoped3A : memref<!tpu.dma_semaphore, #tpu.memory_space<semaphore_mem>>) src(%arg8 : memref<112x128xf32, #tpu.memory_space<vmem>>) dst(%dma_wait3A_298 : memref<112x128xf32, #tpu.memory_space<vmem_shared>>)
      tpu.yield
    }) : () -> ()
    %mul3A_22 = arith.constant 640 : i32
    %mul3A_23 = arith.muli %arg1, %mul3A_22 : i32
    %add3A_24 = arith.constant 448 : i32
    %add3A_25 = arith.addi %mul3A_23, %add3A_24 : i32
    "tpu.region"() ({
      %run_scoped3A = tpu.sem_alloc : memref<!tpu.dma_semaphore, #tpu.memory_space<semaphore_mem>>
      %dma_start3A_291 = arith.constant 0 : i32
      %dma_start3A_292 = tpu.memref_slice %arg10[%add3A_25, %dma_start3A_291] : memref<10240x128xf32, #tpu.memory_space<vmem_shared>> -> memref<112x128xf32, #tpu.memory_space<vmem_shared>>
      %dma_start3A_293 = arith.constant 0 : i32
      %dma_start3A_294 = tpu.memref_slice %arg10[%add3A_25, %dma_start3A_293] : memref<10240x128xf32, #tpu.memory_space<vmem_shared>> -> memref<112x128xf32, #tpu.memory_space<vmem_shared>>
      tpu.enqueue_dma source(%arg8 : memref<112x128xf32, #tpu.memory_space<vmem>>) target(%dma_start3A_294 : memref<112x128xf32, #tpu.memory_space<vmem_shared>>) target_semaphore(%run_scoped3A : memref<!tpu.dma_semaphore, #tpu.memory_space<semaphore_mem>>)
      %dma_wait3A_295 = arith.constant 0 : i32
      %dma_wait3A_296 = tpu.memref_slice %arg10[%add3A_25, %dma_wait3A_295] : memref<10240x128xf32, #tpu.memory_space<vmem_shared>> -> memref<112x128xf32, #tpu.memory_space<vmem_shared>>
      %dma_wait3A_297 = arith.constant 0 : i32
      %dma_wait3A_298 = tpu.memref_slice %arg10[%add3A_25, %dma_wait3A_297] : memref<10240x128xf32, #tpu.memory_space<vmem_shared>> -> memref<112x128xf32, #tpu.memory_space<vmem_shared>>
      tpu.wait_dma2 semaphore(%run_scoped3A : memref<!tpu.dma_semaphore, #tpu.memory_space<semaphore_mem>>) src(%arg8 : memref<112x128xf32, #tpu.memory_space<vmem>>) dst(%dma_wait3A_298 : memref<112x128xf32, #tpu.memory_space<vmem_shared>>)
      tpu.yield
    }) : () -> ()
    %mul3A_26 = arith.constant 640 : i32
    %mul3A_27 = arith.muli %arg1, %mul3A_26 : i32
    %add3A_28 = arith.constant 528 : i32
    %add3A_29 = arith.addi %mul3A_27, %add3A_28 : i32
    "tpu.region"() ({
      %run_scoped3A = tpu.sem_alloc : memref<!tpu.dma_semaphore, #tpu.memory_space<semaphore_mem>>
      %dma_start3A_291 = arith.constant 0 : i32
      %dma_start3A_292 = tpu.memref_slice %arg10[%add3A_29, %dma_start3A_291] : memref<10240x128xf32, #tpu.memory_space<vmem_shared>> -> memref<112x128xf32, #tpu.memory_space<vmem_shared>>
      %dma_start3A_293 = arith.constant 0 : i32
      %dma_start3A_294 = tpu.memref_slice %arg10[%add3A_29, %dma_start3A_293] : memref<10240x128xf32, #tpu.memory_space<vmem_shared>> -> memref<112x128xf32, #tpu.memory_space<vmem_shared>>
      tpu.enqueue_dma source(%arg8 : memref<112x128xf32, #tpu.memory_space<vmem>>) target(%dma_start3A_294 : memref<112x128xf32, #tpu.memory_space<vmem_shared>>) target_semaphore(%run_scoped3A : memref<!tpu.dma_semaphore, #tpu.memory_space<semaphore_mem>>)
      %dma_wait3A_295 = arith.constant 0 : i32
      %dma_wait3A_296 = tpu.memref_slice %arg10[%add3A_29, %dma_wait3A_295] : memref<10240x128xf32, #tpu.memory_space<vmem_shared>> -> memref<112x128xf32, #tpu.memory_space<vmem_shared>>
      %dma_wait3A_297 = arith.constant 0 : i32
      %dma_wait3A_298 = tpu.memref_slice %arg10[%add3A_29, %dma_wait3A_297] : memref<10240x128xf32, #tpu.memory_space<vmem_shared>> -> memref<112x128xf32, #tpu.memory_space<vmem_shared>>
      tpu.wait_dma2 semaphore(%run_scoped3A : memref<!tpu.dma_semaphore, #tpu.memory_space<semaphore_mem>>) src(%arg8 : memref<112x128xf32, #tpu.memory_space<vmem>>) dst(%dma_wait3A_298 : memref<112x128xf32, #tpu.memory_space<vmem_shared>>)
      tpu.yield
    }) : () -> ()
    %barrier3A = arith.constant 0 : index
    tpu.barrier barrier_id(%barrier3A)
    %sub3A = arith.constant 1 : i32
    %sub3A_30 = arith.subi %sub3A, %arg0 : i32
    %mul3A_31 = arith.constant 16 : i32
    %mul3A_32 = arith.muli %sub3A_30, %mul3A_31 : i32
    %add3A_33 = arith.addi %mul3A_32, %arg1 : i32
    %mul3A_34 = arith.constant 92 : i32
    %mul3A_35 = arith.muli %add3A_33, %mul3A_34 : i32
    %add3A_36 = arith.constant 0 : i32
    %add3A_37 = arith.addi %mul3A_35, %add3A_36 : i32
    %dma_start3A = arith.constant 0 : i32
    %dma_start3A_38 = arith.constant 0 : i32
    %dma_start3A_39 = tpu.memref_slice %arg6[%dma_start3A, %dma_start3A_38] : memref<4x112xi32, #tpu.memory_space<vmem>> -> memref<1x112xi32, #tpu.memory_space<vmem>>
    %dma_start3A_40 = tpu.memref_squeeze %dma_start3A_39 : memref<1x112xi32, #tpu.memory_space<vmem>> -> memref<112xi32, #tpu.memory_space<vmem>>
    %dma_start3A_41 = arith.constant 0 : i32
    %dma_start3A_42 = tpu.memref_slice %arg3[%add3A_37, %dma_start3A_41] : memref<2944x112xi32, #tpu.memory_space<hbm>> -> memref<1x112xi32, #tpu.memory_space<hbm>>
    %dma_start3A_43 = tpu.memref_squeeze %dma_start3A_42 : memref<1x112xi32, #tpu.memory_space<hbm>> -> memref<112xi32, #tpu.memory_space<hbm>>
    %dma_start3A_44 = arith.constant 0 : i32
    %dma_start3A_45 = tpu.memref_slice %arg6[%dma_start3A, %dma_start3A_44] : memref<4x112xi32, #tpu.memory_space<vmem>> -> memref<1x112xi32, #tpu.memory_space<vmem>>
    %dma_start3A_46 = tpu.memref_squeeze %dma_start3A_45 : memref<1x112xi32, #tpu.memory_space<vmem>> -> memref<112xi32, #tpu.memory_space<vmem>>
    %dma_start3A_47 = arith.constant 0 : i32
    %dma_start3A_48 = tpu.memref_slice %arg3[%add3A_37, %dma_start3A_47] : memref<2944x112xi32, #tpu.memory_space<hbm>> -> memref<1x112xi32, #tpu.memory_space<hbm>>
    %dma_start3A_49 = tpu.memref_squeeze %dma_start3A_48 : memref<1x112xi32, #tpu.memory_space<hbm>> -> memref<112xi32, #tpu.memory_space<hbm>>
    tpu.enqueue_dma source(%dma_start3A_49 : memref<112xi32, #tpu.memory_space<hbm>>) target(%dma_start3A_46 : memref<112xi32, #tpu.memory_space<vmem>>) target_semaphore(%arg15 : memref<!tpu.dma_semaphore, #tpu.memory_space<semaphore_mem>>)
    %add3A_50 = arith.constant 0 : i32
    %add3A_51 = arith.addi %mul3A_35, %add3A_50 : i32
    %dma_start3A_52 = arith.constant 0 : i32
    %dma_start3A_53 = arith.constant 0 : i32
    %dma_start3A_54 = tpu.memref_slice %arg7[%dma_start3A_52, %dma_start3A_53] : memref<4x112xi32, #tpu.memory_space<vmem>> -> memref<1x112xi32, #tpu.memory_space<vmem>>
    %dma_start3A_55 = tpu.memref_squeeze %dma_start3A_54 : memref<1x112xi32, #tpu.memory_space<vmem>> -> memref<112xi32, #tpu.memory_space<vmem>>
    %dma_start3A_56 = arith.constant 0 : i32
    %dma_start3A_57 = tpu.memref_slice %arg4[%add3A_51, %dma_start3A_56] : memref<2944x112xi32, #tpu.memory_space<hbm>> -> memref<1x112xi32, #tpu.memory_space<hbm>>
    %dma_start3A_58 = tpu.memref_squeeze %dma_start3A_57 : memref<1x112xi32, #tpu.memory_space<hbm>> -> memref<112xi32, #tpu.memory_space<hbm>>
    %dma_start3A_59 = arith.constant 0 : i32
    %dma_start3A_60 = tpu.memref_slice %arg7[%dma_start3A_52, %dma_start3A_59] : memref<4x112xi32, #tpu.memory_space<vmem>> -> memref<1x112xi32, #tpu.memory_space<vmem>>
    %dma_start3A_61 = tpu.memref_squeeze %dma_start3A_60 : memref<1x112xi32, #tpu.memory_space<vmem>> -> memref<112xi32, #tpu.memory_space<vmem>>
    %dma_start3A_62 = arith.constant 0 : i32
    %dma_start3A_63 = tpu.memref_slice %arg4[%add3A_51, %dma_start3A_62] : memref<2944x112xi32, #tpu.memory_space<hbm>> -> memref<1x112xi32, #tpu.memory_space<hbm>>
    %dma_start3A_64 = tpu.memref_squeeze %dma_start3A_63 : memref<1x112xi32, #tpu.memory_space<hbm>> -> memref<112xi32, #tpu.memory_space<hbm>>
    tpu.enqueue_dma source(%dma_start3A_64 : memref<112xi32, #tpu.memory_space<hbm>>) target(%dma_start3A_61 : memref<112xi32, #tpu.memory_space<vmem>>) target_semaphore(%arg15 : memref<!tpu.dma_semaphore, #tpu.memory_space<semaphore_mem>>)
    %add3A_65 = arith.constant 1 : i32
    %add3A_66 = arith.addi %mul3A_35, %add3A_65 : i32
    %dma_start3A_67 = arith.constant 1 : i32
    %dma_start3A_68 = arith.constant 0 : i32
    %dma_start3A_69 = tpu.memref_slice %arg6[%dma_start3A_67, %dma_start3A_68] : memref<4x112xi32, #tpu.memory_space<vmem>> -> memref<1x112xi32, #tpu.memory_space<vmem>>
    %dma_start3A_70 = tpu.memref_squeeze %dma_start3A_69 : memref<1x112xi32, #tpu.memory_space<vmem>> -> memref<112xi32, #tpu.memory_space<vmem>>
    %dma_start3A_71 = arith.constant 0 : i32
    %dma_start3A_72 = tpu.memref_slice %arg3[%add3A_66, %dma_start3A_71] : memref<2944x112xi32, #tpu.memory_space<hbm>> -> memref<1x112xi32, #tpu.memory_space<hbm>>
    %dma_start3A_73 = tpu.memref_squeeze %dma_start3A_72 : memref<1x112xi32, #tpu.memory_space<hbm>> -> memref<112xi32, #tpu.memory_space<hbm>>
    %dma_start3A_74 = arith.constant 0 : i32
    %dma_start3A_75 = tpu.memref_slice %arg6[%dma_start3A_67, %dma_start3A_74] : memref<4x112xi32, #tpu.memory_space<vmem>> -> memref<1x112xi32, #tpu.memory_space<vmem>>
    %dma_start3A_76 = tpu.memref_squeeze %dma_start3A_75 : memref<1x112xi32, #tpu.memory_space<vmem>> -> memref<112xi32, #tpu.memory_space<vmem>>
    %dma_start3A_77 = arith.constant 0 : i32
    %dma_start3A_78 = tpu.memref_slice %arg3[%add3A_66, %dma_start3A_77] : memref<2944x112xi32, #tpu.memory_space<hbm>> -> memref<1x112xi32, #tpu.memory_space<hbm>>
    %dma_start3A_79 = tpu.memref_squeeze %dma_start3A_78 : memref<1x112xi32, #tpu.memory_space<hbm>> -> memref<112xi32, #tpu.memory_space<hbm>>
    tpu.enqueue_dma source(%dma_start3A_79 : memref<112xi32, #tpu.memory_space<hbm>>) target(%dma_start3A_76 : memref<112xi32, #tpu.memory_space<vmem>>) target_semaphore(%arg16 : memref<!tpu.dma_semaphore, #tpu.memory_space<semaphore_mem>>)
    %add3A_80 = arith.constant 1 : i32
    %add3A_81 = arith.addi %mul3A_35, %add3A_80 : i32
    %dma_start3A_82 = arith.constant 1 : i32
    %dma_start3A_83 = arith.constant 0 : i32
    %dma_start3A_84 = tpu.memref_slice %arg7[%dma_start3A_82, %dma_start3A_83] : memref<4x112xi32, #tpu.memory_space<vmem>> -> memref<1x112xi32, #tpu.memory_space<vmem>>
    %dma_start3A_85 = tpu.memref_squeeze %dma_start3A_84 : memref<1x112xi32, #tpu.memory_space<vmem>> -> memref<112xi32, #tpu.memory_space<vmem>>
    %dma_start3A_86 = arith.constant 0 : i32
    %dma_start3A_87 = tpu.memref_slice %arg4[%add3A_81, %dma_start3A_86] : memref<2944x112xi32, #tpu.memory_space<hbm>> -> memref<1x112xi32, #tpu.memory_space<hbm>>
    %dma_start3A_88 = tpu.memref_squeeze %dma_start3A_87 : memref<1x112xi32, #tpu.memory_space<hbm>> -> memref<112xi32, #tpu.memory_space<hbm>>
    %dma_start3A_89 = arith.constant 0 : i32
    %dma_start3A_90 = tpu.memref_slice %arg7[%dma_start3A_82, %dma_start3A_89] : memref<4x112xi32, #tpu.memory_space<vmem>> -> memref<1x112xi32, #tpu.memory_space<vmem>>
    %dma_start3A_91 = tpu.memref_squeeze %dma_start3A_90 : memref<1x112xi32, #tpu.memory_space<vmem>> -> memref<112xi32, #tpu.memory_space<vmem>>
    %dma_start3A_92 = arith.constant 0 : i32
    %dma_start3A_93 = tpu.memref_slice %arg4[%add3A_81, %dma_start3A_92] : memref<2944x112xi32, #tpu.memory_space<hbm>> -> memref<1x112xi32, #tpu.memory_space<hbm>>
    %dma_start3A_94 = tpu.memref_squeeze %dma_start3A_93 : memref<1x112xi32, #tpu.memory_space<hbm>> -> memref<112xi32, #tpu.memory_space<hbm>>
    tpu.enqueue_dma source(%dma_start3A_94 : memref<112xi32, #tpu.memory_space<hbm>>) target(%dma_start3A_91 : memref<112xi32, #tpu.memory_space<vmem>>) target_semaphore(%arg16 : memref<!tpu.dma_semaphore, #tpu.memory_space<semaphore_mem>>)
    %add3A_95 = arith.constant 2 : i32
    %add3A_96 = arith.addi %mul3A_35, %add3A_95 : i32
    %dma_start3A_97 = arith.constant 2 : i32
    %dma_start3A_98 = arith.constant 0 : i32
    %dma_start3A_99 = tpu.memref_slice %arg6[%dma_start3A_97, %dma_start3A_98] : memref<4x112xi32, #tpu.memory_space<vmem>> -> memref<1x112xi32, #tpu.memory_space<vmem>>
    %dma_start3A_100 = tpu.memref_squeeze %dma_start3A_99 : memref<1x112xi32, #tpu.memory_space<vmem>> -> memref<112xi32, #tpu.memory_space<vmem>>
    %dma_start3A_101 = arith.constant 0 : i32
    %dma_start3A_102 = tpu.memref_slice %arg3[%add3A_96, %dma_start3A_101] : memref<2944x112xi32, #tpu.memory_space<hbm>> -> memref<1x112xi32, #tpu.memory_space<hbm>>
    %dma_start3A_103 = tpu.memref_squeeze %dma_start3A_102 : memref<1x112xi32, #tpu.memory_space<hbm>> -> memref<112xi32, #tpu.memory_space<hbm>>
    %dma_start3A_104 = arith.constant 0 : i32
    %dma_start3A_105 = tpu.memref_slice %arg6[%dma_start3A_97, %dma_start3A_104] : memref<4x112xi32, #tpu.memory_space<vmem>> -> memref<1x112xi32, #tpu.memory_space<vmem>>
    %dma_start3A_106 = tpu.memref_squeeze %dma_start3A_105 : memref<1x112xi32, #tpu.memory_space<vmem>> -> memref<112xi32, #tpu.memory_space<vmem>>
    %dma_start3A_107 = arith.constant 0 : i32
    %dma_start3A_108 = tpu.memref_slice %arg3[%add3A_96, %dma_start3A_107] : memref<2944x112xi32, #tpu.memory_space<hbm>> -> memref<1x112xi32, #tpu.memory_space<hbm>>
    %dma_start3A_109 = tpu.memref_squeeze %dma_start3A_108 : memref<1x112xi32, #tpu.memory_space<hbm>> -> memref<112xi32, #tpu.memory_space<hbm>>
    tpu.enqueue_dma source(%dma_start3A_109 : memref<112xi32, #tpu.memory_space<hbm>>) target(%dma_start3A_106 : memref<112xi32, #tpu.memory_space<vmem>>) target_semaphore(%arg17 : memref<!tpu.dma_semaphore, #tpu.memory_space<semaphore_mem>>)
    %add3A_110 = arith.constant 2 : i32
    %add3A_111 = arith.addi %mul3A_35, %add3A_110 : i32
    %dma_start3A_112 = arith.constant 2 : i32
    %dma_start3A_113 = arith.constant 0 : i32
    %dma_start3A_114 = tpu.memref_slice %arg7[%dma_start3A_112, %dma_start3A_113] : memref<4x112xi32, #tpu.memory_space<vmem>> -> memref<1x112xi32, #tpu.memory_space<vmem>>
    %dma_start3A_115 = tpu.memref_squeeze %dma_start3A_114 : memref<1x112xi32, #tpu.memory_space<vmem>> -> memref<112xi32, #tpu.memory_space<vmem>>
    %dma_start3A_116 = arith.constant 0 : i32
    %dma_start3A_117 = tpu.memref_slice %arg4[%add3A_111, %dma_start3A_116] : memref<2944x112xi32, #tpu.memory_space<hbm>> -> memref<1x112xi32, #tpu.memory_space<hbm>>
    %dma_start3A_118 = tpu.memref_squeeze %dma_start3A_117 : memref<1x112xi32, #tpu.memory_space<hbm>> -> memref<112xi32, #tpu.memory_space<hbm>>
    %dma_start3A_119 = arith.constant 0 : i32
    %dma_start3A_120 = tpu.memref_slice %arg7[%dma_start3A_112, %dma_start3A_119] : memref<4x112xi32, #tpu.memory_space<vmem>> -> memref<1x112xi32, #tpu.memory_space<vmem>>
    %dma_start3A_121 = tpu.memref_squeeze %dma_start3A_120 : memref<1x112xi32, #tpu.memory_space<vmem>> -> memref<112xi32, #tpu.memory_space<vmem>>
    %dma_start3A_122 = arith.constant 0 : i32
    %dma_start3A_123 = tpu.memref_slice %arg4[%add3A_111, %dma_start3A_122] : memref<2944x112xi32, #tpu.memory_space<hbm>> -> memref<1x112xi32, #tpu.memory_space<hbm>>
    %dma_start3A_124 = tpu.memref_squeeze %dma_start3A_123 : memref<1x112xi32, #tpu.memory_space<hbm>> -> memref<112xi32, #tpu.memory_space<hbm>>
    tpu.enqueue_dma source(%dma_start3A_124 : memref<112xi32, #tpu.memory_space<hbm>>) target(%dma_start3A_121 : memref<112xi32, #tpu.memory_space<vmem>>) target_semaphore(%arg17 : memref<!tpu.dma_semaphore, #tpu.memory_space<semaphore_mem>>)
    %add3A_125 = arith.constant 3 : i32
    %add3A_126 = arith.addi %mul3A_35, %add3A_125 : i32
    %dma_start3A_127 = arith.constant 3 : i32
    %dma_start3A_128 = arith.constant 0 : i32
    %dma_start3A_129 = tpu.memref_slice %arg6[%dma_start3A_127, %dma_start3A_128] : memref<4x112xi32, #tpu.memory_space<vmem>> -> memref<1x112xi32, #tpu.memory_space<vmem>>
    %dma_start3A_130 = tpu.memref_squeeze %dma_start3A_129 : memref<1x112xi32, #tpu.memory_space<vmem>> -> memref<112xi32, #tpu.memory_space<vmem>>
    %dma_start3A_131 = arith.constant 0 : i32
    %dma_start3A_132 = tpu.memref_slice %arg3[%add3A_126, %dma_start3A_131] : memref<2944x112xi32, #tpu.memory_space<hbm>> -> memref<1x112xi32, #tpu.memory_space<hbm>>
    %dma_start3A_133 = tpu.memref_squeeze %dma_start3A_132 : memref<1x112xi32, #tpu.memory_space<hbm>> -> memref<112xi32, #tpu.memory_space<hbm>>
    %dma_start3A_134 = arith.constant 0 : i32
    %dma_start3A_135 = tpu.memref_slice %arg6[%dma_start3A_127, %dma_start3A_134] : memref<4x112xi32, #tpu.memory_space<vmem>> -> memref<1x112xi32, #tpu.memory_space<vmem>>
    %dma_start3A_136 = tpu.memref_squeeze %dma_start3A_135 : memref<1x112xi32, #tpu.memory_space<vmem>> -> memref<112xi32, #tpu.memory_space<vmem>>
    %dma_start3A_137 = arith.constant 0 : i32
    %dma_start3A_138 = tpu.memref_slice %arg3[%add3A_126, %dma_start3A_137] : memref<2944x112xi32, #tpu.memory_space<hbm>> -> memref<1x112xi32, #tpu.memory_space<hbm>>
    %dma_start3A_139 = tpu.memref_squeeze %dma_start3A_138 : memref<1x112xi32, #tpu.memory_space<hbm>> -> memref<112xi32, #tpu.memory_space<hbm>>
    tpu.enqueue_dma source(%dma_start3A_139 : memref<112xi32, #tpu.memory_space<hbm>>) target(%dma_start3A_136 : memref<112xi32, #tpu.memory_space<vmem>>) target_semaphore(%arg18 : memref<!tpu.dma_semaphore, #tpu.memory_space<semaphore_mem>>)
    %add3A_140 = arith.constant 3 : i32
    %add3A_141 = arith.addi %mul3A_35, %add3A_140 : i32
    %dma_start3A_142 = arith.constant 3 : i32
    %dma_start3A_143 = arith.constant 0 : i32
    %dma_start3A_144 = tpu.memref_slice %arg7[%dma_start3A_142, %dma_start3A_143] : memref<4x112xi32, #tpu.memory_space<vmem>> -> memref<1x112xi32, #tpu.memory_space<vmem>>
    %dma_start3A_145 = tpu.memref_squeeze %dma_start3A_144 : memref<1x112xi32, #tpu.memory_space<vmem>> -> memref<112xi32, #tpu.memory_space<vmem>>
    %dma_start3A_146 = arith.constant 0 : i32
    %dma_start3A_147 = tpu.memref_slice %arg4[%add3A_141, %dma_start3A_146] : memref<2944x112xi32, #tpu.memory_space<hbm>> -> memref<1x112xi32, #tpu.memory_space<hbm>>
    %dma_start3A_148 = tpu.memref_squeeze %dma_start3A_147 : memref<1x112xi32, #tpu.memory_space<hbm>> -> memref<112xi32, #tpu.memory_space<hbm>>
    %dma_start3A_149 = arith.constant 0 : i32
    %dma_start3A_150 = tpu.memref_slice %arg7[%dma_start3A_142, %dma_start3A_149] : memref<4x112xi32, #tpu.memory_space<vmem>> -> memref<1x112xi32, #tpu.memory_space<vmem>>
    %dma_start3A_151 = tpu.memref_squeeze %dma_start3A_150 : memref<1x112xi32, #tpu.memory_space<vmem>> -> memref<112xi32, #tpu.memory_space<vmem>>
    %dma_start3A_152 = arith.constant 0 : i32
    %dma_start3A_153 = tpu.memref_slice %arg4[%add3A_141, %dma_start3A_152] : memref<2944x112xi32, #tpu.memory_space<hbm>> -> memref<1x112xi32, #tpu.memory_space<hbm>>
    %dma_start3A_154 = tpu.memref_squeeze %dma_start3A_153 : memref<1x112xi32, #tpu.memory_space<hbm>> -> memref<112xi32, #tpu.memory_space<hbm>>
    tpu.enqueue_dma source(%dma_start3A_154 : memref<112xi32, #tpu.memory_space<hbm>>) target(%dma_start3A_151 : memref<112xi32, #tpu.memory_space<vmem>>) target_semaphore(%arg18 : memref<!tpu.dma_semaphore, #tpu.memory_space<semaphore_mem>>)
    %add3A_155 = arith.constant 0 : i32
    %add3A_156 = arith.addi %mul3A_35, %add3A_155 : i32
    %dma_wait3A = arith.constant 0 : i32
    %dma_wait3A_157 = arith.constant 0 : i32
    %dma_wait3A_158 = tpu.memref_slice %arg6[%dma_wait3A, %dma_wait3A_157] : memref<4x112xi32, #tpu.memory_space<vmem>> -> memref<1x112xi32, #tpu.memory_space<vmem>>
    %dma_wait3A_159 = tpu.memref_squeeze %dma_wait3A_158 : memref<1x112xi32, #tpu.memory_space<vmem>> -> memref<112xi32, #tpu.memory_space<vmem>>
    %dma_wait3A_160 = arith.constant 0 : i32
    %dma_wait3A_161 = tpu.memref_slice %arg3[%add3A_156, %dma_wait3A_160] : memref<2944x112xi32, #tpu.memory_space<hbm>> -> memref<1x112xi32, #tpu.memory_space<hbm>>
    %dma_wait3A_162 = tpu.memref_squeeze %dma_wait3A_161 : memref<1x112xi32, #tpu.memory_space<hbm>> -> memref<112xi32, #tpu.memory_space<hbm>>
    %dma_wait3A_163 = arith.constant 0 : i32
    %dma_wait3A_164 = tpu.memref_slice %arg6[%dma_wait3A, %dma_wait3A_163] : memref<4x112xi32, #tpu.memory_space<vmem>> -> memref<1x112xi32, #tpu.memory_space<vmem>>
    %dma_wait3A_165 = tpu.memref_squeeze %dma_wait3A_164 : memref<1x112xi32, #tpu.memory_space<vmem>> -> memref<112xi32, #tpu.memory_space<vmem>>
    %dma_wait3A_166 = arith.constant 0 : i32
    %dma_wait3A_167 = tpu.memref_slice %arg3[%add3A_156, %dma_wait3A_166] : memref<2944x112xi32, #tpu.memory_space<hbm>> -> memref<1x112xi32, #tpu.memory_space<hbm>>
    %dma_wait3A_168 = tpu.memref_squeeze %dma_wait3A_167 : memref<1x112xi32, #tpu.memory_space<hbm>> -> memref<112xi32, #tpu.memory_space<hbm>>
    tpu.wait_dma2 semaphore(%arg15 : memref<!tpu.dma_semaphore, #tpu.memory_space<semaphore_mem>>) src(%dma_wait3A_168 : memref<112xi32, #tpu.memory_space<hbm>>) dst(%dma_wait3A_165 : memref<112xi32, #tpu.memory_space<vmem>>)
    %add3A_169 = arith.constant 0 : i32
    %add3A_170 = arith.addi %mul3A_35, %add3A_169 : i32
    %dma_wait3A_171 = arith.constant 0 : i32
    %dma_wait3A_172 = arith.constant 0 : i32
    %dma_wait3A_173 = tpu.memref_slice %arg7[%dma_wait3A_171, %dma_wait3A_172] : memref<4x112xi32, #tpu.memory_space<vmem>> -> memref<1x112xi32, #tpu.memory_space<vmem>>
    %dma_wait3A_174 = tpu.memref_squeeze %dma_wait3A_173 : memref<1x112xi32, #tpu.memory_space<vmem>> -> memref<112xi32, #tpu.memory_space<vmem>>
    %dma_wait3A_175 = arith.constant 0 : i32
    %dma_wait3A_176 = tpu.memref_slice %arg4[%add3A_170, %dma_wait3A_175] : memref<2944x112xi32, #tpu.memory_space<hbm>> -> memref<1x112xi32, #tpu.memory_space<hbm>>
    %dma_wait3A_177 = tpu.memref_squeeze %dma_wait3A_176 : memref<1x112xi32, #tpu.memory_space<hbm>> -> memref<112xi32, #tpu.memory_space<hbm>>
    %dma_wait3A_178 = arith.constant 0 : i32
    %dma_wait3A_179 = tpu.memref_slice %arg7[%dma_wait3A_171, %dma_wait3A_178] : memref<4x112xi32, #tpu.memory_space<vmem>> -> memref<1x112xi32, #tpu.memory_space<vmem>>
    %dma_wait3A_180 = tpu.memref_squeeze %dma_wait3A_179 : memref<1x112xi32, #tpu.memory_space<vmem>> -> memref<112xi32, #tpu.memory_space<vmem>>
    %dma_wait3A_181 = arith.constant 0 : i32
    %dma_wait3A_182 = tpu.memref_slice %arg4[%add3A_170, %dma_wait3A_181] : memref<2944x112xi32, #tpu.memory_space<hbm>> -> memref<1x112xi32, #tpu.memory_space<hbm>>
    %dma_wait3A_183 = tpu.memref_squeeze %dma_wait3A_182 : memref<1x112xi32, #tpu.memory_space<hbm>> -> memref<112xi32, #tpu.memory_space<hbm>>
    tpu.wait_dma2 semaphore(%arg15 : memref<!tpu.dma_semaphore, #tpu.memory_space<semaphore_mem>>) src(%dma_wait3A_183 : memref<112xi32, #tpu.memory_space<hbm>>) dst(%dma_wait3A_180 : memref<112xi32, #tpu.memory_space<vmem>>)
    %dma_start3A_184 = arith.constant 0 : i32
    %dma_start3A_185 = arith.constant 0 : i32
    %dma_start3A_186 = tpu.memref_slice %arg6[%dma_start3A_184, %dma_start3A_185] : memref<4x112xi32, #tpu.memory_space<vmem>> -> memref<1x112xi32, #tpu.memory_space<vmem>>
    %dma_start3A_187 = tpu.memref_squeeze %dma_start3A_186 : memref<1x112xi32, #tpu.memory_space<vmem>> -> memref<112xi32, #tpu.memory_space<vmem>>
    %dma_start3A_188 = arith.constant 0 : i32
    %dma_start3A_189 = arith.constant 0 : i32
    %dma_start3A_190 = tpu.memref_slice %arg2[%dma_start3A_188, %dma_start3A_189] : memref<10240x128xf32, #tpu.memory_space<hbm>> -> memref<10240x128xf32, #tpu.memory_space<hbm>>
    tpu.enqueue_indirect_dma source(%dma_start3A_190 : memref<10240x128xf32, #tpu.memory_space<hbm>>) target(%arg8 : memref<112x128xf32, #tpu.memory_space<vmem>>) offsets(%dma_start3A_187 : memref<112xi32, #tpu.memory_space<vmem>>) semaphore(%arg11 : memref<!tpu.dma_semaphore, #tpu.memory_space<semaphore_mem>>)
    %add3A_191 = arith.constant 1 : i32
    %add3A_192 = arith.addi %mul3A_35, %add3A_191 : i32
    %dma_wait3A_193 = arith.constant 1 : i32
    %dma_wait3A_194 = arith.constant 0 : i32
    %dma_wait3A_195 = tpu.memref_slice %arg6[%dma_wait3A_193, %dma_wait3A_194] : memref<4x112xi32, #tpu.memory_space<vmem>> -> memref<1x112xi32, #tpu.memory_space<vmem>>
    %dma_wait3A_196 = tpu.memref_squeeze %dma_wait3A_195 : memref<1x112xi32, #tpu.memory_space<vmem>> -> memref<112xi32, #tpu.memory_space<vmem>>
    %dma_wait3A_197 = arith.constant 0 : i32
    %dma_wait3A_198 = tpu.memref_slice %arg3[%add3A_192, %dma_wait3A_197] : memref<2944x112xi32, #tpu.memory_space<hbm>> -> memref<1x112xi32, #tpu.memory_space<hbm>>
    %dma_wait3A_199 = tpu.memref_squeeze %dma_wait3A_198 : memref<1x112xi32, #tpu.memory_space<hbm>> -> memref<112xi32, #tpu.memory_space<hbm>>
    %dma_wait3A_200 = arith.constant 0 : i32
    %dma_wait3A_201 = tpu.memref_slice %arg6[%dma_wait3A_193, %dma_wait3A_200] : memref<4x112xi32, #tpu.memory_space<vmem>> -> memref<1x112xi32, #tpu.memory_space<vmem>>
    %dma_wait3A_202 = tpu.memref_squeeze %dma_wait3A_201 : memref<1x112xi32, #tpu.memory_space<vmem>> -> memref<112xi32, #tpu.memory_space<vmem>>
    %dma_wait3A_203 = arith.constant 0 : i32
    %dma_wait3A_204 = tpu.memref_slice %arg3[%add3A_192, %dma_wait3A_203] : memref<2944x112xi32, #tpu.memory_space<hbm>> -> memref<1x112xi32, #tpu.memory_space<hbm>>
    %dma_wait3A_205 = tpu.memref_squeeze %dma_wait3A_204 : memref<1x112xi32, #tpu.memory_space<hbm>> -> memref<112xi32, #tpu.memory_space<hbm>>
    tpu.wait_dma2 semaphore(%arg16 : memref<!tpu.dma_semaphore, #tpu.memory_space<semaphore_mem>>) src(%dma_wait3A_205 : memref<112xi32, #tpu.memory_space<hbm>>) dst(%dma_wait3A_202 : memref<112xi32, #tpu.memory_space<vmem>>)
    %add3A_206 = arith.constant 1 : i32
    %add3A_207 = arith.addi %mul3A_35, %add3A_206 : i32
    %dma_wait3A_208 = arith.constant 1 : i32
    %dma_wait3A_209 = arith.constant 0 : i32
    %dma_wait3A_210 = tpu.memref_slice %arg7[%dma_wait3A_208, %dma_wait3A_209] : memref<4x112xi32, #tpu.memory_space<vmem>> -> memref<1x112xi32, #tpu.memory_space<vmem>>
    %dma_wait3A_211 = tpu.memref_squeeze %dma_wait3A_210 : memref<1x112xi32, #tpu.memory_space<vmem>> -> memref<112xi32, #tpu.memory_space<vmem>>
    %dma_wait3A_212 = arith.constant 0 : i32
    %dma_wait3A_213 = tpu.memref_slice %arg4[%add3A_207, %dma_wait3A_212] : memref<2944x112xi32, #tpu.memory_space<hbm>> -> memref<1x112xi32, #tpu.memory_space<hbm>>
    %dma_wait3A_214 = tpu.memref_squeeze %dma_wait3A_213 : memref<1x112xi32, #tpu.memory_space<hbm>> -> memref<112xi32, #tpu.memory_space<hbm>>
    %dma_wait3A_215 = arith.constant 0 : i32
    %dma_wait3A_216 = tpu.memref_slice %arg7[%dma_wait3A_208, %dma_wait3A_215] : memref<4x112xi32, #tpu.memory_space<vmem>> -> memref<1x112xi32, #tpu.memory_space<vmem>>
    %dma_wait3A_217 = tpu.memref_squeeze %dma_wait3A_216 : memref<1x112xi32, #tpu.memory_space<vmem>> -> memref<112xi32, #tpu.memory_space<vmem>>
    %dma_wait3A_218 = arith.constant 0 : i32
    %dma_wait3A_219 = tpu.memref_slice %arg4[%add3A_207, %dma_wait3A_218] : memref<2944x112xi32, #tpu.memory_space<hbm>> -> memref<1x112xi32, #tpu.memory_space<hbm>>
    %dma_wait3A_220 = tpu.memref_squeeze %dma_wait3A_219 : memref<1x112xi32, #tpu.memory_space<hbm>> -> memref<112xi32, #tpu.memory_space<hbm>>
    tpu.wait_dma2 semaphore(%arg16 : memref<!tpu.dma_semaphore, #tpu.memory_space<semaphore_mem>>) src(%dma_wait3A_220 : memref<112xi32, #tpu.memory_space<hbm>>) dst(%dma_wait3A_217 : memref<112xi32, #tpu.memory_space<vmem>>)
    %dma_start3A_221 = arith.constant 1 : i32
    %dma_start3A_222 = arith.constant 0 : i32
    %dma_start3A_223 = tpu.memref_slice %arg6[%dma_start3A_221, %dma_start3A_222] : memref<4x112xi32, #tpu.memory_space<vmem>> -> memref<1x112xi32, #tpu.memory_space<vmem>>
    %dma_start3A_224 = tpu.memref_squeeze %dma_start3A_223 : memref<1x112xi32, #tpu.memory_space<vmem>> -> memref<112xi32, #tpu.memory_space<vmem>>
    %dma_start3A_225 = arith.constant 0 : i32
    %dma_start3A_226 = arith.constant 0 : i32
    %dma_start3A_227 = tpu.memref_slice %arg2[%dma_start3A_225, %dma_start3A_226] : memref<10240x128xf32, #tpu.memory_space<hbm>> -> memref<10240x128xf32, #tpu.memory_space<hbm>>
    tpu.enqueue_indirect_dma source(%dma_start3A_227 : memref<10240x128xf32, #tpu.memory_space<hbm>>) target(%arg9 : memref<112x128xf32, #tpu.memory_space<vmem>>) offsets(%dma_start3A_224 : memref<112xi32, #tpu.memory_space<vmem>>) semaphore(%arg12 : memref<!tpu.dma_semaphore, #tpu.memory_space<semaphore_mem>>)
    %scan3A_228 = arith.constant 0 : i32
    %scan3A_229 = arith.constant 0 : i32
    %scan3A_230 = arith.constant 23 : i32
    %scan3A_231 = arith.addi %scan3A_229, %scan3A_230 : i32
    %scan3A_232 = arith.constant 1 : i32
    scf.for %scan3A_291 = %scan3A_229 to %scan3A_231 step %scan3A_232  : i32 {
      %mul3A_292 = arith.constant 4 : i32
      %mul3A_293 = arith.muli %mul3A_292, %scan3A_291 : i32
      %lt3A = arith.constant 22 : i32
      %lt3A_294 = arith.cmpi slt, %scan3A_291, %lt3A : i32
      %dma_wait3A_295 = arith.constant 0 : i32
      %dma_wait3A_296 = arith.constant 0 : i32
      %dma_wait3A_297 = tpu.memref_slice %arg6[%dma_wait3A_295, %dma_wait3A_296] : memref<4x112xi32, #tpu.memory_space<vmem>> -> memref<1x112xi32, #tpu.memory_space<vmem>>
      %dma_wait3A_298 = tpu.memref_squeeze %dma_wait3A_297 : memref<1x112xi32, #tpu.memory_space<vmem>> -> memref<112xi32, #tpu.memory_space<vmem>>
      %dma_wait3A_299 = arith.constant 0 : i32
      %dma_wait3A_300 = arith.constant 0 : i32
      %dma_wait3A_301 = tpu.memref_slice %arg2[%dma_wait3A_299, %dma_wait3A_300] : memref<10240x128xf32, #tpu.memory_space<hbm>> -> memref<10240x128xf32, #tpu.memory_space<hbm>>
      tpu.wait_indirect_dma semaphore(%arg11 : memref<!tpu.dma_semaphore, #tpu.memory_space<semaphore_mem>>) src(%dma_wait3A_301 : memref<10240x128xf32, #tpu.memory_space<hbm>>) dst(%arg8 : memref<112x128xf32, #tpu.memory_space<vmem>>)
      %dma_start3A_302 = arith.constant 0 : i32
      %dma_start3A_303 = arith.constant 0 : i32
      %dma_start3A_304 = tpu.memref_slice %arg7[%dma_start3A_302, %dma_start3A_303] : memref<4x112xi32, #tpu.memory_space<vmem>> -> memref<1x112xi32, #tpu.memory_space<vmem>>
      %dma_start3A_305 = tpu.memref_squeeze %dma_start3A_304 : memref<1x112xi32, #tpu.memory_space<vmem>> -> memref<112xi32, #tpu.memory_space<vmem>>
      %dma_start3A_306 = arith.constant 0 : i32
      %dma_start3A_307 = arith.constant 0 : i32
      %dma_start3A_308 = tpu.memref_slice %arg10[%dma_start3A_306, %dma_start3A_307] : memref<10240x128xf32, #tpu.memory_space<vmem_shared>> -> memref<10240x128xf32, #tpu.memory_space<vmem_shared>>
      tpu.enqueue_indirect_dma source(%arg8 : memref<112x128xf32, #tpu.memory_space<vmem>>) target(%dma_start3A_308 : memref<10240x128xf32, #tpu.memory_space<vmem_shared>>) offsets(%dma_start3A_305 : memref<112xi32, #tpu.memory_space<vmem>>) semaphore(%arg13 : memref<!tpu.dma_semaphore, #tpu.memory_space<semaphore_mem>>) {add = true}
      %dma_wait3A_309 = arith.constant 1 : i32
      %dma_wait3A_310 = arith.constant 0 : i32
      %dma_wait3A_311 = tpu.memref_slice %arg6[%dma_wait3A_309, %dma_wait3A_310] : memref<4x112xi32, #tpu.memory_space<vmem>> -> memref<1x112xi32, #tpu.memory_space<vmem>>
      %dma_wait3A_312 = tpu.memref_squeeze %dma_wait3A_311 : memref<1x112xi32, #tpu.memory_space<vmem>> -> memref<112xi32, #tpu.memory_space<vmem>>
      %dma_wait3A_313 = arith.constant 0 : i32
      %dma_wait3A_314 = arith.constant 0 : i32
      %dma_wait3A_315 = tpu.memref_slice %arg2[%dma_wait3A_313, %dma_wait3A_314] : memref<10240x128xf32, #tpu.memory_space<hbm>> -> memref<10240x128xf32, #tpu.memory_space<hbm>>
      tpu.wait_indirect_dma semaphore(%arg12 : memref<!tpu.dma_semaphore, #tpu.memory_space<semaphore_mem>>) src(%dma_wait3A_315 : memref<10240x128xf32, #tpu.memory_space<hbm>>) dst(%arg9 : memref<112x128xf32, #tpu.memory_space<vmem>>)
      %dma_start3A_316 = arith.constant 1 : i32
      %dma_start3A_317 = arith.constant 0 : i32
      %dma_start3A_318 = tpu.memref_slice %arg7[%dma_start3A_316, %dma_start3A_317] : memref<4x112xi32, #tpu.memory_space<vmem>> -> memref<1x112xi32, #tpu.memory_space<vmem>>
      %dma_start3A_319 = tpu.memref_squeeze %dma_start3A_318 : memref<1x112xi32, #tpu.memory_space<vmem>> -> memref<112xi32, #tpu.memory_space<vmem>>
      %dma_start3A_320 = arith.constant 0 : i32
      %dma_start3A_321 = arith.constant 0 : i32
      %dma_start3A_322 = tpu.memref_slice %arg10[%dma_start3A_320, %dma_start3A_321] : memref<10240x128xf32, #tpu.memory_space<vmem_shared>> -> memref<10240x128xf32, #tpu.memory_space<vmem_shared>>
      tpu.enqueue_indirect_dma source(%arg9 : memref<112x128xf32, #tpu.memory_space<vmem>>) target(%dma_start3A_322 : memref<10240x128xf32, #tpu.memory_space<vmem_shared>>) offsets(%dma_start3A_319 : memref<112xi32, #tpu.memory_space<vmem>>) semaphore(%arg14 : memref<!tpu.dma_semaphore, #tpu.memory_space<semaphore_mem>>) {add = true}
      %dma_wait3A_323 = arith.constant 0 : i32
      %dma_wait3A_324 = arith.constant 0 : i32
      %dma_wait3A_325 = tpu.memref_slice %arg7[%dma_wait3A_323, %dma_wait3A_324] : memref<4x112xi32, #tpu.memory_space<vmem>> -> memref<1x112xi32, #tpu.memory_space<vmem>>
      %dma_wait3A_326 = tpu.memref_squeeze %dma_wait3A_325 : memref<1x112xi32, #tpu.memory_space<vmem>> -> memref<112xi32, #tpu.memory_space<vmem>>
      %dma_wait3A_327 = arith.constant 0 : i32
      %dma_wait3A_328 = arith.constant 0 : i32
      %dma_wait3A_329 = tpu.memref_slice %arg10[%dma_wait3A_327, %dma_wait3A_328] : memref<10240x128xf32, #tpu.memory_space<vmem_shared>> -> memref<10240x128xf32, #tpu.memory_space<vmem_shared>>
      tpu.wait_indirect_dma semaphore(%arg13 : memref<!tpu.dma_semaphore, #tpu.memory_space<semaphore_mem>>) src(%arg8 : memref<112x128xf32, #tpu.memory_space<vmem>>) dst(%dma_wait3A_329 : memref<10240x128xf32, #tpu.memory_space<vmem_shared>>)
      %add3A_330 = arith.constant 2 : i32
      %add3A_331 = arith.addi %mul3A_293, %add3A_330 : i32
      %add3A_332 = arith.addi %mul3A_35, %add3A_331 : i32
      %dma_wait3A_333 = arith.constant 2 : i32
      %dma_wait3A_334 = arith.constant 0 : i32
      %dma_wait3A_335 = tpu.memref_slice %arg6[%dma_wait3A_333, %dma_wait3A_334] : memref<4x112xi32, #tpu.memory_space<vmem>> -> memref<1x112xi32, #tpu.memory_space<vmem>>
      %dma_wait3A_336 = tpu.memref_squeeze %dma_wait3A_335 : memref<1x112xi32, #tpu.memory_space<vmem>> -> memref<112xi32, #tpu.memory_space<vmem>>
      %dma_wait3A_337 = arith.constant 0 : i32
      %dma_wait3A_338 = tpu.memref_slice %arg3[%add3A_332, %dma_wait3A_337] : memref<2944x112xi32, #tpu.memory_space<hbm>> -> memref<1x112xi32, #tpu.memory_space<hbm>>
      %dma_wait3A_339 = tpu.memref_squeeze %dma_wait3A_338 : memref<1x112xi32, #tpu.memory_space<hbm>> -> memref<112xi32, #tpu.memory_space<hbm>>
      %dma_wait3A_340 = arith.constant 0 : i32
      %dma_wait3A_341 = tpu.memref_slice %arg6[%dma_wait3A_333, %dma_wait3A_340] : memref<4x112xi32, #tpu.memory_space<vmem>> -> memref<1x112xi32, #tpu.memory_space<vmem>>
      %dma_wait3A_342 = tpu.memref_squeeze %dma_wait3A_341 : memref<1x112xi32, #tpu.memory_space<vmem>> -> memref<112xi32, #tpu.memory_space<vmem>>
      %dma_wait3A_343 = arith.constant 0 : i32
      %dma_wait3A_344 = tpu.memref_slice %arg3[%add3A_332, %dma_wait3A_343] : memref<2944x112xi32, #tpu.memory_space<hbm>> -> memref<1x112xi32, #tpu.memory_space<hbm>>
      %dma_wait3A_345 = tpu.memref_squeeze %dma_wait3A_344 : memref<1x112xi32, #tpu.memory_space<hbm>> -> memref<112xi32, #tpu.memory_space<hbm>>
      tpu.wait_dma2 semaphore(%arg17 : memref<!tpu.dma_semaphore, #tpu.memory_space<semaphore_mem>>) src(%dma_wait3A_345 : memref<112xi32, #tpu.memory_space<hbm>>) dst(%dma_wait3A_342 : memref<112xi32, #tpu.memory_space<vmem>>)
      %add3A_346 = arith.addi %mul3A_35, %add3A_331 : i32
      %dma_wait3A_347 = arith.constant 2 : i32
      %dma_wait3A_348 = arith.constant 0 : i32
      %dma_wait3A_349 = tpu.memref_slice %arg7[%dma_wait3A_347, %dma_wait3A_348] : memref<4x112xi32, #tpu.memory_space<vmem>> -> memref<1x112xi32, #tpu.memory_space<vmem>>
      %dma_wait3A_350 = tpu.memref_squeeze %dma_wait3A_349 : memref<1x112xi32, #tpu.memory_space<vmem>> -> memref<112xi32, #tpu.memory_space<vmem>>
      %dma_wait3A_351 = arith.constant 0 : i32
      %dma_wait3A_352 = tpu.memref_slice %arg4[%add3A_346, %dma_wait3A_351] : memref<2944x112xi32, #tpu.memory_space<hbm>> -> memref<1x112xi32, #tpu.memory_space<hbm>>
      %dma_wait3A_353 = tpu.memref_squeeze %dma_wait3A_352 : memref<1x112xi32, #tpu.memory_space<hbm>> -> memref<112xi32, #tpu.memory_space<hbm>>
      %dma_wait3A_354 = arith.constant 0 : i32
      %dma_wait3A_355 = tpu.memref_slice %arg7[%dma_wait3A_347, %dma_wait3A_354] : memref<4x112xi32, #tpu.memory_space<vmem>> -> memref<1x112xi32, #tpu.memory_space<vmem>>
      %dma_wait3A_356 = tpu.memref_squeeze %dma_wait3A_355 : memref<1x112xi32, #tpu.memory_space<vmem>> -> memref<112xi32, #tpu.memory_space<vmem>>
      %dma_wait3A_357 = arith.constant 0 : i32
      %dma_wait3A_358 = tpu.memref_slice %arg4[%add3A_346, %dma_wait3A_357] : memref<2944x112xi32, #tpu.memory_space<hbm>> -> memref<1x112xi32, #tpu.memory_space<hbm>>
      %dma_wait3A_359 = tpu.memref_squeeze %dma_wait3A_358 : memref<1x112xi32, #tpu.memory_space<hbm>> -> memref<112xi32, #tpu.memory_space<hbm>>
      tpu.wait_dma2 semaphore(%arg17 : memref<!tpu.dma_semaphore, #tpu.memory_space<semaphore_mem>>) src(%dma_wait3A_359 : memref<112xi32, #tpu.memory_space<hbm>>) dst(%dma_wait3A_356 : memref<112xi32, #tpu.memory_space<vmem>>)
      %dma_start3A_360 = arith.constant 2 : i32
      %dma_start3A_361 = arith.constant 0 : i32
      %dma_start3A_362 = tpu.memref_slice %arg6[%dma_start3A_360, %dma_start3A_361] : memref<4x112xi32, #tpu.memory_space<vmem>> -> memref<1x112xi32, #tpu.memory_space<vmem>>
      %dma_start3A_363 = tpu.memref_squeeze %dma_start3A_362 : memref<1x112xi32, #tpu.memory_space<vmem>> -> memref<112xi32, #tpu.memory_space<vmem>>
      %dma_start3A_364 = arith.constant 0 : i32
      %dma_start3A_365 = arith.constant 0 : i32
      %dma_start3A_366 = tpu.memref_slice %arg2[%dma_start3A_364, %dma_start3A_365] : memref<10240x128xf32, #tpu.memory_space<hbm>> -> memref<10240x128xf32, #tpu.memory_space<hbm>>
      tpu.enqueue_indirect_dma source(%dma_start3A_366 : memref<10240x128xf32, #tpu.memory_space<hbm>>) target(%arg8 : memref<112x128xf32, #tpu.memory_space<vmem>>) offsets(%dma_start3A_363 : memref<112xi32, #tpu.memory_space<vmem>>) semaphore(%arg11 : memref<!tpu.dma_semaphore, #tpu.memory_space<semaphore_mem>>)
      %dma_wait3A_367 = arith.constant 1 : i32
      %dma_wait3A_368 = arith.constant 0 : i32
      %dma_wait3A_369 = tpu.memref_slice %arg7[%dma_wait3A_367, %dma_wait3A_368] : memref<4x112xi32, #tpu.memory_space<vmem>> -> memref<1x112xi32, #tpu.memory_space<vmem>>
      %dma_wait3A_370 = tpu.memref_squeeze %dma_wait3A_369 : memref<1x112xi32, #tpu.memory_space<vmem>> -> memref<112xi32, #tpu.memory_space<vmem>>
      %dma_wait3A_371 = arith.constant 0 : i32
      %dma_wait3A_372 = arith.constant 0 : i32
      %dma_wait3A_373 = tpu.memref_slice %arg10[%dma_wait3A_371, %dma_wait3A_372] : memref<10240x128xf32, #tpu.memory_space<vmem_shared>> -> memref<10240x128xf32, #tpu.memory_space<vmem_shared>>
      tpu.wait_indirect_dma semaphore(%arg14 : memref<!tpu.dma_semaphore, #tpu.memory_space<semaphore_mem>>) src(%arg9 : memref<112x128xf32, #tpu.memory_space<vmem>>) dst(%dma_wait3A_373 : memref<10240x128xf32, #tpu.memory_space<vmem_shared>>)
      %add3A_374 = arith.constant 3 : i32
      %add3A_375 = arith.addi %mul3A_293, %add3A_374 : i32
      %add3A_376 = arith.addi %mul3A_35, %add3A_375 : i32
      %dma_wait3A_377 = arith.constant 3 : i32
      %dma_wait3A_378 = arith.constant 0 : i32
      %dma_wait3A_379 = tpu.memref_slice %arg6[%dma_wait3A_377, %dma_wait3A_378] : memref<4x112xi32, #tpu.memory_space<vmem>> -> memref<1x112xi32, #tpu.memory_space<vmem>>
      %dma_wait3A_380 = tpu.memref_squeeze %dma_wait3A_379 : memref<1x112xi32, #tpu.memory_space<vmem>> -> memref<112xi32, #tpu.memory_space<vmem>>
      %dma_wait3A_381 = arith.constant 0 : i32
      %dma_wait3A_382 = tpu.memref_slice %arg3[%add3A_376, %dma_wait3A_381] : memref<2944x112xi32, #tpu.memory_space<hbm>> -> memref<1x112xi32, #tpu.memory_space<hbm>>
      %dma_wait3A_383 = tpu.memref_squeeze %dma_wait3A_382 : memref<1x112xi32, #tpu.memory_space<hbm>> -> memref<112xi32, #tpu.memory_space<hbm>>
      %dma_wait3A_384 = arith.constant 0 : i32
      %dma_wait3A_385 = tpu.memref_slice %arg6[%dma_wait3A_377, %dma_wait3A_384] : memref<4x112xi32, #tpu.memory_space<vmem>> -> memref<1x112xi32, #tpu.memory_space<vmem>>
      %dma_wait3A_386 = tpu.memref_squeeze %dma_wait3A_385 : memref<1x112xi32, #tpu.memory_space<vmem>> -> memref<112xi32, #tpu.memory_space<vmem>>
      %dma_wait3A_387 = arith.constant 0 : i32
      %dma_wait3A_388 = tpu.memref_slice %arg3[%add3A_376, %dma_wait3A_387] : memref<2944x112xi32, #tpu.memory_space<hbm>> -> memref<1x112xi32, #tpu.memory_space<hbm>>
      %dma_wait3A_389 = tpu.memref_squeeze %dma_wait3A_388 : memref<1x112xi32, #tpu.memory_space<hbm>> -> memref<112xi32, #tpu.memory_space<hbm>>
      tpu.wait_dma2 semaphore(%arg18 : memref<!tpu.dma_semaphore, #tpu.memory_space<semaphore_mem>>) src(%dma_wait3A_389 : memref<112xi32, #tpu.memory_space<hbm>>) dst(%dma_wait3A_386 : memref<112xi32, #tpu.memory_space<vmem>>)
      %add3A_390 = arith.addi %mul3A_35, %add3A_375 : i32
      %dma_wait3A_391 = arith.constant 3 : i32
      %dma_wait3A_392 = arith.constant 0 : i32
      %dma_wait3A_393 = tpu.memref_slice %arg7[%dma_wait3A_391, %dma_wait3A_392] : memref<4x112xi32, #tpu.memory_space<vmem>> -> memref<1x112xi32, #tpu.memory_space<vmem>>
      %dma_wait3A_394 = tpu.memref_squeeze %dma_wait3A_393 : memref<1x112xi32, #tpu.memory_space<vmem>> -> memref<112xi32, #tpu.memory_space<vmem>>
      %dma_wait3A_395 = arith.constant 0 : i32
      %dma_wait3A_396 = tpu.memref_slice %arg4[%add3A_390, %dma_wait3A_395] : memref<2944x112xi32, #tpu.memory_space<hbm>> -> memref<1x112xi32, #tpu.memory_space<hbm>>
      %dma_wait3A_397 = tpu.memref_squeeze %dma_wait3A_396 : memref<1x112xi32, #tpu.memory_space<hbm>> -> memref<112xi32, #tpu.memory_space<hbm>>
      %dma_wait3A_398 = arith.constant 0 : i32
      %dma_wait3A_399 = tpu.memref_slice %arg7[%dma_wait3A_391, %dma_wait3A_398] : memref<4x112xi32, #tpu.memory_space<vmem>> -> memref<1x112xi32, #tpu.memory_space<vmem>>
      %dma_wait3A_400 = tpu.memref_squeeze %dma_wait3A_399 : memref<1x112xi32, #tpu.memory_space<vmem>> -> memref<112xi32, #tpu.memory_space<vmem>>
      %dma_wait3A_401 = arith.constant 0 : i32
      %dma_wait3A_402 = tpu.memref_slice %arg4[%add3A_390, %dma_wait3A_401] : memref<2944x112xi32, #tpu.memory_space<hbm>> -> memref<1x112xi32, #tpu.memory_space<hbm>>
      %dma_wait3A_403 = tpu.memref_squeeze %dma_wait3A_402 : memref<1x112xi32, #tpu.memory_space<hbm>> -> memref<112xi32, #tpu.memory_space<hbm>>
      tpu.wait_dma2 semaphore(%arg18 : memref<!tpu.dma_semaphore, #tpu.memory_space<semaphore_mem>>) src(%dma_wait3A_403 : memref<112xi32, #tpu.memory_space<hbm>>) dst(%dma_wait3A_400 : memref<112xi32, #tpu.memory_space<vmem>>)
      %dma_start3A_404 = arith.constant 3 : i32
      %dma_start3A_405 = arith.constant 0 : i32
      %dma_start3A_406 = tpu.memref_slice %arg6[%dma_start3A_404, %dma_start3A_405] : memref<4x112xi32, #tpu.memory_space<vmem>> -> memref<1x112xi32, #tpu.memory_space<vmem>>
      %dma_start3A_407 = tpu.memref_squeeze %dma_start3A_406 : memref<1x112xi32, #tpu.memory_space<vmem>> -> memref<112xi32, #tpu.memory_space<vmem>>
      %dma_start3A_408 = arith.constant 0 : i32
      %dma_start3A_409 = arith.constant 0 : i32
      %dma_start3A_410 = tpu.memref_slice %arg2[%dma_start3A_408, %dma_start3A_409] : memref<10240x128xf32, #tpu.memory_space<hbm>> -> memref<10240x128xf32, #tpu.memory_space<hbm>>
      tpu.enqueue_indirect_dma source(%dma_start3A_410 : memref<10240x128xf32, #tpu.memory_space<hbm>>) target(%arg9 : memref<112x128xf32, #tpu.memory_space<vmem>>) offsets(%dma_start3A_407 : memref<112xi32, #tpu.memory_space<vmem>>) semaphore(%arg12 : memref<!tpu.dma_semaphore, #tpu.memory_space<semaphore_mem>>)
      %convert_element_type3A = arith.extui %lt3A_294 : i1 to i32
      %cond3A = arith.constant 0 : i32
      %cond3A_411 = arith.cmpi ne, %convert_element_type3A, %cond3A : i32
      scf.if %cond3A_411 {
        %add3A_443 = arith.constant 4 : i32
        %add3A_444 = arith.addi %mul3A_293, %add3A_443 : i32
        %add3A_445 = arith.addi %mul3A_35, %add3A_444 : i32
        %dma_start3A_446 = arith.constant 0 : i32
        %dma_start3A_447 = arith.constant 0 : i32
        %dma_start3A_448 = tpu.memref_slice %arg6[%dma_start3A_446, %dma_start3A_447] : memref<4x112xi32, #tpu.memory_space<vmem>> -> memref<1x112xi32, #tpu.memory_space<vmem>>
        %dma_start3A_449 = tpu.memref_squeeze %dma_start3A_448 : memref<1x112xi32, #tpu.memory_space<vmem>> -> memref<112xi32, #tpu.memory_space<vmem>>
        %dma_start3A_450 = arith.constant 0 : i32
        %dma_start3A_451 = tpu.memref_slice %arg3[%add3A_445, %dma_start3A_450] : memref<2944x112xi32, #tpu.memory_space<hbm>> -> memref<1x112xi32, #tpu.memory_space<hbm>>
        %dma_start3A_452 = tpu.memref_squeeze %dma_start3A_451 : memref<1x112xi32, #tpu.memory_space<hbm>> -> memref<112xi32, #tpu.memory_space<hbm>>
        %dma_start3A_453 = arith.constant 0 : i32
        %dma_start3A_454 = tpu.memref_slice %arg6[%dma_start3A_446, %dma_start3A_453] : memref<4x112xi32, #tpu.memory_space<vmem>> -> memref<1x112xi32, #tpu.memory_space<vmem>>
        %dma_start3A_455 = tpu.memref_squeeze %dma_start3A_454 : memref<1x112xi32, #tpu.memory_space<vmem>> -> memref<112xi32, #tpu.memory_space<vmem>>
        %dma_start3A_456 = arith.constant 0 : i32
        %dma_start3A_457 = tpu.memref_slice %arg3[%add3A_445, %dma_start3A_456] : memref<2944x112xi32, #tpu.memory_space<hbm>> -> memref<1x112xi32, #tpu.memory_space<hbm>>
        %dma_start3A_458 = tpu.memref_squeeze %dma_start3A_457 : memref<1x112xi32, #tpu.memory_space<hbm>> -> memref<112xi32, #tpu.memory_space<hbm>>
        tpu.enqueue_dma source(%dma_start3A_458 : memref<112xi32, #tpu.memory_space<hbm>>) target(%dma_start3A_455 : memref<112xi32, #tpu.memory_space<vmem>>) target_semaphore(%arg15 : memref<!tpu.dma_semaphore, #tpu.memory_space<semaphore_mem>>)
        %add3A_459 = arith.addi %mul3A_35, %add3A_444 : i32
        %dma_start3A_460 = arith.constant 0 : i32
        %dma_start3A_461 = arith.constant 0 : i32
        %dma_start3A_462 = tpu.memref_slice %arg7[%dma_start3A_460, %dma_start3A_461] : memref<4x112xi32, #tpu.memory_space<vmem>> -> memref<1x112xi32, #tpu.memory_space<vmem>>
        %dma_start3A_463 = tpu.memref_squeeze %dma_start3A_462 : memref<1x112xi32, #tpu.memory_space<vmem>> -> memref<112xi32, #tpu.memory_space<vmem>>
        %dma_start3A_464 = arith.constant 0 : i32
        %dma_start3A_465 = tpu.memref_slice %arg4[%add3A_459, %dma_start3A_464] : memref<2944x112xi32, #tpu.memory_space<hbm>> -> memref<1x112xi32, #tpu.memory_space<hbm>>
        %dma_start3A_466 = tpu.memref_squeeze %dma_start3A_465 : memref<1x112xi32, #tpu.memory_space<hbm>> -> memref<112xi32, #tpu.memory_space<hbm>>
        %dma_start3A_467 = arith.constant 0 : i32
        %dma_start3A_468 = tpu.memref_slice %arg7[%dma_start3A_460, %dma_start3A_467] : memref<4x112xi32, #tpu.memory_space<vmem>> -> memref<1x112xi32, #tpu.memory_space<vmem>>
        %dma_start3A_469 = tpu.memref_squeeze %dma_start3A_468 : memref<1x112xi32, #tpu.memory_space<vmem>> -> memref<112xi32, #tpu.memory_space<vmem>>
        %dma_start3A_470 = arith.constant 0 : i32
        %dma_start3A_471 = tpu.memref_slice %arg4[%add3A_459, %dma_start3A_470] : memref<2944x112xi32, #tpu.memory_space<hbm>> -> memref<1x112xi32, #tpu.memory_space<hbm>>
        %dma_start3A_472 = tpu.memref_squeeze %dma_start3A_471 : memref<1x112xi32, #tpu.memory_space<hbm>> -> memref<112xi32, #tpu.memory_space<hbm>>
        tpu.enqueue_dma source(%dma_start3A_472 : memref<112xi32, #tpu.memory_space<hbm>>) target(%dma_start3A_469 : memref<112xi32, #tpu.memory_space<vmem>>) target_semaphore(%arg15 : memref<!tpu.dma_semaphore, #tpu.memory_space<semaphore_mem>>)
        %add3A_473 = arith.constant 5 : i32
        %add3A_474 = arith.addi %mul3A_293, %add3A_473 : i32
        %add3A_475 = arith.addi %mul3A_35, %add3A_474 : i32
        %dma_start3A_476 = arith.constant 1 : i32
        %dma_start3A_477 = arith.constant 0 : i32
        %dma_start3A_478 = tpu.memref_slice %arg6[%dma_start3A_476, %dma_start3A_477] : memref<4x112xi32, #tpu.memory_space<vmem>> -> memref<1x112xi32, #tpu.memory_space<vmem>>
        %dma_start3A_479 = tpu.memref_squeeze %dma_start3A_478 : memref<1x112xi32, #tpu.memory_space<vmem>> -> memref<112xi32, #tpu.memory_space<vmem>>
        %dma_start3A_480 = arith.constant 0 : i32
        %dma_start3A_481 = tpu.memref_slice %arg3[%add3A_475, %dma_start3A_480] : memref<2944x112xi32, #tpu.memory_space<hbm>> -> memref<1x112xi32, #tpu.memory_space<hbm>>
        %dma_start3A_482 = tpu.memref_squeeze %dma_start3A_481 : memref<1x112xi32, #tpu.memory_space<hbm>> -> memref<112xi32, #tpu.memory_space<hbm>>
        %dma_start3A_483 = arith.constant 0 : i32
        %dma_start3A_484 = tpu.memref_slice %arg6[%dma_start3A_476, %dma_start3A_483] : memref<4x112xi32, #tpu.memory_space<vmem>> -> memref<1x112xi32, #tpu.memory_space<vmem>>
        %dma_start3A_485 = tpu.memref_squeeze %dma_start3A_484 : memref<1x112xi32, #tpu.memory_space<vmem>> -> memref<112xi32, #tpu.memory_space<vmem>>
        %dma_start3A_486 = arith.constant 0 : i32
        %dma_start3A_487 = tpu.memref_slice %arg3[%add3A_475, %dma_start3A_486] : memref<2944x112xi32, #tpu.memory_space<hbm>> -> memref<1x112xi32, #tpu.memory_space<hbm>>
        %dma_start3A_488 = tpu.memref_squeeze %dma_start3A_487 : memref<1x112xi32, #tpu.memory_space<hbm>> -> memref<112xi32, #tpu.memory_space<hbm>>
        tpu.enqueue_dma source(%dma_start3A_488 : memref<112xi32, #tpu.memory_space<hbm>>) target(%dma_start3A_485 : memref<112xi32, #tpu.memory_space<vmem>>) target_semaphore(%arg16 : memref<!tpu.dma_semaphore, #tpu.memory_space<semaphore_mem>>)
        %add3A_489 = arith.addi %mul3A_35, %add3A_474 : i32
        %dma_start3A_490 = arith.constant 1 : i32
        %dma_start3A_491 = arith.constant 0 : i32
        %dma_start3A_492 = tpu.memref_slice %arg7[%dma_start3A_490, %dma_start3A_491] : memref<4x112xi32, #tpu.memory_space<vmem>> -> memref<1x112xi32, #tpu.memory_space<vmem>>
        %dma_start3A_493 = tpu.memref_squeeze %dma_start3A_492 : memref<1x112xi32, #tpu.memory_space<vmem>> -> memref<112xi32, #tpu.memory_space<vmem>>
        %dma_start3A_494 = arith.constant 0 : i32
        %dma_start3A_495 = tpu.memref_slice %arg4[%add3A_489, %dma_start3A_494] : memref<2944x112xi32, #tpu.memory_space<hbm>> -> memref<1x112xi32, #tpu.memory_space<hbm>>
        %dma_start3A_496 = tpu.memref_squeeze %dma_start3A_495 : memref<1x112xi32, #tpu.memory_space<hbm>> -> memref<112xi32, #tpu.memory_space<hbm>>
        %dma_start3A_497 = arith.constant 0 : i32
        %dma_start3A_498 = tpu.memref_slice %arg7[%dma_start3A_490, %dma_start3A_497] : memref<4x112xi32, #tpu.memory_space<vmem>> -> memref<1x112xi32, #tpu.memory_space<vmem>>
        %dma_start3A_499 = tpu.memref_squeeze %dma_start3A_498 : memref<1x112xi32, #tpu.memory_space<vmem>> -> memref<112xi32, #tpu.memory_space<vmem>>
        %dma_start3A_500 = arith.constant 0 : i32
        %dma_start3A_501 = tpu.memref_slice %arg4[%add3A_489, %dma_start3A_500] : memref<2944x112xi32, #tpu.memory_space<hbm>> -> memref<1x112xi32, #tpu.memory_space<hbm>>
        %dma_start3A_502 = tpu.memref_squeeze %dma_start3A_501 : memref<1x112xi32, #tpu.memory_space<hbm>> -> memref<112xi32, #tpu.memory_space<hbm>>
        tpu.enqueue_dma source(%dma_start3A_502 : memref<112xi32, #tpu.memory_space<hbm>>) target(%dma_start3A_499 : memref<112xi32, #tpu.memory_space<vmem>>) target_semaphore(%arg16 : memref<!tpu.dma_semaphore, #tpu.memory_space<semaphore_mem>>)
      } else {
      }
      %dma_wait3A_412 = arith.constant 2 : i32
      %dma_wait3A_413 = arith.constant 0 : i32
      %dma_wait3A_414 = tpu.memref_slice %arg6[%dma_wait3A_412, %dma_wait3A_413] : memref<4x112xi32, #tpu.memory_space<vmem>> -> memref<1x112xi32, #tpu.memory_space<vmem>>
      %dma_wait3A_415 = tpu.memref_squeeze %dma_wait3A_414 : memref<1x112xi32, #tpu.memory_space<vmem>> -> memref<112xi32, #tpu.memory_space<vmem>>
      %dma_wait3A_416 = arith.constant 0 : i32
      %dma_wait3A_417 = arith.constant 0 : i32
      %dma_wait3A_418 = tpu.memref_slice %arg2[%dma_wait3A_416, %dma_wait3A_417] : memref<10240x128xf32, #tpu.memory_space<hbm>> -> memref<10240x128xf32, #tpu.memory_space<hbm>>
      tpu.wait_indirect_dma semaphore(%arg11 : memref<!tpu.dma_semaphore, #tpu.memory_space<semaphore_mem>>) src(%dma_wait3A_418 : memref<10240x128xf32, #tpu.memory_space<hbm>>) dst(%arg8 : memref<112x128xf32, #tpu.memory_space<vmem>>)
      %dma_start3A_419 = arith.constant 2 : i32
      %dma_start3A_420 = arith.constant 0 : i32
      %dma_start3A_421 = tpu.memref_slice %arg7[%dma_start3A_419, %dma_start3A_420] : memref<4x112xi32, #tpu.memory_space<vmem>> -> memref<1x112xi32, #tpu.memory_space<vmem>>
      %dma_start3A_422 = tpu.memref_squeeze %dma_start3A_421 : memref<1x112xi32, #tpu.memory_space<vmem>> -> memref<112xi32, #tpu.memory_space<vmem>>
      %dma_start3A_423 = arith.constant 0 : i32
      %dma_start3A_424 = arith.constant 0 : i32
      %dma_start3A_425 = tpu.memref_slice %arg10[%dma_start3A_423, %dma_start3A_424] : memref<10240x128xf32, #tpu.memory_space<vmem_shared>> -> memref<10240x128xf32, #tpu.memory_space<vmem_shared>>
      tpu.enqueue_indirect_dma source(%arg8 : memref<112x128xf32, #tpu.memory_space<vmem>>) target(%dma_start3A_425 : memref<10240x128xf32, #tpu.memory_space<vmem_shared>>) offsets(%dma_start3A_422 : memref<112xi32, #tpu.memory_space<vmem>>) semaphore(%arg13 : memref<!tpu.dma_semaphore, #tpu.memory_space<semaphore_mem>>) {add = true}
      %dma_wait3A_426 = arith.constant 3 : i32
      %dma_wait3A_427 = arith.constant 0 : i32
      %dma_wait3A_428 = tpu.memref_slice %arg6[%dma_wait3A_426, %dma_wait3A_427] : memref<4x112xi32, #tpu.memory_space<vmem>> -> memref<1x112xi32, #tpu.memory_space<vmem>>
      %dma_wait3A_429 = tpu.memref_squeeze %dma_wait3A_428 : memref<1x112xi32, #tpu.memory_space<vmem>> -> memref<112xi32, #tpu.memory_space<vmem>>
      %dma_wait3A_430 = arith.constant 0 : i32
      %dma_wait3A_431 = arith.constant 0 : i32
      %dma_wait3A_432 = tpu.memref_slice %arg2[%dma_wait3A_430, %dma_wait3A_431] : memref<10240x128xf32, #tpu.memory_space<hbm>> -> memref<10240x128xf32, #tpu.memory_space<hbm>>
      tpu.wait_indirect_dma semaphore(%arg12 : memref<!tpu.dma_semaphore, #tpu.memory_space<semaphore_mem>>) src(%dma_wait3A_432 : memref<10240x128xf32, #tpu.memory_space<hbm>>) dst(%arg9 : memref<112x128xf32, #tpu.memory_space<vmem>>)
      %dma_start3A_433 = arith.constant 3 : i32
      %dma_start3A_434 = arith.constant 0 : i32
      %dma_start3A_435 = tpu.memref_slice %arg7[%dma_start3A_433, %dma_start3A_434] : memref<4x112xi32, #tpu.memory_space<vmem>> -> memref<1x112xi32, #tpu.memory_space<vmem>>
      %dma_start3A_436 = tpu.memref_squeeze %dma_start3A_435 : memref<1x112xi32, #tpu.memory_space<vmem>> -> memref<112xi32, #tpu.memory_space<vmem>>
      %dma_start3A_437 = arith.constant 0 : i32
      %dma_start3A_438 = arith.constant 0 : i32
      %dma_start3A_439 = tpu.memref_slice %arg10[%dma_start3A_437, %dma_start3A_438] : memref<10240x128xf32, #tpu.memory_space<vmem_shared>> -> memref<10240x128xf32, #tpu.memory_space<vmem_shared>>
      tpu.enqueue_indirect_dma source(%arg9 : memref<112x128xf32, #tpu.memory_space<vmem>>) target(%dma_start3A_439 : memref<10240x128xf32, #tpu.memory_space<vmem_shared>>) offsets(%dma_start3A_436 : memref<112xi32, #tpu.memory_space<vmem>>) semaphore(%arg14 : memref<!tpu.dma_semaphore, #tpu.memory_space<semaphore_mem>>) {add = true}
      %convert_element_type3A_440 = arith.extui %lt3A_294 : i1 to i32
      %cond3A_441 = arith.constant 0 : i32
      %cond3A_442 = arith.cmpi ne, %convert_element_type3A_440, %cond3A_441 : i32
      scf.if %cond3A_442 {
        %dma_wait3A_443 = arith.constant 2 : i32
        %dma_wait3A_444 = arith.constant 0 : i32
        %dma_wait3A_445 = tpu.memref_slice %arg7[%dma_wait3A_443, %dma_wait3A_444] : memref<4x112xi32, #tpu.memory_space<vmem>> -> memref<1x112xi32, #tpu.memory_space<vmem>>
        %dma_wait3A_446 = tpu.memref_squeeze %dma_wait3A_445 : memref<1x112xi32, #tpu.memory_space<vmem>> -> memref<112xi32, #tpu.memory_space<vmem>>
        %dma_wait3A_447 = arith.constant 0 : i32
        %dma_wait3A_448 = arith.constant 0 : i32
        %dma_wait3A_449 = tpu.memref_slice %arg10[%dma_wait3A_447, %dma_wait3A_448] : memref<10240x128xf32, #tpu.memory_space<vmem_shared>> -> memref<10240x128xf32, #tpu.memory_space<vmem_shared>>
        tpu.wait_indirect_dma semaphore(%arg13 : memref<!tpu.dma_semaphore, #tpu.memory_space<semaphore_mem>>) src(%arg8 : memref<112x128xf32, #tpu.memory_space<vmem>>) dst(%dma_wait3A_449 : memref<10240x128xf32, #tpu.memory_space<vmem_shared>>)
        %add3A_450 = arith.constant 4 : i32
        %add3A_451 = arith.addi %mul3A_293, %add3A_450 : i32
        %add3A_452 = arith.addi %mul3A_35, %add3A_451 : i32
        %dma_wait3A_453 = arith.constant 0 : i32
        %dma_wait3A_454 = arith.constant 0 : i32
        %dma_wait3A_455 = tpu.memref_slice %arg6[%dma_wait3A_453, %dma_wait3A_454] : memref<4x112xi32, #tpu.memory_space<vmem>> -> memref<1x112xi32, #tpu.memory_space<vmem>>
        %dma_wait3A_456 = tpu.memref_squeeze %dma_wait3A_455 : memref<1x112xi32, #tpu.memory_space<vmem>> -> memref<112xi32, #tpu.memory_space<vmem>>
        %dma_wait3A_457 = arith.constant 0 : i32
        %dma_wait3A_458 = tpu.memref_slice %arg3[%add3A_452, %dma_wait3A_457] : memref<2944x112xi32, #tpu.memory_space<hbm>> -> memref<1x112xi32, #tpu.memory_space<hbm>>
        %dma_wait3A_459 = tpu.memref_squeeze %dma_wait3A_458 : memref<1x112xi32, #tpu.memory_space<hbm>> -> memref<112xi32, #tpu.memory_space<hbm>>
        %dma_wait3A_460 = arith.constant 0 : i32
        %dma_wait3A_461 = tpu.memref_slice %arg6[%dma_wait3A_453, %dma_wait3A_460] : memref<4x112xi32, #tpu.memory_space<vmem>> -> memref<1x112xi32, #tpu.memory_space<vmem>>
        %dma_wait3A_462 = tpu.memref_squeeze %dma_wait3A_461 : memref<1x112xi32, #tpu.memory_space<vmem>> -> memref<112xi32, #tpu.memory_space<vmem>>
        %dma_wait3A_463 = arith.constant 0 : i32
        %dma_wait3A_464 = tpu.memref_slice %arg3[%add3A_452, %dma_wait3A_463] : memref<2944x112xi32, #tpu.memory_space<hbm>> -> memref<1x112xi32, #tpu.memory_space<hbm>>
        %dma_wait3A_465 = tpu.memref_squeeze %dma_wait3A_464 : memref<1x112xi32, #tpu.memory_space<hbm>> -> memref<112xi32, #tpu.memory_space<hbm>>
        tpu.wait_dma2 semaphore(%arg15 : memref<!tpu.dma_semaphore, #tpu.memory_space<semaphore_mem>>) src(%dma_wait3A_465 : memref<112xi32, #tpu.memory_space<hbm>>) dst(%dma_wait3A_462 : memref<112xi32, #tpu.memory_space<vmem>>)
        %add3A_466 = arith.addi %mul3A_35, %add3A_451 : i32
        %dma_wait3A_467 = arith.constant 0 : i32
        %dma_wait3A_468 = arith.constant 0 : i32
        %dma_wait3A_469 = tpu.memref_slice %arg7[%dma_wait3A_467, %dma_wait3A_468] : memref<4x112xi32, #tpu.memory_space<vmem>> -> memref<1x112xi32, #tpu.memory_space<vmem>>
        %dma_wait3A_470 = tpu.memref_squeeze %dma_wait3A_469 : memref<1x112xi32, #tpu.memory_space<vmem>> -> memref<112xi32, #tpu.memory_space<vmem>>
        %dma_wait3A_471 = arith.constant 0 : i32
        %dma_wait3A_472 = tpu.memref_slice %arg4[%add3A_466, %dma_wait3A_471] : memref<2944x112xi32, #tpu.memory_space<hbm>> -> memref<1x112xi32, #tpu.memory_space<hbm>>
        %dma_wait3A_473 = tpu.memref_squeeze %dma_wait3A_472 : memref<1x112xi32, #tpu.memory_space<hbm>> -> memref<112xi32, #tpu.memory_space<hbm>>
        %dma_wait3A_474 = arith.constant 0 : i32
        %dma_wait3A_475 = tpu.memref_slice %arg7[%dma_wait3A_467, %dma_wait3A_474] : memref<4x112xi32, #tpu.memory_space<vmem>> -> memref<1x112xi32, #tpu.memory_space<vmem>>
        %dma_wait3A_476 = tpu.memref_squeeze %dma_wait3A_475 : memref<1x112xi32, #tpu.memory_space<vmem>> -> memref<112xi32, #tpu.memory_space<vmem>>
        %dma_wait3A_477 = arith.constant 0 : i32
        %dma_wait3A_478 = tpu.memref_slice %arg4[%add3A_466, %dma_wait3A_477] : memref<2944x112xi32, #tpu.memory_space<hbm>> -> memref<1x112xi32, #tpu.memory_space<hbm>>
        %dma_wait3A_479 = tpu.memref_squeeze %dma_wait3A_478 : memref<1x112xi32, #tpu.memory_space<hbm>> -> memref<112xi32, #tpu.memory_space<hbm>>
        tpu.wait_dma2 semaphore(%arg15 : memref<!tpu.dma_semaphore, #tpu.memory_space<semaphore_mem>>) src(%dma_wait3A_479 : memref<112xi32, #tpu.memory_space<hbm>>) dst(%dma_wait3A_476 : memref<112xi32, #tpu.memory_space<vmem>>)
        %dma_start3A_480 = arith.constant 0 : i32
        %dma_start3A_481 = arith.constant 0 : i32
        %dma_start3A_482 = tpu.memref_slice %arg6[%dma_start3A_480, %dma_start3A_481] : memref<4x112xi32, #tpu.memory_space<vmem>> -> memref<1x112xi32, #tpu.memory_space<vmem>>
        %dma_start3A_483 = tpu.memref_squeeze %dma_start3A_482 : memref<1x112xi32, #tpu.memory_space<vmem>> -> memref<112xi32, #tpu.memory_space<vmem>>
        %dma_start3A_484 = arith.constant 0 : i32
        %dma_start3A_485 = arith.constant 0 : i32
        %dma_start3A_486 = tpu.memref_slice %arg2[%dma_start3A_484, %dma_start3A_485] : memref<10240x128xf32, #tpu.memory_space<hbm>> -> memref<10240x128xf32, #tpu.memory_space<hbm>>
        tpu.enqueue_indirect_dma source(%dma_start3A_486 : memref<10240x128xf32, #tpu.memory_space<hbm>>) target(%arg8 : memref<112x128xf32, #tpu.memory_space<vmem>>) offsets(%dma_start3A_483 : memref<112xi32, #tpu.memory_space<vmem>>) semaphore(%arg11 : memref<!tpu.dma_semaphore, #tpu.memory_space<semaphore_mem>>)
        %dma_wait3A_487 = arith.constant 3 : i32
        %dma_wait3A_488 = arith.constant 0 : i32
        %dma_wait3A_489 = tpu.memref_slice %arg7[%dma_wait3A_487, %dma_wait3A_488] : memref<4x112xi32, #tpu.memory_space<vmem>> -> memref<1x112xi32, #tpu.memory_space<vmem>>
        %dma_wait3A_490 = tpu.memref_squeeze %dma_wait3A_489 : memref<1x112xi32, #tpu.memory_space<vmem>> -> memref<112xi32, #tpu.memory_space<vmem>>
        %dma_wait3A_491 = arith.constant 0 : i32
        %dma_wait3A_492 = arith.constant 0 : i32
        %dma_wait3A_493 = tpu.memref_slice %arg10[%dma_wait3A_491, %dma_wait3A_492] : memref<10240x128xf32, #tpu.memory_space<vmem_shared>> -> memref<10240x128xf32, #tpu.memory_space<vmem_shared>>
        tpu.wait_indirect_dma semaphore(%arg14 : memref<!tpu.dma_semaphore, #tpu.memory_space<semaphore_mem>>) src(%arg9 : memref<112x128xf32, #tpu.memory_space<vmem>>) dst(%dma_wait3A_493 : memref<10240x128xf32, #tpu.memory_space<vmem_shared>>)
        %add3A_494 = arith.constant 5 : i32
        %add3A_495 = arith.addi %mul3A_293, %add3A_494 : i32
        %add3A_496 = arith.addi %mul3A_35, %add3A_495 : i32
        %dma_wait3A_497 = arith.constant 1 : i32
        %dma_wait3A_498 = arith.constant 0 : i32
        %dma_wait3A_499 = tpu.memref_slice %arg6[%dma_wait3A_497, %dma_wait3A_498] : memref<4x112xi32, #tpu.memory_space<vmem>> -> memref<1x112xi32, #tpu.memory_space<vmem>>
        %dma_wait3A_500 = tpu.memref_squeeze %dma_wait3A_499 : memref<1x112xi32, #tpu.memory_space<vmem>> -> memref<112xi32, #tpu.memory_space<vmem>>
        %dma_wait3A_501 = arith.constant 0 : i32
        %dma_wait3A_502 = tpu.memref_slice %arg3[%add3A_496, %dma_wait3A_501] : memref<2944x112xi32, #tpu.memory_space<hbm>> -> memref<1x112xi32, #tpu.memory_space<hbm>>
        %dma_wait3A_503 = tpu.memref_squeeze %dma_wait3A_502 : memref<1x112xi32, #tpu.memory_space<hbm>> -> memref<112xi32, #tpu.memory_space<hbm>>
        %dma_wait3A_504 = arith.constant 0 : i32
        %dma_wait3A_505 = tpu.memref_slice %arg6[%dma_wait3A_497, %dma_wait3A_504] : memref<4x112xi32, #tpu.memory_space<vmem>> -> memref<1x112xi32, #tpu.memory_space<vmem>>
        %dma_wait3A_506 = tpu.memref_squeeze %dma_wait3A_505 : memref<1x112xi32, #tpu.memory_space<vmem>> -> memref<112xi32, #tpu.memory_space<vmem>>
        %dma_wait3A_507 = arith.constant 0 : i32
        %dma_wait3A_508 = tpu.memref_slice %arg3[%add3A_496, %dma_wait3A_507] : memref<2944x112xi32, #tpu.memory_space<hbm>> -> memref<1x112xi32, #tpu.memory_space<hbm>>
        %dma_wait3A_509 = tpu.memref_squeeze %dma_wait3A_508 : memref<1x112xi32, #tpu.memory_space<hbm>> -> memref<112xi32, #tpu.memory_space<hbm>>
        tpu.wait_dma2 semaphore(%arg16 : memref<!tpu.dma_semaphore, #tpu.memory_space<semaphore_mem>>) src(%dma_wait3A_509 : memref<112xi32, #tpu.memory_space<hbm>>) dst(%dma_wait3A_506 : memref<112xi32, #tpu.memory_space<vmem>>)
        %add3A_510 = arith.addi %mul3A_35, %add3A_495 : i32
        %dma_wait3A_511 = arith.constant 1 : i32
        %dma_wait3A_512 = arith.constant 0 : i32
        %dma_wait3A_513 = tpu.memref_slice %arg7[%dma_wait3A_511, %dma_wait3A_512] : memref<4x112xi32, #tpu.memory_space<vmem>> -> memref<1x112xi32, #tpu.memory_space<vmem>>
        %dma_wait3A_514 = tpu.memref_squeeze %dma_wait3A_513 : memref<1x112xi32, #tpu.memory_space<vmem>> -> memref<112xi32, #tpu.memory_space<vmem>>
        %dma_wait3A_515 = arith.constant 0 : i32
        %dma_wait3A_516 = tpu.memref_slice %arg4[%add3A_510, %dma_wait3A_515] : memref<2944x112xi32, #tpu.memory_space<hbm>> -> memref<1x112xi32, #tpu.memory_space<hbm>>
        %dma_wait3A_517 = tpu.memref_squeeze %dma_wait3A_516 : memref<1x112xi32, #tpu.memory_space<hbm>> -> memref<112xi32, #tpu.memory_space<hbm>>
        %dma_wait3A_518 = arith.constant 0 : i32
        %dma_wait3A_519 = tpu.memref_slice %arg7[%dma_wait3A_511, %dma_wait3A_518] : memref<4x112xi32, #tpu.memory_space<vmem>> -> memref<1x112xi32, #tpu.memory_space<vmem>>
        %dma_wait3A_520 = tpu.memref_squeeze %dma_wait3A_519 : memref<1x112xi32, #tpu.memory_space<vmem>> -> memref<112xi32, #tpu.memory_space<vmem>>
        %dma_wait3A_521 = arith.constant 0 : i32
        %dma_wait3A_522 = tpu.memref_slice %arg4[%add3A_510, %dma_wait3A_521] : memref<2944x112xi32, #tpu.memory_space<hbm>> -> memref<1x112xi32, #tpu.memory_space<hbm>>
        %dma_wait3A_523 = tpu.memref_squeeze %dma_wait3A_522 : memref<1x112xi32, #tpu.memory_space<hbm>> -> memref<112xi32, #tpu.memory_space<hbm>>
        tpu.wait_dma2 semaphore(%arg16 : memref<!tpu.dma_semaphore, #tpu.memory_space<semaphore_mem>>) src(%dma_wait3A_523 : memref<112xi32, #tpu.memory_space<hbm>>) dst(%dma_wait3A_520 : memref<112xi32, #tpu.memory_space<vmem>>)
        %dma_start3A_524 = arith.constant 1 : i32
        %dma_start3A_525 = arith.constant 0 : i32
        %dma_start3A_526 = tpu.memref_slice %arg6[%dma_start3A_524, %dma_start3A_525] : memref<4x112xi32, #tpu.memory_space<vmem>> -> memref<1x112xi32, #tpu.memory_space<vmem>>
        %dma_start3A_527 = tpu.memref_squeeze %dma_start3A_526 : memref<1x112xi32, #tpu.memory_space<vmem>> -> memref<112xi32, #tpu.memory_space<vmem>>
        %dma_start3A_528 = arith.constant 0 : i32
        %dma_start3A_529 = arith.constant 0 : i32
        %dma_start3A_530 = tpu.memref_slice %arg2[%dma_start3A_528, %dma_start3A_529] : memref<10240x128xf32, #tpu.memory_space<hbm>> -> memref<10240x128xf32, #tpu.memory_space<hbm>>
        tpu.enqueue_indirect_dma source(%dma_start3A_530 : memref<10240x128xf32, #tpu.memory_space<hbm>>) target(%arg9 : memref<112x128xf32, #tpu.memory_space<vmem>>) offsets(%dma_start3A_527 : memref<112xi32, #tpu.memory_space<vmem>>) semaphore(%arg12 : memref<!tpu.dma_semaphore, #tpu.memory_space<semaphore_mem>>)
        %add3A_531 = arith.constant 6 : i32
        %add3A_532 = arith.addi %mul3A_293, %add3A_531 : i32
        %add3A_533 = arith.addi %mul3A_35, %add3A_532 : i32
        %dma_start3A_534 = arith.constant 2 : i32
        %dma_start3A_535 = arith.constant 0 : i32
        %dma_start3A_536 = tpu.memref_slice %arg6[%dma_start3A_534, %dma_start3A_535] : memref<4x112xi32, #tpu.memory_space<vmem>> -> memref<1x112xi32, #tpu.memory_space<vmem>>
        %dma_start3A_537 = tpu.memref_squeeze %dma_start3A_536 : memref<1x112xi32, #tpu.memory_space<vmem>> -> memref<112xi32, #tpu.memory_space<vmem>>
        %dma_start3A_538 = arith.constant 0 : i32
        %dma_start3A_539 = tpu.memref_slice %arg3[%add3A_533, %dma_start3A_538] : memref<2944x112xi32, #tpu.memory_space<hbm>> -> memref<1x112xi32, #tpu.memory_space<hbm>>
        %dma_start3A_540 = tpu.memref_squeeze %dma_start3A_539 : memref<1x112xi32, #tpu.memory_space<hbm>> -> memref<112xi32, #tpu.memory_space<hbm>>
        %dma_start3A_541 = arith.constant 0 : i32
        %dma_start3A_542 = tpu.memref_slice %arg6[%dma_start3A_534, %dma_start3A_541] : memref<4x112xi32, #tpu.memory_space<vmem>> -> memref<1x112xi32, #tpu.memory_space<vmem>>
        %dma_start3A_543 = tpu.memref_squeeze %dma_start3A_542 : memref<1x112xi32, #tpu.memory_space<vmem>> -> memref<112xi32, #tpu.memory_space<vmem>>
        %dma_start3A_544 = arith.constant 0 : i32
        %dma_start3A_545 = tpu.memref_slice %arg3[%add3A_533, %dma_start3A_544] : memref<2944x112xi32, #tpu.memory_space<hbm>> -> memref<1x112xi32, #tpu.memory_space<hbm>>
        %dma_start3A_546 = tpu.memref_squeeze %dma_start3A_545 : memref<1x112xi32, #tpu.memory_space<hbm>> -> memref<112xi32, #tpu.memory_space<hbm>>
        tpu.enqueue_dma source(%dma_start3A_546 : memref<112xi32, #tpu.memory_space<hbm>>) target(%dma_start3A_543 : memref<112xi32, #tpu.memory_space<vmem>>) target_semaphore(%arg17 : memref<!tpu.dma_semaphore, #tpu.memory_space<semaphore_mem>>)
        %add3A_547 = arith.addi %mul3A_35, %add3A_532 : i32
        %dma_start3A_548 = arith.constant 2 : i32
        %dma_start3A_549 = arith.constant 0 : i32
        %dma_start3A_550 = tpu.memref_slice %arg7[%dma_start3A_548, %dma_start3A_549] : memref<4x112xi32, #tpu.memory_space<vmem>> -> memref<1x112xi32, #tpu.memory_space<vmem>>
        %dma_start3A_551 = tpu.memref_squeeze %dma_start3A_550 : memref<1x112xi32, #tpu.memory_space<vmem>> -> memref<112xi32, #tpu.memory_space<vmem>>
        %dma_start3A_552 = arith.constant 0 : i32
        %dma_start3A_553 = tpu.memref_slice %arg4[%add3A_547, %dma_start3A_552] : memref<2944x112xi32, #tpu.memory_space<hbm>> -> memref<1x112xi32, #tpu.memory_space<hbm>>
        %dma_start3A_554 = tpu.memref_squeeze %dma_start3A_553 : memref<1x112xi32, #tpu.memory_space<hbm>> -> memref<112xi32, #tpu.memory_space<hbm>>
        %dma_start3A_555 = arith.constant 0 : i32
        %dma_start3A_556 = tpu.memref_slice %arg7[%dma_start3A_548, %dma_start3A_555] : memref<4x112xi32, #tpu.memory_space<vmem>> -> memref<1x112xi32, #tpu.memory_space<vmem>>
        %dma_start3A_557 = tpu.memref_squeeze %dma_start3A_556 : memref<1x112xi32, #tpu.memory_space<vmem>> -> memref<112xi32, #tpu.memory_space<vmem>>
        %dma_start3A_558 = arith.constant 0 : i32
        %dma_start3A_559 = tpu.memref_slice %arg4[%add3A_547, %dma_start3A_558] : memref<2944x112xi32, #tpu.memory_space<hbm>> -> memref<1x112xi32, #tpu.memory_space<hbm>>
        %dma_start3A_560 = tpu.memref_squeeze %dma_start3A_559 : memref<1x112xi32, #tpu.memory_space<hbm>> -> memref<112xi32, #tpu.memory_space<hbm>>
        tpu.enqueue_dma source(%dma_start3A_560 : memref<112xi32, #tpu.memory_space<hbm>>) target(%dma_start3A_557 : memref<112xi32, #tpu.memory_space<vmem>>) target_semaphore(%arg17 : memref<!tpu.dma_semaphore, #tpu.memory_space<semaphore_mem>>)
        %add3A_561 = arith.constant 7 : i32
        %add3A_562 = arith.addi %mul3A_293, %add3A_561 : i32
        %add3A_563 = arith.addi %mul3A_35, %add3A_562 : i32
        %dma_start3A_564 = arith.constant 3 : i32
        %dma_start3A_565 = arith.constant 0 : i32
        %dma_start3A_566 = tpu.memref_slice %arg6[%dma_start3A_564, %dma_start3A_565] : memref<4x112xi32, #tpu.memory_space<vmem>> -> memref<1x112xi32, #tpu.memory_space<vmem>>
        %dma_start3A_567 = tpu.memref_squeeze %dma_start3A_566 : memref<1x112xi32, #tpu.memory_space<vmem>> -> memref<112xi32, #tpu.memory_space<vmem>>
        %dma_start3A_568 = arith.constant 0 : i32
        %dma_start3A_569 = tpu.memref_slice %arg3[%add3A_563, %dma_start3A_568] : memref<2944x112xi32, #tpu.memory_space<hbm>> -> memref<1x112xi32, #tpu.memory_space<hbm>>
        %dma_start3A_570 = tpu.memref_squeeze %dma_start3A_569 : memref<1x112xi32, #tpu.memory_space<hbm>> -> memref<112xi32, #tpu.memory_space<hbm>>
        %dma_start3A_571 = arith.constant 0 : i32
        %dma_start3A_572 = tpu.memref_slice %arg6[%dma_start3A_564, %dma_start3A_571] : memref<4x112xi32, #tpu.memory_space<vmem>> -> memref<1x112xi32, #tpu.memory_space<vmem>>
        %dma_start3A_573 = tpu.memref_squeeze %dma_start3A_572 : memref<1x112xi32, #tpu.memory_space<vmem>> -> memref<112xi32, #tpu.memory_space<vmem>>
        %dma_start3A_574 = arith.constant 0 : i32
        %dma_start3A_575 = tpu.memref_slice %arg3[%add3A_563, %dma_start3A_574] : memref<2944x112xi32, #tpu.memory_space<hbm>> -> memref<1x112xi32, #tpu.memory_space<hbm>>
        %dma_start3A_576 = tpu.memref_squeeze %dma_start3A_575 : memref<1x112xi32, #tpu.memory_space<hbm>> -> memref<112xi32, #tpu.memory_space<hbm>>
        tpu.enqueue_dma source(%dma_start3A_576 : memref<112xi32, #tpu.memory_space<hbm>>) target(%dma_start3A_573 : memref<112xi32, #tpu.memory_space<vmem>>) target_semaphore(%arg18 : memref<!tpu.dma_semaphore, #tpu.memory_space<semaphore_mem>>)
        %add3A_577 = arith.addi %mul3A_35, %add3A_562 : i32
        %dma_start3A_578 = arith.constant 3 : i32
        %dma_start3A_579 = arith.constant 0 : i32
        %dma_start3A_580 = tpu.memref_slice %arg7[%dma_start3A_578, %dma_start3A_579] : memref<4x112xi32, #tpu.memory_space<vmem>> -> memref<1x112xi32, #tpu.memory_space<vmem>>
        %dma_start3A_581 = tpu.memref_squeeze %dma_start3A_580 : memref<1x112xi32, #tpu.memory_space<vmem>> -> memref<112xi32, #tpu.memory_space<vmem>>
        %dma_start3A_582 = arith.constant 0 : i32
        %dma_start3A_583 = tpu.memref_slice %arg4[%add3A_577, %dma_start3A_582] : memref<2944x112xi32, #tpu.memory_space<hbm>> -> memref<1x112xi32, #tpu.memory_space<hbm>>
        %dma_start3A_584 = tpu.memref_squeeze %dma_start3A_583 : memref<1x112xi32, #tpu.memory_space<hbm>> -> memref<112xi32, #tpu.memory_space<hbm>>
        %dma_start3A_585 = arith.constant 0 : i32
        %dma_start3A_586 = tpu.memref_slice %arg7[%dma_start3A_578, %dma_start3A_585] : memref<4x112xi32, #tpu.memory_space<vmem>> -> memref<1x112xi32, #tpu.memory_space<vmem>>
        %dma_start3A_587 = tpu.memref_squeeze %dma_start3A_586 : memref<1x112xi32, #tpu.memory_space<vmem>> -> memref<112xi32, #tpu.memory_space<vmem>>
        %dma_start3A_588 = arith.constant 0 : i32
        %dma_start3A_589 = tpu.memref_slice %arg4[%add3A_577, %dma_start3A_588] : memref<2944x112xi32, #tpu.memory_space<hbm>> -> memref<1x112xi32, #tpu.memory_space<hbm>>
        %dma_start3A_590 = tpu.memref_squeeze %dma_start3A_589 : memref<1x112xi32, #tpu.memory_space<hbm>> -> memref<112xi32, #tpu.memory_space<hbm>>
        tpu.enqueue_dma source(%dma_start3A_590 : memref<112xi32, #tpu.memory_space<hbm>>) target(%dma_start3A_587 : memref<112xi32, #tpu.memory_space<vmem>>) target_semaphore(%arg18 : memref<!tpu.dma_semaphore, #tpu.memory_space<semaphore_mem>>)
      } else {
      }
    }
    %scan3A_233 = arith.constant 23 : i32
    %dma_wait3A_234 = arith.constant 2 : i32
    %dma_wait3A_235 = arith.constant 0 : i32
    %dma_wait3A_236 = tpu.memref_slice %arg7[%dma_wait3A_234, %dma_wait3A_235] : memref<4x112xi32, #tpu.memory_space<vmem>> -> memref<1x112xi32, #tpu.memory_space<vmem>>
    %dma_wait3A_237 = tpu.memref_squeeze %dma_wait3A_236 : memref<1x112xi32, #tpu.memory_space<vmem>> -> memref<112xi32, #tpu.memory_space<vmem>>
    %dma_wait3A_238 = arith.constant 0 : i32
    %dma_wait3A_239 = arith.constant 0 : i32
    %dma_wait3A_240 = tpu.memref_slice %arg10[%dma_wait3A_238, %dma_wait3A_239] : memref<10240x128xf32, #tpu.memory_space<vmem_shared>> -> memref<10240x128xf32, #tpu.memory_space<vmem_shared>>
    tpu.wait_indirect_dma semaphore(%arg13 : memref<!tpu.dma_semaphore, #tpu.memory_space<semaphore_mem>>) src(%arg8 : memref<112x128xf32, #tpu.memory_space<vmem>>) dst(%dma_wait3A_240 : memref<10240x128xf32, #tpu.memory_space<vmem_shared>>)
    %dma_wait3A_241 = arith.constant 3 : i32
    %dma_wait3A_242 = arith.constant 0 : i32
    %dma_wait3A_243 = tpu.memref_slice %arg7[%dma_wait3A_241, %dma_wait3A_242] : memref<4x112xi32, #tpu.memory_space<vmem>> -> memref<1x112xi32, #tpu.memory_space<vmem>>
    %dma_wait3A_244 = tpu.memref_squeeze %dma_wait3A_243 : memref<1x112xi32, #tpu.memory_space<vmem>> -> memref<112xi32, #tpu.memory_space<vmem>>
    %dma_wait3A_245 = arith.constant 0 : i32
    %dma_wait3A_246 = arith.constant 0 : i32
    %dma_wait3A_247 = tpu.memref_slice %arg10[%dma_wait3A_245, %dma_wait3A_246] : memref<10240x128xf32, #tpu.memory_space<vmem_shared>> -> memref<10240x128xf32, #tpu.memory_space<vmem_shared>>
    tpu.wait_indirect_dma semaphore(%arg14 : memref<!tpu.dma_semaphore, #tpu.memory_space<semaphore_mem>>) src(%arg9 : memref<112x128xf32, #tpu.memory_space<vmem>>) dst(%dma_wait3A_247 : memref<10240x128xf32, #tpu.memory_space<vmem_shared>>)
    %barrier3A_248 = arith.constant 0 : index
    tpu.barrier barrier_id(%barrier3A_248)
    %mul3A_249 = arith.constant 640 : i32
    %mul3A_250 = arith.muli %arg1, %mul3A_249 : i32
    %add3A_251 = arith.constant 0 : i32
    %add3A_252 = arith.addi %mul3A_250, %add3A_251 : i32
    "tpu.region"() ({
      %run_scoped3A = tpu.sem_alloc : memref<!tpu.dma_semaphore, #tpu.memory_space<semaphore_mem>>
      %dma_start3A_291 = arith.constant 0 : i32
      %dma_start3A_292 = tpu.memref_slice %arg10[%add3A_252, %dma_start3A_291] : memref<10240x128xf32, #tpu.memory_space<vmem_shared>> -> memref<112x128xf32, #tpu.memory_space<vmem_shared>>
      %dma_start3A_293 = arith.constant 0 : i32
      %dma_start3A_294 = tpu.memref_slice %arg10[%add3A_252, %dma_start3A_293] : memref<10240x128xf32, #tpu.memory_space<vmem_shared>> -> memref<112x128xf32, #tpu.memory_space<vmem_shared>>
      tpu.enqueue_dma source(%dma_start3A_294 : memref<112x128xf32, #tpu.memory_space<vmem_shared>>) target(%arg8 : memref<112x128xf32, #tpu.memory_space<vmem>>) target_semaphore(%run_scoped3A : memref<!tpu.dma_semaphore, #tpu.memory_space<semaphore_mem>>)
      %dma_wait3A_295 = arith.constant 0 : i32
      %dma_wait3A_296 = tpu.memref_slice %arg10[%add3A_252, %dma_wait3A_295] : memref<10240x128xf32, #tpu.memory_space<vmem_shared>> -> memref<112x128xf32, #tpu.memory_space<vmem_shared>>
      %dma_wait3A_297 = arith.constant 0 : i32
      %dma_wait3A_298 = tpu.memref_slice %arg10[%add3A_252, %dma_wait3A_297] : memref<10240x128xf32, #tpu.memory_space<vmem_shared>> -> memref<112x128xf32, #tpu.memory_space<vmem_shared>>
      tpu.wait_dma2 semaphore(%run_scoped3A : memref<!tpu.dma_semaphore, #tpu.memory_space<semaphore_mem>>) src(%dma_wait3A_298 : memref<112x128xf32, #tpu.memory_space<vmem_shared>>) dst(%arg8 : memref<112x128xf32, #tpu.memory_space<vmem>>)
      tpu.yield
    }) : () -> ()
    %mul3A_253 = arith.constant 10240 : i32
    %mul3A_254 = arith.muli %arg0, %mul3A_253 : i32
    %add3A_255 = arith.addi %mul3A_254, %add3A_252 : i32
    "tpu.region"() ({
      %run_scoped3A = tpu.sem_alloc : memref<!tpu.dma_semaphore, #tpu.memory_space<semaphore_mem>>
      %dma_start3A_291 = arith.constant 0 : i32
      %dma_start3A_292 = tpu.memref_slice %arg5[%add3A_255, %dma_start3A_291] : memref<20480x128xf32, #tpu.memory_space<hbm>> -> memref<112x128xf32, #tpu.memory_space<hbm>>
      %dma_start3A_293 = arith.constant 0 : i32
      %dma_start3A_294 = tpu.memref_slice %arg5[%add3A_255, %dma_start3A_293] : memref<20480x128xf32, #tpu.memory_space<hbm>> -> memref<112x128xf32, #tpu.memory_space<hbm>>
      tpu.enqueue_dma source(%arg8 : memref<112x128xf32, #tpu.memory_space<vmem>>) target(%dma_start3A_294 : memref<112x128xf32, #tpu.memory_space<hbm>>) target_semaphore(%run_scoped3A : memref<!tpu.dma_semaphore, #tpu.memory_space<semaphore_mem>>)
      %dma_wait3A_295 = arith.constant 0 : i32
      %dma_wait3A_296 = tpu.memref_slice %arg5[%add3A_255, %dma_wait3A_295] : memref<20480x128xf32, #tpu.memory_space<hbm>> -> memref<112x128xf32, #tpu.memory_space<hbm>>
      %dma_wait3A_297 = arith.constant 0 : i32
      %dma_wait3A_298 = tpu.memref_slice %arg5[%add3A_255, %dma_wait3A_297] : memref<20480x128xf32, #tpu.memory_space<hbm>> -> memref<112x128xf32, #tpu.memory_space<hbm>>
      tpu.wait_dma2 semaphore(%run_scoped3A : memref<!tpu.dma_semaphore, #tpu.memory_space<semaphore_mem>>) src(%arg8 : memref<112x128xf32, #tpu.memory_space<vmem>>) dst(%dma_wait3A_298 : memref<112x128xf32, #tpu.memory_space<hbm>>)
      tpu.yield
    }) : () -> ()
    %mul3A_256 = arith.constant 640 : i32
    %mul3A_257 = arith.muli %arg1, %mul3A_256 : i32
    %add3A_258 = arith.constant 112 : i32
    %add3A_259 = arith.addi %mul3A_257, %add3A_258 : i32
    "tpu.region"() ({
      %run_scoped3A = tpu.sem_alloc : memref<!tpu.dma_semaphore, #tpu.memory_space<semaphore_mem>>
      %dma_start3A_291 = arith.constant 0 : i32
      %dma_start3A_292 = tpu.memref_slice %arg10[%add3A_259, %dma_start3A_291] : memref<10240x128xf32, #tpu.memory_space<vmem_shared>> -> memref<112x128xf32, #tpu.memory_space<vmem_shared>>
      %dma_start3A_293 = arith.constant 0 : i32
      %dma_start3A_294 = tpu.memref_slice %arg10[%add3A_259, %dma_start3A_293] : memref<10240x128xf32, #tpu.memory_space<vmem_shared>> -> memref<112x128xf32, #tpu.memory_space<vmem_shared>>
      tpu.enqueue_dma source(%dma_start3A_294 : memref<112x128xf32, #tpu.memory_space<vmem_shared>>) target(%arg8 : memref<112x128xf32, #tpu.memory_space<vmem>>) target_semaphore(%run_scoped3A : memref<!tpu.dma_semaphore, #tpu.memory_space<semaphore_mem>>)
      %dma_wait3A_295 = arith.constant 0 : i32
      %dma_wait3A_296 = tpu.memref_slice %arg10[%add3A_259, %dma_wait3A_295] : memref<10240x128xf32, #tpu.memory_space<vmem_shared>> -> memref<112x128xf32, #tpu.memory_space<vmem_shared>>
      %dma_wait3A_297 = arith.constant 0 : i32
      %dma_wait3A_298 = tpu.memref_slice %arg10[%add3A_259, %dma_wait3A_297] : memref<10240x128xf32, #tpu.memory_space<vmem_shared>> -> memref<112x128xf32, #tpu.memory_space<vmem_shared>>
      tpu.wait_dma2 semaphore(%run_scoped3A : memref<!tpu.dma_semaphore, #tpu.memory_space<semaphore_mem>>) src(%dma_wait3A_298 : memref<112x128xf32, #tpu.memory_space<vmem_shared>>) dst(%arg8 : memref<112x128xf32, #tpu.memory_space<vmem>>)
      tpu.yield
    }) : () -> ()
    %mul3A_260 = arith.constant 10240 : i32
    %mul3A_261 = arith.muli %arg0, %mul3A_260 : i32
    %add3A_262 = arith.addi %mul3A_261, %add3A_259 : i32
    "tpu.region"() ({
      %run_scoped3A = tpu.sem_alloc : memref<!tpu.dma_semaphore, #tpu.memory_space<semaphore_mem>>
      %dma_start3A_291 = arith.constant 0 : i32
      %dma_start3A_292 = tpu.memref_slice %arg5[%add3A_262, %dma_start3A_291] : memref<20480x128xf32, #tpu.memory_space<hbm>> -> memref<112x128xf32, #tpu.memory_space<hbm>>
      %dma_start3A_293 = arith.constant 0 : i32
      %dma_start3A_294 = tpu.memref_slice %arg5[%add3A_262, %dma_start3A_293] : memref<20480x128xf32, #tpu.memory_space<hbm>> -> memref<112x128xf32, #tpu.memory_space<hbm>>
      tpu.enqueue_dma source(%arg8 : memref<112x128xf32, #tpu.memory_space<vmem>>) target(%dma_start3A_294 : memref<112x128xf32, #tpu.memory_space<hbm>>) target_semaphore(%run_scoped3A : memref<!tpu.dma_semaphore, #tpu.memory_space<semaphore_mem>>)
      %dma_wait3A_295 = arith.constant 0 : i32
      %dma_wait3A_296 = tpu.memref_slice %arg5[%add3A_262, %dma_wait3A_295] : memref<20480x128xf32, #tpu.memory_space<hbm>> -> memref<112x128xf32, #tpu.memory_space<hbm>>
      %dma_wait3A_297 = arith.constant 0 : i32
      %dma_wait3A_298 = tpu.memref_slice %arg5[%add3A_262, %dma_wait3A_297] : memref<20480x128xf32, #tpu.memory_space<hbm>> -> memref<112x128xf32, #tpu.memory_space<hbm>>
      tpu.wait_dma2 semaphore(%run_scoped3A : memref<!tpu.dma_semaphore, #tpu.memory_space<semaphore_mem>>) src(%arg8 : memref<112x128xf32, #tpu.memory_space<vmem>>) dst(%dma_wait3A_298 : memref<112x128xf32, #tpu.memory_space<hbm>>)
      tpu.yield
    }) : () -> ()
    %mul3A_263 = arith.constant 640 : i32
    %mul3A_264 = arith.muli %arg1, %mul3A_263 : i32
    %add3A_265 = arith.constant 224 : i32
    %add3A_266 = arith.addi %mul3A_264, %add3A_265 : i32
    "tpu.region"() ({
      %run_scoped3A = tpu.sem_alloc : memref<!tpu.dma_semaphore, #tpu.memory_space<semaphore_mem>>
      %dma_start3A_291 = arith.constant 0 : i32
      %dma_start3A_292 = tpu.memref_slice %arg10[%add3A_266, %dma_start3A_291] : memref<10240x128xf32, #tpu.memory_space<vmem_shared>> -> memref<112x128xf32, #tpu.memory_space<vmem_shared>>
      %dma_start3A_293 = arith.constant 0 : i32
      %dma_start3A_294 = tpu.memref_slice %arg10[%add3A_266, %dma_start3A_293] : memref<10240x128xf32, #tpu.memory_space<vmem_shared>> -> memref<112x128xf32, #tpu.memory_space<vmem_shared>>
      tpu.enqueue_dma source(%dma_start3A_294 : memref<112x128xf32, #tpu.memory_space<vmem_shared>>) target(%arg8 : memref<112x128xf32, #tpu.memory_space<vmem>>) target_semaphore(%run_scoped3A : memref<!tpu.dma_semaphore, #tpu.memory_space<semaphore_mem>>)
      %dma_wait3A_295 = arith.constant 0 : i32
      %dma_wait3A_296 = tpu.memref_slice %arg10[%add3A_266, %dma_wait3A_295] : memref<10240x128xf32, #tpu.memory_space<vmem_shared>> -> memref<112x128xf32, #tpu.memory_space<vmem_shared>>
      %dma_wait3A_297 = arith.constant 0 : i32
      %dma_wait3A_298 = tpu.memref_slice %arg10[%add3A_266, %dma_wait3A_297] : memref<10240x128xf32, #tpu.memory_space<vmem_shared>> -> memref<112x128xf32, #tpu.memory_space<vmem_shared>>
      tpu.wait_dma2 semaphore(%run_scoped3A : memref<!tpu.dma_semaphore, #tpu.memory_space<semaphore_mem>>) src(%dma_wait3A_298 : memref<112x128xf32, #tpu.memory_space<vmem_shared>>) dst(%arg8 : memref<112x128xf32, #tpu.memory_space<vmem>>)
      tpu.yield
    }) : () -> ()
    %mul3A_267 = arith.constant 10240 : i32
    %mul3A_268 = arith.muli %arg0, %mul3A_267 : i32
    %add3A_269 = arith.addi %mul3A_268, %add3A_266 : i32
    "tpu.region"() ({
      %run_scoped3A = tpu.sem_alloc : memref<!tpu.dma_semaphore, #tpu.memory_space<semaphore_mem>>
      %dma_start3A_291 = arith.constant 0 : i32
      %dma_start3A_292 = tpu.memref_slice %arg5[%add3A_269, %dma_start3A_291] : memref<20480x128xf32, #tpu.memory_space<hbm>> -> memref<112x128xf32, #tpu.memory_space<hbm>>
      %dma_start3A_293 = arith.constant 0 : i32
      %dma_start3A_294 = tpu.memref_slice %arg5[%add3A_269, %dma_start3A_293] : memref<20480x128xf32, #tpu.memory_space<hbm>> -> memref<112x128xf32, #tpu.memory_space<hbm>>
      tpu.enqueue_dma source(%arg8 : memref<112x128xf32, #tpu.memory_space<vmem>>) target(%dma_start3A_294 : memref<112x128xf32, #tpu.memory_space<hbm>>) target_semaphore(%run_scoped3A : memref<!tpu.dma_semaphore, #tpu.memory_space<semaphore_mem>>)
      %dma_wait3A_295 = arith.constant 0 : i32
      %dma_wait3A_296 = tpu.memref_slice %arg5[%add3A_269, %dma_wait3A_295] : memref<20480x128xf32, #tpu.memory_space<hbm>> -> memref<112x128xf32, #tpu.memory_space<hbm>>
      %dma_wait3A_297 = arith.constant 0 : i32
      %dma_wait3A_298 = tpu.memref_slice %arg5[%add3A_269, %dma_wait3A_297] : memref<20480x128xf32, #tpu.memory_space<hbm>> -> memref<112x128xf32, #tpu.memory_space<hbm>>
      tpu.wait_dma2 semaphore(%run_scoped3A : memref<!tpu.dma_semaphore, #tpu.memory_space<semaphore_mem>>) src(%arg8 : memref<112x128xf32, #tpu.memory_space<vmem>>) dst(%dma_wait3A_298 : memref<112x128xf32, #tpu.memory_space<hbm>>)
      tpu.yield
    }) : () -> ()
    %mul3A_270 = arith.constant 640 : i32
    %mul3A_271 = arith.muli %arg1, %mul3A_270 : i32
    %add3A_272 = arith.constant 336 : i32
    %add3A_273 = arith.addi %mul3A_271, %add3A_272 : i32
    "tpu.region"() ({
      %run_scoped3A = tpu.sem_alloc : memref<!tpu.dma_semaphore, #tpu.memory_space<semaphore_mem>>
      %dma_start3A_291 = arith.constant 0 : i32
      %dma_start3A_292 = tpu.memref_slice %arg10[%add3A_273, %dma_start3A_291] : memref<10240x128xf32, #tpu.memory_space<vmem_shared>> -> memref<112x128xf32, #tpu.memory_space<vmem_shared>>
      %dma_start3A_293 = arith.constant 0 : i32
      %dma_start3A_294 = tpu.memref_slice %arg10[%add3A_273, %dma_start3A_293] : memref<10240x128xf32, #tpu.memory_space<vmem_shared>> -> memref<112x128xf32, #tpu.memory_space<vmem_shared>>
      tpu.enqueue_dma source(%dma_start3A_294 : memref<112x128xf32, #tpu.memory_space<vmem_shared>>) target(%arg8 : memref<112x128xf32, #tpu.memory_space<vmem>>) target_semaphore(%run_scoped3A : memref<!tpu.dma_semaphore, #tpu.memory_space<semaphore_mem>>)
      %dma_wait3A_295 = arith.constant 0 : i32
      %dma_wait3A_296 = tpu.memref_slice %arg10[%add3A_273, %dma_wait3A_295] : memref<10240x128xf32, #tpu.memory_space<vmem_shared>> -> memref<112x128xf32, #tpu.memory_space<vmem_shared>>
      %dma_wait3A_297 = arith.constant 0 : i32
      %dma_wait3A_298 = tpu.memref_slice %arg10[%add3A_273, %dma_wait3A_297] : memref<10240x128xf32, #tpu.memory_space<vmem_shared>> -> memref<112x128xf32, #tpu.memory_space<vmem_shared>>
      tpu.wait_dma2 semaphore(%run_scoped3A : memref<!tpu.dma_semaphore, #tpu.memory_space<semaphore_mem>>) src(%dma_wait3A_298 : memref<112x128xf32, #tpu.memory_space<vmem_shared>>) dst(%arg8 : memref<112x128xf32, #tpu.memory_space<vmem>>)
      tpu.yield
    }) : () -> ()
    %mul3A_274 = arith.constant 10240 : i32
    %mul3A_275 = arith.muli %arg0, %mul3A_274 : i32
    %add3A_276 = arith.addi %mul3A_275, %add3A_273 : i32
    "tpu.region"() ({
      %run_scoped3A = tpu.sem_alloc : memref<!tpu.dma_semaphore, #tpu.memory_space<semaphore_mem>>
      %dma_start3A_291 = arith.constant 0 : i32
      %dma_start3A_292 = tpu.memref_slice %arg5[%add3A_276, %dma_start3A_291] : memref<20480x128xf32, #tpu.memory_space<hbm>> -> memref<112x128xf32, #tpu.memory_space<hbm>>
      %dma_start3A_293 = arith.constant 0 : i32
      %dma_start3A_294 = tpu.memref_slice %arg5[%add3A_276, %dma_start3A_293] : memref<20480x128xf32, #tpu.memory_space<hbm>> -> memref<112x128xf32, #tpu.memory_space<hbm>>
      tpu.enqueue_dma source(%arg8 : memref<112x128xf32, #tpu.memory_space<vmem>>) target(%dma_start3A_294 : memref<112x128xf32, #tpu.memory_space<hbm>>) target_semaphore(%run_scoped3A : memref<!tpu.dma_semaphore, #tpu.memory_space<semaphore_mem>>)
      %dma_wait3A_295 = arith.constant 0 : i32
      %dma_wait3A_296 = tpu.memref_slice %arg5[%add3A_276, %dma_wait3A_295] : memref<20480x128xf32, #tpu.memory_space<hbm>> -> memref<112x128xf32, #tpu.memory_space<hbm>>
      %dma_wait3A_297 = arith.constant 0 : i32
      %dma_wait3A_298 = tpu.memref_slice %arg5[%add3A_276, %dma_wait3A_297] : memref<20480x128xf32, #tpu.memory_space<hbm>> -> memref<112x128xf32, #tpu.memory_space<hbm>>
      tpu.wait_dma2 semaphore(%run_scoped3A : memref<!tpu.dma_semaphore, #tpu.memory_space<semaphore_mem>>) src(%arg8 : memref<112x128xf32, #tpu.memory_space<vmem>>) dst(%dma_wait3A_298 : memref<112x128xf32, #tpu.memory_space<hbm>>)
      tpu.yield
    }) : () -> ()
    %mul3A_277 = arith.constant 640 : i32
    %mul3A_278 = arith.muli %arg1, %mul3A_277 : i32
    %add3A_279 = arith.constant 448 : i32
    %add3A_280 = arith.addi %mul3A_278, %add3A_279 : i32
    "tpu.region"() ({
      %run_scoped3A = tpu.sem_alloc : memref<!tpu.dma_semaphore, #tpu.memory_space<semaphore_mem>>
      %dma_start3A_291 = arith.constant 0 : i32
      %dma_start3A_292 = tpu.memref_slice %arg10[%add3A_280, %dma_start3A_291] : memref<10240x128xf32, #tpu.memory_space<vmem_shared>> -> memref<112x128xf32, #tpu.memory_space<vmem_shared>>
      %dma_start3A_293 = arith.constant 0 : i32
      %dma_start3A_294 = tpu.memref_slice %arg10[%add3A_280, %dma_start3A_293] : memref<10240x128xf32, #tpu.memory_space<vmem_shared>> -> memref<112x128xf32, #tpu.memory_space<vmem_shared>>
      tpu.enqueue_dma source(%dma_start3A_294 : memref<112x128xf32, #tpu.memory_space<vmem_shared>>) target(%arg8 : memref<112x128xf32, #tpu.memory_space<vmem>>) target_semaphore(%run_scoped3A : memref<!tpu.dma_semaphore, #tpu.memory_space<semaphore_mem>>)
      %dma_wait3A_295 = arith.constant 0 : i32
      %dma_wait3A_296 = tpu.memref_slice %arg10[%add3A_280, %dma_wait3A_295] : memref<10240x128xf32, #tpu.memory_space<vmem_shared>> -> memref<112x128xf32, #tpu.memory_space<vmem_shared>>
      %dma_wait3A_297 = arith.constant 0 : i32
      %dma_wait3A_298 = tpu.memref_slice %arg10[%add3A_280, %dma_wait3A_297] : memref<10240x128xf32, #tpu.memory_space<vmem_shared>> -> memref<112x128xf32, #tpu.memory_space<vmem_shared>>
      tpu.wait_dma2 semaphore(%run_scoped3A : memref<!tpu.dma_semaphore, #tpu.memory_space<semaphore_mem>>) src(%dma_wait3A_298 : memref<112x128xf32, #tpu.memory_space<vmem_shared>>) dst(%arg8 : memref<112x128xf32, #tpu.memory_space<vmem>>)
      tpu.yield
    }) : () -> ()
    %mul3A_281 = arith.constant 10240 : i32
    %mul3A_282 = arith.muli %arg0, %mul3A_281 : i32
    %add3A_283 = arith.addi %mul3A_282, %add3A_280 : i32
    "tpu.region"() ({
      %run_scoped3A = tpu.sem_alloc : memref<!tpu.dma_semaphore, #tpu.memory_space<semaphore_mem>>
      %dma_start3A_291 = arith.constant 0 : i32
      %dma_start3A_292 = tpu.memref_slice %arg5[%add3A_283, %dma_start3A_291] : memref<20480x128xf32, #tpu.memory_space<hbm>> -> memref<112x128xf32, #tpu.memory_space<hbm>>
      %dma_start3A_293 = arith.constant 0 : i32
      %dma_start3A_294 = tpu.memref_slice %arg5[%add3A_283, %dma_start3A_293] : memref<20480x128xf32, #tpu.memory_space<hbm>> -> memref<112x128xf32, #tpu.memory_space<hbm>>
      tpu.enqueue_dma source(%arg8 : memref<112x128xf32, #tpu.memory_space<vmem>>) target(%dma_start3A_294 : memref<112x128xf32, #tpu.memory_space<hbm>>) target_semaphore(%run_scoped3A : memref<!tpu.dma_semaphore, #tpu.memory_space<semaphore_mem>>)
      %dma_wait3A_295 = arith.constant 0 : i32
      %dma_wait3A_296 = tpu.memref_slice %arg5[%add3A_283, %dma_wait3A_295] : memref<20480x128xf32, #tpu.memory_space<hbm>> -> memref<112x128xf32, #tpu.memory_space<hbm>>
      %dma_wait3A_297 = arith.constant 0 : i32
      %dma_wait3A_298 = tpu.memref_slice %arg5[%add3A_283, %dma_wait3A_297] : memref<20480x128xf32, #tpu.memory_space<hbm>> -> memref<112x128xf32, #tpu.memory_space<hbm>>
      tpu.wait_dma2 semaphore(%run_scoped3A : memref<!tpu.dma_semaphore, #tpu.memory_space<semaphore_mem>>) src(%arg8 : memref<112x128xf32, #tpu.memory_space<vmem>>) dst(%dma_wait3A_298 : memref<112x128xf32, #tpu.memory_space<hbm>>)
      tpu.yield
    }) : () -> ()
    %mul3A_284 = arith.constant 640 : i32
    %mul3A_285 = arith.muli %arg1, %mul3A_284 : i32
    %add3A_286 = arith.constant 528 : i32
    %add3A_287 = arith.addi %mul3A_285, %add3A_286 : i32
    "tpu.region"() ({
      %run_scoped3A = tpu.sem_alloc : memref<!tpu.dma_semaphore, #tpu.memory_space<semaphore_mem>>
      %dma_start3A_291 = arith.constant 0 : i32
      %dma_start3A_292 = tpu.memref_slice %arg10[%add3A_287, %dma_start3A_291] : memref<10240x128xf32, #tpu.memory_space<vmem_shared>> -> memref<112x128xf32, #tpu.memory_space<vmem_shared>>
      %dma_start3A_293 = arith.constant 0 : i32
      %dma_start3A_294 = tpu.memref_slice %arg10[%add3A_287, %dma_start3A_293] : memref<10240x128xf32, #tpu.memory_space<vmem_shared>> -> memref<112x128xf32, #tpu.memory_space<vmem_shared>>
      tpu.enqueue_dma source(%dma_start3A_294 : memref<112x128xf32, #tpu.memory_space<vmem_shared>>) target(%arg8 : memref<112x128xf32, #tpu.memory_space<vmem>>) target_semaphore(%run_scoped3A : memref<!tpu.dma_semaphore, #tpu.memory_space<semaphore_mem>>)
      %dma_wait3A_295 = arith.constant 0 : i32
      %dma_wait3A_296 = tpu.memref_slice %arg10[%add3A_287, %dma_wait3A_295] : memref<10240x128xf32, #tpu.memory_space<vmem_shared>> -> memref<112x128xf32, #tpu.memory_space<vmem_shared>>
      %dma_wait3A_297 = arith.constant 0 : i32
      %dma_wait3A_298 = tpu.memref_slice %arg10[%add3A_287, %dma_wait3A_297] : memref<10240x128xf32, #tpu.memory_space<vmem_shared>> -> memref<112x128xf32, #tpu.memory_space<vmem_shared>>
      tpu.wait_dma2 semaphore(%run_scoped3A : memref<!tpu.dma_semaphore, #tpu.memory_space<semaphore_mem>>) src(%dma_wait3A_298 : memref<112x128xf32, #tpu.memory_space<vmem_shared>>) dst(%arg8 : memref<112x128xf32, #tpu.memory_space<vmem>>)
      tpu.yield
    }) : () -> ()
    %mul3A_288 = arith.constant 10240 : i32
    %mul3A_289 = arith.muli %arg0, %mul3A_288 : i32
    %add3A_290 = arith.addi %mul3A_289, %add3A_287 : i32
    "tpu.region"() ({
      %run_scoped3A = tpu.sem_alloc : memref<!tpu.dma_semaphore, #tpu.memory_space<semaphore_mem>>
      %dma_start3A_291 = arith.constant 0 : i32
      %dma_start3A_292 = tpu.memref_slice %arg5[%add3A_290, %dma_start3A_291] : memref<20480x128xf32, #tpu.memory_space<hbm>> -> memref<112x128xf32, #tpu.memory_space<hbm>>
      %dma_start3A_293 = arith.constant 0 : i32
      %dma_start3A_294 = tpu.memref_slice %arg5[%add3A_290, %dma_start3A_293] : memref<20480x128xf32, #tpu.memory_space<hbm>> -> memref<112x128xf32, #tpu.memory_space<hbm>>
      tpu.enqueue_dma source(%arg8 : memref<112x128xf32, #tpu.memory_space<vmem>>) target(%dma_start3A_294 : memref<112x128xf32, #tpu.memory_space<hbm>>) target_semaphore(%run_scoped3A : memref<!tpu.dma_semaphore, #tpu.memory_space<semaphore_mem>>)
      %dma_wait3A_295 = arith.constant 0 : i32
      %dma_wait3A_296 = tpu.memref_slice %arg5[%add3A_290, %dma_wait3A_295] : memref<20480x128xf32, #tpu.memory_space<hbm>> -> memref<112x128xf32, #tpu.memory_space<hbm>>
      %dma_wait3A_297 = arith.constant 0 : i32
      %dma_wait3A_298 = tpu.memref_slice %arg5[%add3A_290, %dma_wait3A_297] : memref<20480x128xf32, #tpu.memory_space<hbm>> -> memref<112x128xf32, #tpu.memory_space<hbm>>
      tpu.wait_dma2 semaphore(%run_scoped3A : memref<!tpu.dma_semaphore, #tpu.memory_space<semaphore_mem>>) src(%arg8 : memref<112x128xf32, #tpu.memory_space<vmem>>) dst(%dma_wait3A_298 : memref<112x128xf32, #tpu.memory_space<hbm>>)
      tpu.yield
    }) : () -> ()
    return
  }
}

#map = affine_map<(d0, d1) -> (0, 0)>
module attributes {stable_mosaic.version = 14 : i64} {
  func.func @_agg_body(%arg0: i32, %arg1: i32, %arg2: memref<10240x128xf32, #tpu.memory_space<hbm>>, %arg3: memref<2944x112xi32, #tpu.memory_space<hbm>>, %arg4: memref<2944x112xi32, #tpu.memory_space<hbm>>, %arg5: memref<20480x128xf32, #tpu.memory_space<hbm>>, %arg6: memref<4x112xi32, #tpu.memory_space<vmem>>, %arg7: memref<4x112xi32, #tpu.memory_space<vmem>>, %arg8: memref<112x128xf32, #tpu.memory_space<vmem>>, %arg9: memref<112x128xf32, #tpu.memory_space<vmem>>, %arg10: memref<10240x128xf32, #tpu.memory_space<vmem_shared>>, %arg11: memref<!tpu.dma_semaphore, #tpu.memory_space<semaphore_mem>>, %arg12: memref<!tpu.dma_semaphore, #tpu.memory_space<semaphore_mem>>, %arg13: memref<!tpu.dma_semaphore, #tpu.memory_space<semaphore_mem>>, %arg14: memref<!tpu.dma_semaphore, #tpu.memory_space<semaphore_mem>>, %arg15: memref<!tpu.dma_semaphore, #tpu.memory_space<semaphore_mem>>, %arg16: memref<!tpu.dma_semaphore, #tpu.memory_space<semaphore_mem>>, %arg17: memref<!tpu.dma_semaphore, #tpu.memory_space<semaphore_mem>>, %arg18: memref<!tpu.dma_semaphore, #tpu.memory_space<semaphore_mem>>) attributes {dimension_semantics = [#tpu.dimension_semantics<core_parallel>, #tpu.dimension_semantics<subcore_parallel>], iteration_bounds = array<i64: 2, 16>, scalar_prefetch = 0 : i64, scratch_operands = 13 : i64, tpu.core_type = #tpu.core_type<sc_vector_subcore>, window_params = [{transform_indices = #map}, {transform_indices = #map}, {transform_indices = #map}, {transform_indices = #map}]} {
    %mul3A = arith.constant 16 : i32
    %mul3A_0 = arith.muli %arg0, %mul3A : i32
    %add3A = arith.addi %mul3A_0, %arg1 : i32
    %scan3A = arith.constant 0 : i32
    %scan3A_1 = arith.constant 0 : i32
    %scan3A_2 = arith.constant 112 : i32
    %scan3A_3 = arith.addi %scan3A_1, %scan3A_2 : i32
    %scan3A_4 = arith.constant 1 : i32
    scf.for %scan3A_291 = %scan3A_1 to %scan3A_3 step %scan3A_4  : i32 {
      %broadcast_in_dim3A = arith.constant 0.000000e+00 : f32
      %broadcast_in_dim3A_292 = vector.broadcast %broadcast_in_dim3A : f32 to vector<16xf32>
      %swap3A = arith.index_cast %scan3A_291 : i32 to index
      %swap3A_293 = arith.constant 0 : index
      %swap3A_294 = tpu.vector_load %arg8[%swap3A, %swap3A_293] {strides = array<i32>} : memref<112x128xf32, #tpu.memory_space<vmem>>, vector<1x16xf32>,
      %swap3A_295 = vector.shape_cast %swap3A_294 : vector<1x16xf32> to vector<16xf32>
      %swap3A_296 = vector.shape_cast %broadcast_in_dim3A_292 : vector<16xf32> to vector<1x16xf32>
      tpu.vector_store %arg8[%swap3A, %swap3A_293], %swap3A_296 {strides = array<i32>} : memref<112x128xf32, #tpu.memory_space<vmem>>, vector<1x16xf32>,
      %broadcast_in_dim3A_297 = arith.constant 0.000000e+00 : f32
      %broadcast_in_dim3A_298 = vector.broadcast %broadcast_in_dim3A_297 : f32 to vector<16xf32>
      %swap3A_299 = arith.index_cast %scan3A_291 : i32 to index
      %swap3A_300 = arith.constant 16 : index
      %swap3A_301 = tpu.vector_load %arg8[%swap3A_299, %swap3A_300] {strides = array<i32>} : memref<112x128xf32, #tpu.memory_space<vmem>>, vector<1x16xf32>,
      %swap3A_302 = vector.shape_cast %swap3A_301 : vector<1x16xf32> to vector<16xf32>
      %swap3A_303 = vector.shape_cast %broadcast_in_dim3A_298 : vector<16xf32> to vector<1x16xf32>
      tpu.vector_store %arg8[%swap3A_299, %swap3A_300], %swap3A_303 {strides = array<i32>} : memref<112x128xf32, #tpu.memory_space<vmem>>, vector<1x16xf32>,
      %broadcast_in_dim3A_304 = arith.constant 0.000000e+00 : f32
      %broadcast_in_dim3A_305 = vector.broadcast %broadcast_in_dim3A_304 : f32 to vector<16xf32>
      %swap3A_306 = arith.index_cast %scan3A_291 : i32 to index
      %swap3A_307 = arith.constant 32 : index
      %swap3A_308 = tpu.vector_load %arg8[%swap3A_306, %swap3A_307] {strides = array<i32>} : memref<112x128xf32, #tpu.memory_space<vmem>>, vector<1x16xf32>,
      %swap3A_309 = vector.shape_cast %swap3A_308 : vector<1x16xf32> to vector<16xf32>
      %swap3A_310 = vector.shape_cast %broadcast_in_dim3A_305 : vector<16xf32> to vector<1x16xf32>
      tpu.vector_store %arg8[%swap3A_306, %swap3A_307], %swap3A_310 {strides = array<i32>} : memref<112x128xf32, #tpu.memory_space<vmem>>, vector<1x16xf32>,
      %broadcast_in_dim3A_311 = arith.constant 0.000000e+00 : f32
      %broadcast_in_dim3A_312 = vector.broadcast %broadcast_in_dim3A_311 : f32 to vector<16xf32>
      %swap3A_313 = arith.index_cast %scan3A_291 : i32 to index
      %swap3A_314 = arith.constant 48 : index
      %swap3A_315 = tpu.vector_load %arg8[%swap3A_313, %swap3A_314] {strides = array<i32>} : memref<112x128xf32, #tpu.memory_space<vmem>>, vector<1x16xf32>,
      %swap3A_316 = vector.shape_cast %swap3A_315 : vector<1x16xf32> to vector<16xf32>
      %swap3A_317 = vector.shape_cast %broadcast_in_dim3A_312 : vector<16xf32> to vector<1x16xf32>
      tpu.vector_store %arg8[%swap3A_313, %swap3A_314], %swap3A_317 {strides = array<i32>} : memref<112x128xf32, #tpu.memory_space<vmem>>, vector<1x16xf32>,
      %broadcast_in_dim3A_318 = arith.constant 0.000000e+00 : f32
      %broadcast_in_dim3A_319 = vector.broadcast %broadcast_in_dim3A_318 : f32 to vector<16xf32>
      %swap3A_320 = arith.index_cast %scan3A_291 : i32 to index
      %swap3A_321 = arith.constant 64 : index
      %swap3A_322 = tpu.vector_load %arg8[%swap3A_320, %swap3A_321] {strides = array<i32>} : memref<112x128xf32, #tpu.memory_space<vmem>>, vector<1x16xf32>,
      %swap3A_323 = vector.shape_cast %swap3A_322 : vector<1x16xf32> to vector<16xf32>
      %swap3A_324 = vector.shape_cast %broadcast_in_dim3A_319 : vector<16xf32> to vector<1x16xf32>
      tpu.vector_store %arg8[%swap3A_320, %swap3A_321], %swap3A_324 {strides = array<i32>} : memref<112x128xf32, #tpu.memory_space<vmem>>, vector<1x16xf32>,
      %broadcast_in_dim3A_325 = arith.constant 0.000000e+00 : f32
      %broadcast_in_dim3A_326 = vector.broadcast %broadcast_in_dim3A_325 : f32 to vector<16xf32>
      %swap3A_327 = arith.index_cast %scan3A_291 : i32 to index
      %swap3A_328 = arith.constant 80 : index
      %swap3A_329 = tpu.vector_load %arg8[%swap3A_327, %swap3A_328] {strides = array<i32>} : memref<112x128xf32, #tpu.memory_space<vmem>>, vector<1x16xf32>,
      %swap3A_330 = vector.shape_cast %swap3A_329 : vector<1x16xf32> to vector<16xf32>
      %swap3A_331 = vector.shape_cast %broadcast_in_dim3A_326 : vector<16xf32> to vector<1x16xf32>
      tpu.vector_store %arg8[%swap3A_327, %swap3A_328], %swap3A_331 {strides = array<i32>} : memref<112x128xf32, #tpu.memory_space<vmem>>, vector<1x16xf32>,
      %broadcast_in_dim3A_332 = arith.constant 0.000000e+00 : f32
      %broadcast_in_dim3A_333 = vector.broadcast %broadcast_in_dim3A_332 : f32 to vector<16xf32>
      %swap3A_334 = arith.index_cast %scan3A_291 : i32 to index
      %swap3A_335 = arith.constant 96 : index
      %swap3A_336 = tpu.vector_load %arg8[%swap3A_334, %swap3A_335] {strides = array<i32>} : memref<112x128xf32, #tpu.memory_space<vmem>>, vector<1x16xf32>,
      %swap3A_337 = vector.shape_cast %swap3A_336 : vector<1x16xf32> to vector<16xf32>
      %swap3A_338 = vector.shape_cast %broadcast_in_dim3A_333 : vector<16xf32> to vector<1x16xf32>
      tpu.vector_store %arg8[%swap3A_334, %swap3A_335], %swap3A_338 {strides = array<i32>} : memref<112x128xf32, #tpu.memory_space<vmem>>, vector<1x16xf32>,
      %broadcast_in_dim3A_339 = arith.constant 0.000000e+00 : f32
      %broadcast_in_dim3A_340 = vector.broadcast %broadcast_in_dim3A_339 : f32 to vector<16xf32>
      %swap3A_341 = arith.index_cast %scan3A_291 : i32 to index
      %swap3A_342 = arith.constant 112 : index
      %swap3A_343 = tpu.vector_load %arg8[%swap3A_341, %swap3A_342] {strides = array<i32>} : memref<112x128xf32, #tpu.memory_space<vmem>>, vector<1x16xf32>,
      %swap3A_344 = vector.shape_cast %swap3A_343 : vector<1x16xf32> to vector<16xf32>
      %swap3A_345 = vector.shape_cast %broadcast_in_dim3A_340 : vector<16xf32> to vector<1x16xf32>
      tpu.vector_store %arg8[%swap3A_341, %swap3A_342], %swap3A_345 {strides = array<i32>} : memref<112x128xf32, #tpu.memory_space<vmem>>, vector<1x16xf32>,
    }
    %scan3A_5 = arith.constant 112 : i32
    %mul3A_6 = arith.constant 640 : i32
    %mul3A_7 = arith.muli %arg1, %mul3A_6 : i32
    %add3A_8 = arith.constant 0 : i32
    %add3A_9 = arith.addi %mul3A_7, %add3A_8 : i32
    "tpu.region"() ({
      %run_scoped3A = tpu.sem_alloc : memref<!tpu.dma_semaphore, #tpu.memory_space<semaphore_mem>>
      %dma_start3A_291 = arith.constant 0 : i32
      %dma_start3A_292 = tpu.memref_slice %arg10[%add3A_9, %dma_start3A_291] : memref<10240x128xf32, #tpu.memory_space<vmem_shared>> -> memref<112x128xf32, #tpu.memory_space<vmem_shared>>
      %dma_start3A_293 = arith.constant 0 : i32
      %dma_start3A_294 = tpu.memref_slice %arg10[%add3A_9, %dma_start3A_293] : memref<10240x128xf32, #tpu.memory_space<vmem_shared>> -> memref<112x128xf32, #tpu.memory_space<vmem_shared>>
      tpu.enqueue_dma source(%arg8 : memref<112x128xf32, #tpu.memory_space<vmem>>) target(%dma_start3A_294 : memref<112x128xf32, #tpu.memory_space<vmem_shared>>) target_semaphore(%run_scoped3A : memref<!tpu.dma_semaphore, #tpu.memory_space<semaphore_mem>>)
      %dma_wait3A_295 = arith.constant 0 : i32
      %dma_wait3A_296 = tpu.memref_slice %arg10[%add3A_9, %dma_wait3A_295] : memref<10240x128xf32, #tpu.memory_space<vmem_shared>> -> memref<112x128xf32, #tpu.memory_space<vmem_shared>>
      %dma_wait3A_297 = arith.constant 0 : i32
      %dma_wait3A_298 = tpu.memref_slice %arg10[%add3A_9, %dma_wait3A_297] : memref<10240x128xf32, #tpu.memory_space<vmem_shared>> -> memref<112x128xf32, #tpu.memory_space<vmem_shared>>
      tpu.wait_dma2 semaphore(%run_scoped3A : memref<!tpu.dma_semaphore, #tpu.memory_space<semaphore_mem>>) src(%arg8 : memref<112x128xf32, #tpu.memory_space<vmem>>) dst(%dma_wait3A_298 : memref<112x128xf32, #tpu.memory_space<vmem_shared>>)
      tpu.yield
    }) : () -> ()
    %mul3A_10 = arith.constant 640 : i32
    %mul3A_11 = arith.muli %arg1, %mul3A_10 : i32
    %add3A_12 = arith.constant 112 : i32
    %add3A_13 = arith.addi %mul3A_11, %add3A_12 : i32
    "tpu.region"() ({
      %run_scoped3A = tpu.sem_alloc : memref<!tpu.dma_semaphore, #tpu.memory_space<semaphore_mem>>
      %dma_start3A_291 = arith.constant 0 : i32
      %dma_start3A_292 = tpu.memref_slice %arg10[%add3A_13, %dma_start3A_291] : memref<10240x128xf32, #tpu.memory_space<vmem_shared>> -> memref<112x128xf32, #tpu.memory_space<vmem_shared>>
      %dma_start3A_293 = arith.constant 0 : i32
      %dma_start3A_294 = tpu.memref_slice %arg10[%add3A_13, %dma_start3A_293] : memref<10240x128xf32, #tpu.memory_space<vmem_shared>> -> memref<112x128xf32, #tpu.memory_space<vmem_shared>>
      tpu.enqueue_dma source(%arg8 : memref<112x128xf32, #tpu.memory_space<vmem>>) target(%dma_start3A_294 : memref<112x128xf32, #tpu.memory_space<vmem_shared>>) target_semaphore(%run_scoped3A : memref<!tpu.dma_semaphore, #tpu.memory_space<semaphore_mem>>)
      %dma_wait3A_295 = arith.constant 0 : i32
      %dma_wait3A_296 = tpu.memref_slice %arg10[%add3A_13, %dma_wait3A_295] : memref<10240x128xf32, #tpu.memory_space<vmem_shared>> -> memref<112x128xf32, #tpu.memory_space<vmem_shared>>
      %dma_wait3A_297 = arith.constant 0 : i32
      %dma_wait3A_298 = tpu.memref_slice %arg10[%add3A_13, %dma_wait3A_297] : memref<10240x128xf32, #tpu.memory_space<vmem_shared>> -> memref<112x128xf32, #tpu.memory_space<vmem_shared>>
      tpu.wait_dma2 semaphore(%run_scoped3A : memref<!tpu.dma_semaphore, #tpu.memory_space<semaphore_mem>>) src(%arg8 : memref<112x128xf32, #tpu.memory_space<vmem>>) dst(%dma_wait3A_298 : memref<112x128xf32, #tpu.memory_space<vmem_shared>>)
      tpu.yield
    }) : () -> ()
    %mul3A_14 = arith.constant 640 : i32
    %mul3A_15 = arith.muli %arg1, %mul3A_14 : i32
    %add3A_16 = arith.constant 224 : i32
    %add3A_17 = arith.addi %mul3A_15, %add3A_16 : i32
    "tpu.region"() ({
      %run_scoped3A = tpu.sem_alloc : memref<!tpu.dma_semaphore, #tpu.memory_space<semaphore_mem>>
      %dma_start3A_291 = arith.constant 0 : i32
      %dma_start3A_292 = tpu.memref_slice %arg10[%add3A_17, %dma_start3A_291] : memref<10240x128xf32, #tpu.memory_space<vmem_shared>> -> memref<112x128xf32, #tpu.memory_space<vmem_shared>>
      %dma_start3A_293 = arith.constant 0 : i32
      %dma_start3A_294 = tpu.memref_slice %arg10[%add3A_17, %dma_start3A_293] : memref<10240x128xf32, #tpu.memory_space<vmem_shared>> -> memref<112x128xf32, #tpu.memory_space<vmem_shared>>
      tpu.enqueue_dma source(%arg8 : memref<112x128xf32, #tpu.memory_space<vmem>>) target(%dma_start3A_294 : memref<112x128xf32, #tpu.memory_space<vmem_shared>>) target_semaphore(%run_scoped3A : memref<!tpu.dma_semaphore, #tpu.memory_space<semaphore_mem>>)
      %dma_wait3A_295 = arith.constant 0 : i32
      %dma_wait3A_296 = tpu.memref_slice %arg10[%add3A_17, %dma_wait3A_295] : memref<10240x128xf32, #tpu.memory_space<vmem_shared>> -> memref<112x128xf32, #tpu.memory_space<vmem_shared>>
      %dma_wait3A_297 = arith.constant 0 : i32
      %dma_wait3A_298 = tpu.memref_slice %arg10[%add3A_17, %dma_wait3A_297] : memref<10240x128xf32, #tpu.memory_space<vmem_shared>> -> memref<112x128xf32, #tpu.memory_space<vmem_shared>>
      tpu.wait_dma2 semaphore(%run_scoped3A : memref<!tpu.dma_semaphore, #tpu.memory_space<semaphore_mem>>) src(%arg8 : memref<112x128xf32, #tpu.memory_space<vmem>>) dst(%dma_wait3A_298 : memref<112x128xf32, #tpu.memory_space<vmem_shared>>)
      tpu.yield
    }) : () -> ()
    %mul3A_18 = arith.constant 640 : i32
    %mul3A_19 = arith.muli %arg1, %mul3A_18 : i32
    %add3A_20 = arith.constant 336 : i32
    %add3A_21 = arith.addi %mul3A_19, %add3A_20 : i32
    "tpu.region"() ({
      %run_scoped3A = tpu.sem_alloc : memref<!tpu.dma_semaphore, #tpu.memory_space<semaphore_mem>>
      %dma_start3A_291 = arith.constant 0 : i32
      %dma_start3A_292 = tpu.memref_slice %arg10[%add3A_21, %dma_start3A_291] : memref<10240x128xf32, #tpu.memory_space<vmem_shared>> -> memref<112x128xf32, #tpu.memory_space<vmem_shared>>
      %dma_start3A_293 = arith.constant 0 : i32
      %dma_start3A_294 = tpu.memref_slice %arg10[%add3A_21, %dma_start3A_293] : memref<10240x128xf32, #tpu.memory_space<vmem_shared>> -> memref<112x128xf32, #tpu.memory_space<vmem_shared>>
      tpu.enqueue_dma source(%arg8 : memref<112x128xf32, #tpu.memory_space<vmem>>) target(%dma_start3A_294 : memref<112x128xf32, #tpu.memory_space<vmem_shared>>) target_semaphore(%run_scoped3A : memref<!tpu.dma_semaphore, #tpu.memory_space<semaphore_mem>>)
      %dma_wait3A_295 = arith.constant 0 : i32
      %dma_wait3A_296 = tpu.memref_slice %arg10[%add3A_21, %dma_wait3A_295] : memref<10240x128xf32, #tpu.memory_space<vmem_shared>> -> memref<112x128xf32, #tpu.memory_space<vmem_shared>>
      %dma_wait3A_297 = arith.constant 0 : i32
      %dma_wait3A_298 = tpu.memref_slice %arg10[%add3A_21, %dma_wait3A_297] : memref<10240x128xf32, #tpu.memory_space<vmem_shared>> -> memref<112x128xf32, #tpu.memory_space<vmem_shared>>
      tpu.wait_dma2 semaphore(%run_scoped3A : memref<!tpu.dma_semaphore, #tpu.memory_space<semaphore_mem>>) src(%arg8 : memref<112x128xf32, #tpu.memory_space<vmem>>) dst(%dma_wait3A_298 : memref<112x128xf32, #tpu.memory_space<vmem_shared>>)
      tpu.yield
    }) : () -> ()
    %mul3A_22 = arith.constant 640 : i32
    %mul3A_23 = arith.muli %arg1, %mul3A_22 : i32
    %add3A_24 = arith.constant 448 : i32
    %add3A_25 = arith.addi %mul3A_23, %add3A_24 : i32
    "tpu.region"() ({
      %run_scoped3A = tpu.sem_alloc : memref<!tpu.dma_semaphore, #tpu.memory_space<semaphore_mem>>
      %dma_start3A_291 = arith.constant 0 : i32
      %dma_start3A_292 = tpu.memref_slice %arg10[%add3A_25, %dma_start3A_291] : memref<10240x128xf32, #tpu.memory_space<vmem_shared>> -> memref<112x128xf32, #tpu.memory_space<vmem_shared>>
      %dma_start3A_293 = arith.constant 0 : i32
      %dma_start3A_294 = tpu.memref_slice %arg10[%add3A_25, %dma_start3A_293] : memref<10240x128xf32, #tpu.memory_space<vmem_shared>> -> memref<112x128xf32, #tpu.memory_space<vmem_shared>>
      tpu.enqueue_dma source(%arg8 : memref<112x128xf32, #tpu.memory_space<vmem>>) target(%dma_start3A_294 : memref<112x128xf32, #tpu.memory_space<vmem_shared>>) target_semaphore(%run_scoped3A : memref<!tpu.dma_semaphore, #tpu.memory_space<semaphore_mem>>)
      %dma_wait3A_295 = arith.constant 0 : i32
      %dma_wait3A_296 = tpu.memref_slice %arg10[%add3A_25, %dma_wait3A_295] : memref<10240x128xf32, #tpu.memory_space<vmem_shared>> -> memref<112x128xf32, #tpu.memory_space<vmem_shared>>
      %dma_wait3A_297 = arith.constant 0 : i32
      %dma_wait3A_298 = tpu.memref_slice %arg10[%add3A_25, %dma_wait3A_297] : memref<10240x128xf32, #tpu.memory_space<vmem_shared>> -> memref<112x128xf32, #tpu.memory_space<vmem_shared>>
      tpu.wait_dma2 semaphore(%run_scoped3A : memref<!tpu.dma_semaphore, #tpu.memory_space<semaphore_mem>>) src(%arg8 : memref<112x128xf32, #tpu.memory_space<vmem>>) dst(%dma_wait3A_298 : memref<112x128xf32, #tpu.memory_space<vmem_shared>>)
      tpu.yield
    }) : () -> ()
    %mul3A_26 = arith.constant 640 : i32
    %mul3A_27 = arith.muli %arg1, %mul3A_26 : i32
    %add3A_28 = arith.constant 528 : i32
    %add3A_29 = arith.addi %mul3A_27, %add3A_28 : i32
    "tpu.region"() ({
      %run_scoped3A = tpu.sem_alloc : memref<!tpu.dma_semaphore, #tpu.memory_space<semaphore_mem>>
      %dma_start3A_291 = arith.constant 0 : i32
      %dma_start3A_292 = tpu.memref_slice %arg10[%add3A_29, %dma_start3A_291] : memref<10240x128xf32, #tpu.memory_space<vmem_shared>> -> memref<112x128xf32, #tpu.memory_space<vmem_shared>>
      %dma_start3A_293 = arith.constant 0 : i32
      %dma_start3A_294 = tpu.memref_slice %arg10[%add3A_29, %dma_start3A_293] : memref<10240x128xf32, #tpu.memory_space<vmem_shared>> -> memref<112x128xf32, #tpu.memory_space<vmem_shared>>
      tpu.enqueue_dma source(%arg8 : memref<112x128xf32, #tpu.memory_space<vmem>>) target(%dma_start3A_294 : memref<112x128xf32, #tpu.memory_space<vmem_shared>>) target_semaphore(%run_scoped3A : memref<!tpu.dma_semaphore, #tpu.memory_space<semaphore_mem>>)
      %dma_wait3A_295 = arith.constant 0 : i32
      %dma_wait3A_296 = tpu.memref_slice %arg10[%add3A_29, %dma_wait3A_295] : memref<10240x128xf32, #tpu.memory_space<vmem_shared>> -> memref<112x128xf32, #tpu.memory_space<vmem_shared>>
      %dma_wait3A_297 = arith.constant 0 : i32
      %dma_wait3A_298 = tpu.memref_slice %arg10[%add3A_29, %dma_wait3A_297] : memref<10240x128xf32, #tpu.memory_space<vmem_shared>> -> memref<112x128xf32, #tpu.memory_space<vmem_shared>>
      tpu.wait_dma2 semaphore(%run_scoped3A : memref<!tpu.dma_semaphore, #tpu.memory_space<semaphore_mem>>) src(%arg8 : memref<112x128xf32, #tpu.memory_space<vmem>>) dst(%dma_wait3A_298 : memref<112x128xf32, #tpu.memory_space<vmem_shared>>)
      tpu.yield
    }) : () -> ()
    %barrier3A = arith.constant 0 : index
    tpu.barrier barrier_id(%barrier3A)
    %sub3A = arith.constant 1 : i32
    %sub3A_30 = arith.subi %sub3A, %arg0 : i32
    %mul3A_31 = arith.constant 16 : i32
    %mul3A_32 = arith.muli %sub3A_30, %mul3A_31 : i32
    %add3A_33 = arith.addi %mul3A_32, %arg1 : i32
    %mul3A_34 = arith.constant 92 : i32
    %mul3A_35 = arith.muli %add3A_33, %mul3A_34 : i32
    %add3A_36 = arith.constant 0 : i32
    %add3A_37 = arith.addi %mul3A_35, %add3A_36 : i32
    %dma_start3A = arith.constant 0 : i32
    %dma_start3A_38 = arith.constant 0 : i32
    %dma_start3A_39 = tpu.memref_slice %arg6[%dma_start3A, %dma_start3A_38] : memref<4x112xi32, #tpu.memory_space<vmem>> -> memref<1x112xi32, #tpu.memory_space<vmem>>
    %dma_start3A_40 = tpu.memref_squeeze %dma_start3A_39 : memref<1x112xi32, #tpu.memory_space<vmem>> -> memref<112xi32, #tpu.memory_space<vmem>>
    %dma_start3A_41 = arith.constant 0 : i32
    %dma_start3A_42 = tpu.memref_slice %arg3[%add3A_37, %dma_start3A_41] : memref<2944x112xi32, #tpu.memory_space<hbm>> -> memref<1x112xi32, #tpu.memory_space<hbm>>
    %dma_start3A_43 = tpu.memref_squeeze %dma_start3A_42 : memref<1x112xi32, #tpu.memory_space<hbm>> -> memref<112xi32, #tpu.memory_space<hbm>>
    %dma_start3A_44 = arith.constant 0 : i32
    %dma_start3A_45 = tpu.memref_slice %arg6[%dma_start3A, %dma_start3A_44] : memref<4x112xi32, #tpu.memory_space<vmem>> -> memref<1x112xi32, #tpu.memory_space<vmem>>
    %dma_start3A_46 = tpu.memref_squeeze %dma_start3A_45 : memref<1x112xi32, #tpu.memory_space<vmem>> -> memref<112xi32, #tpu.memory_space<vmem>>
    %dma_start3A_47 = arith.constant 0 : i32
    %dma_start3A_48 = tpu.memref_slice %arg3[%add3A_37, %dma_start3A_47] : memref<2944x112xi32, #tpu.memory_space<hbm>> -> memref<1x112xi32, #tpu.memory_space<hbm>>
    %dma_start3A_49 = tpu.memref_squeeze %dma_start3A_48 : memref<1x112xi32, #tpu.memory_space<hbm>> -> memref<112xi32, #tpu.memory_space<hbm>>
    tpu.enqueue_dma source(%dma_start3A_49 : memref<112xi32, #tpu.memory_space<hbm>>) target(%dma_start3A_46 : memref<112xi32, #tpu.memory_space<vmem>>) target_semaphore(%arg15 : memref<!tpu.dma_semaphore, #tpu.memory_space<semaphore_mem>>)
    %add3A_50 = arith.constant 0 : i32
    %add3A_51 = arith.addi %mul3A_35, %add3A_50 : i32
    %dma_start3A_52 = arith.constant 0 : i32
    %dma_start3A_53 = arith.constant 0 : i32
    %dma_start3A_54 = tpu.memref_slice %arg7[%dma_start3A_52, %dma_start3A_53] : memref<4x112xi32, #tpu.memory_space<vmem>> -> memref<1x112xi32, #tpu.memory_space<vmem>>
    %dma_start3A_55 = tpu.memref_squeeze %dma_start3A_54 : memref<1x112xi32, #tpu.memory_space<vmem>> -> memref<112xi32, #tpu.memory_space<vmem>>
    %dma_start3A_56 = arith.constant 0 : i32
    %dma_start3A_57 = tpu.memref_slice %arg4[%add3A_51, %dma_start3A_56] : memref<2944x112xi32, #tpu.memory_space<hbm>> -> memref<1x112xi32, #tpu.memory_space<hbm>>
    %dma_start3A_58 = tpu.memref_squeeze %dma_start3A_57 : memref<1x112xi32, #tpu.memory_space<hbm>> -> memref<112xi32, #tpu.memory_space<hbm>>
    %dma_start3A_59 = arith.constant 0 : i32
    %dma_start3A_60 = tpu.memref_slice %arg7[%dma_start3A_52, %dma_start3A_59] : memref<4x112xi32, #tpu.memory_space<vmem>> -> memref<1x112xi32, #tpu.memory_space<vmem>>
    %dma_start3A_61 = tpu.memref_squeeze %dma_start3A_60 : memref<1x112xi32, #tpu.memory_space<vmem>> -> memref<112xi32, #tpu.memory_space<vmem>>
    %dma_start3A_62 = arith.constant 0 : i32
    %dma_start3A_63 = tpu.memref_slice %arg4[%add3A_51, %dma_start3A_62] : memref<2944x112xi32, #tpu.memory_space<hbm>> -> memref<1x112xi32, #tpu.memory_space<hbm>>
    %dma_start3A_64 = tpu.memref_squeeze %dma_start3A_63 : memref<1x112xi32, #tpu.memory_space<hbm>> -> memref<112xi32, #tpu.memory_space<hbm>>
    tpu.enqueue_dma source(%dma_start3A_64 : memref<112xi32, #tpu.memory_space<hbm>>) target(%dma_start3A_61 : memref<112xi32, #tpu.memory_space<vmem>>) target_semaphore(%arg15 : memref<!tpu.dma_semaphore, #tpu.memory_space<semaphore_mem>>)
    %add3A_65 = arith.constant 1 : i32
    %add3A_66 = arith.addi %mul3A_35, %add3A_65 : i32
    %dma_start3A_67 = arith.constant 1 : i32
    %dma_start3A_68 = arith.constant 0 : i32
    %dma_start3A_69 = tpu.memref_slice %arg6[%dma_start3A_67, %dma_start3A_68] : memref<4x112xi32, #tpu.memory_space<vmem>> -> memref<1x112xi32, #tpu.memory_space<vmem>>
    %dma_start3A_70 = tpu.memref_squeeze %dma_start3A_69 : memref<1x112xi32, #tpu.memory_space<vmem>> -> memref<112xi32, #tpu.memory_space<vmem>>
    %dma_start3A_71 = arith.constant 0 : i32
    %dma_start3A_72 = tpu.memref_slice %arg3[%add3A_66, %dma_start3A_71] : memref<2944x112xi32, #tpu.memory_space<hbm>> -> memref<1x112xi32, #tpu.memory_space<hbm>>
    %dma_start3A_73 = tpu.memref_squeeze %dma_start3A_72 : memref<1x112xi32, #tpu.memory_space<hbm>> -> memref<112xi32, #tpu.memory_space<hbm>>
    %dma_start3A_74 = arith.constant 0 : i32
    %dma_start3A_75 = tpu.memref_slice %arg6[%dma_start3A_67, %dma_start3A_74] : memref<4x112xi32, #tpu.memory_space<vmem>> -> memref<1x112xi32, #tpu.memory_space<vmem>>
    %dma_start3A_76 = tpu.memref_squeeze %dma_start3A_75 : memref<1x112xi32, #tpu.memory_space<vmem>> -> memref<112xi32, #tpu.memory_space<vmem>>
    %dma_start3A_77 = arith.constant 0 : i32
    %dma_start3A_78 = tpu.memref_slice %arg3[%add3A_66, %dma_start3A_77] : memref<2944x112xi32, #tpu.memory_space<hbm>> -> memref<1x112xi32, #tpu.memory_space<hbm>>
    %dma_start3A_79 = tpu.memref_squeeze %dma_start3A_78 : memref<1x112xi32, #tpu.memory_space<hbm>> -> memref<112xi32, #tpu.memory_space<hbm>>
    tpu.enqueue_dma source(%dma_start3A_79 : memref<112xi32, #tpu.memory_space<hbm>>) target(%dma_start3A_76 : memref<112xi32, #tpu.memory_space<vmem>>) target_semaphore(%arg16 : memref<!tpu.dma_semaphore, #tpu.memory_space<semaphore_mem>>)
    %add3A_80 = arith.constant 1 : i32
    %add3A_81 = arith.addi %mul3A_35, %add3A_80 : i32
    %dma_start3A_82 = arith.constant 1 : i32
    %dma_start3A_83 = arith.constant 0 : i32
    %dma_start3A_84 = tpu.memref_slice %arg7[%dma_start3A_82, %dma_start3A_83] : memref<4x112xi32, #tpu.memory_space<vmem>> -> memref<1x112xi32, #tpu.memory_space<vmem>>
    %dma_start3A_85 = tpu.memref_squeeze %dma_start3A_84 : memref<1x112xi32, #tpu.memory_space<vmem>> -> memref<112xi32, #tpu.memory_space<vmem>>
    %dma_start3A_86 = arith.constant 0 : i32
    %dma_start3A_87 = tpu.memref_slice %arg4[%add3A_81, %dma_start3A_86] : memref<2944x112xi32, #tpu.memory_space<hbm>> -> memref<1x112xi32, #tpu.memory_space<hbm>>
    %dma_start3A_88 = tpu.memref_squeeze %dma_start3A_87 : memref<1x112xi32, #tpu.memory_space<hbm>> -> memref<112xi32, #tpu.memory_space<hbm>>
    %dma_start3A_89 = arith.constant 0 : i32
    %dma_start3A_90 = tpu.memref_slice %arg7[%dma_start3A_82, %dma_start3A_89] : memref<4x112xi32, #tpu.memory_space<vmem>> -> memref<1x112xi32, #tpu.memory_space<vmem>>
    %dma_start3A_91 = tpu.memref_squeeze %dma_start3A_90 : memref<1x112xi32, #tpu.memory_space<vmem>> -> memref<112xi32, #tpu.memory_space<vmem>>
    %dma_start3A_92 = arith.constant 0 : i32
    %dma_start3A_93 = tpu.memref_slice %arg4[%add3A_81, %dma_start3A_92] : memref<2944x112xi32, #tpu.memory_space<hbm>> -> memref<1x112xi32, #tpu.memory_space<hbm>>
    %dma_start3A_94 = tpu.memref_squeeze %dma_start3A_93 : memref<1x112xi32, #tpu.memory_space<hbm>> -> memref<112xi32, #tpu.memory_space<hbm>>
    tpu.enqueue_dma source(%dma_start3A_94 : memref<112xi32, #tpu.memory_space<hbm>>) target(%dma_start3A_91 : memref<112xi32, #tpu.memory_space<vmem>>) target_semaphore(%arg16 : memref<!tpu.dma_semaphore, #tpu.memory_space<semaphore_mem>>)
    %add3A_95 = arith.constant 2 : i32
    %add3A_96 = arith.addi %mul3A_35, %add3A_95 : i32
    %dma_start3A_97 = arith.constant 2 : i32
    %dma_start3A_98 = arith.constant 0 : i32
    %dma_start3A_99 = tpu.memref_slice %arg6[%dma_start3A_97, %dma_start3A_98] : memref<4x112xi32, #tpu.memory_space<vmem>> -> memref<1x112xi32, #tpu.memory_space<vmem>>
    %dma_start3A_100 = tpu.memref_squeeze %dma_start3A_99 : memref<1x112xi32, #tpu.memory_space<vmem>> -> memref<112xi32, #tpu.memory_space<vmem>>
    %dma_start3A_101 = arith.constant 0 : i32
    %dma_start3A_102 = tpu.memref_slice %arg3[%add3A_96, %dma_start3A_101] : memref<2944x112xi32, #tpu.memory_space<hbm>> -> memref<1x112xi32, #tpu.memory_space<hbm>>
    %dma_start3A_103 = tpu.memref_squeeze %dma_start3A_102 : memref<1x112xi32, #tpu.memory_space<hbm>> -> memref<112xi32, #tpu.memory_space<hbm>>
    %dma_start3A_104 = arith.constant 0 : i32
    %dma_start3A_105 = tpu.memref_slice %arg6[%dma_start3A_97, %dma_start3A_104] : memref<4x112xi32, #tpu.memory_space<vmem>> -> memref<1x112xi32, #tpu.memory_space<vmem>>
    %dma_start3A_106 = tpu.memref_squeeze %dma_start3A_105 : memref<1x112xi32, #tpu.memory_space<vmem>> -> memref<112xi32, #tpu.memory_space<vmem>>
    %dma_start3A_107 = arith.constant 0 : i32
    %dma_start3A_108 = tpu.memref_slice %arg3[%add3A_96, %dma_start3A_107] : memref<2944x112xi32, #tpu.memory_space<hbm>> -> memref<1x112xi32, #tpu.memory_space<hbm>>
    %dma_start3A_109 = tpu.memref_squeeze %dma_start3A_108 : memref<1x112xi32, #tpu.memory_space<hbm>> -> memref<112xi32, #tpu.memory_space<hbm>>
    tpu.enqueue_dma source(%dma_start3A_109 : memref<112xi32, #tpu.memory_space<hbm>>) target(%dma_start3A_106 : memref<112xi32, #tpu.memory_space<vmem>>) target_semaphore(%arg17 : memref<!tpu.dma_semaphore, #tpu.memory_space<semaphore_mem>>)
    %add3A_110 = arith.constant 2 : i32
    %add3A_111 = arith.addi %mul3A_35, %add3A_110 : i32
    %dma_start3A_112 = arith.constant 2 : i32
    %dma_start3A_113 = arith.constant 0 : i32
    %dma_start3A_114 = tpu.memref_slice %arg7[%dma_start3A_112, %dma_start3A_113] : memref<4x112xi32, #tpu.memory_space<vmem>> -> memref<1x112xi32, #tpu.memory_space<vmem>>
    %dma_start3A_115 = tpu.memref_squeeze %dma_start3A_114 : memref<1x112xi32, #tpu.memory_space<vmem>> -> memref<112xi32, #tpu.memory_space<vmem>>
    %dma_start3A_116 = arith.constant 0 : i32
    %dma_start3A_117 = tpu.memref_slice %arg4[%add3A_111, %dma_start3A_116] : memref<2944x112xi32, #tpu.memory_space<hbm>> -> memref<1x112xi32, #tpu.memory_space<hbm>>
    %dma_start3A_118 = tpu.memref_squeeze %dma_start3A_117 : memref<1x112xi32, #tpu.memory_space<hbm>> -> memref<112xi32, #tpu.memory_space<hbm>>
    %dma_start3A_119 = arith.constant 0 : i32
    %dma_start3A_120 = tpu.memref_slice %arg7[%dma_start3A_112, %dma_start3A_119] : memref<4x112xi32, #tpu.memory_space<vmem>> -> memref<1x112xi32, #tpu.memory_space<vmem>>
    %dma_start3A_121 = tpu.memref_squeeze %dma_start3A_120 : memref<1x112xi32, #tpu.memory_space<vmem>> -> memref<112xi32, #tpu.memory_space<vmem>>
    %dma_start3A_122 = arith.constant 0 : i32
    %dma_start3A_123 = tpu.memref_slice %arg4[%add3A_111, %dma_start3A_122] : memref<2944x112xi32, #tpu.memory_space<hbm>> -> memref<1x112xi32, #tpu.memory_space<hbm>>
    %dma_start3A_124 = tpu.memref_squeeze %dma_start3A_123 : memref<1x112xi32, #tpu.memory_space<hbm>> -> memref<112xi32, #tpu.memory_space<hbm>>
    tpu.enqueue_dma source(%dma_start3A_124 : memref<112xi32, #tpu.memory_space<hbm>>) target(%dma_start3A_121 : memref<112xi32, #tpu.memory_space<vmem>>) target_semaphore(%arg17 : memref<!tpu.dma_semaphore, #tpu.memory_space<semaphore_mem>>)
    %add3A_125 = arith.constant 3 : i32
    %add3A_126 = arith.addi %mul3A_35, %add3A_125 : i32
    %dma_start3A_127 = arith.constant 3 : i32
    %dma_start3A_128 = arith.constant 0 : i32
    %dma_start3A_129 = tpu.memref_slice %arg6[%dma_start3A_127, %dma_start3A_128] : memref<4x112xi32, #tpu.memory_space<vmem>> -> memref<1x112xi32, #tpu.memory_space<vmem>>
    %dma_start3A_130 = tpu.memref_squeeze %dma_start3A_129 : memref<1x112xi32, #tpu.memory_space<vmem>> -> memref<112xi32, #tpu.memory_space<vmem>>
    %dma_start3A_131 = arith.constant 0 : i32
    %dma_start3A_132 = tpu.memref_slice %arg3[%add3A_126, %dma_start3A_131] : memref<2944x112xi32, #tpu.memory_space<hbm>> -> memref<1x112xi32, #tpu.memory_space<hbm>>
    %dma_start3A_133 = tpu.memref_squeeze %dma_start3A_132 : memref<1x112xi32, #tpu.memory_space<hbm>> -> memref<112xi32, #tpu.memory_space<hbm>>
    %dma_start3A_134 = arith.constant 0 : i32
    %dma_start3A_135 = tpu.memref_slice %arg6[%dma_start3A_127, %dma_start3A_134] : memref<4x112xi32, #tpu.memory_space<vmem>> -> memref<1x112xi32, #tpu.memory_space<vmem>>
    %dma_start3A_136 = tpu.memref_squeeze %dma_start3A_135 : memref<1x112xi32, #tpu.memory_space<vmem>> -> memref<112xi32, #tpu.memory_space<vmem>>
    %dma_start3A_137 = arith.constant 0 : i32
    %dma_start3A_138 = tpu.memref_slice %arg3[%add3A_126, %dma_start3A_137] : memref<2944x112xi32, #tpu.memory_space<hbm>> -> memref<1x112xi32, #tpu.memory_space<hbm>>
    %dma_start3A_139 = tpu.memref_squeeze %dma_start3A_138 : memref<1x112xi32, #tpu.memory_space<hbm>> -> memref<112xi32, #tpu.memory_space<hbm>>
    tpu.enqueue_dma source(%dma_start3A_139 : memref<112xi32, #tpu.memory_space<hbm>>) target(%dma_start3A_136 : memref<112xi32, #tpu.memory_space<vmem>>) target_semaphore(%arg18 : memref<!tpu.dma_semaphore, #tpu.memory_space<semaphore_mem>>)
    %add3A_140 = arith.constant 3 : i32
    %add3A_141 = arith.addi %mul3A_35, %add3A_140 : i32
    %dma_start3A_142 = arith.constant 3 : i32
    %dma_start3A_143 = arith.constant 0 : i32
    %dma_start3A_144 = tpu.memref_slice %arg7[%dma_start3A_142, %dma_start3A_143] : memref<4x112xi32, #tpu.memory_space<vmem>> -> memref<1x112xi32, #tpu.memory_space<vmem>>
    %dma_start3A_145 = tpu.memref_squeeze %dma_start3A_144 : memref<1x112xi32, #tpu.memory_space<vmem>> -> memref<112xi32, #tpu.memory_space<vmem>>
    %dma_start3A_146 = arith.constant 0 : i32
    %dma_start3A_147 = tpu.memref_slice %arg4[%add3A_141, %dma_start3A_146] : memref<2944x112xi32, #tpu.memory_space<hbm>> -> memref<1x112xi32, #tpu.memory_space<hbm>>
    %dma_start3A_148 = tpu.memref_squeeze %dma_start3A_147 : memref<1x112xi32, #tpu.memory_space<hbm>> -> memref<112xi32, #tpu.memory_space<hbm>>
    %dma_start3A_149 = arith.constant 0 : i32
    %dma_start3A_150 = tpu.memref_slice %arg7[%dma_start3A_142, %dma_start3A_149] : memref<4x112xi32, #tpu.memory_space<vmem>> -> memref<1x112xi32, #tpu.memory_space<vmem>>
    %dma_start3A_151 = tpu.memref_squeeze %dma_start3A_150 : memref<1x112xi32, #tpu.memory_space<vmem>> -> memref<112xi32, #tpu.memory_space<vmem>>
    %dma_start3A_152 = arith.constant 0 : i32
    %dma_start3A_153 = tpu.memref_slice %arg4[%add3A_141, %dma_start3A_152] : memref<2944x112xi32, #tpu.memory_space<hbm>> -> memref<1x112xi32, #tpu.memory_space<hbm>>
    %dma_start3A_154 = tpu.memref_squeeze %dma_start3A_153 : memref<1x112xi32, #tpu.memory_space<hbm>> -> memref<112xi32, #tpu.memory_space<hbm>>
    tpu.enqueue_dma source(%dma_start3A_154 : memref<112xi32, #tpu.memory_space<hbm>>) target(%dma_start3A_151 : memref<112xi32, #tpu.memory_space<vmem>>) target_semaphore(%arg18 : memref<!tpu.dma_semaphore, #tpu.memory_space<semaphore_mem>>)
    %add3A_155 = arith.constant 0 : i32
    %add3A_156 = arith.addi %mul3A_35, %add3A_155 : i32
    %dma_wait3A = arith.constant 0 : i32
    %dma_wait3A_157 = arith.constant 0 : i32
    %dma_wait3A_158 = tpu.memref_slice %arg6[%dma_wait3A, %dma_wait3A_157] : memref<4x112xi32, #tpu.memory_space<vmem>> -> memref<1x112xi32, #tpu.memory_space<vmem>>
    %dma_wait3A_159 = tpu.memref_squeeze %dma_wait3A_158 : memref<1x112xi32, #tpu.memory_space<vmem>> -> memref<112xi32, #tpu.memory_space<vmem>>
    %dma_wait3A_160 = arith.constant 0 : i32
    %dma_wait3A_161 = tpu.memref_slice %arg3[%add3A_156, %dma_wait3A_160] : memref<2944x112xi32, #tpu.memory_space<hbm>> -> memref<1x112xi32, #tpu.memory_space<hbm>>
    %dma_wait3A_162 = tpu.memref_squeeze %dma_wait3A_161 : memref<1x112xi32, #tpu.memory_space<hbm>> -> memref<112xi32, #tpu.memory_space<hbm>>
    %dma_wait3A_163 = arith.constant 0 : i32
    %dma_wait3A_164 = tpu.memref_slice %arg6[%dma_wait3A, %dma_wait3A_163] : memref<4x112xi32, #tpu.memory_space<vmem>> -> memref<1x112xi32, #tpu.memory_space<vmem>>
    %dma_wait3A_165 = tpu.memref_squeeze %dma_wait3A_164 : memref<1x112xi32, #tpu.memory_space<vmem>> -> memref<112xi32, #tpu.memory_space<vmem>>
    %dma_wait3A_166 = arith.constant 0 : i32
    %dma_wait3A_167 = tpu.memref_slice %arg3[%add3A_156, %dma_wait3A_166] : memref<2944x112xi32, #tpu.memory_space<hbm>> -> memref<1x112xi32, #tpu.memory_space<hbm>>
    %dma_wait3A_168 = tpu.memref_squeeze %dma_wait3A_167 : memref<1x112xi32, #tpu.memory_space<hbm>> -> memref<112xi32, #tpu.memory_space<hbm>>
    tpu.wait_dma2 semaphore(%arg15 : memref<!tpu.dma_semaphore, #tpu.memory_space<semaphore_mem>>) src(%dma_wait3A_168 : memref<112xi32, #tpu.memory_space<hbm>>) dst(%dma_wait3A_165 : memref<112xi32, #tpu.memory_space<vmem>>)
    %add3A_169 = arith.constant 0 : i32
    %add3A_170 = arith.addi %mul3A_35, %add3A_169 : i32
    %dma_wait3A_171 = arith.constant 0 : i32
    %dma_wait3A_172 = arith.constant 0 : i32
    %dma_wait3A_173 = tpu.memref_slice %arg7[%dma_wait3A_171, %dma_wait3A_172] : memref<4x112xi32, #tpu.memory_space<vmem>> -> memref<1x112xi32, #tpu.memory_space<vmem>>
    %dma_wait3A_174 = tpu.memref_squeeze %dma_wait3A_173 : memref<1x112xi32, #tpu.memory_space<vmem>> -> memref<112xi32, #tpu.memory_space<vmem>>
    %dma_wait3A_175 = arith.constant 0 : i32
    %dma_wait3A_176 = tpu.memref_slice %arg4[%add3A_170, %dma_wait3A_175] : memref<2944x112xi32, #tpu.memory_space<hbm>> -> memref<1x112xi32, #tpu.memory_space<hbm>>
    %dma_wait3A_177 = tpu.memref_squeeze %dma_wait3A_176 : memref<1x112xi32, #tpu.memory_space<hbm>> -> memref<112xi32, #tpu.memory_space<hbm>>
    %dma_wait3A_178 = arith.constant 0 : i32
    %dma_wait3A_179 = tpu.memref_slice %arg7[%dma_wait3A_171, %dma_wait3A_178] : memref<4x112xi32, #tpu.memory_space<vmem>> -> memref<1x112xi32, #tpu.memory_space<vmem>>
    %dma_wait3A_180 = tpu.memref_squeeze %dma_wait3A_179 : memref<1x112xi32, #tpu.memory_space<vmem>> -> memref<112xi32, #tpu.memory_space<vmem>>
    %dma_wait3A_181 = arith.constant 0 : i32
    %dma_wait3A_182 = tpu.memref_slice %arg4[%add3A_170, %dma_wait3A_181] : memref<2944x112xi32, #tpu.memory_space<hbm>> -> memref<1x112xi32, #tpu.memory_space<hbm>>
    %dma_wait3A_183 = tpu.memref_squeeze %dma_wait3A_182 : memref<1x112xi32, #tpu.memory_space<hbm>> -> memref<112xi32, #tpu.memory_space<hbm>>
    tpu.wait_dma2 semaphore(%arg15 : memref<!tpu.dma_semaphore, #tpu.memory_space<semaphore_mem>>) src(%dma_wait3A_183 : memref<112xi32, #tpu.memory_space<hbm>>) dst(%dma_wait3A_180 : memref<112xi32, #tpu.memory_space<vmem>>)
    %dma_start3A_184 = arith.constant 0 : i32
    %dma_start3A_185 = arith.constant 0 : i32
    %dma_start3A_186 = tpu.memref_slice %arg6[%dma_start3A_184, %dma_start3A_185] : memref<4x112xi32, #tpu.memory_space<vmem>> -> memref<1x112xi32, #tpu.memory_space<vmem>>
    %dma_start3A_187 = tpu.memref_squeeze %dma_start3A_186 : memref<1x112xi32, #tpu.memory_space<vmem>> -> memref<112xi32, #tpu.memory_space<vmem>>
    %dma_start3A_188 = arith.constant 0 : i32
    %dma_start3A_189 = arith.constant 0 : i32
    %dma_start3A_190 = tpu.memref_slice %arg2[%dma_start3A_188, %dma_start3A_189] : memref<10240x128xf32, #tpu.memory_space<hbm>> -> memref<10240x128xf32, #tpu.memory_space<hbm>>
    tpu.enqueue_indirect_dma source(%dma_start3A_190 : memref<10240x128xf32, #tpu.memory_space<hbm>>) target(%arg8 : memref<112x128xf32, #tpu.memory_space<vmem>>) offsets(%dma_start3A_187 : memref<112xi32, #tpu.memory_space<vmem>>) semaphore(%arg11 : memref<!tpu.dma_semaphore, #tpu.memory_space<semaphore_mem>>)
    %add3A_191 = arith.constant 1 : i32
    %add3A_192 = arith.addi %mul3A_35, %add3A_191 : i32
    %dma_wait3A_193 = arith.constant 1 : i32
    %dma_wait3A_194 = arith.constant 0 : i32
    %dma_wait3A_195 = tpu.memref_slice %arg6[%dma_wait3A_193, %dma_wait3A_194] : memref<4x112xi32, #tpu.memory_space<vmem>> -> memref<1x112xi32, #tpu.memory_space<vmem>>
    %dma_wait3A_196 = tpu.memref_squeeze %dma_wait3A_195 : memref<1x112xi32, #tpu.memory_space<vmem>> -> memref<112xi32, #tpu.memory_space<vmem>>
    %dma_wait3A_197 = arith.constant 0 : i32
    %dma_wait3A_198 = tpu.memref_slice %arg3[%add3A_192, %dma_wait3A_197] : memref<2944x112xi32, #tpu.memory_space<hbm>> -> memref<1x112xi32, #tpu.memory_space<hbm>>
    %dma_wait3A_199 = tpu.memref_squeeze %dma_wait3A_198 : memref<1x112xi32, #tpu.memory_space<hbm>> -> memref<112xi32, #tpu.memory_space<hbm>>
    %dma_wait3A_200 = arith.constant 0 : i32
    %dma_wait3A_201 = tpu.memref_slice %arg6[%dma_wait3A_193, %dma_wait3A_200] : memref<4x112xi32, #tpu.memory_space<vmem>> -> memref<1x112xi32, #tpu.memory_space<vmem>>
    %dma_wait3A_202 = tpu.memref_squeeze %dma_wait3A_201 : memref<1x112xi32, #tpu.memory_space<vmem>> -> memref<112xi32, #tpu.memory_space<vmem>>
    %dma_wait3A_203 = arith.constant 0 : i32
    %dma_wait3A_204 = tpu.memref_slice %arg3[%add3A_192, %dma_wait3A_203] : memref<2944x112xi32, #tpu.memory_space<hbm>> -> memref<1x112xi32, #tpu.memory_space<hbm>>
    %dma_wait3A_205 = tpu.memref_squeeze %dma_wait3A_204 : memref<1x112xi32, #tpu.memory_space<hbm>> -> memref<112xi32, #tpu.memory_space<hbm>>
    tpu.wait_dma2 semaphore(%arg16 : memref<!tpu.dma_semaphore, #tpu.memory_space<semaphore_mem>>) src(%dma_wait3A_205 : memref<112xi32, #tpu.memory_space<hbm>>) dst(%dma_wait3A_202 : memref<112xi32, #tpu.memory_space<vmem>>)
    %add3A_206 = arith.constant 1 : i32
    %add3A_207 = arith.addi %mul3A_35, %add3A_206 : i32
    %dma_wait3A_208 = arith.constant 1 : i32
    %dma_wait3A_209 = arith.constant 0 : i32
    %dma_wait3A_210 = tpu.memref_slice %arg7[%dma_wait3A_208, %dma_wait3A_209] : memref<4x112xi32, #tpu.memory_space<vmem>> -> memref<1x112xi32, #tpu.memory_space<vmem>>
    %dma_wait3A_211 = tpu.memref_squeeze %dma_wait3A_210 : memref<1x112xi32, #tpu.memory_space<vmem>> -> memref<112xi32, #tpu.memory_space<vmem>>
    %dma_wait3A_212 = arith.constant 0 : i32
    %dma_wait3A_213 = tpu.memref_slice %arg4[%add3A_207, %dma_wait3A_212] : memref<2944x112xi32, #tpu.memory_space<hbm>> -> memref<1x112xi32, #tpu.memory_space<hbm>>
    %dma_wait3A_214 = tpu.memref_squeeze %dma_wait3A_213 : memref<1x112xi32, #tpu.memory_space<hbm>> -> memref<112xi32, #tpu.memory_space<hbm>>
    %dma_wait3A_215 = arith.constant 0 : i32
    %dma_wait3A_216 = tpu.memref_slice %arg7[%dma_wait3A_208, %dma_wait3A_215] : memref<4x112xi32, #tpu.memory_space<vmem>> -> memref<1x112xi32, #tpu.memory_space<vmem>>
    %dma_wait3A_217 = tpu.memref_squeeze %dma_wait3A_216 : memref<1x112xi32, #tpu.memory_space<vmem>> -> memref<112xi32, #tpu.memory_space<vmem>>
    %dma_wait3A_218 = arith.constant 0 : i32
    %dma_wait3A_219 = tpu.memref_slice %arg4[%add3A_207, %dma_wait3A_218] : memref<2944x112xi32, #tpu.memory_space<hbm>> -> memref<1x112xi32, #tpu.memory_space<hbm>>
    %dma_wait3A_220 = tpu.memref_squeeze %dma_wait3A_219 : memref<1x112xi32, #tpu.memory_space<hbm>> -> memref<112xi32, #tpu.memory_space<hbm>>
    tpu.wait_dma2 semaphore(%arg16 : memref<!tpu.dma_semaphore, #tpu.memory_space<semaphore_mem>>) src(%dma_wait3A_220 : memref<112xi32, #tpu.memory_space<hbm>>) dst(%dma_wait3A_217 : memref<112xi32, #tpu.memory_space<vmem>>)
    %dma_start3A_221 = arith.constant 1 : i32
    %dma_start3A_222 = arith.constant 0 : i32
    %dma_start3A_223 = tpu.memref_slice %arg6[%dma_start3A_221, %dma_start3A_222] : memref<4x112xi32, #tpu.memory_space<vmem>> -> memref<1x112xi32, #tpu.memory_space<vmem>>
    %dma_start3A_224 = tpu.memref_squeeze %dma_start3A_223 : memref<1x112xi32, #tpu.memory_space<vmem>> -> memref<112xi32, #tpu.memory_space<vmem>>
    %dma_start3A_225 = arith.constant 0 : i32
    %dma_start3A_226 = arith.constant 0 : i32
    %dma_start3A_227 = tpu.memref_slice %arg2[%dma_start3A_225, %dma_start3A_226] : memref<10240x128xf32, #tpu.memory_space<hbm>> -> memref<10240x128xf32, #tpu.memory_space<hbm>>
    tpu.enqueue_indirect_dma source(%dma_start3A_227 : memref<10240x128xf32, #tpu.memory_space<hbm>>) target(%arg9 : memref<112x128xf32, #tpu.memory_space<vmem>>) offsets(%dma_start3A_224 : memref<112xi32, #tpu.memory_space<vmem>>) semaphore(%arg12 : memref<!tpu.dma_semaphore, #tpu.memory_space<semaphore_mem>>)
    %scan3A_228 = arith.constant 0 : i32
    %scan3A_229 = arith.constant 0 : i32
    %scan3A_230 = arith.constant 23 : i32
    %scan3A_231 = arith.addi %scan3A_229, %scan3A_230 : i32
    %scan3A_232 = arith.constant 1 : i32
    scf.for %scan3A_291 = %scan3A_229 to %scan3A_231 step %scan3A_232  : i32 {
      %mul3A_292 = arith.constant 4 : i32
      %mul3A_293 = arith.muli %mul3A_292, %scan3A_291 : i32
      %lt3A = arith.constant 22 : i32
      %lt3A_294 = arith.cmpi slt, %scan3A_291, %lt3A : i32
      %dma_wait3A_295 = arith.constant 0 : i32
      %dma_wait3A_296 = arith.constant 0 : i32
      %dma_wait3A_297 = tpu.memref_slice %arg6[%dma_wait3A_295, %dma_wait3A_296] : memref<4x112xi32, #tpu.memory_space<vmem>> -> memref<1x112xi32, #tpu.memory_space<vmem>>
      %dma_wait3A_298 = tpu.memref_squeeze %dma_wait3A_297 : memref<1x112xi32, #tpu.memory_space<vmem>> -> memref<112xi32, #tpu.memory_space<vmem>>
      %dma_wait3A_299 = arith.constant 0 : i32
      %dma_wait3A_300 = arith.constant 0 : i32
      %dma_wait3A_301 = tpu.memref_slice %arg2[%dma_wait3A_299, %dma_wait3A_300] : memref<10240x128xf32, #tpu.memory_space<hbm>> -> memref<10240x128xf32, #tpu.memory_space<hbm>>
      tpu.wait_indirect_dma semaphore(%arg11 : memref<!tpu.dma_semaphore, #tpu.memory_space<semaphore_mem>>) src(%dma_wait3A_301 : memref<10240x128xf32, #tpu.memory_space<hbm>>) dst(%arg8 : memref<112x128xf32, #tpu.memory_space<vmem>>)
      %dma_start3A_302 = arith.constant 0 : i32
      %dma_start3A_303 = arith.constant 0 : i32
      %dma_start3A_304 = tpu.memref_slice %arg7[%dma_start3A_302, %dma_start3A_303] : memref<4x112xi32, #tpu.memory_space<vmem>> -> memref<1x112xi32, #tpu.memory_space<vmem>>
      %dma_start3A_305 = tpu.memref_squeeze %dma_start3A_304 : memref<1x112xi32, #tpu.memory_space<vmem>> -> memref<112xi32, #tpu.memory_space<vmem>>
      %dma_start3A_306 = arith.constant 0 : i32
      %dma_start3A_307 = arith.constant 0 : i32
      %dma_start3A_308 = tpu.memref_slice %arg10[%dma_start3A_306, %dma_start3A_307] : memref<10240x128xf32, #tpu.memory_space<vmem_shared>> -> memref<10240x128xf32, #tpu.memory_space<vmem_shared>>
      tpu.enqueue_indirect_dma source(%arg8 : memref<112x128xf32, #tpu.memory_space<vmem>>) target(%dma_start3A_308 : memref<10240x128xf32, #tpu.memory_space<vmem_shared>>) offsets(%dma_start3A_305 : memref<112xi32, #tpu.memory_space<vmem>>) semaphore(%arg13 : memref<!tpu.dma_semaphore, #tpu.memory_space<semaphore_mem>>) {add = true}
      %dma_wait3A_309 = arith.constant 1 : i32
      %dma_wait3A_310 = arith.constant 0 : i32
      %dma_wait3A_311 = tpu.memref_slice %arg6[%dma_wait3A_309, %dma_wait3A_310] : memref<4x112xi32, #tpu.memory_space<vmem>> -> memref<1x112xi32, #tpu.memory_space<vmem>>
      %dma_wait3A_312 = tpu.memref_squeeze %dma_wait3A_311 : memref<1x112xi32, #tpu.memory_space<vmem>> -> memref<112xi32, #tpu.memory_space<vmem>>
      %dma_wait3A_313 = arith.constant 0 : i32
      %dma_wait3A_314 = arith.constant 0 : i32
      %dma_wait3A_315 = tpu.memref_slice %arg2[%dma_wait3A_313, %dma_wait3A_314] : memref<10240x128xf32, #tpu.memory_space<hbm>> -> memref<10240x128xf32, #tpu.memory_space<hbm>>
      tpu.wait_indirect_dma semaphore(%arg12 : memref<!tpu.dma_semaphore, #tpu.memory_space<semaphore_mem>>) src(%dma_wait3A_315 : memref<10240x128xf32, #tpu.memory_space<hbm>>) dst(%arg9 : memref<112x128xf32, #tpu.memory_space<vmem>>)
      %dma_start3A_316 = arith.constant 1 : i32
      %dma_start3A_317 = arith.constant 0 : i32
      %dma_start3A_318 = tpu.memref_slice %arg7[%dma_start3A_316, %dma_start3A_317] : memref<4x112xi32, #tpu.memory_space<vmem>> -> memref<1x112xi32, #tpu.memory_space<vmem>>
      %dma_start3A_319 = tpu.memref_squeeze %dma_start3A_318 : memref<1x112xi32, #tpu.memory_space<vmem>> -> memref<112xi32, #tpu.memory_space<vmem>>
      %dma_start3A_320 = arith.constant 0 : i32
      %dma_start3A_321 = arith.constant 0 : i32
      %dma_start3A_322 = tpu.memref_slice %arg10[%dma_start3A_320, %dma_start3A_321] : memref<10240x128xf32, #tpu.memory_space<vmem_shared>> -> memref<10240x128xf32, #tpu.memory_space<vmem_shared>>
      tpu.enqueue_indirect_dma source(%arg9 : memref<112x128xf32, #tpu.memory_space<vmem>>) target(%dma_start3A_322 : memref<10240x128xf32, #tpu.memory_space<vmem_shared>>) offsets(%dma_start3A_319 : memref<112xi32, #tpu.memory_space<vmem>>) semaphore(%arg14 : memref<!tpu.dma_semaphore, #tpu.memory_space<semaphore_mem>>) {add = true}
      %dma_wait3A_323 = arith.constant 0 : i32
      %dma_wait3A_324 = arith.constant 0 : i32
      %dma_wait3A_325 = tpu.memref_slice %arg7[%dma_wait3A_323, %dma_wait3A_324] : memref<4x112xi32, #tpu.memory_space<vmem>> -> memref<1x112xi32, #tpu.memory_space<vmem>>
      %dma_wait3A_326 = tpu.memref_squeeze %dma_wait3A_325 : memref<1x112xi32, #tpu.memory_space<vmem>> -> memref<112xi32, #tpu.memory_space<vmem>>
      %dma_wait3A_327 = arith.constant 0 : i32
      %dma_wait3A_328 = arith.constant 0 : i32
      %dma_wait3A_329 = tpu.memref_slice %arg10[%dma_wait3A_327, %dma_wait3A_328] : memref<10240x128xf32, #tpu.memory_space<vmem_shared>> -> memref<10240x128xf32, #tpu.memory_space<vmem_shared>>
      tpu.wait_indirect_dma semaphore(%arg13 : memref<!tpu.dma_semaphore, #tpu.memory_space<semaphore_mem>>) src(%arg8 : memref<112x128xf32, #tpu.memory_space<vmem>>) dst(%dma_wait3A_329 : memref<10240x128xf32, #tpu.memory_space<vmem_shared>>)
      %add3A_330 = arith.constant 2 : i32
      %add3A_331 = arith.addi %mul3A_293, %add3A_330 : i32
      %add3A_332 = arith.addi %mul3A_35, %add3A_331 : i32
      %dma_wait3A_333 = arith.constant 2 : i32
      %dma_wait3A_334 = arith.constant 0 : i32
      %dma_wait3A_335 = tpu.memref_slice %arg6[%dma_wait3A_333, %dma_wait3A_334] : memref<4x112xi32, #tpu.memory_space<vmem>> -> memref<1x112xi32, #tpu.memory_space<vmem>>
      %dma_wait3A_336 = tpu.memref_squeeze %dma_wait3A_335 : memref<1x112xi32, #tpu.memory_space<vmem>> -> memref<112xi32, #tpu.memory_space<vmem>>
      %dma_wait3A_337 = arith.constant 0 : i32
      %dma_wait3A_338 = tpu.memref_slice %arg3[%add3A_332, %dma_wait3A_337] : memref<2944x112xi32, #tpu.memory_space<hbm>> -> memref<1x112xi32, #tpu.memory_space<hbm>>
      %dma_wait3A_339 = tpu.memref_squeeze %dma_wait3A_338 : memref<1x112xi32, #tpu.memory_space<hbm>> -> memref<112xi32, #tpu.memory_space<hbm>>
      %dma_wait3A_340 = arith.constant 0 : i32
      %dma_wait3A_341 = tpu.memref_slice %arg6[%dma_wait3A_333, %dma_wait3A_340] : memref<4x112xi32, #tpu.memory_space<vmem>> -> memref<1x112xi32, #tpu.memory_space<vmem>>
      %dma_wait3A_342 = tpu.memref_squeeze %dma_wait3A_341 : memref<1x112xi32, #tpu.memory_space<vmem>> -> memref<112xi32, #tpu.memory_space<vmem>>
      %dma_wait3A_343 = arith.constant 0 : i32
      %dma_wait3A_344 = tpu.memref_slice %arg3[%add3A_332, %dma_wait3A_343] : memref<2944x112xi32, #tpu.memory_space<hbm>> -> memref<1x112xi32, #tpu.memory_space<hbm>>
      %dma_wait3A_345 = tpu.memref_squeeze %dma_wait3A_344 : memref<1x112xi32, #tpu.memory_space<hbm>> -> memref<112xi32, #tpu.memory_space<hbm>>
      tpu.wait_dma2 semaphore(%arg17 : memref<!tpu.dma_semaphore, #tpu.memory_space<semaphore_mem>>) src(%dma_wait3A_345 : memref<112xi32, #tpu.memory_space<hbm>>) dst(%dma_wait3A_342 : memref<112xi32, #tpu.memory_space<vmem>>)
      %add3A_346 = arith.addi %mul3A_35, %add3A_331 : i32
      %dma_wait3A_347 = arith.constant 2 : i32
      %dma_wait3A_348 = arith.constant 0 : i32
      %dma_wait3A_349 = tpu.memref_slice %arg7[%dma_wait3A_347, %dma_wait3A_348] : memref<4x112xi32, #tpu.memory_space<vmem>> -> memref<1x112xi32, #tpu.memory_space<vmem>>
      %dma_wait3A_350 = tpu.memref_squeeze %dma_wait3A_349 : memref<1x112xi32, #tpu.memory_space<vmem>> -> memref<112xi32, #tpu.memory_space<vmem>>
      %dma_wait3A_351 = arith.constant 0 : i32
      %dma_wait3A_352 = tpu.memref_slice %arg4[%add3A_346, %dma_wait3A_351] : memref<2944x112xi32, #tpu.memory_space<hbm>> -> memref<1x112xi32, #tpu.memory_space<hbm>>
      %dma_wait3A_353 = tpu.memref_squeeze %dma_wait3A_352 : memref<1x112xi32, #tpu.memory_space<hbm>> -> memref<112xi32, #tpu.memory_space<hbm>>
      %dma_wait3A_354 = arith.constant 0 : i32
      %dma_wait3A_355 = tpu.memref_slice %arg7[%dma_wait3A_347, %dma_wait3A_354] : memref<4x112xi32, #tpu.memory_space<vmem>> -> memref<1x112xi32, #tpu.memory_space<vmem>>
      %dma_wait3A_356 = tpu.memref_squeeze %dma_wait3A_355 : memref<1x112xi32, #tpu.memory_space<vmem>> -> memref<112xi32, #tpu.memory_space<vmem>>
      %dma_wait3A_357 = arith.constant 0 : i32
      %dma_wait3A_358 = tpu.memref_slice %arg4[%add3A_346, %dma_wait3A_357] : memref<2944x112xi32, #tpu.memory_space<hbm>> -> memref<1x112xi32, #tpu.memory_space<hbm>>
      %dma_wait3A_359 = tpu.memref_squeeze %dma_wait3A_358 : memref<1x112xi32, #tpu.memory_space<hbm>> -> memref<112xi32, #tpu.memory_space<hbm>>
      tpu.wait_dma2 semaphore(%arg17 : memref<!tpu.dma_semaphore, #tpu.memory_space<semaphore_mem>>) src(%dma_wait3A_359 : memref<112xi32, #tpu.memory_space<hbm>>) dst(%dma_wait3A_356 : memref<112xi32, #tpu.memory_space<vmem>>)
      %dma_start3A_360 = arith.constant 2 : i32
      %dma_start3A_361 = arith.constant 0 : i32
      %dma_start3A_362 = tpu.memref_slice %arg6[%dma_start3A_360, %dma_start3A_361] : memref<4x112xi32, #tpu.memory_space<vmem>> -> memref<1x112xi32, #tpu.memory_space<vmem>>
      %dma_start3A_363 = tpu.memref_squeeze %dma_start3A_362 : memref<1x112xi32, #tpu.memory_space<vmem>> -> memref<112xi32, #tpu.memory_space<vmem>>
      %dma_start3A_364 = arith.constant 0 : i32
      %dma_start3A_365 = arith.constant 0 : i32
      %dma_start3A_366 = tpu.memref_slice %arg2[%dma_start3A_364, %dma_start3A_365] : memref<10240x128xf32, #tpu.memory_space<hbm>> -> memref<10240x128xf32, #tpu.memory_space<hbm>>
      tpu.enqueue_indirect_dma source(%dma_start3A_366 : memref<10240x128xf32, #tpu.memory_space<hbm>>) target(%arg8 : memref<112x128xf32, #tpu.memory_space<vmem>>) offsets(%dma_start3A_363 : memref<112xi32, #tpu.memory_space<vmem>>) semaphore(%arg11 : memref<!tpu.dma_semaphore, #tpu.memory_space<semaphore_mem>>)
      %dma_wait3A_367 = arith.constant 1 : i32
      %dma_wait3A_368 = arith.constant 0 : i32
      %dma_wait3A_369 = tpu.memref_slice %arg7[%dma_wait3A_367, %dma_wait3A_368] : memref<4x112xi32, #tpu.memory_space<vmem>> -> memref<1x112xi32, #tpu.memory_space<vmem>>
      %dma_wait3A_370 = tpu.memref_squeeze %dma_wait3A_369 : memref<1x112xi32, #tpu.memory_space<vmem>> -> memref<112xi32, #tpu.memory_space<vmem>>
      %dma_wait3A_371 = arith.constant 0 : i32
      %dma_wait3A_372 = arith.constant 0 : i32
      %dma_wait3A_373 = tpu.memref_slice %arg10[%dma_wait3A_371, %dma_wait3A_372] : memref<10240x128xf32, #tpu.memory_space<vmem_shared>> -> memref<10240x128xf32, #tpu.memory_space<vmem_shared>>
      tpu.wait_indirect_dma semaphore(%arg14 : memref<!tpu.dma_semaphore, #tpu.memory_space<semaphore_mem>>) src(%arg9 : memref<112x128xf32, #tpu.memory_space<vmem>>) dst(%dma_wait3A_373 : memref<10240x128xf32, #tpu.memory_space<vmem_shared>>)
      %add3A_374 = arith.constant 3 : i32
      %add3A_375 = arith.addi %mul3A_293, %add3A_374 : i32
      %add3A_376 = arith.addi %mul3A_35, %add3A_375 : i32
      %dma_wait3A_377 = arith.constant 3 : i32
      %dma_wait3A_378 = arith.constant 0 : i32
      %dma_wait3A_379 = tpu.memref_slice %arg6[%dma_wait3A_377, %dma_wait3A_378] : memref<4x112xi32, #tpu.memory_space<vmem>> -> memref<1x112xi32, #tpu.memory_space<vmem>>
      %dma_wait3A_380 = tpu.memref_squeeze %dma_wait3A_379 : memref<1x112xi32, #tpu.memory_space<vmem>> -> memref<112xi32, #tpu.memory_space<vmem>>
      %dma_wait3A_381 = arith.constant 0 : i32
      %dma_wait3A_382 = tpu.memref_slice %arg3[%add3A_376, %dma_wait3A_381] : memref<2944x112xi32, #tpu.memory_space<hbm>> -> memref<1x112xi32, #tpu.memory_space<hbm>>
      %dma_wait3A_383 = tpu.memref_squeeze %dma_wait3A_382 : memref<1x112xi32, #tpu.memory_space<hbm>> -> memref<112xi32, #tpu.memory_space<hbm>>
      %dma_wait3A_384 = arith.constant 0 : i32
      %dma_wait3A_385 = tpu.memref_slice %arg6[%dma_wait3A_377, %dma_wait3A_384] : memref<4x112xi32, #tpu.memory_space<vmem>> -> memref<1x112xi32, #tpu.memory_space<vmem>>
      %dma_wait3A_386 = tpu.memref_squeeze %dma_wait3A_385 : memref<1x112xi32, #tpu.memory_space<vmem>> -> memref<112xi32, #tpu.memory_space<vmem>>
      %dma_wait3A_387 = arith.constant 0 : i32
      %dma_wait3A_388 = tpu.memref_slice %arg3[%add3A_376, %dma_wait3A_387] : memref<2944x112xi32, #tpu.memory_space<hbm>> -> memref<1x112xi32, #tpu.memory_space<hbm>>
      %dma_wait3A_389 = tpu.memref_squeeze %dma_wait3A_388 : memref<1x112xi32, #tpu.memory_space<hbm>> -> memref<112xi32, #tpu.memory_space<hbm>>
      tpu.wait_dma2 semaphore(%arg18 : memref<!tpu.dma_semaphore, #tpu.memory_space<semaphore_mem>>) src(%dma_wait3A_389 : memref<112xi32, #tpu.memory_space<hbm>>) dst(%dma_wait3A_386 : memref<112xi32, #tpu.memory_space<vmem>>)
      %add3A_390 = arith.addi %mul3A_35, %add3A_375 : i32
      %dma_wait3A_391 = arith.constant 3 : i32
      %dma_wait3A_392 = arith.constant 0 : i32
      %dma_wait3A_393 = tpu.memref_slice %arg7[%dma_wait3A_391, %dma_wait3A_392] : memref<4x112xi32, #tpu.memory_space<vmem>> -> memref<1x112xi32, #tpu.memory_space<vmem>>
      %dma_wait3A_394 = tpu.memref_squeeze %dma_wait3A_393 : memref<1x112xi32, #tpu.memory_space<vmem>> -> memref<112xi32, #tpu.memory_space<vmem>>
      %dma_wait3A_395 = arith.constant 0 : i32
      %dma_wait3A_396 = tpu.memref_slice %arg4[%add3A_390, %dma_wait3A_395] : memref<2944x112xi32, #tpu.memory_space<hbm>> -> memref<1x112xi32, #tpu.memory_space<hbm>>
      %dma_wait3A_397 = tpu.memref_squeeze %dma_wait3A_396 : memref<1x112xi32, #tpu.memory_space<hbm>> -> memref<112xi32, #tpu.memory_space<hbm>>
      %dma_wait3A_398 = arith.constant 0 : i32
      %dma_wait3A_399 = tpu.memref_slice %arg7[%dma_wait3A_391, %dma_wait3A_398] : memref<4x112xi32, #tpu.memory_space<vmem>> -> memref<1x112xi32, #tpu.memory_space<vmem>>
      %dma_wait3A_400 = tpu.memref_squeeze %dma_wait3A_399 : memref<1x112xi32, #tpu.memory_space<vmem>> -> memref<112xi32, #tpu.memory_space<vmem>>
      %dma_wait3A_401 = arith.constant 0 : i32
      %dma_wait3A_402 = tpu.memref_slice %arg4[%add3A_390, %dma_wait3A_401] : memref<2944x112xi32, #tpu.memory_space<hbm>> -> memref<1x112xi32, #tpu.memory_space<hbm>>
      %dma_wait3A_403 = tpu.memref_squeeze %dma_wait3A_402 : memref<1x112xi32, #tpu.memory_space<hbm>> -> memref<112xi32, #tpu.memory_space<hbm>>
      tpu.wait_dma2 semaphore(%arg18 : memref<!tpu.dma_semaphore, #tpu.memory_space<semaphore_mem>>) src(%dma_wait3A_403 : memref<112xi32, #tpu.memory_space<hbm>>) dst(%dma_wait3A_400 : memref<112xi32, #tpu.memory_space<vmem>>)
      %dma_start3A_404 = arith.constant 3 : i32
      %dma_start3A_405 = arith.constant 0 : i32
      %dma_start3A_406 = tpu.memref_slice %arg6[%dma_start3A_404, %dma_start3A_405] : memref<4x112xi32, #tpu.memory_space<vmem>> -> memref<1x112xi32, #tpu.memory_space<vmem>>
      %dma_start3A_407 = tpu.memref_squeeze %dma_start3A_406 : memref<1x112xi32, #tpu.memory_space<vmem>> -> memref<112xi32, #tpu.memory_space<vmem>>
      %dma_start3A_408 = arith.constant 0 : i32
      %dma_start3A_409 = arith.constant 0 : i32
      %dma_start3A_410 = tpu.memref_slice %arg2[%dma_start3A_408, %dma_start3A_409] : memref<10240x128xf32, #tpu.memory_space<hbm>> -> memref<10240x128xf32, #tpu.memory_space<hbm>>
      tpu.enqueue_indirect_dma source(%dma_start3A_410 : memref<10240x128xf32, #tpu.memory_space<hbm>>) target(%arg9 : memref<112x128xf32, #tpu.memory_space<vmem>>) offsets(%dma_start3A_407 : memref<112xi32, #tpu.memory_space<vmem>>) semaphore(%arg12 : memref<!tpu.dma_semaphore, #tpu.memory_space<semaphore_mem>>)
      %convert_element_type3A = arith.extui %lt3A_294 : i1 to i32
      %cond3A = arith.constant 0 : i32
      %cond3A_411 = arith.cmpi ne, %convert_element_type3A, %cond3A : i32
      scf.if %cond3A_411 {
        %add3A_443 = arith.constant 4 : i32
        %add3A_444 = arith.addi %mul3A_293, %add3A_443 : i32
        %add3A_445 = arith.addi %mul3A_35, %add3A_444 : i32
        %dma_start3A_446 = arith.constant 0 : i32
        %dma_start3A_447 = arith.constant 0 : i32
        %dma_start3A_448 = tpu.memref_slice %arg6[%dma_start3A_446, %dma_start3A_447] : memref<4x112xi32, #tpu.memory_space<vmem>> -> memref<1x112xi32, #tpu.memory_space<vmem>>
        %dma_start3A_449 = tpu.memref_squeeze %dma_start3A_448 : memref<1x112xi32, #tpu.memory_space<vmem>> -> memref<112xi32, #tpu.memory_space<vmem>>
        %dma_start3A_450 = arith.constant 0 : i32
        %dma_start3A_451 = tpu.memref_slice %arg3[%add3A_445, %dma_start3A_450] : memref<2944x112xi32, #tpu.memory_space<hbm>> -> memref<1x112xi32, #tpu.memory_space<hbm>>
        %dma_start3A_452 = tpu.memref_squeeze %dma_start3A_451 : memref<1x112xi32, #tpu.memory_space<hbm>> -> memref<112xi32, #tpu.memory_space<hbm>>
        %dma_start3A_453 = arith.constant 0 : i32
        %dma_start3A_454 = tpu.memref_slice %arg6[%dma_start3A_446, %dma_start3A_453] : memref<4x112xi32, #tpu.memory_space<vmem>> -> memref<1x112xi32, #tpu.memory_space<vmem>>
        %dma_start3A_455 = tpu.memref_squeeze %dma_start3A_454 : memref<1x112xi32, #tpu.memory_space<vmem>> -> memref<112xi32, #tpu.memory_space<vmem>>
        %dma_start3A_456 = arith.constant 0 : i32
        %dma_start3A_457 = tpu.memref_slice %arg3[%add3A_445, %dma_start3A_456] : memref<2944x112xi32, #tpu.memory_space<hbm>> -> memref<1x112xi32, #tpu.memory_space<hbm>>
        %dma_start3A_458 = tpu.memref_squeeze %dma_start3A_457 : memref<1x112xi32, #tpu.memory_space<hbm>> -> memref<112xi32, #tpu.memory_space<hbm>>
        tpu.enqueue_dma source(%dma_start3A_458 : memref<112xi32, #tpu.memory_space<hbm>>) target(%dma_start3A_455 : memref<112xi32, #tpu.memory_space<vmem>>) target_semaphore(%arg15 : memref<!tpu.dma_semaphore, #tpu.memory_space<semaphore_mem>>)
        %add3A_459 = arith.addi %mul3A_35, %add3A_444 : i32
        %dma_start3A_460 = arith.constant 0 : i32
        %dma_start3A_461 = arith.constant 0 : i32
        %dma_start3A_462 = tpu.memref_slice %arg7[%dma_start3A_460, %dma_start3A_461] : memref<4x112xi32, #tpu.memory_space<vmem>> -> memref<1x112xi32, #tpu.memory_space<vmem>>
        %dma_start3A_463 = tpu.memref_squeeze %dma_start3A_462 : memref<1x112xi32, #tpu.memory_space<vmem>> -> memref<112xi32, #tpu.memory_space<vmem>>
        %dma_start3A_464 = arith.constant 0 : i32
        %dma_start3A_465 = tpu.memref_slice %arg4[%add3A_459, %dma_start3A_464] : memref<2944x112xi32, #tpu.memory_space<hbm>> -> memref<1x112xi32, #tpu.memory_space<hbm>>
        %dma_start3A_466 = tpu.memref_squeeze %dma_start3A_465 : memref<1x112xi32, #tpu.memory_space<hbm>> -> memref<112xi32, #tpu.memory_space<hbm>>
        %dma_start3A_467 = arith.constant 0 : i32
        %dma_start3A_468 = tpu.memref_slice %arg7[%dma_start3A_460, %dma_start3A_467] : memref<4x112xi32, #tpu.memory_space<vmem>> -> memref<1x112xi32, #tpu.memory_space<vmem>>
        %dma_start3A_469 = tpu.memref_squeeze %dma_start3A_468 : memref<1x112xi32, #tpu.memory_space<vmem>> -> memref<112xi32, #tpu.memory_space<vmem>>
        %dma_start3A_470 = arith.constant 0 : i32
        %dma_start3A_471 = tpu.memref_slice %arg4[%add3A_459, %dma_start3A_470] : memref<2944x112xi32, #tpu.memory_space<hbm>> -> memref<1x112xi32, #tpu.memory_space<hbm>>
        %dma_start3A_472 = tpu.memref_squeeze %dma_start3A_471 : memref<1x112xi32, #tpu.memory_space<hbm>> -> memref<112xi32, #tpu.memory_space<hbm>>
        tpu.enqueue_dma source(%dma_start3A_472 : memref<112xi32, #tpu.memory_space<hbm>>) target(%dma_start3A_469 : memref<112xi32, #tpu.memory_space<vmem>>) target_semaphore(%arg15 : memref<!tpu.dma_semaphore, #tpu.memory_space<semaphore_mem>>)
        %add3A_473 = arith.constant 5 : i32
        %add3A_474 = arith.addi %mul3A_293, %add3A_473 : i32
        %add3A_475 = arith.addi %mul3A_35, %add3A_474 : i32
        %dma_start3A_476 = arith.constant 1 : i32
        %dma_start3A_477 = arith.constant 0 : i32
        %dma_start3A_478 = tpu.memref_slice %arg6[%dma_start3A_476, %dma_start3A_477] : memref<4x112xi32, #tpu.memory_space<vmem>> -> memref<1x112xi32, #tpu.memory_space<vmem>>
        %dma_start3A_479 = tpu.memref_squeeze %dma_start3A_478 : memref<1x112xi32, #tpu.memory_space<vmem>> -> memref<112xi32, #tpu.memory_space<vmem>>
        %dma_start3A_480 = arith.constant 0 : i32
        %dma_start3A_481 = tpu.memref_slice %arg3[%add3A_475, %dma_start3A_480] : memref<2944x112xi32, #tpu.memory_space<hbm>> -> memref<1x112xi32, #tpu.memory_space<hbm>>
        %dma_start3A_482 = tpu.memref_squeeze %dma_start3A_481 : memref<1x112xi32, #tpu.memory_space<hbm>> -> memref<112xi32, #tpu.memory_space<hbm>>
        %dma_start3A_483 = arith.constant 0 : i32
        %dma_start3A_484 = tpu.memref_slice %arg6[%dma_start3A_476, %dma_start3A_483] : memref<4x112xi32, #tpu.memory_space<vmem>> -> memref<1x112xi32, #tpu.memory_space<vmem>>
        %dma_start3A_485 = tpu.memref_squeeze %dma_start3A_484 : memref<1x112xi32, #tpu.memory_space<vmem>> -> memref<112xi32, #tpu.memory_space<vmem>>
        %dma_start3A_486 = arith.constant 0 : i32
        %dma_start3A_487 = tpu.memref_slice %arg3[%add3A_475, %dma_start3A_486] : memref<2944x112xi32, #tpu.memory_space<hbm>> -> memref<1x112xi32, #tpu.memory_space<hbm>>
        %dma_start3A_488 = tpu.memref_squeeze %dma_start3A_487 : memref<1x112xi32, #tpu.memory_space<hbm>> -> memref<112xi32, #tpu.memory_space<hbm>>
        tpu.enqueue_dma source(%dma_start3A_488 : memref<112xi32, #tpu.memory_space<hbm>>) target(%dma_start3A_485 : memref<112xi32, #tpu.memory_space<vmem>>) target_semaphore(%arg16 : memref<!tpu.dma_semaphore, #tpu.memory_space<semaphore_mem>>)
        %add3A_489 = arith.addi %mul3A_35, %add3A_474 : i32
        %dma_start3A_490 = arith.constant 1 : i32
        %dma_start3A_491 = arith.constant 0 : i32
        %dma_start3A_492 = tpu.memref_slice %arg7[%dma_start3A_490, %dma_start3A_491] : memref<4x112xi32, #tpu.memory_space<vmem>> -> memref<1x112xi32, #tpu.memory_space<vmem>>
        %dma_start3A_493 = tpu.memref_squeeze %dma_start3A_492 : memref<1x112xi32, #tpu.memory_space<vmem>> -> memref<112xi32, #tpu.memory_space<vmem>>
        %dma_start3A_494 = arith.constant 0 : i32
        %dma_start3A_495 = tpu.memref_slice %arg4[%add3A_489, %dma_start3A_494] : memref<2944x112xi32, #tpu.memory_space<hbm>> -> memref<1x112xi32, #tpu.memory_space<hbm>>
        %dma_start3A_496 = tpu.memref_squeeze %dma_start3A_495 : memref<1x112xi32, #tpu.memory_space<hbm>> -> memref<112xi32, #tpu.memory_space<hbm>>
        %dma_start3A_497 = arith.constant 0 : i32
        %dma_start3A_498 = tpu.memref_slice %arg7[%dma_start3A_490, %dma_start3A_497] : memref<4x112xi32, #tpu.memory_space<vmem>> -> memref<1x112xi32, #tpu.memory_space<vmem>>
        %dma_start3A_499 = tpu.memref_squeeze %dma_start3A_498 : memref<1x112xi32, #tpu.memory_space<vmem>> -> memref<112xi32, #tpu.memory_space<vmem>>
        %dma_start3A_500 = arith.constant 0 : i32
        %dma_start3A_501 = tpu.memref_slice %arg4[%add3A_489, %dma_start3A_500] : memref<2944x112xi32, #tpu.memory_space<hbm>> -> memref<1x112xi32, #tpu.memory_space<hbm>>
        %dma_start3A_502 = tpu.memref_squeeze %dma_start3A_501 : memref<1x112xi32, #tpu.memory_space<hbm>> -> memref<112xi32, #tpu.memory_space<hbm>>
        tpu.enqueue_dma source(%dma_start3A_502 : memref<112xi32, #tpu.memory_space<hbm>>) target(%dma_start3A_499 : memref<112xi32, #tpu.memory_space<vmem>>) target_semaphore(%arg16 : memref<!tpu.dma_semaphore, #tpu.memory_space<semaphore_mem>>)
      } else {
      }
      %dma_wait3A_412 = arith.constant 2 : i32
      %dma_wait3A_413 = arith.constant 0 : i32
      %dma_wait3A_414 = tpu.memref_slice %arg6[%dma_wait3A_412, %dma_wait3A_413] : memref<4x112xi32, #tpu.memory_space<vmem>> -> memref<1x112xi32, #tpu.memory_space<vmem>>
      %dma_wait3A_415 = tpu.memref_squeeze %dma_wait3A_414 : memref<1x112xi32, #tpu.memory_space<vmem>> -> memref<112xi32, #tpu.memory_space<vmem>>
      %dma_wait3A_416 = arith.constant 0 : i32
      %dma_wait3A_417 = arith.constant 0 : i32
      %dma_wait3A_418 = tpu.memref_slice %arg2[%dma_wait3A_416, %dma_wait3A_417] : memref<10240x128xf32, #tpu.memory_space<hbm>> -> memref<10240x128xf32, #tpu.memory_space<hbm>>
      tpu.wait_indirect_dma semaphore(%arg11 : memref<!tpu.dma_semaphore, #tpu.memory_space<semaphore_mem>>) src(%dma_wait3A_418 : memref<10240x128xf32, #tpu.memory_space<hbm>>) dst(%arg8 : memref<112x128xf32, #tpu.memory_space<vmem>>)
      %dma_start3A_419 = arith.constant 2 : i32
      %dma_start3A_420 = arith.constant 0 : i32
      %dma_start3A_421 = tpu.memref_slice %arg7[%dma_start3A_419, %dma_start3A_420] : memref<4x112xi32, #tpu.memory_space<vmem>> -> memref<1x112xi32, #tpu.memory_space<vmem>>
      %dma_start3A_422 = tpu.memref_squeeze %dma_start3A_421 : memref<1x112xi32, #tpu.memory_space<vmem>> -> memref<112xi32, #tpu.memory_space<vmem>>
      %dma_start3A_423 = arith.constant 0 : i32
      %dma_start3A_424 = arith.constant 0 : i32
      %dma_start3A_425 = tpu.memref_slice %arg10[%dma_start3A_423, %dma_start3A_424] : memref<10240x128xf32, #tpu.memory_space<vmem_shared>> -> memref<10240x128xf32, #tpu.memory_space<vmem_shared>>
      tpu.enqueue_indirect_dma source(%arg8 : memref<112x128xf32, #tpu.memory_space<vmem>>) target(%dma_start3A_425 : memref<10240x128xf32, #tpu.memory_space<vmem_shared>>) offsets(%dma_start3A_422 : memref<112xi32, #tpu.memory_space<vmem>>) semaphore(%arg13 : memref<!tpu.dma_semaphore, #tpu.memory_space<semaphore_mem>>) {add = true}
      %dma_wait3A_426 = arith.constant 3 : i32
      %dma_wait3A_427 = arith.constant 0 : i32
      %dma_wait3A_428 = tpu.memref_slice %arg6[%dma_wait3A_426, %dma_wait3A_427] : memref<4x112xi32, #tpu.memory_space<vmem>> -> memref<1x112xi32, #tpu.memory_space<vmem>>
      %dma_wait3A_429 = tpu.memref_squeeze %dma_wait3A_428 : memref<1x112xi32, #tpu.memory_space<vmem>> -> memref<112xi32, #tpu.memory_space<vmem>>
      %dma_wait3A_430 = arith.constant 0 : i32
      %dma_wait3A_431 = arith.constant 0 : i32
      %dma_wait3A_432 = tpu.memref_slice %arg2[%dma_wait3A_430, %dma_wait3A_431] : memref<10240x128xf32, #tpu.memory_space<hbm>> -> memref<10240x128xf32, #tpu.memory_space<hbm>>
      tpu.wait_indirect_dma semaphore(%arg12 : memref<!tpu.dma_semaphore, #tpu.memory_space<semaphore_mem>>) src(%dma_wait3A_432 : memref<10240x128xf32, #tpu.memory_space<hbm>>) dst(%arg9 : memref<112x128xf32, #tpu.memory_space<vmem>>)
      %dma_start3A_433 = arith.constant 3 : i32
      %dma_start3A_434 = arith.constant 0 : i32
      %dma_start3A_435 = tpu.memref_slice %arg7[%dma_start3A_433, %dma_start3A_434] : memref<4x112xi32, #tpu.memory_space<vmem>> -> memref<1x112xi32, #tpu.memory_space<vmem>>
      %dma_start3A_436 = tpu.memref_squeeze %dma_start3A_435 : memref<1x112xi32, #tpu.memory_space<vmem>> -> memref<112xi32, #tpu.memory_space<vmem>>
      %dma_start3A_437 = arith.constant 0 : i32
      %dma_start3A_438 = arith.constant 0 : i32
      %dma_start3A_439 = tpu.memref_slice %arg10[%dma_start3A_437, %dma_start3A_438] : memref<10240x128xf32, #tpu.memory_space<vmem_shared>> -> memref<10240x128xf32, #tpu.memory_space<vmem_shared>>
      tpu.enqueue_indirect_dma source(%arg9 : memref<112x128xf32, #tpu.memory_space<vmem>>) target(%dma_start3A_439 : memref<10240x128xf32, #tpu.memory_space<vmem_shared>>) offsets(%dma_start3A_436 : memref<112xi32, #tpu.memory_space<vmem>>) semaphore(%arg14 : memref<!tpu.dma_semaphore, #tpu.memory_space<semaphore_mem>>) {add = true}
      %convert_element_type3A_440 = arith.extui %lt3A_294 : i1 to i32
      %cond3A_441 = arith.constant 0 : i32
      %cond3A_442 = arith.cmpi ne, %convert_element_type3A_440, %cond3A_441 : i32
      scf.if %cond3A_442 {
        %dma_wait3A_443 = arith.constant 2 : i32
        %dma_wait3A_444 = arith.constant 0 : i32
        %dma_wait3A_445 = tpu.memref_slice %arg7[%dma_wait3A_443, %dma_wait3A_444] : memref<4x112xi32, #tpu.memory_space<vmem>> -> memref<1x112xi32, #tpu.memory_space<vmem>>
        %dma_wait3A_446 = tpu.memref_squeeze %dma_wait3A_445 : memref<1x112xi32, #tpu.memory_space<vmem>> -> memref<112xi32, #tpu.memory_space<vmem>>
        %dma_wait3A_447 = arith.constant 0 : i32
        %dma_wait3A_448 = arith.constant 0 : i32
        %dma_wait3A_449 = tpu.memref_slice %arg10[%dma_wait3A_447, %dma_wait3A_448] : memref<10240x128xf32, #tpu.memory_space<vmem_shared>> -> memref<10240x128xf32, #tpu.memory_space<vmem_shared>>
        tpu.wait_indirect_dma semaphore(%arg13 : memref<!tpu.dma_semaphore, #tpu.memory_space<semaphore_mem>>) src(%arg8 : memref<112x128xf32, #tpu.memory_space<vmem>>) dst(%dma_wait3A_449 : memref<10240x128xf32, #tpu.memory_space<vmem_shared>>)
        %add3A_450 = arith.constant 4 : i32
        %add3A_451 = arith.addi %mul3A_293, %add3A_450 : i32
        %add3A_452 = arith.addi %mul3A_35, %add3A_451 : i32
        %dma_wait3A_453 = arith.constant 0 : i32
        %dma_wait3A_454 = arith.constant 0 : i32
        %dma_wait3A_455 = tpu.memref_slice %arg6[%dma_wait3A_453, %dma_wait3A_454] : memref<4x112xi32, #tpu.memory_space<vmem>> -> memref<1x112xi32, #tpu.memory_space<vmem>>
        %dma_wait3A_456 = tpu.memref_squeeze %dma_wait3A_455 : memref<1x112xi32, #tpu.memory_space<vmem>> -> memref<112xi32, #tpu.memory_space<vmem>>
        %dma_wait3A_457 = arith.constant 0 : i32
        %dma_wait3A_458 = tpu.memref_slice %arg3[%add3A_452, %dma_wait3A_457] : memref<2944x112xi32, #tpu.memory_space<hbm>> -> memref<1x112xi32, #tpu.memory_space<hbm>>
        %dma_wait3A_459 = tpu.memref_squeeze %dma_wait3A_458 : memref<1x112xi32, #tpu.memory_space<hbm>> -> memref<112xi32, #tpu.memory_space<hbm>>
        %dma_wait3A_460 = arith.constant 0 : i32
        %dma_wait3A_461 = tpu.memref_slice %arg6[%dma_wait3A_453, %dma_wait3A_460] : memref<4x112xi32, #tpu.memory_space<vmem>> -> memref<1x112xi32, #tpu.memory_space<vmem>>
        %dma_wait3A_462 = tpu.memref_squeeze %dma_wait3A_461 : memref<1x112xi32, #tpu.memory_space<vmem>> -> memref<112xi32, #tpu.memory_space<vmem>>
        %dma_wait3A_463 = arith.constant 0 : i32
        %dma_wait3A_464 = tpu.memref_slice %arg3[%add3A_452, %dma_wait3A_463] : memref<2944x112xi32, #tpu.memory_space<hbm>> -> memref<1x112xi32, #tpu.memory_space<hbm>>
        %dma_wait3A_465 = tpu.memref_squeeze %dma_wait3A_464 : memref<1x112xi32, #tpu.memory_space<hbm>> -> memref<112xi32, #tpu.memory_space<hbm>>
        tpu.wait_dma2 semaphore(%arg15 : memref<!tpu.dma_semaphore, #tpu.memory_space<semaphore_mem>>) src(%dma_wait3A_465 : memref<112xi32, #tpu.memory_space<hbm>>) dst(%dma_wait3A_462 : memref<112xi32, #tpu.memory_space<vmem>>)
        %add3A_466 = arith.addi %mul3A_35, %add3A_451 : i32
        %dma_wait3A_467 = arith.constant 0 : i32
        %dma_wait3A_468 = arith.constant 0 : i32
        %dma_wait3A_469 = tpu.memref_slice %arg7[%dma_wait3A_467, %dma_wait3A_468] : memref<4x112xi32, #tpu.memory_space<vmem>> -> memref<1x112xi32, #tpu.memory_space<vmem>>
        %dma_wait3A_470 = tpu.memref_squeeze %dma_wait3A_469 : memref<1x112xi32, #tpu.memory_space<vmem>> -> memref<112xi32, #tpu.memory_space<vmem>>
        %dma_wait3A_471 = arith.constant 0 : i32
        %dma_wait3A_472 = tpu.memref_slice %arg4[%add3A_466, %dma_wait3A_471] : memref<2944x112xi32, #tpu.memory_space<hbm>> -> memref<1x112xi32, #tpu.memory_space<hbm>>
        %dma_wait3A_473 = tpu.memref_squeeze %dma_wait3A_472 : memref<1x112xi32, #tpu.memory_space<hbm>> -> memref<112xi32, #tpu.memory_space<hbm>>
        %dma_wait3A_474 = arith.constant 0 : i32
        %dma_wait3A_475 = tpu.memref_slice %arg7[%dma_wait3A_467, %dma_wait3A_474] : memref<4x112xi32, #tpu.memory_space<vmem>> -> memref<1x112xi32, #tpu.memory_space<vmem>>
        %dma_wait3A_476 = tpu.memref_squeeze %dma_wait3A_475 : memref<1x112xi32, #tpu.memory_space<vmem>> -> memref<112xi32, #tpu.memory_space<vmem>>
        %dma_wait3A_477 = arith.constant 0 : i32
        %dma_wait3A_478 = tpu.memref_slice %arg4[%add3A_466, %dma_wait3A_477] : memref<2944x112xi32, #tpu.memory_space<hbm>> -> memref<1x112xi32, #tpu.memory_space<hbm>>
        %dma_wait3A_479 = tpu.memref_squeeze %dma_wait3A_478 : memref<1x112xi32, #tpu.memory_space<hbm>> -> memref<112xi32, #tpu.memory_space<hbm>>
        tpu.wait_dma2 semaphore(%arg15 : memref<!tpu.dma_semaphore, #tpu.memory_space<semaphore_mem>>) src(%dma_wait3A_479 : memref<112xi32, #tpu.memory_space<hbm>>) dst(%dma_wait3A_476 : memref<112xi32, #tpu.memory_space<vmem>>)
        %dma_start3A_480 = arith.constant 0 : i32
        %dma_start3A_481 = arith.constant 0 : i32
        %dma_start3A_482 = tpu.memref_slice %arg6[%dma_start3A_480, %dma_start3A_481] : memref<4x112xi32, #tpu.memory_space<vmem>> -> memref<1x112xi32, #tpu.memory_space<vmem>>
        %dma_start3A_483 = tpu.memref_squeeze %dma_start3A_482 : memref<1x112xi32, #tpu.memory_space<vmem>> -> memref<112xi32, #tpu.memory_space<vmem>>
        %dma_start3A_484 = arith.constant 0 : i32
        %dma_start3A_485 = arith.constant 0 : i32
        %dma_start3A_486 = tpu.memref_slice %arg2[%dma_start3A_484, %dma_start3A_485] : memref<10240x128xf32, #tpu.memory_space<hbm>> -> memref<10240x128xf32, #tpu.memory_space<hbm>>
        tpu.enqueue_indirect_dma source(%dma_start3A_486 : memref<10240x128xf32, #tpu.memory_space<hbm>>) target(%arg8 : memref<112x128xf32, #tpu.memory_space<vmem>>) offsets(%dma_start3A_483 : memref<112xi32, #tpu.memory_space<vmem>>) semaphore(%arg11 : memref<!tpu.dma_semaphore, #tpu.memory_space<semaphore_mem>>)
        %dma_wait3A_487 = arith.constant 3 : i32
        %dma_wait3A_488 = arith.constant 0 : i32
        %dma_wait3A_489 = tpu.memref_slice %arg7[%dma_wait3A_487, %dma_wait3A_488] : memref<4x112xi32, #tpu.memory_space<vmem>> -> memref<1x112xi32, #tpu.memory_space<vmem>>
        %dma_wait3A_490 = tpu.memref_squeeze %dma_wait3A_489 : memref<1x112xi32, #tpu.memory_space<vmem>> -> memref<112xi32, #tpu.memory_space<vmem>>
        %dma_wait3A_491 = arith.constant 0 : i32
        %dma_wait3A_492 = arith.constant 0 : i32
        %dma_wait3A_493 = tpu.memref_slice %arg10[%dma_wait3A_491, %dma_wait3A_492] : memref<10240x128xf32, #tpu.memory_space<vmem_shared>> -> memref<10240x128xf32, #tpu.memory_space<vmem_shared>>
        tpu.wait_indirect_dma semaphore(%arg14 : memref<!tpu.dma_semaphore, #tpu.memory_space<semaphore_mem>>) src(%arg9 : memref<112x128xf32, #tpu.memory_space<vmem>>) dst(%dma_wait3A_493 : memref<10240x128xf32, #tpu.memory_space<vmem_shared>>)
        %add3A_494 = arith.constant 5 : i32
        %add3A_495 = arith.addi %mul3A_293, %add3A_494 : i32
        %add3A_496 = arith.addi %mul3A_35, %add3A_495 : i32
        %dma_wait3A_497 = arith.constant 1 : i32
        %dma_wait3A_498 = arith.constant 0 : i32
        %dma_wait3A_499 = tpu.memref_slice %arg6[%dma_wait3A_497, %dma_wait3A_498] : memref<4x112xi32, #tpu.memory_space<vmem>> -> memref<1x112xi32, #tpu.memory_space<vmem>>
        %dma_wait3A_500 = tpu.memref_squeeze %dma_wait3A_499 : memref<1x112xi32, #tpu.memory_space<vmem>> -> memref<112xi32, #tpu.memory_space<vmem>>
        %dma_wait3A_501 = arith.constant 0 : i32
        %dma_wait3A_502 = tpu.memref_slice %arg3[%add3A_496, %dma_wait3A_501] : memref<2944x112xi32, #tpu.memory_space<hbm>> -> memref<1x112xi32, #tpu.memory_space<hbm>>
        %dma_wait3A_503 = tpu.memref_squeeze %dma_wait3A_502 : memref<1x112xi32, #tpu.memory_space<hbm>> -> memref<112xi32, #tpu.memory_space<hbm>>
        %dma_wait3A_504 = arith.constant 0 : i32
        %dma_wait3A_505 = tpu.memref_slice %arg6[%dma_wait3A_497, %dma_wait3A_504] : memref<4x112xi32, #tpu.memory_space<vmem>> -> memref<1x112xi32, #tpu.memory_space<vmem>>
        %dma_wait3A_506 = tpu.memref_squeeze %dma_wait3A_505 : memref<1x112xi32, #tpu.memory_space<vmem>> -> memref<112xi32, #tpu.memory_space<vmem>>
        %dma_wait3A_507 = arith.constant 0 : i32
        %dma_wait3A_508 = tpu.memref_slice %arg3[%add3A_496, %dma_wait3A_507] : memref<2944x112xi32, #tpu.memory_space<hbm>> -> memref<1x112xi32, #tpu.memory_space<hbm>>
        %dma_wait3A_509 = tpu.memref_squeeze %dma_wait3A_508 : memref<1x112xi32, #tpu.memory_space<hbm>> -> memref<112xi32, #tpu.memory_space<hbm>>
        tpu.wait_dma2 semaphore(%arg16 : memref<!tpu.dma_semaphore, #tpu.memory_space<semaphore_mem>>) src(%dma_wait3A_509 : memref<112xi32, #tpu.memory_space<hbm>>) dst(%dma_wait3A_506 : memref<112xi32, #tpu.memory_space<vmem>>)
        %add3A_510 = arith.addi %mul3A_35, %add3A_495 : i32
        %dma_wait3A_511 = arith.constant 1 : i32
        %dma_wait3A_512 = arith.constant 0 : i32
        %dma_wait3A_513 = tpu.memref_slice %arg7[%dma_wait3A_511, %dma_wait3A_512] : memref<4x112xi32, #tpu.memory_space<vmem>> -> memref<1x112xi32, #tpu.memory_space<vmem>>
        %dma_wait3A_514 = tpu.memref_squeeze %dma_wait3A_513 : memref<1x112xi32, #tpu.memory_space<vmem>> -> memref<112xi32, #tpu.memory_space<vmem>>
        %dma_wait3A_515 = arith.constant 0 : i32
        %dma_wait3A_516 = tpu.memref_slice %arg4[%add3A_510, %dma_wait3A_515] : memref<2944x112xi32, #tpu.memory_space<hbm>> -> memref<1x112xi32, #tpu.memory_space<hbm>>
        %dma_wait3A_517 = tpu.memref_squeeze %dma_wait3A_516 : memref<1x112xi32, #tpu.memory_space<hbm>> -> memref<112xi32, #tpu.memory_space<hbm>>
        %dma_wait3A_518 = arith.constant 0 : i32
        %dma_wait3A_519 = tpu.memref_slice %arg7[%dma_wait3A_511, %dma_wait3A_518] : memref<4x112xi32, #tpu.memory_space<vmem>> -> memref<1x112xi32, #tpu.memory_space<vmem>>
        %dma_wait3A_520 = tpu.memref_squeeze %dma_wait3A_519 : memref<1x112xi32, #tpu.memory_space<vmem>> -> memref<112xi32, #tpu.memory_space<vmem>>
        %dma_wait3A_521 = arith.constant 0 : i32
        %dma_wait3A_522 = tpu.memref_slice %arg4[%add3A_510, %dma_wait3A_521] : memref<2944x112xi32, #tpu.memory_space<hbm>> -> memref<1x112xi32, #tpu.memory_space<hbm>>
        %dma_wait3A_523 = tpu.memref_squeeze %dma_wait3A_522 : memref<1x112xi32, #tpu.memory_space<hbm>> -> memref<112xi32, #tpu.memory_space<hbm>>
        tpu.wait_dma2 semaphore(%arg16 : memref<!tpu.dma_semaphore, #tpu.memory_space<semaphore_mem>>) src(%dma_wait3A_523 : memref<112xi32, #tpu.memory_space<hbm>>) dst(%dma_wait3A_520 : memref<112xi32, #tpu.memory_space<vmem>>)
        %dma_start3A_524 = arith.constant 1 : i32
        %dma_start3A_525 = arith.constant 0 : i32
        %dma_start3A_526 = tpu.memref_slice %arg6[%dma_start3A_524, %dma_start3A_525] : memref<4x112xi32, #tpu.memory_space<vmem>> -> memref<1x112xi32, #tpu.memory_space<vmem>>
        %dma_start3A_527 = tpu.memref_squeeze %dma_start3A_526 : memref<1x112xi32, #tpu.memory_space<vmem>> -> memref<112xi32, #tpu.memory_space<vmem>>
        %dma_start3A_528 = arith.constant 0 : i32
        %dma_start3A_529 = arith.constant 0 : i32
        %dma_start3A_530 = tpu.memref_slice %arg2[%dma_start3A_528, %dma_start3A_529] : memref<10240x128xf32, #tpu.memory_space<hbm>> -> memref<10240x128xf32, #tpu.memory_space<hbm>>
        tpu.enqueue_indirect_dma source(%dma_start3A_530 : memref<10240x128xf32, #tpu.memory_space<hbm>>) target(%arg9 : memref<112x128xf32, #tpu.memory_space<vmem>>) offsets(%dma_start3A_527 : memref<112xi32, #tpu.memory_space<vmem>>) semaphore(%arg12 : memref<!tpu.dma_semaphore, #tpu.memory_space<semaphore_mem>>)
        %add3A_531 = arith.constant 6 : i32
        %add3A_532 = arith.addi %mul3A_293, %add3A_531 : i32
        %add3A_533 = arith.addi %mul3A_35, %add3A_532 : i32
        %dma_start3A_534 = arith.constant 2 : i32
        %dma_start3A_535 = arith.constant 0 : i32
        %dma_start3A_536 = tpu.memref_slice %arg6[%dma_start3A_534, %dma_start3A_535] : memref<4x112xi32, #tpu.memory_space<vmem>> -> memref<1x112xi32, #tpu.memory_space<vmem>>
        %dma_start3A_537 = tpu.memref_squeeze %dma_start3A_536 : memref<1x112xi32, #tpu.memory_space<vmem>> -> memref<112xi32, #tpu.memory_space<vmem>>
        %dma_start3A_538 = arith.constant 0 : i32
        %dma_start3A_539 = tpu.memref_slice %arg3[%add3A_533, %dma_start3A_538] : memref<2944x112xi32, #tpu.memory_space<hbm>> -> memref<1x112xi32, #tpu.memory_space<hbm>>
        %dma_start3A_540 = tpu.memref_squeeze %dma_start3A_539 : memref<1x112xi32, #tpu.memory_space<hbm>> -> memref<112xi32, #tpu.memory_space<hbm>>
        %dma_start3A_541 = arith.constant 0 : i32
        %dma_start3A_542 = tpu.memref_slice %arg6[%dma_start3A_534, %dma_start3A_541] : memref<4x112xi32, #tpu.memory_space<vmem>> -> memref<1x112xi32, #tpu.memory_space<vmem>>
        %dma_start3A_543 = tpu.memref_squeeze %dma_start3A_542 : memref<1x112xi32, #tpu.memory_space<vmem>> -> memref<112xi32, #tpu.memory_space<vmem>>
        %dma_start3A_544 = arith.constant 0 : i32
        %dma_start3A_545 = tpu.memref_slice %arg3[%add3A_533, %dma_start3A_544] : memref<2944x112xi32, #tpu.memory_space<hbm>> -> memref<1x112xi32, #tpu.memory_space<hbm>>
        %dma_start3A_546 = tpu.memref_squeeze %dma_start3A_545 : memref<1x112xi32, #tpu.memory_space<hbm>> -> memref<112xi32, #tpu.memory_space<hbm>>
        tpu.enqueue_dma source(%dma_start3A_546 : memref<112xi32, #tpu.memory_space<hbm>>) target(%dma_start3A_543 : memref<112xi32, #tpu.memory_space<vmem>>) target_semaphore(%arg17 : memref<!tpu.dma_semaphore, #tpu.memory_space<semaphore_mem>>)
        %add3A_547 = arith.addi %mul3A_35, %add3A_532 : i32
        %dma_start3A_548 = arith.constant 2 : i32
        %dma_start3A_549 = arith.constant 0 : i32
        %dma_start3A_550 = tpu.memref_slice %arg7[%dma_start3A_548, %dma_start3A_549] : memref<4x112xi32, #tpu.memory_space<vmem>> -> memref<1x112xi32, #tpu.memory_space<vmem>>
        %dma_start3A_551 = tpu.memref_squeeze %dma_start3A_550 : memref<1x112xi32, #tpu.memory_space<vmem>> -> memref<112xi32, #tpu.memory_space<vmem>>
        %dma_start3A_552 = arith.constant 0 : i32
        %dma_start3A_553 = tpu.memref_slice %arg4[%add3A_547, %dma_start3A_552] : memref<2944x112xi32, #tpu.memory_space<hbm>> -> memref<1x112xi32, #tpu.memory_space<hbm>>
        %dma_start3A_554 = tpu.memref_squeeze %dma_start3A_553 : memref<1x112xi32, #tpu.memory_space<hbm>> -> memref<112xi32, #tpu.memory_space<hbm>>
        %dma_start3A_555 = arith.constant 0 : i32
        %dma_start3A_556 = tpu.memref_slice %arg7[%dma_start3A_548, %dma_start3A_555] : memref<4x112xi32, #tpu.memory_space<vmem>> -> memref<1x112xi32, #tpu.memory_space<vmem>>
        %dma_start3A_557 = tpu.memref_squeeze %dma_start3A_556 : memref<1x112xi32, #tpu.memory_space<vmem>> -> memref<112xi32, #tpu.memory_space<vmem>>
        %dma_start3A_558 = arith.constant 0 : i32
        %dma_start3A_559 = tpu.memref_slice %arg4[%add3A_547, %dma_start3A_558] : memref<2944x112xi32, #tpu.memory_space<hbm>> -> memref<1x112xi32, #tpu.memory_space<hbm>>
        %dma_start3A_560 = tpu.memref_squeeze %dma_start3A_559 : memref<1x112xi32, #tpu.memory_space<hbm>> -> memref<112xi32, #tpu.memory_space<hbm>>
        tpu.enqueue_dma source(%dma_start3A_560 : memref<112xi32, #tpu.memory_space<hbm>>) target(%dma_start3A_557 : memref<112xi32, #tpu.memory_space<vmem>>) target_semaphore(%arg17 : memref<!tpu.dma_semaphore, #tpu.memory_space<semaphore_mem>>)
        %add3A_561 = arith.constant 7 : i32
        %add3A_562 = arith.addi %mul3A_293, %add3A_561 : i32
        %add3A_563 = arith.addi %mul3A_35, %add3A_562 : i32
        %dma_start3A_564 = arith.constant 3 : i32
        %dma_start3A_565 = arith.constant 0 : i32
        %dma_start3A_566 = tpu.memref_slice %arg6[%dma_start3A_564, %dma_start3A_565] : memref<4x112xi32, #tpu.memory_space<vmem>> -> memref<1x112xi32, #tpu.memory_space<vmem>>
        %dma_start3A_567 = tpu.memref_squeeze %dma_start3A_566 : memref<1x112xi32, #tpu.memory_space<vmem>> -> memref<112xi32, #tpu.memory_space<vmem>>
        %dma_start3A_568 = arith.constant 0 : i32
        %dma_start3A_569 = tpu.memref_slice %arg3[%add3A_563, %dma_start3A_568] : memref<2944x112xi32, #tpu.memory_space<hbm>> -> memref<1x112xi32, #tpu.memory_space<hbm>>
        %dma_start3A_570 = tpu.memref_squeeze %dma_start3A_569 : memref<1x112xi32, #tpu.memory_space<hbm>> -> memref<112xi32, #tpu.memory_space<hbm>>
        %dma_start3A_571 = arith.constant 0 : i32
        %dma_start3A_572 = tpu.memref_slice %arg6[%dma_start3A_564, %dma_start3A_571] : memref<4x112xi32, #tpu.memory_space<vmem>> -> memref<1x112xi32, #tpu.memory_space<vmem>>
        %dma_start3A_573 = tpu.memref_squeeze %dma_start3A_572 : memref<1x112xi32, #tpu.memory_space<vmem>> -> memref<112xi32, #tpu.memory_space<vmem>>
        %dma_start3A_574 = arith.constant 0 : i32
        %dma_start3A_575 = tpu.memref_slice %arg3[%add3A_563, %dma_start3A_574] : memref<2944x112xi32, #tpu.memory_space<hbm>> -> memref<1x112xi32, #tpu.memory_space<hbm>>
        %dma_start3A_576 = tpu.memref_squeeze %dma_start3A_575 : memref<1x112xi32, #tpu.memory_space<hbm>> -> memref<112xi32, #tpu.memory_space<hbm>>
        tpu.enqueue_dma source(%dma_start3A_576 : memref<112xi32, #tpu.memory_space<hbm>>) target(%dma_start3A_573 : memref<112xi32, #tpu.memory_space<vmem>>) target_semaphore(%arg18 : memref<!tpu.dma_semaphore, #tpu.memory_space<semaphore_mem>>)
        %add3A_577 = arith.addi %mul3A_35, %add3A_562 : i32
        %dma_start3A_578 = arith.constant 3 : i32
        %dma_start3A_579 = arith.constant 0 : i32
        %dma_start3A_580 = tpu.memref_slice %arg7[%dma_start3A_578, %dma_start3A_579] : memref<4x112xi32, #tpu.memory_space<vmem>> -> memref<1x112xi32, #tpu.memory_space<vmem>>
        %dma_start3A_581 = tpu.memref_squeeze %dma_start3A_580 : memref<1x112xi32, #tpu.memory_space<vmem>> -> memref<112xi32, #tpu.memory_space<vmem>>
        %dma_start3A_582 = arith.constant 0 : i32
        %dma_start3A_583 = tpu.memref_slice %arg4[%add3A_577, %dma_start3A_582] : memref<2944x112xi32, #tpu.memory_space<hbm>> -> memref<1x112xi32, #tpu.memory_space<hbm>>
        %dma_start3A_584 = tpu.memref_squeeze %dma_start3A_583 : memref<1x112xi32, #tpu.memory_space<hbm>> -> memref<112xi32, #tpu.memory_space<hbm>>
        %dma_start3A_585 = arith.constant 0 : i32
        %dma_start3A_586 = tpu.memref_slice %arg7[%dma_start3A_578, %dma_start3A_585] : memref<4x112xi32, #tpu.memory_space<vmem>> -> memref<1x112xi32, #tpu.memory_space<vmem>>
        %dma_start3A_587 = tpu.memref_squeeze %dma_start3A_586 : memref<1x112xi32, #tpu.memory_space<vmem>> -> memref<112xi32, #tpu.memory_space<vmem>>
        %dma_start3A_588 = arith.constant 0 : i32
        %dma_start3A_589 = tpu.memref_slice %arg4[%add3A_577, %dma_start3A_588] : memref<2944x112xi32, #tpu.memory_space<hbm>> -> memref<1x112xi32, #tpu.memory_space<hbm>>
        %dma_start3A_590 = tpu.memref_squeeze %dma_start3A_589 : memref<1x112xi32, #tpu.memory_space<hbm>> -> memref<112xi32, #tpu.memory_space<hbm>>
        tpu.enqueue_dma source(%dma_start3A_590 : memref<112xi32, #tpu.memory_space<hbm>>) target(%dma_start3A_587 : memref<112xi32, #tpu.memory_space<vmem>>) target_semaphore(%arg18 : memref<!tpu.dma_semaphore, #tpu.memory_space<semaphore_mem>>)
      } else {
      }
    }
    %scan3A_233 = arith.constant 23 : i32
    %dma_wait3A_234 = arith.constant 2 : i32
    %dma_wait3A_235 = arith.constant 0 : i32
    %dma_wait3A_236 = tpu.memref_slice %arg7[%dma_wait3A_234, %dma_wait3A_235] : memref<4x112xi32, #tpu.memory_space<vmem>> -> memref<1x112xi32, #tpu.memory_space<vmem>>
    %dma_wait3A_237 = tpu.memref_squeeze %dma_wait3A_236 : memref<1x112xi32, #tpu.memory_space<vmem>> -> memref<112xi32, #tpu.memory_space<vmem>>
    %dma_wait3A_238 = arith.constant 0 : i32
    %dma_wait3A_239 = arith.constant 0 : i32
    %dma_wait3A_240 = tpu.memref_slice %arg10[%dma_wait3A_238, %dma_wait3A_239] : memref<10240x128xf32, #tpu.memory_space<vmem_shared>> -> memref<10240x128xf32, #tpu.memory_space<vmem_shared>>
    tpu.wait_indirect_dma semaphore(%arg13 : memref<!tpu.dma_semaphore, #tpu.memory_space<semaphore_mem>>) src(%arg8 : memref<112x128xf32, #tpu.memory_space<vmem>>) dst(%dma_wait3A_240 : memref<10240x128xf32, #tpu.memory_space<vmem_shared>>)
    %dma_wait3A_241 = arith.constant 3 : i32
    %dma_wait3A_242 = arith.constant 0 : i32
    %dma_wait3A_243 = tpu.memref_slice %arg7[%dma_wait3A_241, %dma_wait3A_242] : memref<4x112xi32, #tpu.memory_space<vmem>> -> memref<1x112xi32, #tpu.memory_space<vmem>>
    %dma_wait3A_244 = tpu.memref_squeeze %dma_wait3A_243 : memref<1x112xi32, #tpu.memory_space<vmem>> -> memref<112xi32, #tpu.memory_space<vmem>>
    %dma_wait3A_245 = arith.constant 0 : i32
    %dma_wait3A_246 = arith.constant 0 : i32
    %dma_wait3A_247 = tpu.memref_slice %arg10[%dma_wait3A_245, %dma_wait3A_246] : memref<10240x128xf32, #tpu.memory_space<vmem_shared>> -> memref<10240x128xf32, #tpu.memory_space<vmem_shared>>
    tpu.wait_indirect_dma semaphore(%arg14 : memref<!tpu.dma_semaphore, #tpu.memory_space<semaphore_mem>>) src(%arg9 : memref<112x128xf32, #tpu.memory_space<vmem>>) dst(%dma_wait3A_247 : memref<10240x128xf32, #tpu.memory_space<vmem_shared>>)
    %barrier3A_248 = arith.constant 0 : index
    tpu.barrier barrier_id(%barrier3A_248)
    %mul3A_249 = arith.constant 640 : i32
    %mul3A_250 = arith.muli %arg1, %mul3A_249 : i32
    %add3A_251 = arith.constant 0 : i32
    %add3A_252 = arith.addi %mul3A_250, %add3A_251 : i32
    "tpu.region"() ({
      %run_scoped3A = tpu.sem_alloc : memref<!tpu.dma_semaphore, #tpu.memory_space<semaphore_mem>>
      %dma_start3A_291 = arith.constant 0 : i32
      %dma_start3A_292 = tpu.memref_slice %arg10[%add3A_252, %dma_start3A_291] : memref<10240x128xf32, #tpu.memory_space<vmem_shared>> -> memref<112x128xf32, #tpu.memory_space<vmem_shared>>
      %dma_start3A_293 = arith.constant 0 : i32
      %dma_start3A_294 = tpu.memref_slice %arg10[%add3A_252, %dma_start3A_293] : memref<10240x128xf32, #tpu.memory_space<vmem_shared>> -> memref<112x128xf32, #tpu.memory_space<vmem_shared>>
      tpu.enqueue_dma source(%dma_start3A_294 : memref<112x128xf32, #tpu.memory_space<vmem_shared>>) target(%arg8 : memref<112x128xf32, #tpu.memory_space<vmem>>) target_semaphore(%run_scoped3A : memref<!tpu.dma_semaphore, #tpu.memory_space<semaphore_mem>>)
      %dma_wait3A_295 = arith.constant 0 : i32
      %dma_wait3A_296 = tpu.memref_slice %arg10[%add3A_252, %dma_wait3A_295] : memref<10240x128xf32, #tpu.memory_space<vmem_shared>> -> memref<112x128xf32, #tpu.memory_space<vmem_shared>>
      %dma_wait3A_297 = arith.constant 0 : i32
      %dma_wait3A_298 = tpu.memref_slice %arg10[%add3A_252, %dma_wait3A_297] : memref<10240x128xf32, #tpu.memory_space<vmem_shared>> -> memref<112x128xf32, #tpu.memory_space<vmem_shared>>
      tpu.wait_dma2 semaphore(%run_scoped3A : memref<!tpu.dma_semaphore, #tpu.memory_space<semaphore_mem>>) src(%dma_wait3A_298 : memref<112x128xf32, #tpu.memory_space<vmem_shared>>) dst(%arg8 : memref<112x128xf32, #tpu.memory_space<vmem>>)
      tpu.yield
    }) : () -> ()
    %mul3A_253 = arith.constant 10240 : i32
    %mul3A_254 = arith.muli %arg0, %mul3A_253 : i32
    %add3A_255 = arith.addi %mul3A_254, %add3A_252 : i32
    "tpu.region"() ({
      %run_scoped3A = tpu.sem_alloc : memref<!tpu.dma_semaphore, #tpu.memory_space<semaphore_mem>>
      %dma_start3A_291 = arith.constant 0 : i32
      %dma_start3A_292 = tpu.memref_slice %arg5[%add3A_255, %dma_start3A_291] : memref<20480x128xf32, #tpu.memory_space<hbm>> -> memref<112x128xf32, #tpu.memory_space<hbm>>
      %dma_start3A_293 = arith.constant 0 : i32
      %dma_start3A_294 = tpu.memref_slice %arg5[%add3A_255, %dma_start3A_293] : memref<20480x128xf32, #tpu.memory_space<hbm>> -> memref<112x128xf32, #tpu.memory_space<hbm>>
      tpu.enqueue_dma source(%arg8 : memref<112x128xf32, #tpu.memory_space<vmem>>) target(%dma_start3A_294 : memref<112x128xf32, #tpu.memory_space<hbm>>) target_semaphore(%run_scoped3A : memref<!tpu.dma_semaphore, #tpu.memory_space<semaphore_mem>>)
      %dma_wait3A_295 = arith.constant 0 : i32
      %dma_wait3A_296 = tpu.memref_slice %arg5[%add3A_255, %dma_wait3A_295] : memref<20480x128xf32, #tpu.memory_space<hbm>> -> memref<112x128xf32, #tpu.memory_space<hbm>>
      %dma_wait3A_297 = arith.constant 0 : i32
      %dma_wait3A_298 = tpu.memref_slice %arg5[%add3A_255, %dma_wait3A_297] : memref<20480x128xf32, #tpu.memory_space<hbm>> -> memref<112x128xf32, #tpu.memory_space<hbm>>
      tpu.wait_dma2 semaphore(%run_scoped3A : memref<!tpu.dma_semaphore, #tpu.memory_space<semaphore_mem>>) src(%arg8 : memref<112x128xf32, #tpu.memory_space<vmem>>) dst(%dma_wait3A_298 : memref<112x128xf32, #tpu.memory_space<hbm>>)
      tpu.yield
    }) : () -> ()
    %mul3A_256 = arith.constant 640 : i32
    %mul3A_257 = arith.muli %arg1, %mul3A_256 : i32
    %add3A_258 = arith.constant 112 : i32
    %add3A_259 = arith.addi %mul3A_257, %add3A_258 : i32
    "tpu.region"() ({
      %run_scoped3A = tpu.sem_alloc : memref<!tpu.dma_semaphore, #tpu.memory_space<semaphore_mem>>
      %dma_start3A_291 = arith.constant 0 : i32
      %dma_start3A_292 = tpu.memref_slice %arg10[%add3A_259, %dma_start3A_291] : memref<10240x128xf32, #tpu.memory_space<vmem_shared>> -> memref<112x128xf32, #tpu.memory_space<vmem_shared>>
      %dma_start3A_293 = arith.constant 0 : i32
      %dma_start3A_294 = tpu.memref_slice %arg10[%add3A_259, %dma_start3A_293] : memref<10240x128xf32, #tpu.memory_space<vmem_shared>> -> memref<112x128xf32, #tpu.memory_space<vmem_shared>>
      tpu.enqueue_dma source(%dma_start3A_294 : memref<112x128xf32, #tpu.memory_space<vmem_shared>>) target(%arg8 : memref<112x128xf32, #tpu.memory_space<vmem>>) target_semaphore(%run_scoped3A : memref<!tpu.dma_semaphore, #tpu.memory_space<semaphore_mem>>)
      %dma_wait3A_295 = arith.constant 0 : i32
      %dma_wait3A_296 = tpu.memref_slice %arg10[%add3A_259, %dma_wait3A_295] : memref<10240x128xf32, #tpu.memory_space<vmem_shared>> -> memref<112x128xf32, #tpu.memory_space<vmem_shared>>
      %dma_wait3A_297 = arith.constant 0 : i32
      %dma_wait3A_298 = tpu.memref_slice %arg10[%add3A_259, %dma_wait3A_297] : memref<10240x128xf32, #tpu.memory_space<vmem_shared>> -> memref<112x128xf32, #tpu.memory_space<vmem_shared>>
      tpu.wait_dma2 semaphore(%run_scoped3A : memref<!tpu.dma_semaphore, #tpu.memory_space<semaphore_mem>>) src(%dma_wait3A_298 : memref<112x128xf32, #tpu.memory_space<vmem_shared>>) dst(%arg8 : memref<112x128xf32, #tpu.memory_space<vmem>>)
      tpu.yield
    }) : () -> ()
    %mul3A_260 = arith.constant 10240 : i32
    %mul3A_261 = arith.muli %arg0, %mul3A_260 : i32
    %add3A_262 = arith.addi %mul3A_261, %add3A_259 : i32
    "tpu.region"() ({
      %run_scoped3A = tpu.sem_alloc : memref<!tpu.dma_semaphore, #tpu.memory_space<semaphore_mem>>
      %dma_start3A_291 = arith.constant 0 : i32
      %dma_start3A_292 = tpu.memref_slice %arg5[%add3A_262, %dma_start3A_291] : memref<20480x128xf32, #tpu.memory_space<hbm>> -> memref<112x128xf32, #tpu.memory_space<hbm>>
      %dma_start3A_293 = arith.constant 0 : i32
      %dma_start3A_294 = tpu.memref_slice %arg5[%add3A_262, %dma_start3A_293] : memref<20480x128xf32, #tpu.memory_space<hbm>> -> memref<112x128xf32, #tpu.memory_space<hbm>>
      tpu.enqueue_dma source(%arg8 : memref<112x128xf32, #tpu.memory_space<vmem>>) target(%dma_start3A_294 : memref<112x128xf32, #tpu.memory_space<hbm>>) target_semaphore(%run_scoped3A : memref<!tpu.dma_semaphore, #tpu.memory_space<semaphore_mem>>)
      %dma_wait3A_295 = arith.constant 0 : i32
      %dma_wait3A_296 = tpu.memref_slice %arg5[%add3A_262, %dma_wait3A_295] : memref<20480x128xf32, #tpu.memory_space<hbm>> -> memref<112x128xf32, #tpu.memory_space<hbm>>
      %dma_wait3A_297 = arith.constant 0 : i32
      %dma_wait3A_298 = tpu.memref_slice %arg5[%add3A_262, %dma_wait3A_297] : memref<20480x128xf32, #tpu.memory_space<hbm>> -> memref<112x128xf32, #tpu.memory_space<hbm>>
      tpu.wait_dma2 semaphore(%run_scoped3A : memref<!tpu.dma_semaphore, #tpu.memory_space<semaphore_mem>>) src(%arg8 : memref<112x128xf32, #tpu.memory_space<vmem>>) dst(%dma_wait3A_298 : memref<112x128xf32, #tpu.memory_space<hbm>>)
      tpu.yield
    }) : () -> ()
    %mul3A_263 = arith.constant 640 : i32
    %mul3A_264 = arith.muli %arg1, %mul3A_263 : i32
    %add3A_265 = arith.constant 224 : i32
    %add3A_266 = arith.addi %mul3A_264, %add3A_265 : i32
    "tpu.region"() ({
      %run_scoped3A = tpu.sem_alloc : memref<!tpu.dma_semaphore, #tpu.memory_space<semaphore_mem>>
      %dma_start3A_291 = arith.constant 0 : i32
      %dma_start3A_292 = tpu.memref_slice %arg10[%add3A_266, %dma_start3A_291] : memref<10240x128xf32, #tpu.memory_space<vmem_shared>> -> memref<112x128xf32, #tpu.memory_space<vmem_shared>>
      %dma_start3A_293 = arith.constant 0 : i32
      %dma_start3A_294 = tpu.memref_slice %arg10[%add3A_266, %dma_start3A_293] : memref<10240x128xf32, #tpu.memory_space<vmem_shared>> -> memref<112x128xf32, #tpu.memory_space<vmem_shared>>
      tpu.enqueue_dma source(%dma_start3A_294 : memref<112x128xf32, #tpu.memory_space<vmem_shared>>) target(%arg8 : memref<112x128xf32, #tpu.memory_space<vmem>>) target_semaphore(%run_scoped3A : memref<!tpu.dma_semaphore, #tpu.memory_space<semaphore_mem>>)
      %dma_wait3A_295 = arith.constant 0 : i32
      %dma_wait3A_296 = tpu.memref_slice %arg10[%add3A_266, %dma_wait3A_295] : memref<10240x128xf32, #tpu.memory_space<vmem_shared>> -> memref<112x128xf32, #tpu.memory_space<vmem_shared>>
      %dma_wait3A_297 = arith.constant 0 : i32
      %dma_wait3A_298 = tpu.memref_slice %arg10[%add3A_266, %dma_wait3A_297] : memref<10240x128xf32, #tpu.memory_space<vmem_shared>> -> memref<112x128xf32, #tpu.memory_space<vmem_shared>>
      tpu.wait_dma2 semaphore(%run_scoped3A : memref<!tpu.dma_semaphore, #tpu.memory_space<semaphore_mem>>) src(%dma_wait3A_298 : memref<112x128xf32, #tpu.memory_space<vmem_shared>>) dst(%arg8 : memref<112x128xf32, #tpu.memory_space<vmem>>)
      tpu.yield
    }) : () -> ()
    %mul3A_267 = arith.constant 10240 : i32
    %mul3A_268 = arith.muli %arg0, %mul3A_267 : i32
    %add3A_269 = arith.addi %mul3A_268, %add3A_266 : i32
    "tpu.region"() ({
      %run_scoped3A = tpu.sem_alloc : memref<!tpu.dma_semaphore, #tpu.memory_space<semaphore_mem>>
      %dma_start3A_291 = arith.constant 0 : i32
      %dma_start3A_292 = tpu.memref_slice %arg5[%add3A_269, %dma_start3A_291] : memref<20480x128xf32, #tpu.memory_space<hbm>> -> memref<112x128xf32, #tpu.memory_space<hbm>>
      %dma_start3A_293 = arith.constant 0 : i32
      %dma_start3A_294 = tpu.memref_slice %arg5[%add3A_269, %dma_start3A_293] : memref<20480x128xf32, #tpu.memory_space<hbm>> -> memref<112x128xf32, #tpu.memory_space<hbm>>
      tpu.enqueue_dma source(%arg8 : memref<112x128xf32, #tpu.memory_space<vmem>>) target(%dma_start3A_294 : memref<112x128xf32, #tpu.memory_space<hbm>>) target_semaphore(%run_scoped3A : memref<!tpu.dma_semaphore, #tpu.memory_space<semaphore_mem>>)
      %dma_wait3A_295 = arith.constant 0 : i32
      %dma_wait3A_296 = tpu.memref_slice %arg5[%add3A_269, %dma_wait3A_295] : memref<20480x128xf32, #tpu.memory_space<hbm>> -> memref<112x128xf32, #tpu.memory_space<hbm>>
      %dma_wait3A_297 = arith.constant 0 : i32
      %dma_wait3A_298 = tpu.memref_slice %arg5[%add3A_269, %dma_wait3A_297] : memref<20480x128xf32, #tpu.memory_space<hbm>> -> memref<112x128xf32, #tpu.memory_space<hbm>>
      tpu.wait_dma2 semaphore(%run_scoped3A : memref<!tpu.dma_semaphore, #tpu.memory_space<semaphore_mem>>) src(%arg8 : memref<112x128xf32, #tpu.memory_space<vmem>>) dst(%dma_wait3A_298 : memref<112x128xf32, #tpu.memory_space<hbm>>)
      tpu.yield
    }) : () -> ()
    %mul3A_270 = arith.constant 640 : i32
    %mul3A_271 = arith.muli %arg1, %mul3A_270 : i32
    %add3A_272 = arith.constant 336 : i32
    %add3A_273 = arith.addi %mul3A_271, %add3A_272 : i32
    "tpu.region"() ({
      %run_scoped3A = tpu.sem_alloc : memref<!tpu.dma_semaphore, #tpu.memory_space<semaphore_mem>>
      %dma_start3A_291 = arith.constant 0 : i32
      %dma_start3A_292 = tpu.memref_slice %arg10[%add3A_273, %dma_start3A_291] : memref<10240x128xf32, #tpu.memory_space<vmem_shared>> -> memref<112x128xf32, #tpu.memory_space<vmem_shared>>
      %dma_start3A_293 = arith.constant 0 : i32
      %dma_start3A_294 = tpu.memref_slice %arg10[%add3A_273, %dma_start3A_293] : memref<10240x128xf32, #tpu.memory_space<vmem_shared>> -> memref<112x128xf32, #tpu.memory_space<vmem_shared>>
      tpu.enqueue_dma source(%dma_start3A_294 : memref<112x128xf32, #tpu.memory_space<vmem_shared>>) target(%arg8 : memref<112x128xf32, #tpu.memory_space<vmem>>) target_semaphore(%run_scoped3A : memref<!tpu.dma_semaphore, #tpu.memory_space<semaphore_mem>>)
      %dma_wait3A_295 = arith.constant 0 : i32
      %dma_wait3A_296 = tpu.memref_slice %arg10[%add3A_273, %dma_wait3A_295] : memref<10240x128xf32, #tpu.memory_space<vmem_shared>> -> memref<112x128xf32, #tpu.memory_space<vmem_shared>>
      %dma_wait3A_297 = arith.constant 0 : i32
      %dma_wait3A_298 = tpu.memref_slice %arg10[%add3A_273, %dma_wait3A_297] : memref<10240x128xf32, #tpu.memory_space<vmem_shared>> -> memref<112x128xf32, #tpu.memory_space<vmem_shared>>
      tpu.wait_dma2 semaphore(%run_scoped3A : memref<!tpu.dma_semaphore, #tpu.memory_space<semaphore_mem>>) src(%dma_wait3A_298 : memref<112x128xf32, #tpu.memory_space<vmem_shared>>) dst(%arg8 : memref<112x128xf32, #tpu.memory_space<vmem>>)
      tpu.yield
    }) : () -> ()
    %mul3A_274 = arith.constant 10240 : i32
    %mul3A_275 = arith.muli %arg0, %mul3A_274 : i32
    %add3A_276 = arith.addi %mul3A_275, %add3A_273 : i32
    "tpu.region"() ({
      %run_scoped3A = tpu.sem_alloc : memref<!tpu.dma_semaphore, #tpu.memory_space<semaphore_mem>>
      %dma_start3A_291 = arith.constant 0 : i32
      %dma_start3A_292 = tpu.memref_slice %arg5[%add3A_276, %dma_start3A_291] : memref<20480x128xf32, #tpu.memory_space<hbm>> -> memref<112x128xf32, #tpu.memory_space<hbm>>
      %dma_start3A_293 = arith.constant 0 : i32
      %dma_start3A_294 = tpu.memref_slice %arg5[%add3A_276, %dma_start3A_293] : memref<20480x128xf32, #tpu.memory_space<hbm>> -> memref<112x128xf32, #tpu.memory_space<hbm>>
      tpu.enqueue_dma source(%arg8 : memref<112x128xf32, #tpu.memory_space<vmem>>) target(%dma_start3A_294 : memref<112x128xf32, #tpu.memory_space<hbm>>) target_semaphore(%run_scoped3A : memref<!tpu.dma_semaphore, #tpu.memory_space<semaphore_mem>>)
      %dma_wait3A_295 = arith.constant 0 : i32
      %dma_wait3A_296 = tpu.memref_slice %arg5[%add3A_276, %dma_wait3A_295] : memref<20480x128xf32, #tpu.memory_space<hbm>> -> memref<112x128xf32, #tpu.memory_space<hbm>>
      %dma_wait3A_297 = arith.constant 0 : i32
      %dma_wait3A_298 = tpu.memref_slice %arg5[%add3A_276, %dma_wait3A_297] : memref<20480x128xf32, #tpu.memory_space<hbm>> -> memref<112x128xf32, #tpu.memory_space<hbm>>
      tpu.wait_dma2 semaphore(%run_scoped3A : memref<!tpu.dma_semaphore, #tpu.memory_space<semaphore_mem>>) src(%arg8 : memref<112x128xf32, #tpu.memory_space<vmem>>) dst(%dma_wait3A_298 : memref<112x128xf32, #tpu.memory_space<hbm>>)
      tpu.yield
    }) : () -> ()
    %mul3A_277 = arith.constant 640 : i32
    %mul3A_278 = arith.muli %arg1, %mul3A_277 : i32
    %add3A_279 = arith.constant 448 : i32
    %add3A_280 = arith.addi %mul3A_278, %add3A_279 : i32
    "tpu.region"() ({
      %run_scoped3A = tpu.sem_alloc : memref<!tpu.dma_semaphore, #tpu.memory_space<semaphore_mem>>
      %dma_start3A_291 = arith.constant 0 : i32
      %dma_start3A_292 = tpu.memref_slice %arg10[%add3A_280, %dma_start3A_291] : memref<10240x128xf32, #tpu.memory_space<vmem_shared>> -> memref<112x128xf32, #tpu.memory_space<vmem_shared>>
      %dma_start3A_293 = arith.constant 0 : i32
      %dma_start3A_294 = tpu.memref_slice %arg10[%add3A_280, %dma_start3A_293] : memref<10240x128xf32, #tpu.memory_space<vmem_shared>> -> memref<112x128xf32, #tpu.memory_space<vmem_shared>>
      tpu.enqueue_dma source(%dma_start3A_294 : memref<112x128xf32, #tpu.memory_space<vmem_shared>>) target(%arg8 : memref<112x128xf32, #tpu.memory_space<vmem>>) target_semaphore(%run_scoped3A : memref<!tpu.dma_semaphore, #tpu.memory_space<semaphore_mem>>)
      %dma_wait3A_295 = arith.constant 0 : i32
      %dma_wait3A_296 = tpu.memref_slice %arg10[%add3A_280, %dma_wait3A_295] : memref<10240x128xf32, #tpu.memory_space<vmem_shared>> -> memref<112x128xf32, #tpu.memory_space<vmem_shared>>
      %dma_wait3A_297 = arith.constant 0 : i32
      %dma_wait3A_298 = tpu.memref_slice %arg10[%add3A_280, %dma_wait3A_297] : memref<10240x128xf32, #tpu.memory_space<vmem_shared>> -> memref<112x128xf32, #tpu.memory_space<vmem_shared>>
      tpu.wait_dma2 semaphore(%run_scoped3A : memref<!tpu.dma_semaphore, #tpu.memory_space<semaphore_mem>>) src(%dma_wait3A_298 : memref<112x128xf32, #tpu.memory_space<vmem_shared>>) dst(%arg8 : memref<112x128xf32, #tpu.memory_space<vmem>>)
      tpu.yield
    }) : () -> ()
    %mul3A_281 = arith.constant 10240 : i32
    %mul3A_282 = arith.muli %arg0, %mul3A_281 : i32
    %add3A_283 = arith.addi %mul3A_282, %add3A_280 : i32
    "tpu.region"() ({
      %run_scoped3A = tpu.sem_alloc : memref<!tpu.dma_semaphore, #tpu.memory_space<semaphore_mem>>
      %dma_start3A_291 = arith.constant 0 : i32
      %dma_start3A_292 = tpu.memref_slice %arg5[%add3A_283, %dma_start3A_291] : memref<20480x128xf32, #tpu.memory_space<hbm>> -> memref<112x128xf32, #tpu.memory_space<hbm>>
      %dma_start3A_293 = arith.constant 0 : i32
      %dma_start3A_294 = tpu.memref_slice %arg5[%add3A_283, %dma_start3A_293] : memref<20480x128xf32, #tpu.memory_space<hbm>> -> memref<112x128xf32, #tpu.memory_space<hbm>>
      tpu.enqueue_dma source(%arg8 : memref<112x128xf32, #tpu.memory_space<vmem>>) target(%dma_start3A_294 : memref<112x128xf32, #tpu.memory_space<hbm>>) target_semaphore(%run_scoped3A : memref<!tpu.dma_semaphore, #tpu.memory_space<semaphore_mem>>)
      %dma_wait3A_295 = arith.constant 0 : i32
      %dma_wait3A_296 = tpu.memref_slice %arg5[%add3A_283, %dma_wait3A_295] : memref<20480x128xf32, #tpu.memory_space<hbm>> -> memref<112x128xf32, #tpu.memory_space<hbm>>
      %dma_wait3A_297 = arith.constant 0 : i32
      %dma_wait3A_298 = tpu.memref_slice %arg5[%add3A_283, %dma_wait3A_297] : memref<20480x128xf32, #tpu.memory_space<hbm>> -> memref<112x128xf32, #tpu.memory_space<hbm>>
      tpu.wait_dma2 semaphore(%run_scoped3A : memref<!tpu.dma_semaphore, #tpu.memory_space<semaphore_mem>>) src(%arg8 : memref<112x128xf32, #tpu.memory_space<vmem>>) dst(%dma_wait3A_298 : memref<112x128xf32, #tpu.memory_space<hbm>>)
      tpu.yield
    }) : () -> ()
    %mul3A_284 = arith.constant 640 : i32
    %mul3A_285 = arith.muli %arg1, %mul3A_284 : i32
    %add3A_286 = arith.constant 528 : i32
    %add3A_287 = arith.addi %mul3A_285, %add3A_286 : i32
    "tpu.region"() ({
      %run_scoped3A = tpu.sem_alloc : memref<!tpu.dma_semaphore, #tpu.memory_space<semaphore_mem>>
      %dma_start3A_291 = arith.constant 0 : i32
      %dma_start3A_292 = tpu.memref_slice %arg10[%add3A_287, %dma_start3A_291] : memref<10240x128xf32, #tpu.memory_space<vmem_shared>> -> memref<112x128xf32, #tpu.memory_space<vmem_shared>>
      %dma_start3A_293 = arith.constant 0 : i32
      %dma_start3A_294 = tpu.memref_slice %arg10[%add3A_287, %dma_start3A_293] : memref<10240x128xf32, #tpu.memory_space<vmem_shared>> -> memref<112x128xf32, #tpu.memory_space<vmem_shared>>
      tpu.enqueue_dma source(%dma_start3A_294 : memref<112x128xf32, #tpu.memory_space<vmem_shared>>) target(%arg8 : memref<112x128xf32, #tpu.memory_space<vmem>>) target_semaphore(%run_scoped3A : memref<!tpu.dma_semaphore, #tpu.memory_space<semaphore_mem>>)
      %dma_wait3A_295 = arith.constant 0 : i32
      %dma_wait3A_296 = tpu.memref_slice %arg10[%add3A_287, %dma_wait3A_295] : memref<10240x128xf32, #tpu.memory_space<vmem_shared>> -> memref<112x128xf32, #tpu.memory_space<vmem_shared>>
      %dma_wait3A_297 = arith.constant 0 : i32
      %dma_wait3A_298 = tpu.memref_slice %arg10[%add3A_287, %dma_wait3A_297] : memref<10240x128xf32, #tpu.memory_space<vmem_shared>> -> memref<112x128xf32, #tpu.memory_space<vmem_shared>>
      tpu.wait_dma2 semaphore(%run_scoped3A : memref<!tpu.dma_semaphore, #tpu.memory_space<semaphore_mem>>) src(%dma_wait3A_298 : memref<112x128xf32, #tpu.memory_space<vmem_shared>>) dst(%arg8 : memref<112x128xf32, #tpu.memory_space<vmem>>)
      tpu.yield
    }) : () -> ()
    %mul3A_288 = arith.constant 10240 : i32
    %mul3A_289 = arith.muli %arg0, %mul3A_288 : i32
    %add3A_290 = arith.addi %mul3A_289, %add3A_287 : i32
    "tpu.region"() ({
      %run_scoped3A = tpu.sem_alloc : memref<!tpu.dma_semaphore, #tpu.memory_space<semaphore_mem>>
      %dma_start3A_291 = arith.constant 0 : i32
      %dma_start3A_292 = tpu.memref_slice %arg5[%add3A_290, %dma_start3A_291] : memref<20480x128xf32, #tpu.memory_space<hbm>> -> memref<112x128xf32, #tpu.memory_space<hbm>>
      %dma_start3A_293 = arith.constant 0 : i32
      %dma_start3A_294 = tpu.memref_slice %arg5[%add3A_290, %dma_start3A_293] : memref<20480x128xf32, #tpu.memory_space<hbm>> -> memref<112x128xf32, #tpu.memory_space<hbm>>
      tpu.enqueue_dma source(%arg8 : memref<112x128xf32, #tpu.memory_space<vmem>>) target(%dma_start3A_294 : memref<112x128xf32, #tpu.memory_space<hbm>>) target_semaphore(%run_scoped3A : memref<!tpu.dma_semaphore, #tpu.memory_space<semaphore_mem>>)
      %dma_wait3A_295 = arith.constant 0 : i32
      %dma_wait3A_296 = tpu.memref_slice %arg5[%add3A_290, %dma_wait3A_295] : memref<20480x128xf32, #tpu.memory_space<hbm>> -> memref<112x128xf32, #tpu.memory_space<hbm>>
      %dma_wait3A_297 = arith.constant 0 : i32
      %dma_wait3A_298 = tpu.memref_slice %arg5[%add3A_290, %dma_wait3A_297] : memref<20480x128xf32, #tpu.memory_space<hbm>> -> memref<112x128xf32, #tpu.memory_space<hbm>>
      tpu.wait_dma2 semaphore(%run_scoped3A : memref<!tpu.dma_semaphore, #tpu.memory_space<semaphore_mem>>) src(%arg8 : memref<112x128xf32, #tpu.memory_space<vmem>>) dst(%dma_wait3A_298 : memref<112x128xf32, #tpu.memory_space<hbm>>)
      tpu.yield
    }) : () -> ()
    return
  }
}

module attributes {stable_mosaic.version = 14 : i64} {
  func.func @_pre_body(%arg0: memref<10240x128xf32, #tpu.memory_space<vmem>>, %arg1: memref<128x128xf32, #tpu.memory_space<vmem>>, %arg2: memref<128x128xf32, #tpu.memory_space<vmem>>, %arg3: memref<10240x128xf32, #tpu.memory_space<vmem>>, %arg4: memref<10240x128xf32, #tpu.memory_space<vmem>>) attributes {dimension_semantics = [], scalar_prefetch = 0 : i64, scratch_operands = 0 : i64, tpu.core_type = #tpu.core_type<tc>} {
    %get3A = arith.constant 0 : index
    %get3A_0 = arith.constant 0 : index
    %get3A_1 = vector.load %arg0[%get3A, %get3A_0] : memref<10240x128xf32, #tpu.memory_space<vmem>>, vector<10240x128xf32>
    %get3A_2 = arith.constant 0 : index
    %get3A_3 = arith.constant 0 : index
    %get3A_4 = vector.load %arg1[%get3A_2, %get3A_3] : memref<128x128xf32, #tpu.memory_space<vmem>>, vector<128x128xf32>
    %dot_general3A = arith.constant dense<0.000000e+00> : vector<10240x128xf32>
    %dot_general3A_5 = tpu.matmul %get3A_1, %get3A_4, %dot_general3A {dimension_numbers = #tpu.dot_dimension_numbers<[1], [0], [0], [1], [0, 0, 1, 1], [], []>, transpose_lhs_hint = false} : vector<10240x128xf32>, vector<128x128xf32>, vector<10240x128xf32> -> vector<10240x128xf32>
    %swap3A = arith.constant 0 : index
    %swap3A_6 = arith.constant 0 : index
    %swap3A_7 = vector.load %arg3[%swap3A, %swap3A_6] : memref<10240x128xf32, #tpu.memory_space<vmem>>, vector<10240x128xf32>
    tpu.vector_store %arg3[%swap3A, %swap3A_6], %dot_general3A_5 {strides = array<i32>} : memref<10240x128xf32, #tpu.memory_space<vmem>>, vector<10240x128xf32>,
    %get3A_8 = arith.constant 0 : index
    %get3A_9 = arith.constant 0 : index
    %get3A_10 = vector.load %arg0[%get3A_8, %get3A_9] : memref<10240x128xf32, #tpu.memory_space<vmem>>, vector<10240x128xf32>
    %get3A_11 = arith.constant 0 : index
    %get3A_12 = arith.constant 0 : index
    %get3A_13 = vector.load %arg2[%get3A_11, %get3A_12] : memref<128x128xf32, #tpu.memory_space<vmem>>, vector<128x128xf32>
    %dot_general3A_14 = arith.constant dense<0.000000e+00> : vector<10240x128xf32>
    %dot_general3A_15 = tpu.matmul %get3A_10, %get3A_13, %dot_general3A_14 {dimension_numbers = #tpu.dot_dimension_numbers<[1], [0], [0], [1], [0, 0, 1, 1], [], []>, transpose_lhs_hint = false} : vector<10240x128xf32>, vector<128x128xf32>, vector<10240x128xf32> -> vector<10240x128xf32>
    %swap3A_16 = arith.constant 0 : index
    %swap3A_17 = arith.constant 0 : index
    %swap3A_18 = vector.load %arg4[%swap3A_16, %swap3A_17] : memref<10240x128xf32, #tpu.memory_space<vmem>>, vector<10240x128xf32>
    tpu.vector_store %arg4[%swap3A_16, %swap3A_17], %dot_general3A_15 {strides = array<i32>} : memref<10240x128xf32, #tpu.memory_space<vmem>>, vector<10240x128xf32>,
    return
  }
}

module attributes {stable_mosaic.version = 14 : i64} {
  func.func @_mid_body(%arg0: memref<20480x128xf32, #tpu.memory_space<vmem>>, %arg1: memref<20480x8xf32, #tpu.memory_space<vmem>>, %arg2: memref<10240x128xf32, #tpu.memory_space<vmem>>, %arg3: memref<1x128xf32, #tpu.memory_space<vmem>>, %arg4: memref<1x128xf32, #tpu.memory_space<vmem>>, %arg5: memref<1x128xf32, #tpu.memory_space<vmem>>, %arg6: memref<128x128xf32, #tpu.memory_space<vmem>>, %arg7: memref<128x128xf32, #tpu.memory_space<vmem>>, %arg8: memref<10240x128xf32, #tpu.memory_space<vmem>>, %arg9: memref<10240x128xf32, #tpu.memory_space<vmem>>, %arg10: memref<10240x128xf32, #tpu.memory_space<vmem>>) attributes {dimension_semantics = [], scalar_prefetch = 0 : i64, scratch_operands = 0 : i64, tpu.core_type = #tpu.core_type<tc>} {
    %get3A = arith.constant 0 : index
    %get3A_0 = arith.constant 0 : index
    %get3A_1 = vector.load %arg0[%get3A, %get3A_0] : memref<20480x128xf32, #tpu.memory_space<vmem>>, vector<10240x128xf32>
    %get3A_2 = arith.constant 10240 : index
    %get3A_3 = arith.constant 0 : index
    %get3A_4 = vector.load %arg0[%get3A_2, %get3A_3] : memref<20480x128xf32, #tpu.memory_space<vmem>>, vector<10240x128xf32>
    %add3A = arith.addf %get3A_1, %get3A_4 : vector<10240x128xf32>
    %get3A_5 = arith.constant 0 : index
    %get3A_6 = arith.constant 0 : index
    %get3A_7 = vector.load %arg1[%get3A_5, %get3A_6] : memref<20480x8xf32, #tpu.memory_space<vmem>>, vector<10240x1xf32>
    %get3A_8 = arith.constant 10240 : index
    %get3A_9 = arith.constant 0 : index
    %get3A_10 = vector.load %arg1[%get3A_8, %get3A_9] : memref<20480x8xf32, #tpu.memory_space<vmem>>, vector<10240x1xf32>
    %add3A_11 = arith.addf %get3A_7, %get3A_10 : vector<10240x1xf32>
    %max3A = arith.constant 1.000000e+00 : f32
    %max3A_12 = vector.broadcast %max3A : f32 to vector<10240x1xf32>
    %max3A_13 = arith.maximumf %add3A_11, %max3A_12 : vector<10240x1xf32>
    %div3A = arith.constant 1.000000e+00 : f32
    %div3A_14 = vector.broadcast %div3A : f32 to vector<10240x1xf32>
    %div3A_15 = arith.divf %div3A_14, %max3A_13 : vector<10240x1xf32>
    %iota3A = tpu.iota {dimensions = array<i32: 0>} : vector<10240x1xi32>
    %lt3A = arith.constant 10000 : i32
    %lt3A_16 = vector.broadcast %lt3A : i32 to vector<10240x1xi32>
    %lt3A_17 = arith.cmpi slt, %iota3A, %lt3A_16 : vector<10240x1xi32>
    %convert_element_type3A = arith.extui %lt3A_17 : vector<10240x1xi1> to vector<10240x1xi32>
    %convert_element_type3A_18 = arith.sitofp %convert_element_type3A : vector<10240x1xi32> to vector<10240x1xf32>
    %mul3A = vector.broadcast %div3A_15 : vector<10240x1xf32> to vector<10240x128xf32>
    %mul3A_19 = arith.mulf %add3A, %mul3A : vector<10240x128xf32>
    %get3A_20 = arith.constant 0 : index
    %get3A_21 = arith.constant 0 : index
    %get3A_22 = vector.load %arg3[%get3A_20, %get3A_21] : memref<1x128xf32, #tpu.memory_space<vmem>>, vector<1x128xf32>
    %add3A_23 = vector.broadcast %get3A_22 : vector<1x128xf32> to vector<10240x128xf32>
    %add3A_24 = arith.addf %mul3A_19, %add3A_23 : vector<10240x128xf32>
    %get3A_25 = arith.constant 0 : index
    %get3A_26 = arith.constant 0 : index
    %get3A_27 = vector.load %arg2[%get3A_25, %get3A_26] : memref<10240x128xf32, #tpu.memory_space<vmem>>, vector<10240x128xf32>
    %add3A_28 = arith.addf %add3A_24, %get3A_27 : vector<10240x128xf32>
    %mul3A_29 = vector.broadcast %convert_element_type3A_18 : vector<10240x1xf32> to vector<10240x128xf32>
    %mul3A_30 = arith.mulf %add3A_28, %mul3A_29 : vector<10240x128xf32>
    %reduce_sum3A = arith.constant dense<0.000000e+00> : vector<128xf32>
    %reduce_sum3A_31 = vector.multi_reduction <add>, %mul3A_30, %reduce_sum3A [0] : vector<10240x128xf32> to vector<128xf32>
    %broadcast_in_dim3A = vector.shape_cast %reduce_sum3A_31 : vector<128xf32> to vector<1x128xf32>
    %div3A_32 = arith.constant 1.000000e+04 : f32
    %div3A_33 = vector.broadcast %div3A_32 : f32 to vector<1x128xf32>
    %div3A_34 = arith.divf %broadcast_in_dim3A, %div3A_33 : vector<1x128xf32>
    %mul3A_35 = arith.mulf %add3A_28, %add3A_28 : vector<10240x128xf32>
    %mul3A_36 = vector.broadcast %convert_element_type3A_18 : vector<10240x1xf32> to vector<10240x128xf32>
    %mul3A_37 = arith.mulf %mul3A_35, %mul3A_36 : vector<10240x128xf32>
    %reduce_sum3A_38 = arith.constant dense<0.000000e+00> : vector<128xf32>
    %reduce_sum3A_39 = vector.multi_reduction <add>, %mul3A_37, %reduce_sum3A_38 [0] : vector<10240x128xf32> to vector<128xf32>
    %broadcast_in_dim3A_40 = vector.shape_cast %reduce_sum3A_39 : vector<128xf32> to vector<1x128xf32>
    %div3A_41 = arith.constant 1.000000e+04 : f32
    %div3A_42 = vector.broadcast %div3A_41 : f32 to vector<1x128xf32>
    %div3A_43 = arith.divf %broadcast_in_dim3A_40, %div3A_42 : vector<1x128xf32>
    %mul3A_44 = arith.mulf %div3A_34, %div3A_34 : vector<1x128xf32>
    %sub3A = arith.subf %div3A_43, %mul3A_44 : vector<1x128xf32>
    %get3A_45 = arith.constant 0 : index
    %get3A_46 = arith.constant 0 : index
    %get3A_47 = vector.load %arg4[%get3A_45, %get3A_46] : memref<1x128xf32, #tpu.memory_space<vmem>>, vector<1x128xf32>
    %sub3A_48 = vector.broadcast %div3A_34 : vector<1x128xf32> to vector<10240x128xf32>
    %sub3A_49 = arith.subf %add3A_28, %sub3A_48 : vector<10240x128xf32>
    %mul3A_50 = vector.broadcast %get3A_47 : vector<1x128xf32> to vector<10240x128xf32>
    %mul3A_51 = arith.mulf %mul3A_50, %sub3A_49 : vector<10240x128xf32>
    %add3A_52 = arith.constant 9.99999974E-6 : f32
    %add3A_53 = vector.broadcast %add3A_52 : f32 to vector<1x128xf32>
    %add3A_54 = arith.addf %sub3A, %add3A_53 : vector<1x128xf32>
    %rsqrt3A = math.rsqrt %add3A_54 : vector<1x128xf32>
    %mul3A_55 = vector.broadcast %rsqrt3A : vector<1x128xf32> to vector<10240x128xf32>
    %mul3A_56 = arith.mulf %mul3A_51, %mul3A_55 : vector<10240x128xf32>
    %get3A_57 = arith.constant 0 : index
    %get3A_58 = arith.constant 0 : index
    %get3A_59 = vector.load %arg5[%get3A_57, %get3A_58] : memref<1x128xf32, #tpu.memory_space<vmem>>, vector<1x128xf32>
    %add3A_60 = vector.broadcast %get3A_59 : vector<1x128xf32> to vector<10240x128xf32>
    %add3A_61 = arith.addf %mul3A_56, %add3A_60 : vector<10240x128xf32>
    %max3A_62 = arith.constant 0.000000e+00 : f32
    %max3A_63 = vector.broadcast %max3A_62 : f32 to vector<10240x128xf32>
    %max3A_64 = arith.maximumf %add3A_61, %max3A_63 : vector<10240x128xf32>
    %mul3A_65 = vector.broadcast %convert_element_type3A_18 : vector<10240x1xf32> to vector<10240x128xf32>
    %mul3A_66 = arith.mulf %max3A_64, %mul3A_65 : vector<10240x128xf32>
    %get3A_67 = arith.constant 0 : index
    %get3A_68 = arith.constant 0 : index
    %get3A_69 = vector.load %arg6[%get3A_67, %get3A_68] : memref<128x128xf32, #tpu.memory_space<vmem>>, vector<128x128xf32>
    %dot_general3A = arith.constant dense<0.000000e+00> : vector<10240x128xf32>
    %dot_general3A_70 = tpu.matmul %mul3A_66, %get3A_69, %dot_general3A {dimension_numbers = #tpu.dot_dimension_numbers<[1], [0], [0], [1], [0, 0, 1, 1], [], []>, transpose_lhs_hint = false} : vector<10240x128xf32>, vector<128x128xf32>, vector<10240x128xf32> -> vector<10240x128xf32>
    %swap3A = arith.constant 0 : index
    %swap3A_71 = arith.constant 0 : index
    %swap3A_72 = vector.load %arg8[%swap3A, %swap3A_71] : memref<10240x128xf32, #tpu.memory_space<vmem>>, vector<10240x128xf32>
    tpu.vector_store %arg8[%swap3A, %swap3A_71], %dot_general3A_70 {strides = array<i32>} : memref<10240x128xf32, #tpu.memory_space<vmem>>, vector<10240x128xf32>,
    %get3A_73 = arith.constant 0 : index
    %get3A_74 = arith.constant 0 : index
    %get3A_75 = vector.load %arg7[%get3A_73, %get3A_74] : memref<128x128xf32, #tpu.memory_space<vmem>>, vector<128x128xf32>
    %dot_general3A_76 = arith.constant dense<0.000000e+00> : vector<10240x128xf32>
    %dot_general3A_77 = tpu.matmul %mul3A_66, %get3A_75, %dot_general3A_76 {dimension_numbers = #tpu.dot_dimension_numbers<[1], [0], [0], [1], [0, 0, 1, 1], [], []>, transpose_lhs_hint = false} : vector<10240x128xf32>, vector<128x128xf32>, vector<10240x128xf32> -> vector<10240x128xf32>
    %swap3A_78 = arith.constant 0 : index
    %swap3A_79 = arith.constant 0 : index
    %swap3A_80 = vector.load %arg9[%swap3A_78, %swap3A_79] : memref<10240x128xf32, #tpu.memory_space<vmem>>, vector<10240x128xf32>
    tpu.vector_store %arg9[%swap3A_78, %swap3A_79], %dot_general3A_77 {strides = array<i32>} : memref<10240x128xf32, #tpu.memory_space<vmem>>, vector<10240x128xf32>,
    %broadcast_in_dim3A_81 = vector.shape_cast %div3A_15 : vector<10240x1xf32> to vector<10240x1xf32>
    %broadcast_in_dim3A_82 = vector.broadcast %broadcast_in_dim3A_81 : vector<10240x1xf32> to vector<10240x128xf32>
    %swap3A_83 = arith.constant 0 : index
    %swap3A_84 = arith.constant 0 : index
    %swap3A_85 = vector.load %arg10[%swap3A_83, %swap3A_84] : memref<10240x128xf32, #tpu.memory_space<vmem>>, vector<10240x128xf32>
    tpu.vector_store %arg10[%swap3A_83, %swap3A_84], %broadcast_in_dim3A_82 {strides = array<i32>} : memref<10240x128xf32, #tpu.memory_space<vmem>>, vector<10240x128xf32>,
    return
  }
}

module attributes {stable_mosaic.version = 14 : i64} {
  func.func @_final_body(%arg0: memref<20480x128xf32, #tpu.memory_space<vmem>>, %arg1: memref<10240x128xf32, #tpu.memory_space<vmem>>, %arg2: memref<10240x128xf32, #tpu.memory_space<vmem>>, %arg3: memref<1x128xf32, #tpu.memory_space<vmem>>, %arg4: memref<10240x128xf32, #tpu.memory_space<vmem>>) attributes {dimension_semantics = [], scalar_prefetch = 0 : i64, scratch_operands = 0 : i64, tpu.core_type = #tpu.core_type<tc>} {
    %get3A = arith.constant 0 : index
    %get3A_0 = arith.constant 0 : index
    %get3A_1 = vector.load %arg0[%get3A, %get3A_0] : memref<20480x128xf32, #tpu.memory_space<vmem>>, vector<10240x128xf32>
    %get3A_2 = arith.constant 10240 : index
    %get3A_3 = arith.constant 0 : index
    %get3A_4 = vector.load %arg0[%get3A_2, %get3A_3] : memref<20480x128xf32, #tpu.memory_space<vmem>>, vector<10240x128xf32>
    %add3A = arith.addf %get3A_1, %get3A_4 : vector<10240x128xf32>
    %get3A_5 = arith.constant 0 : index
    %get3A_6 = arith.constant 0 : index
    %get3A_7 = vector.load %arg1[%get3A_5, %get3A_6] : memref<10240x128xf32, #tpu.memory_space<vmem>>, vector<10240x128xf32>
    %mul3A = arith.mulf %add3A, %get3A_7 : vector<10240x128xf32>
    %get3A_8 = arith.constant 0 : index
    %get3A_9 = arith.constant 0 : index
    %get3A_10 = vector.load %arg3[%get3A_8, %get3A_9] : memref<1x128xf32, #tpu.memory_space<vmem>>, vector<1x128xf32>
    %add3A_11 = vector.broadcast %get3A_10 : vector<1x128xf32> to vector<10240x128xf32>
    %add3A_12 = arith.addf %mul3A, %add3A_11 : vector<10240x128xf32>
    %get3A_13 = arith.constant 0 : index
    %get3A_14 = arith.constant 0 : index
    %get3A_15 = vector.load %arg2[%get3A_13, %get3A_14] : memref<10240x128xf32, #tpu.memory_space<vmem>>, vector<10240x128xf32>
    %add3A_16 = arith.addf %add3A_12, %get3A_15 : vector<10240x128xf32>
    %swap3A = arith.constant 0 : index
    %swap3A_17 = arith.constant 0 : index
    %swap3A_18 = vector.load %arg4[%swap3A, %swap3A_17] : memref<10240x128xf32, #tpu.memory_space<vmem>>, vector<10240x128xf32>
    tpu.vector_store %arg4[%swap3A, %swap3A_17], %add3A_16 {strides = array<i32>} : memref<10240x128xf32, #tpu.memory_space<vmem>>, vector<10240x128xf32>,
    return
  }
}

</mosaic_0001>

<sc_bundles>
// kernel: kernel.11.cloned.1.call-start
scs
__scs_entry_jumppad:
0x0: {  	(pc) =	sbr.rel $0x88, $3  }
0x1: {  	(tag) =	ssettag $0x0;
	lr =	simm.s32 $0x1  }
0x2: {  	[smem:$0x3F97] =	sst lr;
	_ =	strace $0xD0000000  }
0x3: {  	_ = 	snop  }
0x4: {  	_ = 	snop  }
0x5: {  	_ = 	snop  }
0x6: {  	_ = 	snop  }
0x7: {  	_ = 	snop  }
__scs_overlays_trampoline_lowered:
0x8: {  	[smem:$0x3FA6] =	sst s0  }
0x9: {  	[smem:$0x3FA7] =	sst s1  }
0xa: {  	[smem:$0x3FA8] =	sst s2  }
0xb: {  	[smem:$0x3FA9] =	sst s3  }
0xc: {  	[smem:$0x3FAA] =	sst s4  }
0xd: {  	[smem:$0x3FAB] =	sst s5  }
0xe: {  	[smem:$0x3FAC] =	sst s6  }
0xf: {  	[smem:$0x3FAD] =	sst s7  }
0x10: {  	[smem:$0x3FAE] =	sst s8  }
0x11: {  	[smem:$0x3FAF] =	sst s9;
	s0 =	simm.s32 @!p0 $0x0  }
0x12: {  	s1 =	sld [smem:$0x3F95];
	s0 =	simm.s32 @p0 $0x1  }
0x13: {  	[smem:$0x3FB0] =	sst s0;
	s0 =	simm.s32 @!p1 $0x0  }
0x14: {  	s2 =	sld [smem:$0x3F94];
	s0 =	simm.s32 @p1 $0x1  }
0x15: {  	[smem:$0x3FB1] =	sst s0;
	s0 =	simm.s32 @!p2 $0x0  }
0x16: {  	s3 =	sld [smem:$0x3FDB];
	s0 =	simm.s32 @p2 $0x1  }
0x17: {  	s4 =	simm.s32 $0x1BF5;
	[smem:$0x3FB3] =	sst s0  }
0x18: {  	s0 =	sld [smem:$0x3F96];
	_ =	swait.ge [sflag:s4], $0x0  }
0x19: {  	s7 =	sld [smem:$0x3F97]  }
0x1a: {  	s8 =	sadd.s32 $0xFFFFE003, lr  }
0x1b: {  	s9 =	sadd.s32 $0xFFFFFEF7, lr;
	s5 =	simm.s32 $0xFFFFFFFF;
	p2 =	slt.u32 s8, $0xFFFFF086  }
0x1c: {  	p1 =	slt.u32 s9, $0xF7A;
	s5 =	simm.s32 @!p2 $0x0  }
0x1d: {  	s5 =	simm.s32 @p1 $0x1;
	p0 =	seq.s32 s7, s2  }
0x1e: {  	s7 =	smul.u32 @!p0 $0xF7A, s2;
	p2 =	seq.s32 @!p0 s5, $0x0  }
0x1f: {  	s9 =	smul.u32 $0xF7A, s1;
	s8 =	simm.s32 @!p0 $0x1BF5;
	p2 =	por !p2, p0  }
0x20: {  	[sflag:s8] =	ssyncset.s32 @!p0 $0xFFFFF086;
	s6 =	sadd.s32 @!p0 s3, s7;
	s7 =	simm.s32 @!p0 $0x108  }
0x21: {  	s3 =	sadd.s32 s3, s9;
	s6 =	sadd.s32 @!p0 $0x88, s6;
	s7 =	simm.s32 @p2 $0x1082  }
0x22: {  	[simem:s7], [sflag:s8] =	dma.local @!p0 [hbm:s6], $0xF7A  }
0x23: {  	s9 =	sor.u32 $0xD0000000, s2;
	s6 =	simm.s32 $0x108;
	_ =	swait.ge @!p0 [sflag:s8], $0x0  }
0x24: {  	s3 =	sadd.s32 $0x88, s3;
	s6 =	simm.s32 @!p1 $0x1082;
	[sflag:s4] =	ssyncset.s32 $0xFFFFF086  }
0x25: {  	[simem:s6], [sflag:s4] =	dma.local [hbm:s3], $0xF7A  }
0x26: {  	[smem:$0x3F97] =	sst s1;
	(tag) =	ssettag s2;
	_ =	strace s9  }
0x27: {  	s1 =	sld [smem:$0x3FA7]  }
0x28: {  	s2 =	sld [smem:$0x3FA8]  }
0x29: {  	s4 =	sld [smem:$0x3FAA]  }
0x2a: {  	p0 =	seq.s32 s5, $0x0;
	s5 =	sld [smem:$0x3FAB]  }
0x2b: {  	s6 =	sld [smem:$0x3FAC]  }
0x2c: {  	s7 =	sld [smem:$0x3FAD]  }
0x2d: {  	s3 =	simm.s32 $0x108;
	s8 =	sld [smem:$0x3FAE]  }
0x2e: {  	s3 =	simm.s32 @!p0 $0x1082;
	s9 =	sld [smem:$0x3FAF]  }
0x2f: {  	lr =	sadd.s32 s0, s3;
	s0 =	sld [smem:$0x3FA6]  }
0x30: {  	s3 =	sld [smem:$0x3FA9]  }
0x31: {  	[smem:$0x3FB2] =	sst s10  }
0x32: {  	s10 =	sld [smem:$0x3FB0];
	_ =	sdelay $0x3  }
0x33: {  	p0 =	seq.s32 s10, $0x1;
	s10 =	sld [smem:$0x3FB2];
	_ =	sdelay $0x3  }
0x34: {  	[smem:$0x3FB2] =	sst s10  }
0x35: {  	s10 =	sld [smem:$0x3FB1];
	_ =	sdelay $0x3  }
0x36: {  	p1 =	seq.s32 s10, $0x1;
	s10 =	sld [smem:$0x3FB2];
	_ =	sdelay $0x3  }
0x37: {  	[smem:$0x3FB2] =	sst s10  }
0x38: {  	s10 =	sld [smem:$0x3FB3]  }
0x39: {  	_ = 	snop;
	(pc) =	sbr.ind lr, $3  }
0x3a: {  	_ = 	snop  }
0x3b: {  	_ = 	snop  }
0x3c: {  	p2 =	seq.s32 s10, $0x1;
	s10 =	sld [smem:$0x3FB2]  }
0x3d: {  	_ =	shalt  }
0x3e: {  	_ =	shalt  }
0x3f: {  	_ =	shalt  }
0x40: {  	_ =	shalt  }
0x41: {  	_ =	shalt  }
0x42: {  	_ =	shalt  }
0x43: {  	_ =	shalt  }
0x44: {  	_ =	shalt  }
0x45: {  	_ =	shalt  }
0x46: {  	_ =	shalt  }
0x47: {  	_ =	shalt  }
0x48: {  	_ =	shalt  }
0x49: {  	_ =	shalt  }
0x4a: {  	_ =	shalt  }
0x4b: {  	_ =	shalt  }
0x4c: {  	_ =	shalt  }
0x4d: {  	_ =	shalt  }
0x4e: {  	_ =	shalt  }
0x4f: {  	_ =	shalt  }
0x50: {  	_ =	shalt  }
0x51: {  	_ =	shalt  }
0x52: {  	_ =	shalt  }
0x53: {  	_ =	shalt  }
0x54: {  	_ =	shalt  }
0x55: {  	_ =	shalt  }
0x56: {  	_ =	shalt  }
0x57: {  	_ =	shalt  }
0x58: {  	_ =	shalt  }
0x59: {  	_ =	shalt  }
0x5a: {  	_ =	shalt  }
0x5b: {  	_ =	shalt  }
0x5c: {  	_ =	shalt  }
0x5d: {  	_ =	shalt  }
0x5e: {  	_ =	shalt  }
0x5f: {  	_ =	shalt  }
0x60: {  	_ =	shalt  }
0x61: {  	_ =	shalt  }
0x62: {  	_ =	shalt  }
0x63: {  	_ =	shalt  }
0x64: {  	_ =	shalt  }
0x65: {  	_ =	shalt  }
0x66: {  	_ =	shalt  }
0x67: {  	_ =	shalt  }
0x68: {  	_ =	shalt  }
0x69: {  	_ =	shalt  }
0x6a: {  	_ =	shalt  }
0x6b: {  	_ =	shalt  }
0x6c: {  	_ =	shalt  }
0x6d: {  	_ =	shalt  }
0x6e: {  	_ =	shalt  }
0x6f: {  	_ =	shalt  }
0x70: {  	_ =	shalt  }
0x71: {  	_ =	shalt  }
0x72: {  	_ =	shalt  }
0x73: {  	_ =	shalt  }
0x74: {  	_ =	shalt  }
0x75: {  	_ =	shalt  }
0x76: {  	_ =	shalt  }
0x77: {  	_ =	shalt  }
0x78: {  	_ =	shalt  }
0x79: {  	_ =	shalt  }
0x7a: {  	_ =	shalt  }
0x7b: {  	_ =	shalt  }
0x7c: {  	_ =	shalt  }
0x7d: {  	_ =	shalt  }
0x7e: {  	_ =	shalt  }
0x7f: {  	_ =	shalt  }
0x80: {  	_ =	shalt  }
0x81: {  	_ =	shalt  }
0x82: {  	_ =	shalt  }
0x83: {  	_ =	shalt  }
0x84: {  	_ =	shalt  }
0x85: {  	_ =	shalt  }
0x86: {  	_ =	shalt  }
0x87: {  	_ =	shalt  }
.Lfunc_end0:
.L_simem_size_0:
called_computation.1_lowered:
.L_overlay_start_0:
0x88: {  	s2 =	sld [smem:$0x3FD9]  }
0x89: {  	s3 =	sld [smem:$0x3FFE];
	_ =	sdelay $0x1  }
0x8a: {  	s1 =	srdreg.scid  }
0x8b: {  	s0 =	sand.u32 $0x1, s1  }
0x8c: {  	s16 =	sshll.u32 s0, $0xA;
	s2 =	sadd.s32 s3, s2  }
0x8d: {  	s2 =	sadd.s32 s2, s16  }
0x8e: {  	[smem:$0x3FBE] =	sst s2  }
0x8f: {  	_ = 	snop  }
0x90: {  	(tm) =	ssettm $0x1  }
0x91: {  	s17 =	sld [smem:$0x3FFB];
	_ =	sdelay $0x3  }
0x92: {  	_ =	strace s17  }
0x93: {  	s2 =	sld [smem:$0x3FFC];
	_ =	sdelay $0x3  }
0x94: {  	_ =	strace s2  }
0x95: {  	s2 =	sld [smem:$0x3FFD];
	_ =	sdelay $0x3  }
0x96: {  	_ =	strace s2  }
0x97: {  	_ =	strace $0x8FFFFFFF  }
0x98: {  	s18 =	sld [smem:$0x3FDB];
	_ =	sdelay $0x1  }
0x99: {  	s19 =	simm.s32 $_scs_section_size  }
0x9a: {  	s4 =	simm.s32 $_size__tile_overlayer_lowered;
	s5 =	simm.s32 $_tile_overlayer_lowered  }
0x9b: {  	s22 =	simm.s32 $0x1BFF;
	s21 =	sshll.u32 s5, $0x1;
	s2 =	sadd.s32 s19, s18  }
0x9c: {  	s6 =	simm.s32 $0x0;
	s20 =	sshll.u32 s4, $0x1;
	s4 =	sadd.s32 s21, s2  }
0x9d: {  	[timem:s6], [sflag:s22] =	dma.local [hbm:s4], s20  }
0x9e: {  	_ =	swait.ge [sflag:s22], s20  }
0x9f: {  	s3 =	ssub.s32 $0x0, s20;
	[sflag:s22] =	ssyncset.done $0x0  }
0xa0: {  	[sflag:s22] =	ssyncadd.s32 s3;
	_ =	sdelay $0x1  }
0xa1: {  	s23 =	simm.s32 $0x1B8B  }
0xa2: {  	_ =	swait.ge [sflag:s23], $0x1  }
0xa3: {  	[sflag:s23] =	ssyncset.done $0x0  }
0xa4: {  	s25 =	simm.s32 $0x1B8E;
	s24 =	sld [smem:$0x3FFE];
	[sflag:s23] =	ssyncadd.s32 $0xFFFFFFFF  }
0xa5: {  	s26 =	simm.s32 $execute0_lowered;
	[smem:$0x3FD2] =	sst s25  }
0xa6: {  	s4 =	sshll.u32 s26, $0x1;
	_ =	strace $0x80000046;
	[dreg:$0x1] =	wrdreg $0xFFFFFFFF  }
0xa7: {  	s28 =	simm.s32 $_size_execute0_lowered;
	s2 =	sadd.s32 s2, s4;
	[dreg:$0x0] =	wrdreg $0x0  }
0xa8: {  	s4 =	sshll.u32 s28, $0x1;
	[dreg:$0x2] =	wrdreg s2  }
0xa9: {  	[dreg:$0x3] =	wrdreg s4  }
0xaa: {  	[dreg:$0x4] =	wrdreg $0xC0  }
0xab: {  	_ =	task [dreg:s6], $0x5FFFF  }
0xac: {  	[dreg:$0x1] =	wrdreg $0xFFFFFFFF  }
0xad: {  	[dreg:$0x0] =	wrdreg $0x60  }
0xae: {  	[dreg:$0x2] =	wrdreg s24  }
0xaf: {  	[dreg:$0x3] =	wrdreg $0xA000  }
0xb0: {  	[dreg:$0x4] =	wrdreg $0xA  }
0xb1: {  	_ =	task.clear_ibuf [dreg:s6], $0x5FFFF;
	_ =	strace $0x90000046  }
0xb2: {  	s29 =	simm.s32 $0xA;
	_ =	strace $0x80000048  }
0xb3: {  	_ =	swait.ge [sflag:s29], $0x1  }
0xb4: {  	[sflag:s29] =	ssyncadd.s32 $0xFFFFFFFF  }
0xb5: {  	_ =	strace $0x90000048  }
0xb6: {  	_ =	sfence  }
0xb7: {  	s30 =	sld [smem:$0x0];
	_ =	sdelay $0x2  }
0xb8: {  	s31 =	sshll.u32 s1, $0xD;
	s1 =	sshrl.u32 s1, $0x2  }
0xb9: {  	s3 =	sand.u32 $0x4000, s31;
	s1 =	sadd.s32 s1, s30  }
0xba: {  	s0 =	sor.u32 s3, s0;
	s1 =	sshll.u32 s1, $0x11  }
0xbb: {  	s0 =	sor.u32 s1, s0  }
0xbc: {  	s0 =	sadd.s32 $0x8F2B, s0  }
0xbd: {  	[sflag:s0] =	ssyncadd.remote.s32 $0x1  }
0xbe: {  	_ =	sfence.sel $0xFFFF  }
0xbf: {  	[dreg:$0x0] =	wrdreg $0xFFFFFFFF;
	(pc) =	sbr.abs _section_cstart, $3  }
0xc0: {  	[dreg:$0x1] =	wrdreg $0xFFFFFFFF  }
0xc1: {  	_ =	task.clear_ibuf [dreg:s6], $0x2FFFF;
	_ =	strace $0x9FFFFFFF  }
0xc2: {  	(tm) =	ssettm $0x7FFFFFFF  }
0xc3: {  	_ =	shalt  }
tec
execute0_lowered:
.L_overlay_start_1:
0x0: {  	(tag) =	ssettag $0x1  }
0x1: {  	s0 =	rddreg [dreg:$0x0]  }
0x2: {  	s1 =	rddreg [dreg:$0x1];
	s2 =	simm.s32 $0x0;
	s4 =	srdreg.scid  }
0x3: {  	s20 =	stileid.u32;
	s28 =	simm.s32 $0x9;
	s29 =	simm.s32 $0x600  }
0x4: {  	s30 =	simm.s32 $0x80;
	s31 =	simm.s32 $0x100;
	[smem:$0x7FF] =	sst s2  }
0x5: {  	s3 =	sadd.s32 $0x2600, s0;
	s5 =	sadd.s32 $0x2400, s0;
	s7 =	smul.u32 $0x5000, s20  }
0x6: {  	s4 =	sand.u32 $0x1, s4;
	s13 =	smul.u32 $0x280, s20;
	_ =	strace $0x80000047  }
0x7: {  	[dreg:$0x3] =	wrdreg s5;
	s5 =	sadd.s32 $0xC600, s0;
	s6 =	ssub.s32 $0x2, s4  }
0x8: {  	s9 =	sshll.u32 s4, $0x4;
	s0 =	sadd.s32 $0x2480, s0;
	s19 =	smul.u32 $0x2800, s4  }
0x9: {  	s4 =	smul.u32 $0x500, s4;
	s8 =	sshrl.u32 s6, $0x1;
	s10 =	sor.u32 s20, s9  }
0xa: {  	s21 =	sshrl.u32 s7, $0x2;
	[dreg:$0x4] =	wrdreg s0;
	s22 =	sor.u32 $0x70, s13  }
0xb: {  	s15 =	sadd.s32 $0xE0, s13;
	s16 =	sadd.s32 $0x150, s13;
	s17 =	sadd.s32 $0x1C0, s13  }
0xc: {  	s18 =	sadd.s32 $0x210, s13;
	s13 =	sadd.s32 s5, s13;
	s20 =	smul.u32 $0x50, s20  }
0xd: {  	s14 =	ssub.s32 s6, s8;
	s6 =	sadd.s32 s21, s1;
	s23 =	sshll.u32 s22, $0x3  }
0xe: {  	s24 =	sshll.u32 s15, $0x3;
	s25 =	sshll.u32 s16, $0x3;
	s11 =	sshll.u32 s17, $0x3  }
0xf: {  	s12 =	smul.u32 $0x500, s10;
	s26 =	sshll.u32 s18, $0x3;
	s13 =	sadd.s32 s19, s13  }
0x10: {  	s5 =	sadd.s32 s5, s19;
	s7 =	sadd.s32 s23, s1;
	s8 =	sadd.s32 s24, s1  }
0x11: {  	s9 =	sadd.s32 s25, s1;
	s10 =	sadd.s32 s11, s1;
	s11 =	sadd.s32 s26, s1  }
0x12: {  	[dreg:$0x6] =	wrdreg s13;
	s4 =	sadd.s32 s20, s4;
	s0 =	sadd.s32 s22, s5  }
0x13: {  	s22 =	sadd.s32 s15, s5;
	s23 =	sadd.s32 s16, s5;
	s25 =	sadd.s32 s17, s5  }
0x14: {  	s26 =	sadd.s32 s18, s5;
	s5 =	simm.s32 $0x3;
	[dreg:$0x9] =	wrdreg s0  }
0x15: {  	s13 =	simm.s32 $0x4;
	s15 =	simm.s32 $0x6;
	[dreg:$0xa] =	wrdreg s22  }
0x16: {  	s16 =	simm.s32 $0x7;
	s17 =	simm.s32 $0x8;
	[dreg:$0xb] =	wrdreg s23  }
0x17: {  	s18 =	simm.s32 $0x0;
	s12 =	sadd.s32 s3, s12;
	[dreg:$0xc] =	wrdreg s25  }
0x18: {  	s24 =	sshll.u32 s4, $0x4;
	[dreg:$0xd] =	wrdreg s26;
	s23 =	smax.u32 s14, $0x1  }
.Ltmp0:
0x19: {  	s26 =	simm.s32 $0x200;
	s0 =	simm.s32 $0x180;
	(pc) =	sbr.rel .LBB2_1-.Ltmp0, $4  }
0x1a: {  	s4 =	simm.s32 $0x2;
	s14 =	simm.s32 $0x5;
	s21 =	sadd.s32 $0x10, s12  }
0x1b: {  	s19 =	sadd.s32 $0x20, s12;
	s22 =	sadd.s32 s24, s3;
	[dreg:$0x5] =	wrdreg s21  }
0x1c: {  	s3 =	simm.s32 $0x1;
	[dreg:$0x7] =	wrdreg s19;
	s21 =	sadd.s32 $0x30, s12  }
0x1d: {  	s24 =	sadd.s32 $0x60, s22;
	s25 =	sadd.s32 $0x40, s22;
	[dreg:$0x8] =	wrdreg s21  }
.LBB2_4:
0x1e: {  	_ =	swait.ge [sflag:s15], $0x400  }
0x1f: {  	[sflag:s15] =	ssyncset.done $0x0  }
0x20: {  	[sflag:s15] =	ssyncadd.s32 $0xFFFFFC00  }
0x21: {  	_ =	swait.ge [sflag:s16], $0x400  }
0x22: {  	[sflag:s16] =	ssyncset.done $0x0  }
0x23: {  	[sflag:s16] =	ssyncadd.s32 $0xFFFFFC00  }
0x24: {  	_ =	swait.ge [sflag:s17], $0x400  }
0x25: {  	[sflag:s17] =	ssyncset.done $0x0  }
0x26: {  	[sflag:s17] =	ssyncadd.s32 $0xFFFFFC00  }
0x27: {  	[bflag:$0x0] =	sbarrier.arrive $0xFFFF  }
0x28: {  	[tilespmem:s26], [sflag:$0x9] =	stream.linear.gather [spmem:s6], $0x380, $0x38;
	[tilespmem:$0x1E00] =	vst v63  }
0x29: {  	_ =	swait.ge [sflag:s28], $0x380  }
0x2a: {  	[sflag:s28] =	ssyncset.done $0x0  }
0x2b: {  	s19 =	rddreg [dreg:$0x6];
	[sflag:s28] =	ssyncadd.s32 $0xFFFFFC80  }
0x2c: {  	[hbm4b:s19+s2] =	stream.linear.scatter [tilespmem:s26], [sflag:$0x9], $0x380, $0x38;
	[tilespmem:$0x1E00] =	vst v63  }
0x2d: {  	_ =	swait.ge [sflag:s28], $0x380  }
0x2e: {  	[sflag:s28] =	ssyncset.done $0x0  }
0x2f: {  	[sflag:s28] =	ssyncadd.s32 $0xFFFFFC80  }
0x30: {  	[tilespmem:s26], [sflag:$0x9] =	stream.linear.gather [spmem:s7], $0x380, $0x38;
	[tilespmem:$0x1E00] =	vst v63  }
0x31: {  	_ =	swait.ge [sflag:s28], $0x380  }
0x32: {  	[sflag:s28] =	ssyncset.done $0x0  }
0x33: {  	s21 =	rddreg [dreg:$0x9];
	[sflag:s28] =	ssyncadd.s32 $0xFFFFFC80  }
0x34: {  	[hbm4b:s21+s2] =	stream.linear.scatter [tilespmem:s26], [sflag:$0x9], $0x380, $0x38;
	[tilespmem:$0x1E00] =	vst v63  }
0x35: {  	_ =	swait.ge [sflag:s28], $0x380  }
0x36: {  	[sflag:s28] =	ssyncset.done $0x0  }
0x37: {  	[sflag:s28] =	ssyncadd.s32 $0xFFFFFC80  }
0x38: {  	[tilespmem:s26], [sflag:$0x9] =	stream.linear.gather [spmem:s8], $0x380, $0x38;
	[tilespmem:$0x1E00] =	vst v63  }
0x39: {  	_ =	swait.ge [sflag:s28], $0x380  }
0x3a: {  	[sflag:s28] =	ssyncset.done $0x0  }
0x3b: {  	s20 =	rddreg [dreg:$0xa];
	[sflag:s28] =	ssyncadd.s32 $0xFFFFFC80  }
0x3c: {  	[hbm4b:s20+s2] =	stream.linear.scatter [tilespmem:s26], [sflag:$0x9], $0x380, $0x38;
	[tilespmem:$0x1E00] =	vst v63  }
0x3d: {  	_ =	swait.ge [sflag:s28], $0x380  }
0x3e: {  	[sflag:s28] =	ssyncset.done $0x0  }
0x3f: {  	[sflag:s28] =	ssyncadd.s32 $0xFFFFFC80  }
0x40: {  	[tilespmem:s26], [sflag:$0x9] =	stream.linear.gather [spmem:s9], $0x380, $0x38;
	[tilespmem:$0x1E00] =	vst v63  }
0x41: {  	_ =	swait.ge [sflag:s28], $0x380  }
0x42: {  	[sflag:s28] =	ssyncset.done $0x0  }
0x43: {  	s21 =	rddreg [dreg:$0xb];
	[sflag:s28] =	ssyncadd.s32 $0xFFFFFC80  }
0x44: {  	[hbm4b:s21+s2] =	stream.linear.scatter [tilespmem:s26], [sflag:$0x9], $0x380, $0x38;
	[tilespmem:$0x1E00] =	vst v63  }
0x45: {  	_ =	swait.ge [sflag:s28], $0x380  }
0x46: {  	[sflag:s28] =	ssyncset.done $0x0  }
0x47: {  	[sflag:s28] =	ssyncadd.s32 $0xFFFFFC80  }
0x48: {  	[tilespmem:s26], [sflag:$0x9] =	stream.linear.gather [spmem:s10], $0x380, $0x38;
	[tilespmem:$0x1E00] =	vst v63  }
0x49: {  	_ =	swait.ge [sflag:s28], $0x380  }
0x4a: {  	[sflag:s28] =	ssyncset.done $0x0  }
0x4b: {  	s20 =	rddreg [dreg:$0xc];
	[sflag:s28] =	ssyncadd.s32 $0xFFFFFC80  }
0x4c: {  	[hbm4b:s20+s2] =	stream.linear.scatter [tilespmem:s26], [sflag:$0x9], $0x380, $0x38;
	[tilespmem:$0x1E00] =	vst v63  }
0x4d: {  	_ =	swait.ge [sflag:s28], $0x380  }
0x4e: {  	[sflag:s28] =	ssyncset.done $0x0  }
0x4f: {  	[sflag:s28] =	ssyncadd.s32 $0xFFFFFC80  }
0x50: {  	[tilespmem:s26], [sflag:$0x9] =	stream.linear.gather [spmem:s11], $0x380, $0x38;
	[tilespmem:$0x1E00] =	vst v63  }
0x51: {  	s18 =	sadd.s32 $0x1, s18;
	_ =	swait.ge [sflag:s28], $0x380  }
0x52: {  	p0 =	sne.s32 s18, s23;
	[sflag:s28] =	ssyncset.done $0x0  }
.Ltmp1:
0x53: {  	s21 =	rddreg [dreg:$0xd];
	[sflag:s28] =	ssyncadd.s32 $0xFFFFFC80;
	(pc) =	sbr.rel @!p0 .LBB2_5-.Ltmp1, $4  }
0x54: {  	[hbm4b:s21+s2] =	stream.linear.scatter [tilespmem:s26], [sflag:$0x9], $0x380, $0x38;
	[tilespmem:$0x1E00] =	vst v63  }
0x55: {  	_ =	swait.ge [sflag:s28], $0x380  }
0x56: {  	[sflag:s28] =	ssyncset.done $0x0  }
0x57: {  	[sflag:s28] =	ssyncadd.s32 $0xFFFFFC80  }
.LBB2_1:
0x58: {  	s19 =	rddreg [dreg:$0x3]  }
0x59: {  	[tilespmem:s26], [sflag:$0x9] =	stream.linear.gather [hbm4b:s19+s2], $0x400, $0x38;
	[tilespmem:$0x1E00] =	vst v63  }
0x5a: {  	_ =	swait.ge [sflag:s28], $0x400  }
0x5b: {  	[sflag:s28] =	ssyncset.done $0x0  }
0x5c: {  	s20 =	rddreg [dreg:$0x4];
	[sflag:s28] =	ssyncadd.s32 $0xFFFFFC00  }
0x5d: {  	[tilespmem:s29], [sflag:$0x9] =	stream.linear.gather [hbm4b:s20+s2], $0x400, $0x38;
	[tilespmem:$0x1E00] =	vst v63  }
0x5e: {  	_ =	swait.ge [sflag:s28], $0x400  }
0x5f: {  	[sflag:s28] =	ssyncset.done $0x0  }
0x60: {  	[sflag:s28] =	ssyncadd.s32 $0xFFFFFC00  }
0x61: {  	[spmem:s6] =	stream.linear.scatter [tilespmem:s26], [sflag:$0x9], $0x380, $0x38;
	[tilespmem:$0x1E00] =	vst v63  }
0x62: {  	_ =	swait.ge [sflag:s28], $0x380  }
0x63: {  	[sflag:s28] =	ssyncset.done $0x0  }
0x64: {  	[sflag:s28] =	ssyncadd.s32 $0xFFFFFC80  }
0x65: {  	[spmem:s7] =	stream.linear.scatter [tilespmem:s26], [sflag:$0x9], $0x380, $0x38;
	[tilespmem:$0x1E00] =	vst v63  }
0x66: {  	_ =	swait.ge [sflag:s28], $0x380  }
0x67: {  	[sflag:s28] =	ssyncset.done $0x0  }
0x68: {  	[sflag:s28] =	ssyncadd.s32 $0xFFFFFC80  }
0x69: {  	[spmem:s8] =	stream.linear.scatter [tilespmem:s26], [sflag:$0x9], $0x380, $0x38;
	[tilespmem:$0x1E00] =	vst v63  }
0x6a: {  	_ =	swait.ge [sflag:s28], $0x380  }
0x6b: {  	[sflag:s28] =	ssyncset.done $0x0  }
0x6c: {  	[sflag:s28] =	ssyncadd.s32 $0xFFFFFC80  }
0x6d: {  	[spmem:s9] =	stream.linear.scatter [tilespmem:s26], [sflag:$0x9], $0x380, $0x38;
	[tilespmem:$0x1E00] =	vst v63  }
0x6e: {  	_ =	swait.ge [sflag:s28], $0x380  }
0x6f: {  	[sflag:s28] =	ssyncset.done $0x0  }
0x70: {  	[sflag:s28] =	ssyncadd.s32 $0xFFFFFC80  }
0x71: {  	[spmem:s10] =	stream.linear.scatter [tilespmem:s26], [sflag:$0x9], $0x380, $0x38;
	[tilespmem:$0x1E00] =	vst v63  }
0x72: {  	_ =	swait.ge [sflag:s28], $0x380  }
0x73: {  	[sflag:s28] =	ssyncset.done $0x0  }
0x74: {  	[sflag:s28] =	ssyncadd.s32 $0xFFFFFC80  }
0x75: {  	[spmem:s11] =	stream.linear.scatter [tilespmem:s26], [sflag:$0x9], $0x380, $0x38;
	[tilespmem:$0x1E00] =	vst v63  }
0x76: {  	_ =	swait.ge [sflag:s28], $0x380  }
0x77: {  	[sflag:s28] =	ssyncset.done $0x0  }
0x78: {  	[sflag:s28] =	ssyncadd.s32 $0xFFFFFC80  }
0x79: {  	[bflag:$0x0] =	sbarrier.arrive $0xFFFF  }
0x7a: {  	[tilespmem:s2], [sflag:$0x1] =	stream.linear.gather [hbm4b:s12+s2], $0x80, $0x38;
	[tilespmem:$0x1E00] =	vst v63  }
0x7b: {  	s21 =	rddreg [dreg:$0x5]  }
0x7c: {  	[tilespmem:s30], [sflag:$0x2] =	stream.linear.gather [hbm4b:s21+s2], $0x80, $0x38;
	[tilespmem:$0x1E00] =	vst v63  }
0x7d: {  	s20 =	rddreg [dreg:$0x7]  }
0x7e: {  	[tilespmem:s31], [sflag:$0x3] =	stream.linear.gather [hbm4b:s20+s2], $0x80, $0x38;
	[tilespmem:$0x1E00] =	vst v63  }
0x7f: {  	s19 =	simm.s32 $0x0;
	s21 =	rddreg [dreg:$0x8]  }
0x80: {  	[tilespmem:s0], [sflag:$0x4] =	stream.linear.gather [hbm4b:s21+s2], $0x80, $0x38;
	[tilespmem:$0x1E00] =	vst v63  }
.LBB2_2:
0x81: {  	_ =	swait.ge [sflag:s3], $0x80  }
0x82: {  	[sflag:s3] =	ssyncset.done $0x0  }
0x83: {  	[sflag:s3] =	ssyncadd.s32 $0xFFFFFF80  }
0x84: {  	[spmem:s1] =	stream.indirect.scatter.add.f32 [tilespmem:s29], [sflag:$0x5], $0x8, s2, s30, $0xb8;
	[tilespmem:$0x1E00] =	vst v63  }
0x85: {  	_ =	swait.ge [sflag:s4], $0x80  }
0x86: {  	[sflag:s4] =	ssyncset.done $0x0  }
0x87: {  	[sflag:s4] =	ssyncadd.s32 $0xFFFFFF80  }
0x88: {  	[spmem:s1] =	stream.indirect.scatter.add.f32 [tilespmem:s29], [sflag:$0x6], $0x8, s30, s30, $0xb8;
	[tilespmem:$0x1E00] =	vst v63  }
0x89: {  	_ =	swait.ge [sflag:s5], $0x80  }
0x8a: {  	[sflag:s5] =	ssyncset.done $0x0  }
0x8b: {  	[sflag:s5] =	ssyncadd.s32 $0xFFFFFF80  }
0x8c: {  	[spmem:s1] =	stream.indirect.scatter.add.f32 [tilespmem:s29], [sflag:$0x7], $0x8, s31, s30, $0xb8;
	[tilespmem:$0x1E00] =	vst v63  }
0x8d: {  	_ =	swait.ge [sflag:s13], $0x80  }
0x8e: {  	p0 =	seq.s32 s19, $0x4C0;
	[sflag:s13] =	ssyncset.done $0x0  }
.Ltmp2:
0x8f: {  	[sflag:s13] =	ssyncadd.s32 $0xFFFFFF80;
	(pc) =	sbr.rel @p0 .LBB2_4-.Ltmp2, $4  }
0x90: {  	[spmem:s1] =	stream.indirect.scatter.add.f32 [tilespmem:s29], [sflag:$0x8], $0x8, s0, s30, $0xb8;
	[tilespmem:$0x1E00] =	vst v63  }
0x91: {  	_ =	swait.ge [sflag:s14], $0x400  }
0x92: {  	[sflag:s14] =	ssyncset.done $0x0  }
0x93: {  	[sflag:s14] =	ssyncadd.s32 $0xFFFFFC00  }
0x94: {  	s20 =	sadd.s32 s19, s25  }
0x95: {  	[tilespmem:s2], [sflag:$0x1] =	stream.linear.gather [hbm4b:s20+s2], $0x80, $0x38;
	[tilespmem:$0x1E00] =	vst v63  }
0x96: {  	_ =	swait.ge [sflag:s15], $0x400  }
0x97: {  	s20 =	sadd.s32 s19, s22;
	[sflag:s15] =	ssyncset.done $0x0  }
0x98: {  	s21 =	sadd.s32 $0x50, s20;
	[sflag:s15] =	ssyncadd.s32 $0xFFFFFC00  }
0x99: {  	[tilespmem:s30], [sflag:$0x2] =	stream.linear.gather [hbm4b:s21+s2], $0x80, $0x38;
	[tilespmem:$0x1E00] =	vst v63  }
0x9a: {  	_ =	swait.ge [sflag:s16], $0x400  }
0x9b: {  	[sflag:s16] =	ssyncset.done $0x0  }
0x9c: {  	s21 =	sadd.s32 s19, s24;
	[sflag:s16] =	ssyncadd.s32 $0xFFFFFC00  }
0x9d: {  	[tilespmem:s31], [sflag:$0x3] =	stream.linear.gather [hbm4b:s21+s2], $0x80, $0x38;
	[tilespmem:$0x1E00] =	vst v63  }
.Ltmp3:
0x9e: {  	_ = 	snop;
	(pc) =	sbr.rel .LBB2_2-.Ltmp3, $4  }
0x9f: {  	_ =	swait.ge [sflag:s17], $0x400  }
0xa0: {  	[sflag:s17] =	ssyncset.done $0x0  }
0xa1: {  	s20 =	sadd.s32 $0x70, s20;
	s19 =	sadd.s32 $0x40, s19;
	[sflag:s17] =	ssyncadd.s32 $0xFFFFFC00  }
0xa2: {  	[tilespmem:s0], [sflag:$0x4] =	stream.linear.gather [hbm4b:s20+s2], $0x80, $0x38;
	[tilespmem:$0x1E00] =	vst v63  }
.LBB2_5:
0xa3: {  	_ =	sfence.sel $0x180000  }
0xa4: {  	[bflag:$0x0] =	sbarrier.arrive $0xFFFF  }
0xa5: {  	_ =	strace $0x90000047  }
0xa6: {  	s0 =	stileid.u32;
	[bflag:$0x2] =	sbarrier.arrive $0xFFFF  }
0xa7: {  	p0 =	sne.s32 s0, $0x0;
	s0 =	rddreg [dreg:$0x2]  }
0xa8: {  	s0 =	sadd.s32 @!p0 $0x100000, s0  }
0xa9: {  	[sflag:s0] =	ssyncadd.tile.s32 @!p0 $0x1;
	_ =	shalt  }
.Lfunc_end2:
_tile_overlayer_lowered:
.L_overlay_start_2:
0xaa: {  	(tag) =	ssettag $0x2  }
0xab: {  	s0 =	rddreg [dreg:$0x0];
	s2 =	stileid.u32  }
0xac: {  	s1 =	rddreg [dreg:$0x1];
	p0 =	sne.s32 s2, $0x0  }
0xad: {  	s3 =	rddreg [dreg:$0x2];
	[bflag:$0x3] =	sbarrier.arrive $0xFFFF;
	s2 =	simm.s32 @!p0 $0x1C09  }
0xae: {  	[timem:s3], [sflag:s2] =	dma.local @!p0 [hbm:s0], s1  }
0xaf: {  	s0 =	simm.s32 @!p0 $0x9  }
0xb0: {  	_ =	swait.ge @!p0 [sflag:s0], s1  }
0xb1: {  	s1 =	ssub.s32 @!p0 $0x0, s1;
	[sflag:s0] =	ssyncset.done @!p0 $0x0  }
0xb2: {  	[sflag:s0] =	ssyncadd.s32 @!p0 s1  }
0xb3: {  	[bflag:$0x3] =	sbarrier.arrive $0xFFFF  }
0xb4: {  	_ =	shalt  }

// kernel: kernel.14.cloned.1.call-start
scs
__scs_entry_jumppad:
0x0: {  	(pc) =	sbr.rel $0x88, $3  }
0x1: {  	(tag) =	ssettag $0x0;
	lr =	simm.s32 $0x1  }
0x2: {  	[smem:$0x3F97] =	sst lr;
	_ =	strace $0xD0000000  }
0x3: {  	_ = 	snop  }
0x4: {  	_ = 	snop  }
0x5: {  	_ = 	snop  }
0x6: {  	_ = 	snop  }
0x7: {  	_ = 	snop  }
__scs_overlays_trampoline_lowered:
0x8: {  	[smem:$0x3FA6] =	sst s0  }
0x9: {  	[smem:$0x3FA7] =	sst s1  }
0xa: {  	[smem:$0x3FA8] =	sst s2  }
0xb: {  	[smem:$0x3FA9] =	sst s3  }
0xc: {  	[smem:$0x3FAA] =	sst s4  }
0xd: {  	[smem:$0x3FAB] =	sst s5  }
0xe: {  	[smem:$0x3FAC] =	sst s6  }
0xf: {  	[smem:$0x3FAD] =	sst s7  }
0x10: {  	[smem:$0x3FAE] =	sst s8  }
0x11: {  	[smem:$0x3FAF] =	sst s9;
	s0 =	simm.s32 @!p0 $0x0  }
0x12: {  	s1 =	sld [smem:$0x3F95];
	s0 =	simm.s32 @p0 $0x1  }
0x13: {  	[smem:$0x3FB0] =	sst s0;
	s0 =	simm.s32 @!p1 $0x0  }
0x14: {  	s2 =	sld [smem:$0x3F94];
	s0 =	simm.s32 @p1 $0x1  }
0x15: {  	[smem:$0x3FB1] =	sst s0;
	s0 =	simm.s32 @!p2 $0x0  }
0x16: {  	s3 =	sld [smem:$0x3FDB];
	s0 =	simm.s32 @p2 $0x1  }
0x17: {  	s4 =	simm.s32 $0x1BF5;
	[smem:$0x3FB3] =	sst s0  }
0x18: {  	s0 =	sld [smem:$0x3F96];
	_ =	swait.ge [sflag:s4], $0x0  }
0x19: {  	s7 =	sld [smem:$0x3F97]  }
0x1a: {  	s8 =	sadd.s32 $0xFFFFE003, lr  }
0x1b: {  	s9 =	sadd.s32 $0xFFFFFEF7, lr;
	s5 =	simm.s32 $0xFFFFFFFF;
	p2 =	slt.u32 s8, $0xFFFFF086  }
0x1c: {  	p1 =	slt.u32 s9, $0xF7A;
	s5 =	simm.s32 @!p2 $0x0  }
0x1d: {  	s5 =	simm.s32 @p1 $0x1;
	p0 =	seq.s32 s7, s2  }
0x1e: {  	s7 =	smul.u32 @!p0 $0xF7A, s2;
	p2 =	seq.s32 @!p0 s5, $0x0  }
0x1f: {  	s9 =	smul.u32 $0xF7A, s1;
	s8 =	simm.s32 @!p0 $0x1BF5;
	p2 =	por !p2, p0  }
0x20: {  	[sflag:s8] =	ssyncset.s32 @!p0 $0xFFFFF086;
	s6 =	sadd.s32 @!p0 s3, s7;
	s7 =	simm.s32 @!p0 $0x108  }
0x21: {  	s3 =	sadd.s32 s3, s9;
	s6 =	sadd.s32 @!p0 $0x88, s6;
	s7 =	simm.s32 @p2 $0x1082  }
0x22: {  	[simem:s7], [sflag:s8] =	dma.local @!p0 [hbm:s6], $0xF7A  }
0x23: {  	s9 =	sor.u32 $0xD0000000, s2;
	s6 =	simm.s32 $0x108;
	_ =	swait.ge @!p0 [sflag:s8], $0x0  }
0x24: {  	s3 =	sadd.s32 $0x88, s3;
	s6 =	simm.s32 @!p1 $0x1082;
	[sflag:s4] =	ssyncset.s32 $0xFFFFF086  }
0x25: {  	[simem:s6], [sflag:s4] =	dma.local [hbm:s3], $0xF7A  }
0x26: {  	[smem:$0x3F97] =	sst s1;
	(tag) =	ssettag s2;
	_ =	strace s9  }
0x27: {  	s1 =	sld [smem:$0x3FA7]  }
0x28: {  	s2 =	sld [smem:$0x3FA8]  }
0x29: {  	s4 =	sld [smem:$0x3FAA]  }
0x2a: {  	p0 =	seq.s32 s5, $0x0;
	s5 =	sld [smem:$0x3FAB]  }
0x2b: {  	s6 =	sld [smem:$0x3FAC]  }
0x2c: {  	s7 =	sld [smem:$0x3FAD]  }
0x2d: {  	s3 =	simm.s32 $0x108;
	s8 =	sld [smem:$0x3FAE]  }
0x2e: {  	s3 =	simm.s32 @!p0 $0x1082;
	s9 =	sld [smem:$0x3FAF]  }
0x2f: {  	lr =	sadd.s32 s0, s3;
	s0 =	sld [smem:$0x3FA6]  }
0x30: {  	s3 =	sld [smem:$0x3FA9]  }
0x31: {  	[smem:$0x3FB2] =	sst s10  }
0x32: {  	s10 =	sld [smem:$0x3FB0];
	_ =	sdelay $0x3  }
0x33: {  	p0 =	seq.s32 s10, $0x1;
	s10 =	sld [smem:$0x3FB2];
	_ =	sdelay $0x3  }
0x34: {  	[smem:$0x3FB2] =	sst s10  }
0x35: {  	s10 =	sld [smem:$0x3FB1];
	_ =	sdelay $0x3  }
0x36: {  	p1 =	seq.s32 s10, $0x1;
	s10 =	sld [smem:$0x3FB2];
	_ =	sdelay $0x3  }
0x37: {  	[smem:$0x3FB2] =	sst s10  }
0x38: {  	s10 =	sld [smem:$0x3FB3]  }
0x39: {  	_ = 	snop;
	(pc) =	sbr.ind lr, $3  }
0x3a: {  	_ = 	snop  }
0x3b: {  	_ = 	snop  }
0x3c: {  	p2 =	seq.s32 s10, $0x1;
	s10 =	sld [smem:$0x3FB2]  }
0x3d: {  	_ =	shalt  }
0x3e: {  	_ =	shalt  }
0x3f: {  	_ =	shalt  }
0x40: {  	_ =	shalt  }
0x41: {  	_ =	shalt  }
0x42: {  	_ =	shalt  }
0x43: {  	_ =	shalt  }
0x44: {  	_ =	shalt  }
0x45: {  	_ =	shalt  }
0x46: {  	_ =	shalt  }
0x47: {  	_ =	shalt  }
0x48: {  	_ =	shalt  }
0x49: {  	_ =	shalt  }
0x4a: {  	_ =	shalt  }
0x4b: {  	_ =	shalt  }
0x4c: {  	_ =	shalt  }
0x4d: {  	_ =	shalt  }
0x4e: {  	_ =	shalt  }
0x4f: {  	_ =	shalt  }
0x50: {  	_ =	shalt  }
0x51: {  	_ =	shalt  }
0x52: {  	_ =	shalt  }
0x53: {  	_ =	shalt  }
0x54: {  	_ =	shalt  }
0x55: {  	_ =	shalt  }
0x56: {  	_ =	shalt  }
0x57: {  	_ =	shalt  }
0x58: {  	_ =	shalt  }
0x59: {  	_ =	shalt  }
0x5a: {  	_ =	shalt  }
0x5b: {  	_ =	shalt  }
0x5c: {  	_ =	shalt  }
0x5d: {  	_ =	shalt  }
0x5e: {  	_ =	shalt  }
0x5f: {  	_ =	shalt  }
0x60: {  	_ =	shalt  }
0x61: {  	_ =	shalt  }
0x62: {  	_ =	shalt  }
0x63: {  	_ =	shalt  }
0x64: {  	_ =	shalt  }
0x65: {  	_ =	shalt  }
0x66: {  	_ =	shalt  }
0x67: {  	_ =	shalt  }
0x68: {  	_ =	shalt  }
0x69: {  	_ =	shalt  }
0x6a: {  	_ =	shalt  }
0x6b: {  	_ =	shalt  }
0x6c: {  	_ =	shalt  }
0x6d: {  	_ =	shalt  }
0x6e: {  	_ =	shalt  }
0x6f: {  	_ =	shalt  }
0x70: {  	_ =	shalt  }
0x71: {  	_ =	shalt  }
0x72: {  	_ =	shalt  }
0x73: {  	_ =	shalt  }
0x74: {  	_ =	shalt  }
0x75: {  	_ =	shalt  }
0x76: {  	_ =	shalt  }
0x77: {  	_ =	shalt  }
0x78: {  	_ =	shalt  }
0x79: {  	_ =	shalt  }
0x7a: {  	_ =	shalt  }
0x7b: {  	_ =	shalt  }
0x7c: {  	_ =	shalt  }
0x7d: {  	_ =	shalt  }
0x7e: {  	_ =	shalt  }
0x7f: {  	_ =	shalt  }
0x80: {  	_ =	shalt  }
0x81: {  	_ =	shalt  }
0x82: {  	_ =	shalt  }
0x83: {  	_ =	shalt  }
0x84: {  	_ =	shalt  }
0x85: {  	_ =	shalt  }
0x86: {  	_ =	shalt  }
0x87: {  	_ =	shalt  }
.Lfunc_end0:
.L_simem_size_0:
called_computation.2_lowered:
.L_overlay_start_0:
0x88: {  	s2 =	sld [smem:$0x3FD9]  }
0x89: {  	s3 =	sld [smem:$0x3FFE];
	_ =	sdelay $0x1  }
0x8a: {  	s1 =	srdreg.scid  }
0x8b: {  	s0 =	sand.u32 $0x1, s1  }
0x8c: {  	s17 =	sshll.u32 s0, $0xA;
	s2 =	sadd.s32 s3, s2  }
0x8d: {  	s2 =	sadd.s32 s2, s17  }
0x8e: {  	[smem:$0x3FBE] =	sst s2  }
0x8f: {  	_ = 	snop  }
0x90: {  	s2 =	sld [smem:$0x3FD0];
	(tm) =	ssettm $0x1  }
0x91: {  	s18 =	sld [smem:$0x3FFB];
	_ =	sdelay $0x3  }
0x92: {  	_ =	strace s18  }
0x93: {  	s3 =	sld [smem:$0x3FFC];
	_ =	sdelay $0x3  }
0x94: {  	_ =	strace s3  }
0x95: {  	s3 =	sld [smem:$0x3FFD];
	_ =	sdelay $0x3  }
0x96: {  	_ =	strace s3  }
0x97: {  	_ =	strace $0x8FFFFFFF  }
0x98: {  	s19 =	sld [smem:$0x3FDB];
	_ =	sdelay $0x1  }
0x99: {  	s4 =	simm.s32 $_scs_section_size  }
0x9a: {  	s5 =	simm.s32 $_size__tile_overlayer_lowered;
	s6 =	simm.s32 $_tile_overlayer_lowered  }
0x9b: {  	s22 =	simm.s32 $0x1BFF;
	s21 =	sshll.u32 s6, $0x1;
	s3 =	sadd.s32 s4, s19  }
0x9c: {  	s7 =	simm.s32 $0x0;
	s20 =	sshll.u32 s5, $0x1;
	s5 =	sadd.s32 s21, s3  }
0x9d: {  	[timem:s7], [sflag:s22] =	dma.local [hbm:s5], s20  }
0x9e: {  	_ =	swait.ge [sflag:s22], s20  }
0x9f: {  	s4 =	ssub.s32 $0x0, s20;
	[sflag:s22] =	ssyncset.done $0x0  }
0xa0: {  	[sflag:s22] =	ssyncadd.s32 s4;
	_ =	sdelay $0x1  }
0xa1: {  	s23 =	simm.s32 $0x1B8B  }
0xa2: {  	_ =	swait.ge [sflag:s23], $0x1  }
0xa3: {  	[sflag:s23] =	ssyncset.done $0x0  }
0xa4: {  	s25 =	simm.s32 $0x1B8E;
	s24 =	sld [smem:$0x3FFE];
	[sflag:s23] =	ssyncadd.s32 $0xFFFFFFFF  }
0xa5: {  	s26 =	simm.s32 $execute0_lowered;
	[smem:$0x3FD2] =	sst s25  }
0xa6: {  	s5 =	sshll.u32 s26, $0x1;
	_ =	strace $0x8000004C;
	[dreg:$0x1] =	wrdreg $0xFFFFFFFF  }
0xa7: {  	s28 =	simm.s32 $_size_execute0_lowered;
	s3 =	sadd.s32 s3, s5;
	[dreg:$0x0] =	wrdreg $0x0  }
0xa8: {  	s5 =	sshll.u32 s28, $0x1;
	[dreg:$0x2] =	wrdreg s3  }
0xa9: {  	[dreg:$0x3] =	wrdreg s5  }
0xaa: {  	[dreg:$0x4] =	wrdreg $0xC0  }
0xab: {  	_ =	task [dreg:s7], $0x5FFFF  }
0xac: {  	[dreg:$0x1] =	wrdreg $0xFFFFFFFF  }
0xad: {  	[dreg:$0x0] =	wrdreg $0x60  }
0xae: {  	[dreg:$0x2] =	wrdreg s24  }
0xaf: {  	[dreg:$0x3] =	wrdreg s2  }
0xb0: {  	[dreg:$0x4] =	wrdreg $0x74000  }
0xb1: {  	[dreg:$0x5] =	wrdreg $0x9  }
0xb2: {  	_ =	task.clear_ibuf [dreg:s7], $0x6FFFF;
	_ =	strace $0x9000004C  }
0xb3: {  	s29 =	simm.s32 $0x9;
	_ =	strace $0x8000004E  }
0xb4: {  	_ =	swait.ge [sflag:s29], $0x1  }
0xb5: {  	[sflag:s29] =	ssyncadd.s32 $0xFFFFFFFF  }
0xb6: {  	_ =	strace $0x9000004E  }
0xb7: {  	_ =	sfence  }
0xb8: {  	s30 =	sld [smem:$0x0];
	_ =	sdelay $0x2  }
0xb9: {  	s31 =	sshll.u32 s1, $0xD;
	s1 =	sshrl.u32 s1, $0x2  }
0xba: {  	s3 =	sand.u32 $0x4000, s31;
	s1 =	sadd.s32 s1, s30  }
0xbb: {  	s0 =	sor.u32 s3, s0;
	s1 =	sshll.u32 s1, $0x11  }
0xbc: {  	s0 =	sor.u32 s1, s0  }
0xbd: {  	s0 =	sadd.s32 $0x8F2B, s0  }
0xbe: {  	[sflag:s0] =	ssyncadd.remote.s32 $0x1  }
0xbf: {  	_ =	sfence.sel $0xFFFF  }
0xc0: {  	[dreg:$0x0] =	wrdreg $0xFFFFFFFF;
	(pc) =	sbr.abs _section_cstart, $3  }
0xc1: {  	[dreg:$0x1] =	wrdreg $0xFFFFFFFF  }
0xc2: {  	_ =	task.clear_ibuf [dreg:s7], $0x2FFFF;
	_ =	strace $0x9FFFFFFF  }
0xc3: {  	(tm) =	ssettm $0x7FFFFFFF  }
tec
execute0_lowered:
.L_overlay_start_1:
0x0: {  	(tag) =	ssettag $0x1  }
0x1: {  	s0 =	rddreg [dreg:$0x0];
	s1 =	srdreg.scid  }
0x2: {  	s3 =	rddreg [dreg:$0x1];
	s20 =	stileid.u32  }
0x3: {  	s28 =	simm.s32 $0x2;
	s29 =	simm.s32 $0x3;
	s30 =	simm.s32 $0x7  }
0x4: {  	s31 =	simm.s32 $0x4;
	s10 =	sand.u32 $0x1, s1;
	s1 =	simm.s32 $0x0  }
0x5: {  	s4 =	sadd.s32 $0x11600, s0;
	s12 =	sadd.s32 $0x44E00, s0;
	s13 =	smul.u32 $0x280, s20  }
0x6: {  	s7 =	sshll.u32 s20, $0x9;
	s2 =	sshll.u32 s10, $0x4;
	[smem:$0x7FF] =	sst s1  }
0x7: {  	s5 =	ssub.s32 $0x2, s10;
	s7 =	sand.u32 $0x200, s7;
	s22 =	smul.u32 $0x2800, s10  }
0x8: {  	s10 =	smul.u32 $0x5C0, s10;
	s2 =	ssub.s32 s20, s2;
	s16 =	sshrl.u32 s5, $0x1  }
0x9: {  	s6 =	sor.u32 $0x70, s13;
	s8 =	sadd.s32 $0xE0, s13;
	s11 =	smul.u32 $0x2E00, s2  }
0xa: {  	s2 =	ssub.s32 s5, s16;
	s5 =	sadd.s32 $0x150, s13;
	s24 =	sadd.s32 s22, s6  }
0xb: {  	s25 =	sadd.s32 s22, s8;
	s6 =	sshll.u32 s6, $0x7;
	s8 =	sshll.u32 s8, $0x7  }
0xc: {  	s17 =	sadd.s32 $0x2E000, s11;
	s15 =	sadd.s32 $0x2E080, s11;
	s19 =	sadd.s32 $0x2E100, s11  }
0xd: {  	s11 =	sadd.s32 $0x2E180, s11;
	s9 =	sand.u32 $0x7FFFFC00, s17;
	s17 =	smul.u32 $0x5C, s20  }
0xe: {  	s15 =	sshrl.u32 s15, $0x3;
	s11 =	sshrl.u32 s11, $0x3;
	s20 =	smul.u32 $0x50000, s20  }
0xf: {  	s9 =	sor.u32 s7, s9;
	s7 =	sadd.s32 $0x1C0, s13;
	s18 =	sand.u32 $0xFFFFFD0, s15  }
0x10: {  	s15 =	sshrl.u32 s19, $0x3;
	s11 =	sand.u32 $0xFFFFFF0, s11;
	s14 =	sshrl.u32 s9, $0x3  }
0x11: {  	s9 =	sadd.s32 $0x210, s13;
	s21 =	sadd.s32 s3, s18;
	s23 =	sand.u32 $0xFFFFFE0, s15  }
0x12: {  	s13 =	sadd.s32 s13, s22;
	s16 =	sadd.s32 s3, s14;
	[dreg:$0x6] =	wrdreg s21  }
0x13: {  	s10 =	ssub.s32 s17, s10;
	s14 =	sadd.s32 s4, s14;
	[dreg:$0x4] =	wrdreg s16  }
0x14: {  	s17 =	sadd.s32 s22, s7;
	s15 =	sadd.s32 s3, s23;
	[dreg:$0x5] =	wrdreg s14  }
0x15: {  	s13 =	sshll.u32 s13, $0x4;
	s14 =	sadd.s32 s4, s18;
	[dreg:$0x8] =	wrdreg s15  }
0x16: {  	s15 =	sshll.u32 s25, $0x4;
	s13 =	sadd.s32 s12, s13;
	s18 =	sadd.s32 s22, s9  }
0x17: {  	s25 =	sshll.u32 s10, $0x4;
	[dreg:$0x7] =	wrdreg s14;
	s14 =	sadd.s32 s4, s23  }
0x18: {  	[dreg:$0xa] =	wrdreg s13;
	s21 =	sshll.u32 s18, $0x4;
	s23 =	sadd.s32 $0x5C7, s10  }
0x19: {  	s10 =	sadd.s32 $0x5C5, s10;
	[dreg:$0x9] =	wrdreg s14;
	s14 =	sshll.u32 s24, $0x4  }
0x1a: {  	s24 =	sand.u32 $0x1FFFFFF, s23;
	s23 =	rddreg [dreg:$0x2];
	s26 =	sadd.s32 s12, s14  }
0x1b: {  	s10 =	sand.u32 $0x1FFFFFD, s10;
	s14 =	sadd.s32 s12, s15;
	[dreg:$0xb] =	wrdreg s26  }
0x1c: {  	s15 =	sadd.s32 s22, s5;
	s22 =	sadd.s32 s3, s11;
	[dreg:$0xc] =	wrdreg s14  }
0x1d: {  	s11 =	sadd.s32 s4, s11;
	s10 =	sshll.u32 s10, $0x4;
	[dreg:$0x10] =	wrdreg s22  }
0x1e: {  	s13 =	sshll.u32 s15, $0x4;
	s14 =	sshll.u32 s17, $0x4;
	[dreg:$0x11] =	wrdreg s11  }
0x1f: {  	s11 =	sshll.u32 s24, $0x4;
	s26 =	sadd.s32 $0x5C60, s25;
	s22 =	sadd.s32 s10, s4  }
0x20: {  	s13 =	sadd.s32 s12, s13;
	s19 =	sadd.s32 s12, s14;
	s12 =	sadd.s32 s12, s21  }
0x21: {  	s16 =	sadd.s32 s11, s3;
	s17 =	sadd.s32 s11, s4;
	s14 =	sadd.s32 $0x5C40, s25  }
0x22: {  	s21 =	sadd.s32 s10, s3;
	s10 =	sadd.s32 s6, s23;
	[dreg:$0xd] =	wrdreg s13  }
0x23: {  	s11 =	sadd.s32 s8, s23;
	s6 =	simm.s32 $0x80;
	[dreg:$0xe] =	wrdreg s19  }
0x24: {  	s8 =	simm.s32 $0x100;
	[dreg:$0xf] =	wrdreg s12;
	s13 =	sand.u32 $0x1FFFFFE0, s26  }
0x25: {  	s15 =	sand.u32 $0x1FFFFFC0, s14;
	s26 =	sadd.s32 $0x1CE00, s0;
	s12 =	sshll.u32 s5, $0x7  }
0x26: {  	s14 =	sshll.u32 s9, $0x7;
	s5 =	simm.s32 $0x200;
	s9 =	simm.s32 $0x300  }
0x27: {  	s18 =	sadd.s32 s13, s3;
	s19 =	sadd.s32 s13, s4;
	s24 =	sadd.s32 s15, s3  }
0x28: {  	s25 =	sadd.s32 s15, s4;
	_ =	strace $0x8000004D;
	[dreg:$0x13] =	wrdreg s10  }
0x29: {  	s4 =	sshrl.u32 s20, $0x2;
	[dreg:$0x14] =	wrdreg s11;
	s13 =	sshll.u32 s7, $0x7  }
0x2a: {  	s20 =	sadd.s32 s14, s23;
	s3 =	smax.u32 s2, $0x1;
	s7 =	simm.s32 $0x280  }
0x2b: {  	s10 =	simm.s32 $0x180;
	s11 =	simm.s32 $0x380;
	[dreg:$0x1a] =	wrdreg s16  }
0x2c: {  	s14 =	simm.s32 $0x6;
	s2 =	simm.s32 $0x1;
	[dreg:$0x17] =	wrdreg s20  }
.Ltmp0:
0x2d: {  	s0 =	sadd.s32 s4, s23;
	[dreg:$0x18] =	wrdreg s3;
	(pc) =	sbr.rel .LBB2_1-.Ltmp0, $4  }
0x2e: {  	s15 =	sadd.s32 s13, s23;
	s3 =	simm.s32 $0x400;
	[dreg:$0x12] =	wrdreg s0  }
0x2f: {  	s13 =	simm.s32 $0x70;
	s4 =	simm.s32 $0x0;
	[dreg:$0x16] =	wrdreg s15  }
0x30: {  	s20 =	simm.s32 $0x8;
	s0 =	sadd.s32 s12, s23;
	[dreg:$0x19] =	wrdreg s4  }
0x31: {  	v0 =	vimm.f32 $0.0e+00;
	s12 =	simm.s32 $0x5;
	s15 =	simm.s32 $0x3C00;
	[dreg:$0x15] =	wrdreg s0  }
.LBB2_6:
0x32: {  	_ =	swait.ge [sflag:s2], $0x3800  }
0x33: {  	[sflag:s2] =	ssyncset.done $0x0  }
0x34: {  	[sflag:s2] =	ssyncadd.s32 $0xFFFFC800  }
0x35: {  	[spmem:s23] =	stream.indirect.scatter.add.f32 [tilespmem:s3], [sflag:$0x3], $0x80, s9, s13, $0xb8;
	[tilespmem:$0x1B400] =	vst v63  }
0x36: {  	_ =	swait.ge [sflag:s28], $0x3800  }
0x37: {  	[sflag:s28] =	ssyncset.done $0x0  }
0x38: {  	[sflag:s28] =	ssyncadd.s32 $0xFFFFC800  }
0x39: {  	[spmem:s23] =	stream.indirect.scatter.add.f32 [tilespmem:s15], [sflag:$0x4], $0x80, s11, s13, $0xb8;
	[tilespmem:$0x1B400] =	vst v63  }
0x3a: {  	_ =	swait.ge [sflag:s29], $0x3800  }
0x3b: {  	[sflag:s29] =	ssyncset.done $0x0  }
0x3c: {  	[sflag:s29] =	ssyncadd.s32 $0xFFFFC800  }
0x3d: {  	_ =	swait.ge [sflag:s31], $0x3800  }
0x3e: {  	[sflag:s31] =	ssyncset.done $0x0  }
0x3f: {  	[sflag:s31] =	ssyncadd.s32 $0xFFFFC800  }
0x40: {  	[bflag:$0x0] =	sbarrier.arrive $0xFFFF  }
0x41: {  	s4 =	simm.s32 $0x9;
	s0 =	rddreg [dreg:$0x12]  }
0x42: {  	[tilespmem:s3], [sflag:$0x9] =	stream.linear.gather [spmem:s0], $0x3800, $0x38;
	[tilespmem:$0x1B400] =	vst v63  }
0x43: {  	_ =	swait.ge [sflag:s4], $0x3800  }
0x44: {  	[sflag:s4] =	ssyncset.done $0x0  }
0x45: {  	s16 =	rddreg [dreg:$0xa];
	[sflag:s4] =	ssyncadd.s32 $0xFFFFC800  }
0x46: {  	[hbm4b:s16+s1] =	stream.linear.scatter [tilespmem:s3], [sflag:$0x9], $0x3800, $0x38;
	[tilespmem:$0x1B400] =	vst v63  }
0x47: {  	_ =	swait.ge [sflag:s4], $0x3800  }
0x48: {  	[sflag:s4] =	ssyncset.done $0x0  }
0x49: {  	s16 =	rddreg [dreg:$0x13];
	[sflag:s4] =	ssyncadd.s32 $0xFFFFC800  }
0x4a: {  	[tilespmem:s3], [sflag:$0x9] =	stream.linear.gather [spmem:s16], $0x3800, $0x38;
	[tilespmem:$0x1B400] =	vst v63  }
0x4b: {  	_ =	swait.ge [sflag:s4], $0x3800  }
0x4c: {  	[sflag:s4] =	ssyncset.done $0x0  }
0x4d: {  	s16 =	rddreg [dreg:$0xb];
	[sflag:s4] =	ssyncadd.s32 $0xFFFFC800  }
0x4e: {  	[hbm4b:s16+s1] =	stream.linear.scatter [tilespmem:s3], [sflag:$0x9], $0x3800, $0x38;
	[tilespmem:$0x1B400] =	vst v63  }
0x4f: {  	_ =	swait.ge [sflag:s4], $0x3800  }
0x50: {  	[sflag:s4] =	ssyncset.done $0x0  }
0x51: {  	s16 =	rddreg [dreg:$0x14];
	[sflag:s4] =	ssyncadd.s32 $0xFFFFC800  }
0x52: {  	[tilespmem:s3], [sflag:$0x9] =	stream.linear.gather [spmem:s16], $0x3800, $0x38;
	[tilespmem:$0x1B400] =	vst v63  }
0x53: {  	_ =	swait.ge [sflag:s4], $0x3800  }
0x54: {  	[sflag:s4] =	ssyncset.done $0x0  }
0x55: {  	s16 =	rddreg [dreg:$0xc];
	[sflag:s4] =	ssyncadd.s32 $0xFFFFC800  }
0x56: {  	[hbm4b:s16+s1] =	stream.linear.scatter [tilespmem:s3], [sflag:$0x9], $0x3800, $0x38;
	[tilespmem:$0x1B400] =	vst v63  }
0x57: {  	_ =	swait.ge [sflag:s4], $0x3800  }
0x58: {  	[sflag:s4] =	ssyncset.done $0x0  }
0x59: {  	s16 =	rddreg [dreg:$0x15];
	[sflag:s4] =	ssyncadd.s32 $0xFFFFC800  }
0x5a: {  	[tilespmem:s3], [sflag:$0x9] =	stream.linear.gather [spmem:s16], $0x3800, $0x38;
	[tilespmem:$0x1B400] =	vst v63  }
0x5b: {  	_ =	swait.ge [sflag:s4], $0x3800  }
0x5c: {  	[sflag:s4] =	ssyncset.done $0x0  }
0x5d: {  	s16 =	rddreg [dreg:$0xd];
	[sflag:s4] =	ssyncadd.s32 $0xFFFFC800  }
0x5e: {  	[hbm4b:s16+s1] =	stream.linear.scatter [tilespmem:s3], [sflag:$0x9], $0x3800, $0x38;
	[tilespmem:$0x1B400] =	vst v63  }
0x5f: {  	_ =	swait.ge [sflag:s4], $0x3800  }
0x60: {  	[sflag:s4] =	ssyncset.done $0x0  }
0x61: {  	s16 =	rddreg [dreg:$0x16];
	[sflag:s4] =	ssyncadd.s32 $0xFFFFC800  }
0x62: {  	[tilespmem:s3], [sflag:$0x9] =	stream.linear.gather [spmem:s16], $0x3800, $0x38;
	[tilespmem:$0x1B400] =	vst v63  }
0x63: {  	_ =	swait.ge [sflag:s4], $0x3800  }
0x64: {  	[sflag:s4] =	ssyncset.done $0x0  }
0x65: {  	s16 =	rddreg [dreg:$0xe];
	[sflag:s4] =	ssyncadd.s32 $0xFFFFC800  }
0x66: {  	[hbm4b:s16+s1] =	stream.linear.scatter [tilespmem:s3], [sflag:$0x9], $0x3800, $0x38;
	[tilespmem:$0x1B400] =	vst v63  }
0x67: {  	_ =	swait.ge [sflag:s4], $0x3800  }
0x68: {  	[sflag:s4] =	ssyncset.done $0x0  }
0x69: {  	s16 =	rddreg [dreg:$0x17];
	[sflag:s4] =	ssyncadd.s32 $0xFFFFC800  }
0x6a: {  	[tilespmem:s3], [sflag:$0x9] =	stream.linear.gather [spmem:s16], $0x3800, $0x38;
	[tilespmem:$0x1B400] =	vst v63  }
0x6b: {  	_ =	swait.ge [sflag:s4], $0x3800  }
0x6c: {  	[sflag:s4] =	ssyncset.done $0x0  }
0x6d: {  	s16 =	rddreg [dreg:$0xf];
	[sflag:s4] =	ssyncadd.s32 $0xFFFFC800  }
0x6e: {  	[hbm4b:s16+s1] =	stream.linear.scatter [tilespmem:s3], [sflag:$0x9], $0x3800, $0x38;
	[tilespmem:$0x1B400] =	vst v63  }
0x6f: {  	_ =	swait.ge [sflag:s4], $0x3800  }
0x70: {  	s16 =	rddreg [dreg:$0x19]  }
0x71: {  	s0 =	rddreg [dreg:$0x18];
	s16 =	sadd.s32 $0x1, s16  }
0x72: {  	p0 =	sne.s32 s16, s0  }
.Ltmp1:
0x73: {  	_ = 	snop;
	(pc) =	sbr.rel @!p0 .LBB2_7-.Ltmp1, $3  }
0x74: {  	_ =	sdelay $0x1  }
0x75: {  	[sflag:s4] =	ssyncset.done $0x0;
	[dreg:$0x19] =	wrdreg s16  }
0x76: {  	[sflag:s4] =	ssyncadd.s32 $0xFFFFC800;
	s16 =	rddreg [dreg:$0x1a]  }
.LBB2_1:
0x77: {  	s0 =	simm.s32 $0x0;
	s4 =	simm.s32 $0x200  }
.LBB2_2:
0x78: {  	p0 =	sne.s32 s4, $0xDE00;
	[tilespmem:s0+$0x470] =	vst v0  }
0x79: {  	[tilespmem:s0+$0x400] =	vst v0  }
0x7a: {  	[tilespmem:s0+$0x410] =	vst v0  }
.Ltmp2:
0x7b: {  	[tilespmem:s0+$0x420] =	vst v0;
	(pc) =	sbr.rel @p0 .LBB2_2-.Ltmp2, $4  }
0x7c: {  	[tilespmem:s0+$0x430] =	vst v0  }
0x7d: {  	[tilespmem:s0+$0x440] =	vst v0  }
0x7e: {  	[tilespmem:s0+$0x450] =	vst v0  }
0x7f: {  	[tilespmem:s0+$0x460] =	vst v0;
	s0 =	sshra.s32 s4, $0x2;
	s4 =	sadd.s32 $0x200, s4  }
0x80: {  	[tilespmem:s0+$0x470] =	vst v0  }
0x81: {  	[tilespmem:s0+$0x400] =	vst v0  }
0x82: {  	[tilespmem:s0+$0x410] =	vst v0  }
0x83: {  	[tilespmem:s0+$0x420] =	vst v0  }
0x84: {  	[tilespmem:s0+$0x430] =	vst v0  }
0x85: {  	[tilespmem:s0+$0x440] =	vst v0  }
0x86: {  	[tilespmem:s0+$0x450] =	vst v0  }
0x87: {  	[tilespmem:s0+$0x460] =	vst v0;
	s4 =	rddreg [dreg:$0x12]  }
0x88: {  	[spmem:s4] =	stream.linear.scatter [tilespmem:s3], [sflag:$0x9], $0x3800, $0x38;
	[tilespmem:$0x1B400] =	vst v63  }
0x89: {  	s4 =	simm.s32 $0x9  }
0x8a: {  	_ =	swait.ge [sflag:s4], $0x3800  }
0x8b: {  	[sflag:s4] =	ssyncset.done $0x0  }
0x8c: {  	s0 =	rddreg [dreg:$0x13];
	[sflag:s4] =	ssyncadd.s32 $0xFFFFC800  }
0x8d: {  	[spmem:s0] =	stream.linear.scatter [tilespmem:s3], [sflag:$0x9], $0x3800, $0x38;
	[tilespmem:$0x1B400] =	vst v63  }
0x8e: {  	_ =	swait.ge [sflag:s4], $0x3800  }
0x8f: {  	[sflag:s4] =	ssyncset.done $0x0  }
0x90: {  	s0 =	rddreg [dreg:$0x14];
	[sflag:s4] =	ssyncadd.s32 $0xFFFFC800  }
0x91: {  	[spmem:s0] =	stream.linear.scatter [tilespmem:s3], [sflag:$0x9], $0x3800, $0x38;
	[tilespmem:$0x1B400] =	vst v63  }
0x92: {  	_ =	swait.ge [sflag:s4], $0x3800  }
0x93: {  	[sflag:s4] =	ssyncset.done $0x0  }
0x94: {  	s0 =	rddreg [dreg:$0x15];
	[sflag:s4] =	ssyncadd.s32 $0xFFFFC800  }
0x95: {  	[spmem:s0] =	stream.linear.scatter [tilespmem:s3], [sflag:$0x9], $0x3800, $0x38;
	[tilespmem:$0x1B400] =	vst v63  }
0x96: {  	_ =	swait.ge [sflag:s4], $0x3800  }
0x97: {  	[sflag:s4] =	ssyncset.done $0x0  }
0x98: {  	s0 =	rddreg [dreg:$0x16];
	[sflag:s4] =	ssyncadd.s32 $0xFFFFC800  }
0x99: {  	[spmem:s0] =	stream.linear.scatter [tilespmem:s3], [sflag:$0x9], $0x3800, $0x38;
	[tilespmem:$0x1B400] =	vst v63  }
0x9a: {  	_ =	swait.ge [sflag:s4], $0x3800  }
0x9b: {  	[sflag:s4] =	ssyncset.done $0x0  }
0x9c: {  	s0 =	rddreg [dreg:$0x17];
	[sflag:s4] =	ssyncadd.s32 $0xFFFFC800  }
0x9d: {  	[spmem:s0] =	stream.linear.scatter [tilespmem:s3], [sflag:$0x9], $0x3800, $0x38;
	[tilespmem:$0x1B400] =	vst v63  }
0x9e: {  	_ =	swait.ge [sflag:s4], $0x3800  }
0x9f: {  	[sflag:s4] =	ssyncset.done $0x0  }
0xa0: {  	[sflag:s4] =	ssyncadd.s32 $0xFFFFC800  }
0xa1: {  	[bflag:$0x0] =	sbarrier.arrive $0xFFFF  }
0xa2: {  	s0 =	simm.s32 $0x0;
	s4 =	rddreg [dreg:$0x4]  }
0xa3: {  	[tilespmem:s0], [sflag:$0x5] =	stream.linear.gather [hbm4b:s4+s0], $0x80, $0x38;
	[tilespmem:$0x1B400] =	vst v63  }
0xa4: {  	s4 =	rddreg [dreg:$0x5]  }
0xa5: {  	[tilespmem:s5], [sflag:$0x5] =	stream.linear.gather [hbm4b:s4+s0], $0x80, $0x38;
	[tilespmem:$0x1B400] =	vst v63  }
0xa6: {  	s4 =	rddreg [dreg:$0x6]  }
0xa7: {  	[tilespmem:s6], [sflag:$0x6] =	stream.linear.gather [hbm4b:s4+s0], $0x80, $0x38;
	[tilespmem:$0x1B400] =	vst v63  }
0xa8: {  	s4 =	rddreg [dreg:$0x7]  }
0xa9: {  	[tilespmem:s7], [sflag:$0x6] =	stream.linear.gather [hbm4b:s4+s0], $0x80, $0x38;
	[tilespmem:$0x1B400] =	vst v63  }
0xaa: {  	s4 =	rddreg [dreg:$0x8]  }
0xab: {  	[tilespmem:s8], [sflag:$0x7] =	stream.linear.gather [hbm4b:s4+s0], $0x80, $0x38;
	[tilespmem:$0x1B400] =	vst v63  }
0xac: {  	s4 =	rddreg [dreg:$0x9]  }
0xad: {  	[tilespmem:s9], [sflag:$0x7] =	stream.linear.gather [hbm4b:s4+s0], $0x80, $0x38;
	[tilespmem:$0x1B400] =	vst v63  }
0xae: {  	s4 =	rddreg [dreg:$0x10]  }
0xaf: {  	[tilespmem:s10], [sflag:$0x8] =	stream.linear.gather [hbm4b:s4+s0], $0x80, $0x38;
	[tilespmem:$0x1B400] =	vst v63  }
0xb0: {  	s4 =	rddreg [dreg:$0x11]  }
0xb1: {  	[tilespmem:s11], [sflag:$0x8] =	stream.linear.gather [hbm4b:s4+s0], $0x80, $0x38;
	[tilespmem:$0x1B400] =	vst v63  }
0xb2: {  	_ =	swait.ge [sflag:s12], $0x80  }
0xb3: {  	[sflag:s12] =	ssyncset.done $0x0  }
0xb4: {  	[sflag:s12] =	ssyncadd.s32 $0xFFFFFF80  }
0xb5: {  	_ =	swait.ge [sflag:s12], $0x80  }
0xb6: {  	[sflag:s12] =	ssyncset.done $0x0  }
0xb7: {  	[sflag:s12] =	ssyncadd.s32 $0xFFFFFF80  }
0xb8: {  	[tilespmem:s3], [sflag:$0x1] =	stream.indirect.gather [hbm4b:s26+s13], $0x80, s0, s13, $0xb8;
	[tilespmem:$0x1B400] =	vst v63  }
0xb9: {  	_ =	swait.ge [sflag:s14], $0x80  }
0xba: {  	[sflag:s14] =	ssyncset.done $0x0  }
0xbb: {  	[sflag:s14] =	ssyncadd.s32 $0xFFFFFF80  }
0xbc: {  	_ =	swait.ge [sflag:s14], $0x80  }
0xbd: {  	[sflag:s14] =	ssyncset.done $0x0  }
0xbe: {  	[sflag:s14] =	ssyncadd.s32 $0xFFFFFF80  }
0xbf: {  	[tilespmem:s15], [sflag:$0x2] =	stream.indirect.gather [hbm4b:s26+s13], $0x80, s6, s13, $0xb8;
	[tilespmem:$0x1B400] =	vst v63  }
.LBB2_4:
0xc0: {  	_ =	swait.ge [sflag:s2], $0x3800  }
0xc1: {  	[sflag:s2] =	ssyncset.done $0x0  }
0xc2: {  	[sflag:s2] =	ssyncadd.s32 $0xFFFFC800  }
0xc3: {  	[spmem:s23] =	stream.indirect.scatter.add.f32 [tilespmem:s3], [sflag:$0x3], $0x80, s5, s13, $0xb8;
	[tilespmem:$0x1B400] =	vst v63  }
0xc4: {  	_ =	swait.ge [sflag:s28], $0x3800  }
0xc5: {  	[sflag:s28] =	ssyncset.done $0x0  }
0xc6: {  	[sflag:s28] =	ssyncadd.s32 $0xFFFFC800  }
0xc7: {  	[spmem:s23] =	stream.indirect.scatter.add.f32 [tilespmem:s15], [sflag:$0x4], $0x80, s7, s13, $0xb8;
	[tilespmem:$0x1B400] =	vst v63  }
0xc8: {  	_ =	swait.ge [sflag:s29], $0x3800  }
0xc9: {  	[sflag:s29] =	ssyncset.done $0x0  }
0xca: {  	[sflag:s29] =	ssyncadd.s32 $0xFFFFC800  }
0xcb: {  	_ =	swait.ge [sflag:s30], $0x80  }
0xcc: {  	[sflag:s30] =	ssyncset.done $0x0  }
0xcd: {  	[sflag:s30] =	ssyncadd.s32 $0xFFFFFF80  }
0xce: {  	_ =	swait.ge [sflag:s30], $0x80  }
0xcf: {  	[sflag:s30] =	ssyncset.done $0x0  }
0xd0: {  	[sflag:s30] =	ssyncadd.s32 $0xFFFFFF80  }
0xd1: {  	[tilespmem:s3], [sflag:$0x1] =	stream.indirect.gather [hbm4b:s26+s13], $0x80, s8, s13, $0xb8;
	[tilespmem:$0x1B400] =	vst v63  }
0xd2: {  	_ =	swait.ge [sflag:s31], $0x3800  }
0xd3: {  	[sflag:s31] =	ssyncset.done $0x0  }
0xd4: {  	[sflag:s31] =	ssyncadd.s32 $0xFFFFC800  }
0xd5: {  	_ =	swait.ge [sflag:s20], $0x80  }
0xd6: {  	p0 =	seq.s32 s0, $0x580;
	[sflag:s20] =	ssyncset.done $0x0  }
.Ltmp3:
0xd7: {  	[sflag:s20] =	ssyncadd.s32 $0xFFFFFF80;
	(pc) =	sbr.rel @p0 .LBB2_6-.Ltmp3, $4  }
0xd8: {  	_ =	swait.ge [sflag:s20], $0x80  }
0xd9: {  	[sflag:s20] =	ssyncset.done $0x0  }
0xda: {  	[sflag:s20] =	ssyncadd.s32 $0xFFFFFF80  }
0xdb: {  	[tilespmem:s15], [sflag:$0x2] =	stream.indirect.gather [hbm4b:s26+s13], $0x80, s10, s13, $0xb8;
	[tilespmem:$0x1B400] =	vst v63  }
0xdc: {  	s4 =	sadd.s32 s0, s24  }
0xdd: {  	[tilespmem:s1], [sflag:$0x5] =	stream.linear.gather [hbm4b:s4+s1], $0x80, $0x38;
	[tilespmem:$0x1B400] =	vst v63  }
0xde: {  	s4 =	sadd.s32 s0, s25  }
0xdf: {  	[tilespmem:s5], [sflag:$0x5] =	stream.linear.gather [hbm4b:s4+s1], $0x80, $0x38;
	[tilespmem:$0x1B400] =	vst v63  }
0xe0: {  	s4 =	sadd.s32 s0, s21  }
0xe1: {  	[tilespmem:s6], [sflag:$0x6] =	stream.linear.gather [hbm4b:s4+s1], $0x80, $0x38;
	[tilespmem:$0x1B400] =	vst v63  }
0xe2: {  	s4 =	sadd.s32 s0, s22  }
0xe3: {  	[tilespmem:s7], [sflag:$0x6] =	stream.linear.gather [hbm4b:s4+s1], $0x80, $0x38;
	[tilespmem:$0x1B400] =	vst v63  }
0xe4: {  	_ =	swait.ge [sflag:s2], $0x3800  }
0xe5: {  	[sflag:s2] =	ssyncset.done $0x0  }
0xe6: {  	[sflag:s2] =	ssyncadd.s32 $0xFFFFC800  }
0xe7: {  	[spmem:s23] =	stream.indirect.scatter.add.f32 [tilespmem:s3], [sflag:$0x3], $0x80, s9, s13, $0xb8;
	[tilespmem:$0x1B400] =	vst v63  }
0xe8: {  	_ =	swait.ge [sflag:s28], $0x3800  }
0xe9: {  	[sflag:s28] =	ssyncset.done $0x0  }
0xea: {  	[sflag:s28] =	ssyncadd.s32 $0xFFFFC800  }
0xeb: {  	[spmem:s23] =	stream.indirect.scatter.add.f32 [tilespmem:s15], [sflag:$0x4], $0x80, s11, s13, $0xb8;
	[tilespmem:$0x1B400] =	vst v63  }
0xec: {  	_ =	swait.ge [sflag:s29], $0x3800  }
0xed: {  	[sflag:s29] =	ssyncset.done $0x0  }
0xee: {  	[sflag:s29] =	ssyncadd.s32 $0xFFFFC800  }
0xef: {  	_ =	swait.ge [sflag:s12], $0x80  }
0xf0: {  	[sflag:s12] =	ssyncset.done $0x0  }
0xf1: {  	[sflag:s12] =	ssyncadd.s32 $0xFFFFFF80  }
0xf2: {  	_ =	swait.ge [sflag:s12], $0x80  }
0xf3: {  	[sflag:s12] =	ssyncset.done $0x0  }
0xf4: {  	[sflag:s12] =	ssyncadd.s32 $0xFFFFFF80  }
0xf5: {  	[tilespmem:s3], [sflag:$0x1] =	stream.indirect.gather [hbm4b:s26+s13], $0x80, s1, s13, $0xb8;
	[tilespmem:$0x1B400] =	vst v63  }
0xf6: {  	_ =	swait.ge [sflag:s31], $0x3800  }
0xf7: {  	[sflag:s31] =	ssyncset.done $0x0  }
0xf8: {  	[sflag:s31] =	ssyncadd.s32 $0xFFFFC800  }
0xf9: {  	_ =	swait.ge [sflag:s14], $0x80  }
0xfa: {  	[sflag:s14] =	ssyncset.done $0x0  }
0xfb: {  	[sflag:s14] =	ssyncadd.s32 $0xFFFFFF80  }
0xfc: {  	_ =	swait.ge [sflag:s14], $0x80  }
0xfd: {  	[sflag:s14] =	ssyncset.done $0x0  }
0xfe: {  	[sflag:s14] =	ssyncadd.s32 $0xFFFFFF80  }
0xff: {  	[tilespmem:s15], [sflag:$0x2] =	stream.indirect.gather [hbm4b:s26+s13], $0x80, s6, s13, $0xb8;
	[tilespmem:$0x1B400] =	vst v63  }
0x100: {  	s4 =	sadd.s32 s0, s18  }
0x101: {  	[tilespmem:s8], [sflag:$0x7] =	stream.linear.gather [hbm4b:s4+s1], $0x80, $0x38;
	[tilespmem:$0x1B400] =	vst v63  }
0x102: {  	s4 =	sadd.s32 s0, s19  }
0x103: {  	[tilespmem:s9], [sflag:$0x7] =	stream.linear.gather [hbm4b:s4+s1], $0x80, $0x38;
	[tilespmem:$0x1B400] =	vst v63  }
.Ltmp4:
0x104: {  	_ = 	snop;
	(pc) =	sbr.rel .LBB2_4-.Ltmp4, $4  }
0x105: {  	s4 =	sadd.s32 s0, s16  }
0x106: {  	[tilespmem:s10], [sflag:$0x8] =	stream.linear.gather [hbm4b:s4+s1], $0x80, $0x38;
	[tilespmem:$0x1B400] =	vst v63  }
0x107: {  	s4 =	sadd.s32 s0, s17;
	s0 =	sadd.s32 $0x40, s0  }
0x108: {  	[tilespmem:s11], [sflag:$0x8] =	stream.linear.gather [hbm4b:s4+s1], $0x80, $0x38;
	[tilespmem:$0x1B400] =	vst v63  }
.LBB2_7:
0x109: {  	_ =	sfence.sel $0x180000  }
0x10a: {  	[bflag:$0x0] =	sbarrier.arrive $0xFFFF  }
0x10b: {  	_ =	strace $0x9000004D  }
0x10c: {  	s0 =	stileid.u32;
	[bflag:$0x2] =	sbarrier.arrive $0xFFFF  }
0x10d: {  	p0 =	sne.s32 s0, $0x0;
	s0 =	rddreg [dreg:$0x3]  }
0x10e: {  	s0 =	sadd.s32 @!p0 $0x100000, s0  }
0x10f: {  	[sflag:s0] =	ssyncadd.tile.s32 @!p0 $0x1;
	_ =	shalt  }
.Lfunc_end2:
_tile_overlayer_lowered:
.L_overlay_start_2:
0x110: {  	(tag) =	ssettag $0x2  }
0x111: {  	s0 =	rddreg [dreg:$0x0];
	s2 =	stileid.u32  }
0x112: {  	s1 =	rddreg [dreg:$0x1];
	p0 =	sne.s32 s2, $0x0  }
0x113: {  	s3 =	rddreg [dreg:$0x2];
	[bflag:$0x3] =	sbarrier.arrive $0xFFFF;
	s2 =	simm.s32 @!p0 $0x1C09  }
0x114: {  	[timem:s3], [sflag:s2] =	dma.local @!p0 [hbm:s0], s1  }
0x115: {  	s0 =	simm.s32 @!p0 $0x9  }
0x116: {  	_ =	swait.ge @!p0 [sflag:s0], s1  }
0x117: {  	s1 =	ssub.s32 @!p0 $0x0, s1;
	[sflag:s0] =	ssyncset.done @!p0 $0x0  }
0x118: {  	[sflag:s0] =	ssyncadd.s32 @!p0 s1  }
0x119: {  	[bflag:$0x3] =	sbarrier.arrive $0xFFFF  }
0x11a: {  	_ =	shalt  }

// kernel: kernel.8.cloned.1.call-start
scs
__scs_entry_jumppad:
0x0: {  	(pc) =	sbr.rel $0x88, $3  }
0x1: {  	(tag) =	ssettag $0x0;
	lr =	simm.s32 $0x1  }
0x2: {  	[smem:$0x3F97] =	sst lr;
	_ =	strace $0xD0000000  }
0x3: {  	_ = 	snop  }
0x4: {  	_ = 	snop  }
0x5: {  	_ = 	snop  }
0x6: {  	_ = 	snop  }
0x7: {  	_ = 	snop  }
__scs_overlays_trampoline_lowered:
0x8: {  	[smem:$0x3FA6] =	sst s0  }
0x9: {  	[smem:$0x3FA7] =	sst s1  }
0xa: {  	[smem:$0x3FA8] =	sst s2  }
0xb: {  	[smem:$0x3FA9] =	sst s3  }
0xc: {  	[smem:$0x3FAA] =	sst s4  }
0xd: {  	[smem:$0x3FAB] =	sst s5  }
0xe: {  	[smem:$0x3FAC] =	sst s6  }
0xf: {  	[smem:$0x3FAD] =	sst s7  }
0x10: {  	[smem:$0x3FAE] =	sst s8  }
0x11: {  	[smem:$0x3FAF] =	sst s9;
	s0 =	simm.s32 @!p0 $0x0  }
0x12: {  	s1 =	sld [smem:$0x3F95];
	s0 =	simm.s32 @p0 $0x1  }
0x13: {  	[smem:$0x3FB0] =	sst s0;
	s0 =	simm.s32 @!p1 $0x0  }
0x14: {  	s2 =	sld [smem:$0x3F94];
	s0 =	simm.s32 @p1 $0x1  }
0x15: {  	[smem:$0x3FB1] =	sst s0;
	s0 =	simm.s32 @!p2 $0x0  }
0x16: {  	s3 =	sld [smem:$0x3FDB];
	s0 =	simm.s32 @p2 $0x1  }
0x17: {  	s4 =	simm.s32 $0x1BF5;
	[smem:$0x3FB3] =	sst s0  }
0x18: {  	s0 =	sld [smem:$0x3F96];
	_ =	swait.ge [sflag:s4], $0x0  }
0x19: {  	s7 =	sld [smem:$0x3F97]  }
0x1a: {  	s8 =	sadd.s32 $0xFFFFE003, lr  }
0x1b: {  	s9 =	sadd.s32 $0xFFFFFEF7, lr;
	s5 =	simm.s32 $0xFFFFFFFF;
	p2 =	slt.u32 s8, $0xFFFFF086  }
0x1c: {  	p1 =	slt.u32 s9, $0xF7A;
	s5 =	simm.s32 @!p2 $0x0  }
0x1d: {  	s5 =	simm.s32 @p1 $0x1;
	p0 =	seq.s32 s7, s2  }
0x1e: {  	s7 =	smul.u32 @!p0 $0xF7A, s2;
	p2 =	seq.s32 @!p0 s5, $0x0  }
0x1f: {  	s9 =	smul.u32 $0xF7A, s1;
	s8 =	simm.s32 @!p0 $0x1BF5;
	p2 =	por !p2, p0  }
0x20: {  	[sflag:s8] =	ssyncset.s32 @!p0 $0xFFFFF086;
	s6 =	sadd.s32 @!p0 s3, s7;
	s7 =	simm.s32 @!p0 $0x108  }
0x21: {  	s3 =	sadd.s32 s3, s9;
	s6 =	sadd.s32 @!p0 $0x88, s6;
	s7 =	simm.s32 @p2 $0x1082  }
0x22: {  	[simem:s7], [sflag:s8] =	dma.local @!p0 [hbm:s6], $0xF7A  }
0x23: {  	s9 =	sor.u32 $0xD0000000, s2;
	s6 =	simm.s32 $0x108;
	_ =	swait.ge @!p0 [sflag:s8], $0x0  }
0x24: {  	s3 =	sadd.s32 $0x88, s3;
	s6 =	simm.s32 @!p1 $0x1082;
	[sflag:s4] =	ssyncset.s32 $0xFFFFF086  }
0x25: {  	[simem:s6], [sflag:s4] =	dma.local [hbm:s3], $0xF7A  }
0x26: {  	[smem:$0x3F97] =	sst s1;
	(tag) =	ssettag s2;
	_ =	strace s9  }
0x27: {  	s1 =	sld [smem:$0x3FA7]  }
0x28: {  	s2 =	sld [smem:$0x3FA8]  }
0x29: {  	s4 =	sld [smem:$0x3FAA]  }
0x2a: {  	p0 =	seq.s32 s5, $0x0;
	s5 =	sld [smem:$0x3FAB]  }
0x2b: {  	s6 =	sld [smem:$0x3FAC]  }
0x2c: {  	s7 =	sld [smem:$0x3FAD]  }
0x2d: {  	s3 =	simm.s32 $0x108;
	s8 =	sld [smem:$0x3FAE]  }
0x2e: {  	s3 =	simm.s32 @!p0 $0x1082;
	s9 =	sld [smem:$0x3FAF]  }
0x2f: {  	lr =	sadd.s32 s0, s3;
	s0 =	sld [smem:$0x3FA6]  }
0x30: {  	s3 =	sld [smem:$0x3FA9]  }
0x31: {  	[smem:$0x3FB2] =	sst s10  }
0x32: {  	s10 =	sld [smem:$0x3FB0];
	_ =	sdelay $0x3  }
0x33: {  	p0 =	seq.s32 s10, $0x1;
	s10 =	sld [smem:$0x3FB2];
	_ =	sdelay $0x3  }
0x34: {  	[smem:$0x3FB2] =	sst s10  }
0x35: {  	s10 =	sld [smem:$0x3FB1];
	_ =	sdelay $0x3  }
0x36: {  	p1 =	seq.s32 s10, $0x1;
	s10 =	sld [smem:$0x3FB2];
	_ =	sdelay $0x3  }
0x37: {  	[smem:$0x3FB2] =	sst s10  }
0x38: {  	s10 =	sld [smem:$0x3FB3]  }
0x39: {  	_ = 	snop;
	(pc) =	sbr.ind lr, $3  }
0x3a: {  	_ = 	snop  }
0x3b: {  	_ = 	snop  }
0x3c: {  	p2 =	seq.s32 s10, $0x1;
	s10 =	sld [smem:$0x3FB2]  }
0x3d: {  	_ =	shalt  }
0x3e: {  	_ =	shalt  }
0x3f: {  	_ =	shalt  }
0x40: {  	_ =	shalt  }
0x41: {  	_ =	shalt  }
0x42: {  	_ =	shalt  }
0x43: {  	_ =	shalt  }
0x44: {  	_ =	shalt  }
0x45: {  	_ =	shalt  }
0x46: {  	_ =	shalt  }
0x47: {  	_ =	shalt  }
0x48: {  	_ =	shalt  }
0x49: {  	_ =	shalt  }
0x4a: {  	_ =	shalt  }
0x4b: {  	_ =	shalt  }
0x4c: {  	_ =	shalt  }
0x4d: {  	_ =	shalt  }
0x4e: {  	_ =	shalt  }
0x4f: {  	_ =	shalt  }
0x50: {  	_ =	shalt  }
0x51: {  	_ =	shalt  }
0x52: {  	_ =	shalt  }
0x53: {  	_ =	shalt  }
0x54: {  	_ =	shalt  }
0x55: {  	_ =	shalt  }
0x56: {  	_ =	shalt  }
0x57: {  	_ =	shalt  }
0x58: {  	_ =	shalt  }
0x59: {  	_ =	shalt  }
0x5a: {  	_ =	shalt  }
0x5b: {  	_ =	shalt  }
0x5c: {  	_ =	shalt  }
0x5d: {  	_ =	shalt  }
0x5e: {  	_ =	shalt  }
0x5f: {  	_ =	shalt  }
0x60: {  	_ =	shalt  }
0x61: {  	_ =	shalt  }
0x62: {  	_ =	shalt  }
0x63: {  	_ =	shalt  }
0x64: {  	_ =	shalt  }
0x65: {  	_ =	shalt  }
0x66: {  	_ =	shalt  }
0x67: {  	_ =	shalt  }
0x68: {  	_ =	shalt  }
0x69: {  	_ =	shalt  }
0x6a: {  	_ =	shalt  }
0x6b: {  	_ =	shalt  }
0x6c: {  	_ =	shalt  }
0x6d: {  	_ =	shalt  }
0x6e: {  	_ =	shalt  }
0x6f: {  	_ =	shalt  }
0x70: {  	_ =	shalt  }
0x71: {  	_ =	shalt  }
0x72: {  	_ =	shalt  }
0x73: {  	_ =	shalt  }
0x74: {  	_ =	shalt  }
0x75: {  	_ =	shalt  }
0x76: {  	_ =	shalt  }
0x77: {  	_ =	shalt  }
0x78: {  	_ =	shalt  }
0x79: {  	_ =	shalt  }
0x7a: {  	_ =	shalt  }
0x7b: {  	_ =	shalt  }
0x7c: {  	_ =	shalt  }
0x7d: {  	_ =	shalt  }
0x7e: {  	_ =	shalt  }
0x7f: {  	_ =	shalt  }
0x80: {  	_ =	shalt  }
0x81: {  	_ =	shalt  }
0x82: {  	_ =	shalt  }
0x83: {  	_ =	shalt  }
0x84: {  	_ =	shalt  }
0x85: {  	_ =	shalt  }
0x86: {  	_ =	shalt  }
0x87: {  	_ =	shalt  }
.Lfunc_end0:
.L_simem_size_0:
called_computation_lowered:
.L_overlay_start_0:
0x88: {  	s2 =	sld [smem:$0x3FD9]  }
0x89: {  	s3 =	sld [smem:$0x3FFE];
	_ =	sdelay $0x1  }
0x8a: {  	s1 =	srdreg.scid  }
0x8b: {  	s0 =	sand.u32 $0x1, s1  }
0x8c: {  	s17 =	sshll.u32 s0, $0xA;
	s2 =	sadd.s32 s3, s2  }
0x8d: {  	s2 =	sadd.s32 s2, s17  }
0x8e: {  	[smem:$0x3FBE] =	sst s2  }
0x8f: {  	_ = 	snop  }
0x90: {  	s18 =	sld [smem:$0x3FD0];
	(tm) =	ssettm $0x1  }
0x91: {  	s19 =	sld [smem:$0x3FFB];
	_ =	sdelay $0x3  }
0x92: {  	_ =	strace s19  }
0x93: {  	s2 =	sld [smem:$0x3FFC];
	_ =	sdelay $0x3  }
0x94: {  	_ =	strace s2  }
0x95: {  	s2 =	sld [smem:$0x3FFD];
	_ =	sdelay $0x3  }
0x96: {  	_ =	strace s2  }
0x97: {  	_ =	strace $0x8FFFFFFF  }
0x98: {  	s20 =	sld [smem:$0x3FDB];
	_ =	sdelay $0x1  }
0x99: {  	s4 =	simm.s32 $_scs_section_size  }
0x9a: {  	s5 =	simm.s32 $_size__tile_overlayer_lowered;
	s6 =	simm.s32 $_tile_overlayer_lowered  }
0x9b: {  	s7 =	simm.s32 $0x1BFF;
	s21 =	sshll.u32 s6, $0x1;
	s4 =	sadd.s32 s4, s20  }
0x9c: {  	s22 =	simm.s32 $0x0;
	s5 =	sshll.u32 s5, $0x1;
	s6 =	sadd.s32 s21, s4  }
0x9d: {  	[timem:s22], [sflag:s7] =	dma.local [hbm:s6], s5  }
0x9e: {  	_ =	swait.ge [sflag:s7], s5  }
0x9f: {  	s5 =	ssub.s32 $0x0, s5;
	[sflag:s7] =	ssyncset.done $0x0  }
0xa0: {  	[sflag:s7] =	ssyncadd.s32 s5;
	_ =	sdelay $0x1  }
0xa1: {  	s23 =	simm.s32 $0x1B8B  }
0xa2: {  	_ =	swait.ge [sflag:s23], $0x1  }
0xa3: {  	[sflag:s23] =	ssyncset.done $0x0  }
0xa4: {  	[sflag:s23] =	ssyncadd.s32 $0xFFFFFFFF  }
0xa5: {  	s5 =	sld [smem:$0x0]  }
0xa6: {  	s6 =	sand.u32 $0xFFFFFFFE, s1  }
0xa7: {  	p0 =	sne.s32 s1, s6  }
0xa8: {  	s6 =	sshll.u32 @p0 s6, $0xE  }
0xa9: {  	s6 =	sadd.s32 @p0 $0x11B8D, s6;
	s7 =	sshll.u32 @p0 s5, $0x11  }
0xaa: {  	s6 =	sor.u32 @p0 s7, s6  }
0xab: {  	[sflag:s6] =	ssyncadd.remote.s32 @p0 $0x1;
	_ =	sdelay $0x1  }
0xac: {  	s6 =	simm.s32 @p0 $0x1B8D  }
0xad: {  	_ =	swait.eq @p0 [sflag:s6], $0x1  }
0xae: {  	[sflag:s6] =	ssyncadd.s32 @p0 $0xFFFFFFFF  }
0xaf: {  	s7 =	sshll.u32 @!p0 s1, $0xE  }
0xb0: {  	s7 =	sor.u32 @!p0 $0x4000, s7;
	s6 =	simm.s32 @!p0 $0x1B8D  }
0xb1: {  	s5 =	sshll.u32 @!p0 s5, $0x11;
	s7 =	sadd.s32 @!p0 $0x11B8D, s7;
	_ =	swait.eq @!p0 [sflag:s6], $0x1  }
0xb2: {  	s5 =	sor.u32 @!p0 s5, s7;
	[sflag:s6] =	ssyncadd.s32 @!p0 $0xFFFFFFFF  }
0xb3: {  	s25 =	simm.s32 $0x1B8E;
	s24 =	sld [smem:$0x3FFE];
	[sflag:s5] =	ssyncadd.remote.s32 @!p0 $0x1  }
0xb4: {  	s26 =	simm.s32 $execute0_lowered;
	[smem:$0x3FD2] =	sst s25  }
0xb5: {  	s6 =	sshll.u32 s26, $0x1;
	_ =	strace $0x80000049;
	[dreg:$0x1] =	wrdreg $0xFFFFFFFF  }
0xb6: {  	s28 =	simm.s32 $_size_execute0_lowered;
	s4 =	sadd.s32 s4, s6;
	[dreg:$0x0] =	wrdreg $0x0  }
0xb7: {  	s6 =	sshll.u32 s28, $0x1;
	[dreg:$0x2] =	wrdreg s4  }
0xb8: {  	[dreg:$0x3] =	wrdreg s6  }
0xb9: {  	[dreg:$0x4] =	wrdreg $0xC0  }
0xba: {  	_ =	task [dreg:s22], $0x5FFFF  }
0xbb: {  	[dreg:$0x1] =	wrdreg $0xFFFFFFFF  }
0xbc: {  	[dreg:$0x0] =	wrdreg $0x60  }
0xbd: {  	[dreg:$0x2] =	wrdreg s24  }
0xbe: {  	[dreg:$0x3] =	wrdreg s18  }
0xbf: {  	[dreg:$0x4] =	wrdreg $0x74000  }
0xc0: {  	[dreg:$0x5] =	wrdreg $0x9  }
0xc1: {  	_ =	task.clear_ibuf [dreg:s22], $0x6FFFF;
	_ =	strace $0x90000049  }
0xc2: {  	s29 =	simm.s32 $0x9;
	_ =	strace $0x8000004B  }
0xc3: {  	_ =	swait.ge [sflag:s29], $0x1  }
0xc4: {  	[sflag:s29] =	ssyncadd.s32 $0xFFFFFFFF  }
0xc5: {  	_ =	strace $0x9000004B  }
0xc6: {  	_ =	sfence  }
0xc7: {  	s30 =	sld [smem:$0x0];
	_ =	sdelay $0x2  }
0xc8: {  	s31 =	sshll.u32 s1, $0xD;
	s1 =	sshrl.u32 s1, $0x2  }
0xc9: {  	s4 =	sand.u32 $0x4000, s31;
	s1 =	sadd.s32 s1, s30  }
0xca: {  	s0 =	sor.u32 s4, s0;
	s1 =	sshll.u32 s1, $0x11  }
0xcb: {  	s0 =	sor.u32 s1, s0  }
0xcc: {  	s0 =	sadd.s32 $0x8F2B, s0  }
0xcd: {  	[sflag:s0] =	ssyncadd.remote.s32 $0x1  }
0xce: {  	_ =	sfence.sel $0xFFFF  }
0xcf: {  	[dreg:$0x0] =	wrdreg $0xFFFFFFFF;
	(pc) =	sbr.abs _section_cstart, $3  }
0xd0: {  	[dreg:$0x1] =	wrdreg $0xFFFFFFFF  }
0xd1: {  	_ =	task.clear_ibuf [dreg:s22], $0x2FFFF;
	_ =	strace $0x9FFFFFFF  }
0xd2: {  	(tm) =	ssettm $0x7FFFFFFF  }
0xd3: {  	_ =	shalt  }
tec
execute0_lowered:
.L_overlay_start_1:
0x0: {  	(tag) =	ssettag $0x1  }
0x1: {  	s0 =	rddreg [dreg:$0x0];
	s1 =	srdreg.scid  }
0x2: {  	s3 =	rddreg [dreg:$0x1];
	s20 =	stileid.u32  }
0x3: {  	s28 =	simm.s32 $0x2;
	s29 =	simm.s32 $0x3;
	s30 =	simm.s32 $0x7  }
0x4: {  	s31 =	simm.s32 $0x4;
	s10 =	sand.u32 $0x1, s1;
	s1 =	simm.s32 $0x0  }
0x5: {  	s4 =	sadd.s32 $0x11600, s0;
	s12 =	sadd.s32 $0x44E00, s0;
	s13 =	smul.u32 $0x280, s20  }
0x6: {  	s7 =	sshll.u32 s20, $0x9;
	s2 =	sshll.u32 s10, $0x4;
	[smem:$0x7FF] =	sst s1  }
0x7: {  	s5 =	ssub.s32 $0x2, s10;
	s7 =	sand.u32 $0x200, s7;
	s22 =	smul.u32 $0x2800, s10  }
0x8: {  	s10 =	smul.u32 $0x5C0, s10;
	s2 =	ssub.s32 s20, s2;
	s16 =	sshrl.u32 s5, $0x1  }
0x9: {  	s6 =	sor.u32 $0x70, s13;
	s8 =	sadd.s32 $0xE0, s13;
	s11 =	smul.u32 $0x2E00, s2  }
0xa: {  	s2 =	ssub.s32 s5, s16;
	s5 =	sadd.s32 $0x150, s13;
	s24 =	sadd.s32 s22, s6  }
0xb: {  	s25 =	sadd.s32 s22, s8;
	s6 =	sshll.u32 s6, $0x7;
	s8 =	sshll.u32 s8, $0x7  }
0xc: {  	s17 =	sadd.s32 $0x2E000, s11;
	s15 =	sadd.s32 $0x2E080, s11;
	s19 =	sadd.s32 $0x2E100, s11  }
0xd: {  	s11 =	sadd.s32 $0x2E180, s11;
	s9 =	sand.u32 $0x7FFFFC00, s17;
	s17 =	smul.u32 $0x5C, s20  }
0xe: {  	s15 =	sshrl.u32 s15, $0x3;
	s11 =	sshrl.u32 s11, $0x3;
	s20 =	smul.u32 $0x50000, s20  }
0xf: {  	s9 =	sor.u32 s7, s9;
	s7 =	sadd.s32 $0x1C0, s13;
	s18 =	sand.u32 $0xFFFFFD0, s15  }
0x10: {  	s15 =	sshrl.u32 s19, $0x3;
	s11 =	sand.u32 $0xFFFFFF0, s11;
	s14 =	sshrl.u32 s9, $0x3  }
0x11: {  	s9 =	sadd.s32 $0x210, s13;
	s21 =	sadd.s32 s3, s18;
	s23 =	sand.u32 $0xFFFFFE0, s15  }
0x12: {  	s13 =	sadd.s32 s13, s22;
	s16 =	sadd.s32 s3, s14;
	[dreg:$0x6] =	wrdreg s21  }
0x13: {  	s10 =	ssub.s32 s17, s10;
	s14 =	sadd.s32 s4, s14;
	[dreg:$0x4] =	wrdreg s16  }
0x14: {  	s17 =	sadd.s32 s22, s7;
	s15 =	sadd.s32 s3, s23;
	[dreg:$0x5] =	wrdreg s14  }
0x15: {  	s13 =	sshll.u32 s13, $0x4;
	s14 =	sadd.s32 s4, s18;
	[dreg:$0x8] =	wrdreg s15  }
0x16: {  	s15 =	sshll.u32 s25, $0x4;
	s13 =	sadd.s32 s12, s13;
	s18 =	sadd.s32 s22, s9  }
0x17: {  	s25 =	sshll.u32 s10, $0x4;
	[dreg:$0x7] =	wrdreg s14;
	s14 =	sadd.s32 s4, s23  }
0x18: {  	[dreg:$0xa] =	wrdreg s13;
	s21 =	sshll.u32 s18, $0x4;
	s23 =	sadd.s32 $0x5C7, s10  }
0x19: {  	s10 =	sadd.s32 $0x5C5, s10;
	[dreg:$0x9] =	wrdreg s14;
	s14 =	sshll.u32 s24, $0x4  }
0x1a: {  	s24 =	sand.u32 $0x1FFFFFF, s23;
	s23 =	rddreg [dreg:$0x2];
	s26 =	sadd.s32 s12, s14  }
0x1b: {  	s10 =	sand.u32 $0x1FFFFFD, s10;
	s14 =	sadd.s32 s12, s15;
	[dreg:$0xb] =	wrdreg s26  }
0x1c: {  	s15 =	sadd.s32 s22, s5;
	s22 =	sadd.s32 s3, s11;
	[dreg:$0xc] =	wrdreg s14  }
0x1d: {  	s11 =	sadd.s32 s4, s11;
	s10 =	sshll.u32 s10, $0x4;
	[dreg:$0x10] =	wrdreg s22  }
0x1e: {  	s13 =	sshll.u32 s15, $0x4;
	s14 =	sshll.u32 s17, $0x4;
	[dreg:$0x11] =	wrdreg s11  }
0x1f: {  	s11 =	sshll.u32 s24, $0x4;
	s26 =	sadd.s32 $0x5C60, s25;
	s22 =	sadd.s32 s10, s4  }
0x20: {  	s13 =	sadd.s32 s12, s13;
	s19 =	sadd.s32 s12, s14;
	s12 =	sadd.s32 s12, s21  }
0x21: {  	s16 =	sadd.s32 s11, s3;
	s17 =	sadd.s32 s11, s4;
	s14 =	sadd.s32 $0x5C40, s25  }
0x22: {  	s21 =	sadd.s32 s10, s3;
	s10 =	sadd.s32 s6, s23;
	[dreg:$0xd] =	wrdreg s13  }
0x23: {  	s11 =	sadd.s32 s8, s23;
	s6 =	simm.s32 $0x80;
	[dreg:$0xe] =	wrdreg s19  }
0x24: {  	s8 =	simm.s32 $0x100;
	[dreg:$0xf] =	wrdreg s12;
	s13 =	sand.u32 $0x1FFFFFE0, s26  }
0x25: {  	s15 =	sand.u32 $0x1FFFFFC0, s14;
	s26 =	sadd.s32 $0x1CE00, s0;
	s12 =	sshll.u32 s5, $0x7  }
0x26: {  	s14 =	sshll.u32 s9, $0x7;
	s5 =	simm.s32 $0x200;
	s9 =	simm.s32 $0x300  }
0x27: {  	s18 =	sadd.s32 s13, s3;
	s19 =	sadd.s32 s13, s4;
	s24 =	sadd.s32 s15, s3  }
0x28: {  	s25 =	sadd.s32 s15, s4;
	_ =	strace $0x8000004A;
	[dreg:$0x13] =	wrdreg s10  }
0x29: {  	s4 =	sshrl.u32 s20, $0x2;
	[dreg:$0x14] =	wrdreg s11;
	s13 =	sshll.u32 s7, $0x7  }
0x2a: {  	s20 =	sadd.s32 s14, s23;
	s3 =	smax.u32 s2, $0x1;
	s7 =	simm.s32 $0x280  }
0x2b: {  	s10 =	simm.s32 $0x180;
	s11 =	simm.s32 $0x380;
	[dreg:$0x1a] =	wrdreg s16  }
0x2c: {  	s14 =	simm.s32 $0x6;
	s2 =	simm.s32 $0x1;
	[dreg:$0x17] =	wrdreg s20  }
.Ltmp0:
0x2d: {  	s0 =	sadd.s32 s4, s23;
	[dreg:$0x18] =	wrdreg s3;
	(pc) =	sbr.rel .LBB2_1-.Ltmp0, $4  }
0x2e: {  	s15 =	sadd.s32 s13, s23;
	s3 =	simm.s32 $0x400;
	[dreg:$0x12] =	wrdreg s0  }
0x2f: {  	s13 =	simm.s32 $0x70;
	s4 =	simm.s32 $0x0;
	[dreg:$0x16] =	wrdreg s15  }
0x30: {  	s20 =	simm.s32 $0x8;
	s0 =	sadd.s32 s12, s23;
	[dreg:$0x19] =	wrdreg s4  }
0x31: {  	v0 =	vimm.f32 $0.0e+00;
	s12 =	simm.s32 $0x5;
	s15 =	simm.s32 $0x3C00;
	[dreg:$0x15] =	wrdreg s0  }
.LBB2_6:
0x32: {  	_ =	swait.ge [sflag:s2], $0x3800  }
0x33: {  	[sflag:s2] =	ssyncset.done $0x0  }
0x34: {  	[sflag:s2] =	ssyncadd.s32 $0xFFFFC800  }
0x35: {  	[spmem:s23] =	stream.indirect.scatter.add.f32 [tilespmem:s3], [sflag:$0x3], $0x80, s9, s13, $0xb8;
	[tilespmem:$0x1B400] =	vst v63  }
0x36: {  	_ =	swait.ge [sflag:s28], $0x3800  }
0x37: {  	[sflag:s28] =	ssyncset.done $0x0  }
0x38: {  	[sflag:s28] =	ssyncadd.s32 $0xFFFFC800  }
0x39: {  	[spmem:s23] =	stream.indirect.scatter.add.f32 [tilespmem:s15], [sflag:$0x4], $0x80, s11, s13, $0xb8;
	[tilespmem:$0x1B400] =	vst v63  }
0x3a: {  	_ =	swait.ge [sflag:s29], $0x3800  }
0x3b: {  	[sflag:s29] =	ssyncset.done $0x0  }
0x3c: {  	[sflag:s29] =	ssyncadd.s32 $0xFFFFC800  }
0x3d: {  	_ =	swait.ge [sflag:s31], $0x3800  }
0x3e: {  	[sflag:s31] =	ssyncset.done $0x0  }
0x3f: {  	[sflag:s31] =	ssyncadd.s32 $0xFFFFC800  }
0x40: {  	[bflag:$0x0] =	sbarrier.arrive $0xFFFF  }
0x41: {  	s4 =	simm.s32 $0x9;
	s0 =	rddreg [dreg:$0x12]  }
0x42: {  	[tilespmem:s3], [sflag:$0x9] =	stream.linear.gather [spmem:s0], $0x3800, $0x38;
	[tilespmem:$0x1B400] =	vst v63  }
0x43: {  	_ =	swait.ge [sflag:s4], $0x3800  }
0x44: {  	[sflag:s4] =	ssyncset.done $0x0  }
0x45: {  	s16 =	rddreg [dreg:$0xa];
	[sflag:s4] =	ssyncadd.s32 $0xFFFFC800  }
0x46: {  	[hbm4b:s16+s1] =	stream.linear.scatter [tilespmem:s3], [sflag:$0x9], $0x3800, $0x38;
	[tilespmem:$0x1B400] =	vst v63  }
0x47: {  	_ =	swait.ge [sflag:s4], $0x3800  }
0x48: {  	[sflag:s4] =	ssyncset.done $0x0  }
0x49: {  	s16 =	rddreg [dreg:$0x13];
	[sflag:s4] =	ssyncadd.s32 $0xFFFFC800  }
0x4a: {  	[tilespmem:s3], [sflag:$0x9] =	stream.linear.gather [spmem:s16], $0x3800, $0x38;
	[tilespmem:$0x1B400] =	vst v63  }
0x4b: {  	_ =	swait.ge [sflag:s4], $0x3800  }
0x4c: {  	[sflag:s4] =	ssyncset.done $0x0  }
0x4d: {  	s16 =	rddreg [dreg:$0xb];
	[sflag:s4] =	ssyncadd.s32 $0xFFFFC800  }
0x4e: {  	[hbm4b:s16+s1] =	stream.linear.scatter [tilespmem:s3], [sflag:$0x9], $0x3800, $0x38;
	[tilespmem:$0x1B400] =	vst v63  }
0x4f: {  	_ =	swait.ge [sflag:s4], $0x3800  }
0x50: {  	[sflag:s4] =	ssyncset.done $0x0  }
0x51: {  	s16 =	rddreg [dreg:$0x14];
	[sflag:s4] =	ssyncadd.s32 $0xFFFFC800  }
0x52: {  	[tilespmem:s3], [sflag:$0x9] =	stream.linear.gather [spmem:s16], $0x3800, $0x38;
	[tilespmem:$0x1B400] =	vst v63  }
0x53: {  	_ =	swait.ge [sflag:s4], $0x3800  }
0x54: {  	[sflag:s4] =	ssyncset.done $0x0  }
0x55: {  	s16 =	rddreg [dreg:$0xc];
	[sflag:s4] =	ssyncadd.s32 $0xFFFFC800  }
0x56: {  	[hbm4b:s16+s1] =	stream.linear.scatter [tilespmem:s3], [sflag:$0x9], $0x3800, $0x38;
	[tilespmem:$0x1B400] =	vst v63  }
0x57: {  	_ =	swait.ge [sflag:s4], $0x3800  }
0x58: {  	[sflag:s4] =	ssyncset.done $0x0  }
0x59: {  	s16 =	rddreg [dreg:$0x15];
	[sflag:s4] =	ssyncadd.s32 $0xFFFFC800  }
0x5a: {  	[tilespmem:s3], [sflag:$0x9] =	stream.linear.gather [spmem:s16], $0x3800, $0x38;
	[tilespmem:$0x1B400] =	vst v63  }
0x5b: {  	_ =	swait.ge [sflag:s4], $0x3800  }
0x5c: {  	[sflag:s4] =	ssyncset.done $0x0  }
0x5d: {  	s16 =	rddreg [dreg:$0xd];
	[sflag:s4] =	ssyncadd.s32 $0xFFFFC800  }
0x5e: {  	[hbm4b:s16+s1] =	stream.linear.scatter [tilespmem:s3], [sflag:$0x9], $0x3800, $0x38;
	[tilespmem:$0x1B400] =	vst v63  }
0x5f: {  	_ =	swait.ge [sflag:s4], $0x3800  }
0x60: {  	[sflag:s4] =	ssyncset.done $0x0  }
0x61: {  	s16 =	rddreg [dreg:$0x16];
	[sflag:s4] =	ssyncadd.s32 $0xFFFFC800  }
0x62: {  	[tilespmem:s3], [sflag:$0x9] =	stream.linear.gather [spmem:s16], $0x3800, $0x38;
	[tilespmem:$0x1B400] =	vst v63  }
0x63: {  	_ =	swait.ge [sflag:s4], $0x3800  }
0x64: {  	[sflag:s4] =	ssyncset.done $0x0  }
0x65: {  	s16 =	rddreg [dreg:$0xe];
	[sflag:s4] =	ssyncadd.s32 $0xFFFFC800  }
0x66: {  	[hbm4b:s16+s1] =	stream.linear.scatter [tilespmem:s3], [sflag:$0x9], $0x3800, $0x38;
	[tilespmem:$0x1B400] =	vst v63  }
0x67: {  	_ =	swait.ge [sflag:s4], $0x3800  }
0x68: {  	[sflag:s4] =	ssyncset.done $0x0  }
0x69: {  	s16 =	rddreg [dreg:$0x17];
	[sflag:s4] =	ssyncadd.s32 $0xFFFFC800  }
0x6a: {  	[tilespmem:s3], [sflag:$0x9] =	stream.linear.gather [spmem:s16], $0x3800, $0x38;
	[tilespmem:$0x1B400] =	vst v63  }
0x6b: {  	_ =	swait.ge [sflag:s4], $0x3800  }
0x6c: {  	[sflag:s4] =	ssyncset.done $0x0  }
0x6d: {  	s16 =	rddreg [dreg:$0xf];
	[sflag:s4] =	ssyncadd.s32 $0xFFFFC800  }
0x6e: {  	[hbm4b:s16+s1] =	stream.linear.scatter [tilespmem:s3], [sflag:$0x9], $0x3800, $0x38;
	[tilespmem:$0x1B400] =	vst v63  }
0x6f: {  	_ =	swait.ge [sflag:s4], $0x3800  }
0x70: {  	s16 =	rddreg [dreg:$0x19]  }
0x71: {  	s0 =	rddreg [dreg:$0x18];
	s16 =	sadd.s32 $0x1, s16  }
0x72: {  	p0 =	sne.s32 s16, s0  }
.Ltmp1:
0x73: {  	_ = 	snop;
	(pc) =	sbr.rel @!p0 .LBB2_7-.Ltmp1, $3  }
0x74: {  	_ =	sdelay $0x1  }
0x75: {  	[sflag:s4] =	ssyncset.done $0x0;
	[dreg:$0x19] =	wrdreg s16  }
0x76: {  	[sflag:s4] =	ssyncadd.s32 $0xFFFFC800;
	s16 =	rddreg [dreg:$0x1a]  }
.LBB2_1:
0x77: {  	s0 =	simm.s32 $0x0;
	s4 =	simm.s32 $0x200  }
.LBB2_2:
0x78: {  	p0 =	sne.s32 s4, $0xDE00;
	[tilespmem:s0+$0x470] =	vst v0  }
0x79: {  	[tilespmem:s0+$0x400] =	vst v0  }
0x7a: {  	[tilespmem:s0+$0x410] =	vst v0  }
.Ltmp2:
0x7b: {  	[tilespmem:s0+$0x420] =	vst v0;
	(pc) =	sbr.rel @p0 .LBB2_2-.Ltmp2, $4  }
0x7c: {  	[tilespmem:s0+$0x430] =	vst v0  }
0x7d: {  	[tilespmem:s0+$0x440] =	vst v0  }
0x7e: {  	[tilespmem:s0+$0x450] =	vst v0  }
0x7f: {  	[tilespmem:s0+$0x460] =	vst v0;
	s0 =	sshra.s32 s4, $0x2;
	s4 =	sadd.s32 $0x200, s4  }
0x80: {  	[tilespmem:s0+$0x470] =	vst v0  }
0x81: {  	[tilespmem:s0+$0x400] =	vst v0  }
0x82: {  	[tilespmem:s0+$0x410] =	vst v0  }
0x83: {  	[tilespmem:s0+$0x420] =	vst v0  }
0x84: {  	[tilespmem:s0+$0x430] =	vst v0  }
0x85: {  	[tilespmem:s0+$0x440] =	vst v0  }
0x86: {  	[tilespmem:s0+$0x450] =	vst v0  }
0x87: {  	[tilespmem:s0+$0x460] =	vst v0;
	s4 =	rddreg [dreg:$0x12]  }
0x88: {  	[spmem:s4] =	stream.linear.scatter [tilespmem:s3], [sflag:$0x9], $0x3800, $0x38;
	[tilespmem:$0x1B400] =	vst v63  }
0x89: {  	s4 =	simm.s32 $0x9  }
0x8a: {  	_ =	swait.ge [sflag:s4], $0x3800  }
0x8b: {  	[sflag:s4] =	ssyncset.done $0x0  }
0x8c: {  	s0 =	rddreg [dreg:$0x13];
	[sflag:s4] =	ssyncadd.s32 $0xFFFFC800  }
0x8d: {  	[spmem:s0] =	stream.linear.scatter [tilespmem:s3], [sflag:$0x9], $0x3800, $0x38;
	[tilespmem:$0x1B400] =	vst v63  }
0x8e: {  	_ =	swait.ge [sflag:s4], $0x3800  }
0x8f: {  	[sflag:s4] =	ssyncset.done $0x0  }
0x90: {  	s0 =	rddreg [dreg:$0x14];
	[sflag:s4] =	ssyncadd.s32 $0xFFFFC800  }
0x91: {  	[spmem:s0] =	stream.linear.scatter [tilespmem:s3], [sflag:$0x9], $0x3800, $0x38;
	[tilespmem:$0x1B400] =	vst v63  }
0x92: {  	_ =	swait.ge [sflag:s4], $0x3800  }
0x93: {  	[sflag:s4] =	ssyncset.done $0x0  }
0x94: {  	s0 =	rddreg [dreg:$0x15];
	[sflag:s4] =	ssyncadd.s32 $0xFFFFC800  }
0x95: {  	[spmem:s0] =	stream.linear.scatter [tilespmem:s3], [sflag:$0x9], $0x3800, $0x38;
	[tilespmem:$0x1B400] =	vst v63  }
0x96: {  	_ =	swait.ge [sflag:s4], $0x3800  }
0x97: {  	[sflag:s4] =	ssyncset.done $0x0  }
0x98: {  	s0 =	rddreg [dreg:$0x16];
	[sflag:s4] =	ssyncadd.s32 $0xFFFFC800  }
0x99: {  	[spmem:s0] =	stream.linear.scatter [tilespmem:s3], [sflag:$0x9], $0x3800, $0x38;
	[tilespmem:$0x1B400] =	vst v63  }
0x9a: {  	_ =	swait.ge [sflag:s4], $0x3800  }
0x9b: {  	[sflag:s4] =	ssyncset.done $0x0  }
0x9c: {  	s0 =	rddreg [dreg:$0x17];
	[sflag:s4] =	ssyncadd.s32 $0xFFFFC800  }
0x9d: {  	[spmem:s0] =	stream.linear.scatter [tilespmem:s3], [sflag:$0x9], $0x3800, $0x38;
	[tilespmem:$0x1B400] =	vst v63  }
0x9e: {  	_ =	swait.ge [sflag:s4], $0x3800  }
0x9f: {  	[sflag:s4] =	ssyncset.done $0x0  }
0xa0: {  	[sflag:s4] =	ssyncadd.s32 $0xFFFFC800  }
0xa1: {  	[bflag:$0x0] =	sbarrier.arrive $0xFFFF  }
0xa2: {  	s0 =	simm.s32 $0x0;
	s4 =	rddreg [dreg:$0x4]  }
0xa3: {  	[tilespmem:s0], [sflag:$0x5] =	stream.linear.gather [hbm4b:s4+s0], $0x80, $0x38;
	[tilespmem:$0x1B400] =	vst v63  }
0xa4: {  	s4 =	rddreg [dreg:$0x5]  }
0xa5: {  	[tilespmem:s5], [sflag:$0x5] =	stream.linear.gather [hbm4b:s4+s0], $0x80, $0x38;
	[tilespmem:$0x1B400] =	vst v63  }
0xa6: {  	s4 =	rddreg [dreg:$0x6]  }
0xa7: {  	[tilespmem:s6], [sflag:$0x6] =	stream.linear.gather [hbm4b:s4+s0], $0x80, $0x38;
	[tilespmem:$0x1B400] =	vst v63  }
0xa8: {  	s4 =	rddreg [dreg:$0x7]  }
0xa9: {  	[tilespmem:s7], [sflag:$0x6] =	stream.linear.gather [hbm4b:s4+s0], $0x80, $0x38;
	[tilespmem:$0x1B400] =	vst v63  }
0xaa: {  	s4 =	rddreg [dreg:$0x8]  }
0xab: {  	[tilespmem:s8], [sflag:$0x7] =	stream.linear.gather [hbm4b:s4+s0], $0x80, $0x38;
	[tilespmem:$0x1B400] =	vst v63  }
0xac: {  	s4 =	rddreg [dreg:$0x9]  }
0xad: {  	[tilespmem:s9], [sflag:$0x7] =	stream.linear.gather [hbm4b:s4+s0], $0x80, $0x38;
	[tilespmem:$0x1B400] =	vst v63  }
0xae: {  	s4 =	rddreg [dreg:$0x10]  }
0xaf: {  	[tilespmem:s10], [sflag:$0x8] =	stream.linear.gather [hbm4b:s4+s0], $0x80, $0x38;
	[tilespmem:$0x1B400] =	vst v63  }
0xb0: {  	s4 =	rddreg [dreg:$0x11]  }
0xb1: {  	[tilespmem:s11], [sflag:$0x8] =	stream.linear.gather [hbm4b:s4+s0], $0x80, $0x38;
	[tilespmem:$0x1B400] =	vst v63  }
0xb2: {  	_ =	swait.ge [sflag:s12], $0x80  }
0xb3: {  	[sflag:s12] =	ssyncset.done $0x0  }
0xb4: {  	[sflag:s12] =	ssyncadd.s32 $0xFFFFFF80  }
0xb5: {  	_ =	swait.ge [sflag:s12], $0x80  }
0xb6: {  	[sflag:s12] =	ssyncset.done $0x0  }
0xb7: {  	[sflag:s12] =	ssyncadd.s32 $0xFFFFFF80  }
0xb8: {  	[tilespmem:s3], [sflag:$0x1] =	stream.indirect.gather [hbm4b:s26+s13], $0x80, s0, s13, $0xb8;
	[tilespmem:$0x1B400] =	vst v63  }
0xb9: {  	_ =	swait.ge [sflag:s14], $0x80  }
0xba: {  	[sflag:s14] =	ssyncset.done $0x0  }
0xbb: {  	[sflag:s14] =	ssyncadd.s32 $0xFFFFFF80  }
0xbc: {  	_ =	swait.ge [sflag:s14], $0x80  }
0xbd: {  	[sflag:s14] =	ssyncset.done $0x0  }
0xbe: {  	[sflag:s14] =	ssyncadd.s32 $0xFFFFFF80  }
0xbf: {  	[tilespmem:s15], [sflag:$0x2] =	stream.indirect.gather [hbm4b:s26+s13], $0x80, s6, s13, $0xb8;
	[tilespmem:$0x1B400] =	vst v63  }
.LBB2_4:
0xc0: {  	_ =	swait.ge [sflag:s2], $0x3800  }
0xc1: {  	[sflag:s2] =	ssyncset.done $0x0  }
0xc2: {  	[sflag:s2] =	ssyncadd.s32 $0xFFFFC800  }
0xc3: {  	[spmem:s23] =	stream.indirect.scatter.add.f32 [tilespmem:s3], [sflag:$0x3], $0x80, s5, s13, $0xb8;
	[tilespmem:$0x1B400] =	vst v63  }
0xc4: {  	_ =	swait.ge [sflag:s28], $0x3800  }
0xc5: {  	[sflag:s28] =	ssyncset.done $0x0  }
0xc6: {  	[sflag:s28] =	ssyncadd.s32 $0xFFFFC800  }
0xc7: {  	[spmem:s23] =	stream.indirect.scatter.add.f32 [tilespmem:s15], [sflag:$0x4], $0x80, s7, s13, $0xb8;
	[tilespmem:$0x1B400] =	vst v63  }
0xc8: {  	_ =	swait.ge [sflag:s29], $0x3800  }
0xc9: {  	[sflag:s29] =	ssyncset.done $0x0  }
0xca: {  	[sflag:s29] =	ssyncadd.s32 $0xFFFFC800  }
0xcb: {  	_ =	swait.ge [sflag:s30], $0x80  }
0xcc: {  	[sflag:s30] =	ssyncset.done $0x0  }
0xcd: {  	[sflag:s30] =	ssyncadd.s32 $0xFFFFFF80  }
0xce: {  	_ =	swait.ge [sflag:s30], $0x80  }
0xcf: {  	[sflag:s30] =	ssyncset.done $0x0  }
0xd0: {  	[sflag:s30] =	ssyncadd.s32 $0xFFFFFF80  }
0xd1: {  	[tilespmem:s3], [sflag:$0x1] =	stream.indirect.gather [hbm4b:s26+s13], $0x80, s8, s13, $0xb8;
	[tilespmem:$0x1B400] =	vst v63  }
0xd2: {  	_ =	swait.ge [sflag:s31], $0x3800  }
0xd3: {  	[sflag:s31] =	ssyncset.done $0x0  }
0xd4: {  	[sflag:s31] =	ssyncadd.s32 $0xFFFFC800  }
0xd5: {  	_ =	swait.ge [sflag:s20], $0x80  }
0xd6: {  	p0 =	seq.s32 s0, $0x580;
	[sflag:s20] =	ssyncset.done $0x0  }
.Ltmp3:
0xd7: {  	[sflag:s20] =	ssyncadd.s32 $0xFFFFFF80;
	(pc) =	sbr.rel @p0 .LBB2_6-.Ltmp3, $4  }
0xd8: {  	_ =	swait.ge [sflag:s20], $0x80  }
0xd9: {  	[sflag:s20] =	ssyncset.done $0x0  }
0xda: {  	[sflag:s20] =	ssyncadd.s32 $0xFFFFFF80  }
0xdb: {  	[tilespmem:s15], [sflag:$0x2] =	stream.indirect.gather [hbm4b:s26+s13], $0x80, s10, s13, $0xb8;
	[tilespmem:$0x1B400] =	vst v63  }
0xdc: {  	s4 =	sadd.s32 s0, s24  }
0xdd: {  	[tilespmem:s1], [sflag:$0x5] =	stream.linear.gather [hbm4b:s4+s1], $0x80, $0x38;
	[tilespmem:$0x1B400] =	vst v63  }
0xde: {  	s4 =	sadd.s32 s0, s25  }
0xdf: {  	[tilespmem:s5], [sflag:$0x5] =	stream.linear.gather [hbm4b:s4+s1], $0x80, $0x38;
	[tilespmem:$0x1B400] =	vst v63  }
0xe0: {  	s4 =	sadd.s32 s0, s21  }
0xe1: {  	[tilespmem:s6], [sflag:$0x6] =	stream.linear.gather [hbm4b:s4+s1], $0x80, $0x38;
	[tilespmem:$0x1B400] =	vst v63  }
0xe2: {  	s4 =	sadd.s32 s0, s22  }
0xe3: {  	[tilespmem:s7], [sflag:$0x6] =	stream.linear.gather [hbm4b:s4+s1], $0x80, $0x38;
	[tilespmem:$0x1B400] =	vst v63  }
0xe4: {  	_ =	swait.ge [sflag:s2], $0x3800  }
0xe5: {  	[sflag:s2] =	ssyncset.done $0x0  }
0xe6: {  	[sflag:s2] =	ssyncadd.s32 $0xFFFFC800  }
0xe7: {  	[spmem:s23] =	stream.indirect.scatter.add.f32 [tilespmem:s3], [sflag:$0x3], $0x80, s9, s13, $0xb8;
	[tilespmem:$0x1B400] =	vst v63  }
0xe8: {  	_ =	swait.ge [sflag:s28], $0x3800  }
0xe9: {  	[sflag:s28] =	ssyncset.done $0x0  }
0xea: {  	[sflag:s28] =	ssyncadd.s32 $0xFFFFC800  }
0xeb: {  	[spmem:s23] =	stream.indirect.scatter.add.f32 [tilespmem:s15], [sflag:$0x4], $0x80, s11, s13, $0xb8;
	[tilespmem:$0x1B400] =	vst v63  }
0xec: {  	_ =	swait.ge [sflag:s29], $0x3800  }
0xed: {  	[sflag:s29] =	ssyncset.done $0x0  }
0xee: {  	[sflag:s29] =	ssyncadd.s32 $0xFFFFC800  }
0xef: {  	_ =	swait.ge [sflag:s12], $0x80  }
0xf0: {  	[sflag:s12] =	ssyncset.done $0x0  }
0xf1: {  	[sflag:s12] =	ssyncadd.s32 $0xFFFFFF80  }
0xf2: {  	_ =	swait.ge [sflag:s12], $0x80  }
0xf3: {  	[sflag:s12] =	ssyncset.done $0x0  }
0xf4: {  	[sflag:s12] =	ssyncadd.s32 $0xFFFFFF80  }
0xf5: {  	[tilespmem:s3], [sflag:$0x1] =	stream.indirect.gather [hbm4b:s26+s13], $0x80, s1, s13, $0xb8;
	[tilespmem:$0x1B400] =	vst v63  }
0xf6: {  	_ =	swait.ge [sflag:s31], $0x3800  }
0xf7: {  	[sflag:s31] =	ssyncset.done $0x0  }
0xf8: {  	[sflag:s31] =	ssyncadd.s32 $0xFFFFC800  }
0xf9: {  	_ =	swait.ge [sflag:s14], $0x80  }
0xfa: {  	[sflag:s14] =	ssyncset.done $0x0  }
0xfb: {  	[sflag:s14] =	ssyncadd.s32 $0xFFFFFF80  }
0xfc: {  	_ =	swait.ge [sflag:s14], $0x80  }
0xfd: {  	[sflag:s14] =	ssyncset.done $0x0  }
0xfe: {  	[sflag:s14] =	ssyncadd.s32 $0xFFFFFF80  }
0xff: {  	[tilespmem:s15], [sflag:$0x2] =	stream.indirect.gather [hbm4b:s26+s13], $0x80, s6, s13, $0xb8;
	[tilespmem:$0x1B400] =	vst v63  }
0x100: {  	s4 =	sadd.s32 s0, s18  }
0x101: {  	[tilespmem:s8], [sflag:$0x7] =	stream.linear.gather [hbm4b:s4+s1], $0x80, $0x38;
	[tilespmem:$0x1B400] =	vst v63  }
0x102: {  	s4 =	sadd.s32 s0, s19  }
0x103: {  	[tilespmem:s9], [sflag:$0x7] =	stream.linear.gather [hbm4b:s4+s1], $0x80, $0x38;
	[tilespmem:$0x1B400] =	vst v63  }
.Ltmp4:
0x104: {  	_ = 	snop;
	(pc) =	sbr.rel .LBB2_4-.Ltmp4, $4  }
0x105: {  	s4 =	sadd.s32 s0, s16  }
0x106: {  	[tilespmem:s10], [sflag:$0x8] =	stream.linear.gather [hbm4b:s4+s1], $0x80, $0x38;
	[tilespmem:$0x1B400] =	vst v63  }
0x107: {  	s4 =	sadd.s32 s0, s17;
	s0 =	sadd.s32 $0x40, s0  }
0x108: {  	[tilespmem:s11], [sflag:$0x8] =	stream.linear.gather [hbm4b:s4+s1], $0x80, $0x38;
	[tilespmem:$0x1B400] =	vst v63  }
.LBB2_7:
0x109: {  	_ =	sfence.sel $0x180000  }
0x10a: {  	[bflag:$0x0] =	sbarrier.arrive $0xFFFF  }
0x10b: {  	_ =	strace $0x9000004A  }
0x10c: {  	s0 =	stileid.u32;
	[bflag:$0x2] =	sbarrier.arrive $0xFFFF  }
0x10d: {  	p0 =	sne.s32 s0, $0x0;
	s0 =	rddreg [dreg:$0x3]  }
0x10e: {  	s0 =	sadd.s32 @!p0 $0x100000, s0  }
0x10f: {  	[sflag:s0] =	ssyncadd.tile.s32 @!p0 $0x1;
	_ =	shalt  }
.Lfunc_end2:
_tile_overlayer_lowered:
.L_overlay_start_2:
0x110: {  	(tag) =	ssettag $0x2  }
0x111: {  	s0 =	rddreg [dreg:$0x0];
	s2 =	stileid.u32  }
0x112: {  	s1 =	rddreg [dreg:$0x1];
	p0 =	sne.s32 s2, $0x0  }
0x113: {  	s3 =	rddreg [dreg:$0x2];
	[bflag:$0x3] =	sbarrier.arrive $0xFFFF;
	s2 =	simm.s32 @!p0 $0x1C09  }
0x114: {  	[timem:s3], [sflag:s2] =	dma.local @!p0 [hbm:s0], s1  }
0x115: {  	s0 =	simm.s32 @!p0 $0x9  }
0x116: {  	_ =	swait.ge @!p0 [sflag:s0], s1  }
0x117: {  	s1 =	ssub.s32 @!p0 $0x0, s1;
	[sflag:s0] =	ssyncset.done @!p0 $0x0  }
0x118: {  	[sflag:s0] =	ssyncadd.s32 @!p0 s1  }
0x119: {  	[bflag:$0x3] =	sbarrier.arrive $0xFFFF  }
0x11a: {  	_ =	shalt  }

</sc_bundles>
